<compile_context>
chip_gen: v7x
topology: tpu7x:2x2x1
jax: 0.10.2.dev20260603
libtpu: 0.0.44.dev20260713+nightly
codegen_flags: <defaults>
</compile_context>

<pallas_src>
import functools

import jax
import jax.numpy as jnp
from jax import lax
from jax.experimental import pallas as pl
from jax.experimental.pallas import tpu as pltpu
from jax.experimental.pallas import tpu_sc as plsc

_B = 16384
_D = 512
_C = 1000
_CPAD = 1024

_BSC = 10240
_BTC = _B - _BSC
_RB = 256

_NC = 2
_NS = 16
_NW = _NC * _NS
_BPW = _BSC // _NW
_CH = 32
_NCHUNK = _BPW // _CH
_NBUF = 2


def _body(feats_hbm, labels_hbm, centers_hbm, out_hbm,
          idx_all, fb0, fb1, gb0, gb1, acc_v, tab_sh,
          sf0, sf1, sg0, sg1, sl):
    cid = lax.axis_index("c")
    sid = lax.axis_index("s")
    wid = sid * _NC + cid
    base = wid * _BPW

    fbs = (fb0, fb1)
    gbs = (gb0, gb1)
    sfs = (sf0, sf1)
    sgs = (sg0, sg1)

    @pl.when(sid < 8)
    def _():
        o = sid * (_C // 8) * _D
        pltpu.sync_copy(centers_hbm.at[pl.ds(o, (_C // 8) * _D)],
                        tab_sh.at[pl.ds(o, (_C // 8) * _D)])

    lcps = [
        pltpu.async_copy(labels_hbm.at[pl.ds(base + k * _CH, _CH)],
                         idx_all.at[k], sl)
        for k in range(_NCHUNK)
    ]
    for cp in lcps:
        cp.wait()
    plsc.subcore_barrier()

    def issue(k, b):
        pltpu.async_copy(feats_hbm.at[pl.ds(base + k * _CH, _CH)],
                         fbs[b], sfs[b])
        for j in range(_CH // 16):
            ixv = idx_all[k, pl.ds(j * 16, 16)]
            for l in range(16):
                off = pl.multiple_of(ixv[l] * _D, _D)
                pltpu.async_copy(tab_sh.at[pl.ds(off, _D)],
                                 gbs[b].at[pl.ds((j * 16 + l) * _D, _D)],
                                 sgs[b])

    def drain(b):
        pltpu.make_async_copy(feats_hbm.at[pl.ds(0, _CH)],
                              fbs[b], sfs[b]).wait()
        pltpu.make_async_copy(centers_hbm.at[pl.ds(0, _CH * _D)],
                              gbs[b], sgs[b]).wait()

    def compute_chunk(fbuf, gbuf, acc4):
        def row_body(r, acc4):
            a0, a1, a2, a3 = acc4
            g0 = r * _D
            for j in range(_D // 64):
                x0 = fbuf[r, pl.ds((4 * j + 0) * 16, 16)] - \
                    gbuf[pl.ds(g0 + (4 * j + 0) * 16, 16)]
                a0 = a0 + x0 * x0
                x1 = fbuf[r, pl.ds((4 * j + 1) * 16, 16)] - \
                    gbuf[pl.ds(g0 + (4 * j + 1) * 16, 16)]
                a1 = a1 + x1 * x1
                x2 = fbuf[r, pl.ds((4 * j + 2) * 16, 16)] - \
                    gbuf[pl.ds(g0 + (4 * j + 2) * 16, 16)]
                a2 = a2 + x2 * x2
                x3 = fbuf[r, pl.ds((4 * j + 3) * 16, 16)] - \
                    gbuf[pl.ds(g0 + (4 * j + 3) * 16, 16)]
                a3 = a3 + x3 * x3
            return (a0, a1, a2, a3)
        return plsc.parallel_loop(0, _CH, carry=acc4)(row_body)

    for b in range(_NBUF):
        issue(b, b)

    z = jnp.zeros((16,), jnp.float32)

    def group_body(gi, acc4):
        k0 = gi * _NBUF
        for b in range(_NBUF):
            k = k0 + b
            drain(b)
            acc4 = compute_chunk(fbs[b], gbs[b], acc4)

            @pl.when(k + _NBUF < _NCHUNK)
            def _():
                issue(k + _NBUF, b)
        return acc4

    acc4 = lax.fori_loop(0, _NCHUNK // _NBUF, group_body, (z, z, z, z))

    acc_v[...] = acc4[0] + acc4[1] + acc4[2] + acc4[3]
    pltpu.sync_copy(acc_v, out_hbm.at[wid])


_mesh = plsc.VectorSubcoreMesh(core_axis_name="c", subcore_axis_name="s")

_sc_partials = functools.partial(
    pl.kernel,
    out_type=jax.ShapeDtypeStruct((_NW, 16), jnp.float32),
    mesh=_mesh,
    scratch_types=[
        pltpu.VMEM((_NCHUNK, _CH), jnp.int32),
        pltpu.VMEM((_CH, _D), jnp.float32),
        pltpu.VMEM((_CH, _D), jnp.float32),
        pltpu.VMEM((_CH * _D,), jnp.float32),
        pltpu.VMEM((_CH * _D,), jnp.float32),
        pltpu.VMEM((16,), jnp.float32),
        pltpu.VMEM_SHARED((_C * _D,), jnp.float32),
        pltpu.SemaphoreType.DMA,
        pltpu.SemaphoreType.DMA,
        pltpu.SemaphoreType.DMA,
        pltpu.SemaphoreType.DMA,
        pltpu.SemaphoreType.DMA,
    ],
)(_body)


def _tc_body(lab_ref, feats_ref, cent_ref, out_ref):
    @pl.when(pl.program_id(0) == 0)
    def _():
        out_ref[...] = jnp.zeros_like(out_ref)

    lab = jnp.reshape(lab_ref[...], (_RB, 1))
    oh = (lab == lax.broadcasted_iota(jnp.int32, (_RB, _CPAD), 1)
          ).astype(jnp.bfloat16)
    g = lax.dot_general(oh, cent_ref[...], (((1,), (0,)), ((), ())),
                        preferred_element_type=jnp.float32)
    d = feats_ref[...] - g
    out_ref[...] += jnp.sum(d * d, axis=0, keepdims=True)


_tc_partial = pl.pallas_call(
    _tc_body,
    grid=(_BTC // _RB,),
    in_specs=[
        pl.BlockSpec((1, 1, _RB), lambda i: (_BSC // _RB + i, 0, 0)),
        pl.BlockSpec((_RB, _D), lambda i: (_BSC // _RB + i, 0)),
        pl.BlockSpec((_CPAD, _D), lambda i: (0, 0)),
    ],
    out_specs=pl.BlockSpec((1, _D), lambda i: (0, 0)),
    out_shape=jax.ShapeDtypeStruct((1, _D), jnp.float32),
)


@jax.jit
def kernel(feats, labels, centers):
    labels = labels.astype(jnp.int32)
    sc_part = _sc_partials(feats, labels, centers.reshape(_C * _D))
    cent_bf = jnp.pad(centers, ((0, _CPAD - _C), (0, 0))
                      ).astype(jnp.bfloat16)
    tc_part = _tc_partial(labels.reshape(_B // _RB, 1, _RB), feats, cent_bf)
    total = jnp.sum(sc_part) + jnp.sum(tc_part)
    return total / jnp.float32(_B * _D)

# --- scband reference (transcript-rebuilt; emitter-appended) ---
"""Pipeline reference for scband-center-loss-60997125538486 (READ-ONLY COPY).

The authoritative reference and input builder live on the scoring server;
editing this copy changes nothing except your own understanding.
"""

import jax, jax.numpy as jnp
import numpy as np

NUM_CLASSES = 1000
FEATURE_DIM = 512
BATCH = 16384

def setup_inputs(seed: int = 0) -> dict:
    key = jax.random.key(seed)
    k1, k2, k3 = jax.random.split(key, 3)
    feats = jax.random.normal(k1, (BATCH, FEATURE_DIM), dtype=jnp.float32)
    labels = jax.random.randint(k2, (BATCH,), 0, NUM_CLASSES, dtype=jnp.int64 if jax.config.jax_enable_x64 else jnp.int32)
    centers = jax.random.normal(k3, (NUM_CLASSES, FEATURE_DIM), dtype=jnp.float32)
    return {"feats": feats, "labels": labels, "centers": centers}

def reference(feats, labels, centers):
    # torch: centers.gather(dim=0, index=labels) with labels broadcast to [B, D]
    # equivalent to a row-gather centers[labels] when labels is [B]
    gathered = jnp.take(centers, labels, axis=0)  # [B, D]
    # nn.MSELoss() default reduction='mean'
    loss = jnp.mean((feats - gathered) ** 2)
    return loss

if __name__ == "__main__":
    import jax
    _d = setup_inputs()
    print(jax.jit(kernel)(*tuple(_d.values())))

</pallas_src>

<mosaic_0001>
#map = affine_map<(d0, d1) -> (0, 0)>
#map1 = affine_map<(d0, d1) -> (0)>
module attributes {stable_mosaic.version = 14 : i64} {
  func.func @_body(%arg0: i32, %arg1: i32, %arg2: memref<16384x512xf32, #tpu.memory_space<hbm>>, %arg3: memref<16384xi32, #tpu.memory_space<hbm>>, %arg4: memref<512000xf32, #tpu.memory_space<hbm>>, %arg5: memref<32x16xf32, #tpu.memory_space<hbm>>, %arg6: memref<10x32xi32, #tpu.memory_space<vmem>>, %arg7: memref<32x512xf32, #tpu.memory_space<vmem>>, %arg8: memref<32x512xf32, #tpu.memory_space<vmem>>, %arg9: memref<16384xf32, #tpu.memory_space<vmem>>, %arg10: memref<16384xf32, #tpu.memory_space<vmem>>, %arg11: memref<16xf32, #tpu.memory_space<vmem>>, %arg12: memref<512000xf32, #tpu.memory_space<vmem_shared>>, %arg13: memref<!tpu.dma_semaphore, #tpu.memory_space<semaphore_mem>>, %arg14: memref<!tpu.dma_semaphore, #tpu.memory_space<semaphore_mem>>, %arg15: memref<!tpu.dma_semaphore, #tpu.memory_space<semaphore_mem>>, %arg16: memref<!tpu.dma_semaphore, #tpu.memory_space<semaphore_mem>>, %arg17: memref<!tpu.dma_semaphore, #tpu.memory_space<semaphore_mem>>) attributes {dimension_semantics = [#tpu.dimension_semantics<core_parallel>, #tpu.dimension_semantics<subcore_parallel>], iteration_bounds = array<i64: 2, 16>, scalar_prefetch = 0 : i64, scratch_operands = 12 : i64, tpu.core_type = #tpu.core_type<sc_vector_subcore>, window_params = [{transform_indices = #map}, {transform_indices = #map1}, {transform_indices = #map1}, {transform_indices = #map}]} {
    %mul3A = arith.constant 2 : i32
    %mul3A_0 = arith.muli %arg1, %mul3A : i32
    %add3A = arith.addi %mul3A_0, %arg0 : i32
    %mul3A_1 = arith.constant 320 : i32
    %mul3A_2 = arith.muli %add3A, %mul3A_1 : i32
    %lt3A = arith.constant 8 : i32
    %lt3A_3 = arith.cmpi slt, %arg1, %lt3A : i32
    %convert_element_type3A = arith.extui %lt3A_3 : i1 to i32
    %cond3A = arith.constant 0 : i32
    %cond3A_4 = arith.cmpi ne, %convert_element_type3A, %cond3A : i32
    scf.if %cond3A_4 {
      %mul3A_947 = arith.constant 125 : i32
      %mul3A_948 = arith.muli %arg1, %mul3A_947 : i32
      %mul3A_949 = arith.constant 512 : i32
      %mul3A_950 = arith.muli %mul3A_948, %mul3A_949 : i32
      "tpu.region"() ({
        %run_scoped3A = tpu.sem_alloc : memref<!tpu.dma_semaphore, #tpu.memory_space<semaphore_mem>>
        %dma_start3A_951 = tpu.memref_slice %arg12[%mul3A_950] : memref<512000xf32, #tpu.memory_space<vmem_shared>> -> memref<64000xf32, #tpu.memory_space<vmem_shared>>
        %dma_start3A_952 = tpu.memref_slice %arg4[%mul3A_950] : memref<512000xf32, #tpu.memory_space<hbm>> -> memref<64000xf32, #tpu.memory_space<hbm>>
        tpu.enqueue_dma source(%dma_start3A_952 : memref<64000xf32, #tpu.memory_space<hbm>>) target(%dma_start3A_951 : memref<64000xf32, #tpu.memory_space<vmem_shared>>) target_semaphore(%run_scoped3A : memref<!tpu.dma_semaphore, #tpu.memory_space<semaphore_mem>>)
        %dma_wait3A_953 = tpu.memref_slice %arg12[%mul3A_950] : memref<512000xf32, #tpu.memory_space<vmem_shared>> -> memref<64000xf32, #tpu.memory_space<vmem_shared>>
        %dma_wait3A_954 = tpu.memref_slice %arg4[%mul3A_950] : memref<512000xf32, #tpu.memory_space<hbm>> -> memref<64000xf32, #tpu.memory_space<hbm>>
        tpu.wait_dma2 semaphore(%run_scoped3A : memref<!tpu.dma_semaphore, #tpu.memory_space<semaphore_mem>>) src(%dma_wait3A_954 : memref<64000xf32, #tpu.memory_space<hbm>>) dst(%dma_wait3A_953 : memref<64000xf32, #tpu.memory_space<vmem_shared>>)
        tpu.yield
      }) : () -> ()
    } else {
    }
    %add3A_5 = arith.constant 0 : i32
    %add3A_6 = arith.addi %mul3A_2, %add3A_5 : i32
    %dma_start3A = arith.constant 0 : i32
    %dma_start3A_7 = arith.constant 0 : i32
    %dma_start3A_8 = tpu.memref_slice %arg6[%dma_start3A, %dma_start3A_7] : memref<10x32xi32, #tpu.memory_space<vmem>> -> memref<1x32xi32, #tpu.memory_space<vmem>>
    %dma_start3A_9 = tpu.memref_squeeze %dma_start3A_8 : memref<1x32xi32, #tpu.memory_space<vmem>> -> memref<32xi32, #tpu.memory_space<vmem>>
    %dma_start3A_10 = tpu.memref_slice %arg3[%add3A_6] : memref<16384xi32, #tpu.memory_space<hbm>> -> memref<32xi32, #tpu.memory_space<hbm>>
    %dma_start3A_11 = arith.constant 0 : i32
    %dma_start3A_12 = tpu.memref_slice %arg6[%dma_start3A, %dma_start3A_11] : memref<10x32xi32, #tpu.memory_space<vmem>> -> memref<1x32xi32, #tpu.memory_space<vmem>>
    %dma_start3A_13 = tpu.memref_squeeze %dma_start3A_12 : memref<1x32xi32, #tpu.memory_space<vmem>> -> memref<32xi32, #tpu.memory_space<vmem>>
    %dma_start3A_14 = tpu.memref_slice %arg3[%add3A_6] : memref<16384xi32, #tpu.memory_space<hbm>> -> memref<32xi32, #tpu.memory_space<hbm>>
    tpu.enqueue_dma source(%dma_start3A_14 : memref<32xi32, #tpu.memory_space<hbm>>) target(%dma_start3A_13 : memref<32xi32, #tpu.memory_space<vmem>>) target_semaphore(%arg17 : memref<!tpu.dma_semaphore, #tpu.memory_space<semaphore_mem>>)
    %add3A_15 = arith.constant 32 : i32
    %add3A_16 = arith.addi %mul3A_2, %add3A_15 : i32
    %dma_start3A_17 = arith.constant 1 : i32
    %dma_start3A_18 = arith.constant 0 : i32
    %dma_start3A_19 = tpu.memref_slice %arg6[%dma_start3A_17, %dma_start3A_18] : memref<10x32xi32, #tpu.memory_space<vmem>> -> memref<1x32xi32, #tpu.memory_space<vmem>>
    %dma_start3A_20 = tpu.memref_squeeze %dma_start3A_19 : memref<1x32xi32, #tpu.memory_space<vmem>> -> memref<32xi32, #tpu.memory_space<vmem>>
    %dma_start3A_21 = tpu.memref_slice %arg3[%add3A_16] : memref<16384xi32, #tpu.memory_space<hbm>> -> memref<32xi32, #tpu.memory_space<hbm>>
    %dma_start3A_22 = arith.constant 0 : i32
    %dma_start3A_23 = tpu.memref_slice %arg6[%dma_start3A_17, %dma_start3A_22] : memref<10x32xi32, #tpu.memory_space<vmem>> -> memref<1x32xi32, #tpu.memory_space<vmem>>
    %dma_start3A_24 = tpu.memref_squeeze %dma_start3A_23 : memref<1x32xi32, #tpu.memory_space<vmem>> -> memref<32xi32, #tpu.memory_space<vmem>>
    %dma_start3A_25 = tpu.memref_slice %arg3[%add3A_16] : memref<16384xi32, #tpu.memory_space<hbm>> -> memref<32xi32, #tpu.memory_space<hbm>>
    tpu.enqueue_dma source(%dma_start3A_25 : memref<32xi32, #tpu.memory_space<hbm>>) target(%dma_start3A_24 : memref<32xi32, #tpu.memory_space<vmem>>) target_semaphore(%arg17 : memref<!tpu.dma_semaphore, #tpu.memory_space<semaphore_mem>>)
    %add3A_26 = arith.constant 64 : i32
    %add3A_27 = arith.addi %mul3A_2, %add3A_26 : i32
    %dma_start3A_28 = arith.constant 2 : i32
    %dma_start3A_29 = arith.constant 0 : i32
    %dma_start3A_30 = tpu.memref_slice %arg6[%dma_start3A_28, %dma_start3A_29] : memref<10x32xi32, #tpu.memory_space<vmem>> -> memref<1x32xi32, #tpu.memory_space<vmem>>
    %dma_start3A_31 = tpu.memref_squeeze %dma_start3A_30 : memref<1x32xi32, #tpu.memory_space<vmem>> -> memref<32xi32, #tpu.memory_space<vmem>>
    %dma_start3A_32 = tpu.memref_slice %arg3[%add3A_27] : memref<16384xi32, #tpu.memory_space<hbm>> -> memref<32xi32, #tpu.memory_space<hbm>>
    %dma_start3A_33 = arith.constant 0 : i32
    %dma_start3A_34 = tpu.memref_slice %arg6[%dma_start3A_28, %dma_start3A_33] : memref<10x32xi32, #tpu.memory_space<vmem>> -> memref<1x32xi32, #tpu.memory_space<vmem>>
    %dma_start3A_35 = tpu.memref_squeeze %dma_start3A_34 : memref<1x32xi32, #tpu.memory_space<vmem>> -> memref<32xi32, #tpu.memory_space<vmem>>
    %dma_start3A_36 = tpu.memref_slice %arg3[%add3A_27] : memref<16384xi32, #tpu.memory_space<hbm>> -> memref<32xi32, #tpu.memory_space<hbm>>
    tpu.enqueue_dma source(%dma_start3A_36 : memref<32xi32, #tpu.memory_space<hbm>>) target(%dma_start3A_35 : memref<32xi32, #tpu.memory_space<vmem>>) target_semaphore(%arg17 : memref<!tpu.dma_semaphore, #tpu.memory_space<semaphore_mem>>)
    %add3A_37 = arith.constant 96 : i32
    %add3A_38 = arith.addi %mul3A_2, %add3A_37 : i32
    %dma_start3A_39 = arith.constant 3 : i32
    %dma_start3A_40 = arith.constant 0 : i32
    %dma_start3A_41 = tpu.memref_slice %arg6[%dma_start3A_39, %dma_start3A_40] : memref<10x32xi32, #tpu.memory_space<vmem>> -> memref<1x32xi32, #tpu.memory_space<vmem>>
    %dma_start3A_42 = tpu.memref_squeeze %dma_start3A_41 : memref<1x32xi32, #tpu.memory_space<vmem>> -> memref<32xi32, #tpu.memory_space<vmem>>
    %dma_start3A_43 = tpu.memref_slice %arg3[%add3A_38] : memref<16384xi32, #tpu.memory_space<hbm>> -> memref<32xi32, #tpu.memory_space<hbm>>
    %dma_start3A_44 = arith.constant 0 : i32
    %dma_start3A_45 = tpu.memref_slice %arg6[%dma_start3A_39, %dma_start3A_44] : memref<10x32xi32, #tpu.memory_space<vmem>> -> memref<1x32xi32, #tpu.memory_space<vmem>>
    %dma_start3A_46 = tpu.memref_squeeze %dma_start3A_45 : memref<1x32xi32, #tpu.memory_space<vmem>> -> memref<32xi32, #tpu.memory_space<vmem>>
    %dma_start3A_47 = tpu.memref_slice %arg3[%add3A_38] : memref<16384xi32, #tpu.memory_space<hbm>> -> memref<32xi32, #tpu.memory_space<hbm>>
    tpu.enqueue_dma source(%dma_start3A_47 : memref<32xi32, #tpu.memory_space<hbm>>) target(%dma_start3A_46 : memref<32xi32, #tpu.memory_space<vmem>>) target_semaphore(%arg17 : memref<!tpu.dma_semaphore, #tpu.memory_space<semaphore_mem>>)
    %add3A_48 = arith.constant 128 : i32
    %add3A_49 = arith.addi %mul3A_2, %add3A_48 : i32
    %dma_start3A_50 = arith.constant 4 : i32
    %dma_start3A_51 = arith.constant 0 : i32
    %dma_start3A_52 = tpu.memref_slice %arg6[%dma_start3A_50, %dma_start3A_51] : memref<10x32xi32, #tpu.memory_space<vmem>> -> memref<1x32xi32, #tpu.memory_space<vmem>>
    %dma_start3A_53 = tpu.memref_squeeze %dma_start3A_52 : memref<1x32xi32, #tpu.memory_space<vmem>> -> memref<32xi32, #tpu.memory_space<vmem>>
    %dma_start3A_54 = tpu.memref_slice %arg3[%add3A_49] : memref<16384xi32, #tpu.memory_space<hbm>> -> memref<32xi32, #tpu.memory_space<hbm>>
    %dma_start3A_55 = arith.constant 0 : i32
    %dma_start3A_56 = tpu.memref_slice %arg6[%dma_start3A_50, %dma_start3A_55] : memref<10x32xi32, #tpu.memory_space<vmem>> -> memref<1x32xi32, #tpu.memory_space<vmem>>
    %dma_start3A_57 = tpu.memref_squeeze %dma_start3A_56 : memref<1x32xi32, #tpu.memory_space<vmem>> -> memref<32xi32, #tpu.memory_space<vmem>>
    %dma_start3A_58 = tpu.memref_slice %arg3[%add3A_49] : memref<16384xi32, #tpu.memory_space<hbm>> -> memref<32xi32, #tpu.memory_space<hbm>>
    tpu.enqueue_dma source(%dma_start3A_58 : memref<32xi32, #tpu.memory_space<hbm>>) target(%dma_start3A_57 : memref<32xi32, #tpu.memory_space<vmem>>) target_semaphore(%arg17 : memref<!tpu.dma_semaphore, #tpu.memory_space<semaphore_mem>>)
    %add3A_59 = arith.constant 160 : i32
    %add3A_60 = arith.addi %mul3A_2, %add3A_59 : i32
    %dma_start3A_61 = arith.constant 5 : i32
    %dma_start3A_62 = arith.constant 0 : i32
    %dma_start3A_63 = tpu.memref_slice %arg6[%dma_start3A_61, %dma_start3A_62] : memref<10x32xi32, #tpu.memory_space<vmem>> -> memref<1x32xi32, #tpu.memory_space<vmem>>
    %dma_start3A_64 = tpu.memref_squeeze %dma_start3A_63 : memref<1x32xi32, #tpu.memory_space<vmem>> -> memref<32xi32, #tpu.memory_space<vmem>>
    %dma_start3A_65 = tpu.memref_slice %arg3[%add3A_60] : memref<16384xi32, #tpu.memory_space<hbm>> -> memref<32xi32, #tpu.memory_space<hbm>>
    %dma_start3A_66 = arith.constant 0 : i32
    %dma_start3A_67 = tpu.memref_slice %arg6[%dma_start3A_61, %dma_start3A_66] : memref<10x32xi32, #tpu.memory_space<vmem>> -> memref<1x32xi32, #tpu.memory_space<vmem>>
    %dma_start3A_68 = tpu.memref_squeeze %dma_start3A_67 : memref<1x32xi32, #tpu.memory_space<vmem>> -> memref<32xi32, #tpu.memory_space<vmem>>
    %dma_start3A_69 = tpu.memref_slice %arg3[%add3A_60] : memref<16384xi32, #tpu.memory_space<hbm>> -> memref<32xi32, #tpu.memory_space<hbm>>
    tpu.enqueue_dma source(%dma_start3A_69 : memref<32xi32, #tpu.memory_space<hbm>>) target(%dma_start3A_68 : memref<32xi32, #tpu.memory_space<vmem>>) target_semaphore(%arg17 : memref<!tpu.dma_semaphore, #tpu.memory_space<semaphore_mem>>)
    %add3A_70 = arith.constant 192 : i32
    %add3A_71 = arith.addi %mul3A_2, %add3A_70 : i32
    %dma_start3A_72 = arith.constant 6 : i32
    %dma_start3A_73 = arith.constant 0 : i32
    %dma_start3A_74 = tpu.memref_slice %arg6[%dma_start3A_72, %dma_start3A_73] : memref<10x32xi32, #tpu.memory_space<vmem>> -> memref<1x32xi32, #tpu.memory_space<vmem>>
    %dma_start3A_75 = tpu.memref_squeeze %dma_start3A_74 : memref<1x32xi32, #tpu.memory_space<vmem>> -> memref<32xi32, #tpu.memory_space<vmem>>
    %dma_start3A_76 = tpu.memref_slice %arg3[%add3A_71] : memref<16384xi32, #tpu.memory_space<hbm>> -> memref<32xi32, #tpu.memory_space<hbm>>
    %dma_start3A_77 = arith.constant 0 : i32
    %dma_start3A_78 = tpu.memref_slice %arg6[%dma_start3A_72, %dma_start3A_77] : memref<10x32xi32, #tpu.memory_space<vmem>> -> memref<1x32xi32, #tpu.memory_space<vmem>>
    %dma_start3A_79 = tpu.memref_squeeze %dma_start3A_78 : memref<1x32xi32, #tpu.memory_space<vmem>> -> memref<32xi32, #tpu.memory_space<vmem>>
    %dma_start3A_80 = tpu.memref_slice %arg3[%add3A_71] : memref<16384xi32, #tpu.memory_space<hbm>> -> memref<32xi32, #tpu.memory_space<hbm>>
    tpu.enqueue_dma source(%dma_start3A_80 : memref<32xi32, #tpu.memory_space<hbm>>) target(%dma_start3A_79 : memref<32xi32, #tpu.memory_space<vmem>>) target_semaphore(%arg17 : memref<!tpu.dma_semaphore, #tpu.memory_space<semaphore_mem>>)
    %add3A_81 = arith.constant 224 : i32
    %add3A_82 = arith.addi %mul3A_2, %add3A_81 : i32
    %dma_start3A_83 = arith.constant 7 : i32
    %dma_start3A_84 = arith.constant 0 : i32
    %dma_start3A_85 = tpu.memref_slice %arg6[%dma_start3A_83, %dma_start3A_84] : memref<10x32xi32, #tpu.memory_space<vmem>> -> memref<1x32xi32, #tpu.memory_space<vmem>>
    %dma_start3A_86 = tpu.memref_squeeze %dma_start3A_85 : memref<1x32xi32, #tpu.memory_space<vmem>> -> memref<32xi32, #tpu.memory_space<vmem>>
    %dma_start3A_87 = tpu.memref_slice %arg3[%add3A_82] : memref<16384xi32, #tpu.memory_space<hbm>> -> memref<32xi32, #tpu.memory_space<hbm>>
    %dma_start3A_88 = arith.constant 0 : i32
    %dma_start3A_89 = tpu.memref_slice %arg6[%dma_start3A_83, %dma_start3A_88] : memref<10x32xi32, #tpu.memory_space<vmem>> -> memref<1x32xi32, #tpu.memory_space<vmem>>
    %dma_start3A_90 = tpu.memref_squeeze %dma_start3A_89 : memref<1x32xi32, #tpu.memory_space<vmem>> -> memref<32xi32, #tpu.memory_space<vmem>>
    %dma_start3A_91 = tpu.memref_slice %arg3[%add3A_82] : memref<16384xi32, #tpu.memory_space<hbm>> -> memref<32xi32, #tpu.memory_space<hbm>>
    tpu.enqueue_dma source(%dma_start3A_91 : memref<32xi32, #tpu.memory_space<hbm>>) target(%dma_start3A_90 : memref<32xi32, #tpu.memory_space<vmem>>) target_semaphore(%arg17 : memref<!tpu.dma_semaphore, #tpu.memory_space<semaphore_mem>>)
    %add3A_92 = arith.constant 256 : i32
    %add3A_93 = arith.addi %mul3A_2, %add3A_92 : i32
    %dma_start3A_94 = arith.constant 8 : i32
    %dma_start3A_95 = arith.constant 0 : i32
    %dma_start3A_96 = tpu.memref_slice %arg6[%dma_start3A_94, %dma_start3A_95] : memref<10x32xi32, #tpu.memory_space<vmem>> -> memref<1x32xi32, #tpu.memory_space<vmem>>
    %dma_start3A_97 = tpu.memref_squeeze %dma_start3A_96 : memref<1x32xi32, #tpu.memory_space<vmem>> -> memref<32xi32, #tpu.memory_space<vmem>>
    %dma_start3A_98 = tpu.memref_slice %arg3[%add3A_93] : memref<16384xi32, #tpu.memory_space<hbm>> -> memref<32xi32, #tpu.memory_space<hbm>>
    %dma_start3A_99 = arith.constant 0 : i32
    %dma_start3A_100 = tpu.memref_slice %arg6[%dma_start3A_94, %dma_start3A_99] : memref<10x32xi32, #tpu.memory_space<vmem>> -> memref<1x32xi32, #tpu.memory_space<vmem>>
    %dma_start3A_101 = tpu.memref_squeeze %dma_start3A_100 : memref<1x32xi32, #tpu.memory_space<vmem>> -> memref<32xi32, #tpu.memory_space<vmem>>
    %dma_start3A_102 = tpu.memref_slice %arg3[%add3A_93] : memref<16384xi32, #tpu.memory_space<hbm>> -> memref<32xi32, #tpu.memory_space<hbm>>
    tpu.enqueue_dma source(%dma_start3A_102 : memref<32xi32, #tpu.memory_space<hbm>>) target(%dma_start3A_101 : memref<32xi32, #tpu.memory_space<vmem>>) target_semaphore(%arg17 : memref<!tpu.dma_semaphore, #tpu.memory_space<semaphore_mem>>)
    %add3A_103 = arith.constant 288 : i32
    %add3A_104 = arith.addi %mul3A_2, %add3A_103 : i32
    %dma_start3A_105 = arith.constant 9 : i32
    %dma_start3A_106 = arith.constant 0 : i32
    %dma_start3A_107 = tpu.memref_slice %arg6[%dma_start3A_105, %dma_start3A_106] : memref<10x32xi32, #tpu.memory_space<vmem>> -> memref<1x32xi32, #tpu.memory_space<vmem>>
    %dma_start3A_108 = tpu.memref_squeeze %dma_start3A_107 : memref<1x32xi32, #tpu.memory_space<vmem>> -> memref<32xi32, #tpu.memory_space<vmem>>
    %dma_start3A_109 = tpu.memref_slice %arg3[%add3A_104] : memref<16384xi32, #tpu.memory_space<hbm>> -> memref<32xi32, #tpu.memory_space<hbm>>
    %dma_start3A_110 = arith.constant 0 : i32
    %dma_start3A_111 = tpu.memref_slice %arg6[%dma_start3A_105, %dma_start3A_110] : memref<10x32xi32, #tpu.memory_space<vmem>> -> memref<1x32xi32, #tpu.memory_space<vmem>>
    %dma_start3A_112 = tpu.memref_squeeze %dma_start3A_111 : memref<1x32xi32, #tpu.memory_space<vmem>> -> memref<32xi32, #tpu.memory_space<vmem>>
    %dma_start3A_113 = tpu.memref_slice %arg3[%add3A_104] : memref<16384xi32, #tpu.memory_space<hbm>> -> memref<32xi32, #tpu.memory_space<hbm>>
    tpu.enqueue_dma source(%dma_start3A_113 : memref<32xi32, #tpu.memory_space<hbm>>) target(%dma_start3A_112 : memref<32xi32, #tpu.memory_space<vmem>>) target_semaphore(%arg17 : memref<!tpu.dma_semaphore, #tpu.memory_space<semaphore_mem>>)
    %dma_wait3A = arith.constant 0 : i32
    %dma_wait3A_114 = arith.constant 0 : i32
    %dma_wait3A_115 = tpu.memref_slice %arg6[%dma_wait3A, %dma_wait3A_114] : memref<10x32xi32, #tpu.memory_space<vmem>> -> memref<1x32xi32, #tpu.memory_space<vmem>>
    %dma_wait3A_116 = tpu.memref_squeeze %dma_wait3A_115 : memref<1x32xi32, #tpu.memory_space<vmem>> -> memref<32xi32, #tpu.memory_space<vmem>>
    %dma_wait3A_117 = tpu.memref_slice %arg3[%add3A_6] : memref<16384xi32, #tpu.memory_space<hbm>> -> memref<32xi32, #tpu.memory_space<hbm>>
    %dma_wait3A_118 = arith.constant 0 : i32
    %dma_wait3A_119 = tpu.memref_slice %arg6[%dma_wait3A, %dma_wait3A_118] : memref<10x32xi32, #tpu.memory_space<vmem>> -> memref<1x32xi32, #tpu.memory_space<vmem>>
    %dma_wait3A_120 = tpu.memref_squeeze %dma_wait3A_119 : memref<1x32xi32, #tpu.memory_space<vmem>> -> memref<32xi32, #tpu.memory_space<vmem>>
    %dma_wait3A_121 = tpu.memref_slice %arg3[%add3A_6] : memref<16384xi32, #tpu.memory_space<hbm>> -> memref<32xi32, #tpu.memory_space<hbm>>
    tpu.wait_dma2 semaphore(%arg17 : memref<!tpu.dma_semaphore, #tpu.memory_space<semaphore_mem>>) src(%dma_wait3A_121 : memref<32xi32, #tpu.memory_space<hbm>>) dst(%dma_wait3A_120 : memref<32xi32, #tpu.memory_space<vmem>>)
    %dma_wait3A_122 = arith.constant 1 : i32
    %dma_wait3A_123 = arith.constant 0 : i32
    %dma_wait3A_124 = tpu.memref_slice %arg6[%dma_wait3A_122, %dma_wait3A_123] : memref<10x32xi32, #tpu.memory_space<vmem>> -> memref<1x32xi32, #tpu.memory_space<vmem>>
    %dma_wait3A_125 = tpu.memref_squeeze %dma_wait3A_124 : memref<1x32xi32, #tpu.memory_space<vmem>> -> memref<32xi32, #tpu.memory_space<vmem>>
    %dma_wait3A_126 = tpu.memref_slice %arg3[%add3A_16] : memref<16384xi32, #tpu.memory_space<hbm>> -> memref<32xi32, #tpu.memory_space<hbm>>
    %dma_wait3A_127 = arith.constant 0 : i32
    %dma_wait3A_128 = tpu.memref_slice %arg6[%dma_wait3A_122, %dma_wait3A_127] : memref<10x32xi32, #tpu.memory_space<vmem>> -> memref<1x32xi32, #tpu.memory_space<vmem>>
    %dma_wait3A_129 = tpu.memref_squeeze %dma_wait3A_128 : memref<1x32xi32, #tpu.memory_space<vmem>> -> memref<32xi32, #tpu.memory_space<vmem>>
    %dma_wait3A_130 = tpu.memref_slice %arg3[%add3A_16] : memref<16384xi32, #tpu.memory_space<hbm>> -> memref<32xi32, #tpu.memory_space<hbm>>
    tpu.wait_dma2 semaphore(%arg17 : memref<!tpu.dma_semaphore, #tpu.memory_space<semaphore_mem>>) src(%dma_wait3A_130 : memref<32xi32, #tpu.memory_space<hbm>>) dst(%dma_wait3A_129 : memref<32xi32, #tpu.memory_space<vmem>>)
    %dma_wait3A_131 = arith.constant 2 : i32
    %dma_wait3A_132 = arith.constant 0 : i32
    %dma_wait3A_133 = tpu.memref_slice %arg6[%dma_wait3A_131, %dma_wait3A_132] : memref<10x32xi32, #tpu.memory_space<vmem>> -> memref<1x32xi32, #tpu.memory_space<vmem>>
    %dma_wait3A_134 = tpu.memref_squeeze %dma_wait3A_133 : memref<1x32xi32, #tpu.memory_space<vmem>> -> memref<32xi32, #tpu.memory_space<vmem>>
    %dma_wait3A_135 = tpu.memref_slice %arg3[%add3A_27] : memref<16384xi32, #tpu.memory_space<hbm>> -> memref<32xi32, #tpu.memory_space<hbm>>
    %dma_wait3A_136 = arith.constant 0 : i32
    %dma_wait3A_137 = tpu.memref_slice %arg6[%dma_wait3A_131, %dma_wait3A_136] : memref<10x32xi32, #tpu.memory_space<vmem>> -> memref<1x32xi32, #tpu.memory_space<vmem>>
    %dma_wait3A_138 = tpu.memref_squeeze %dma_wait3A_137 : memref<1x32xi32, #tpu.memory_space<vmem>> -> memref<32xi32, #tpu.memory_space<vmem>>
    %dma_wait3A_139 = tpu.memref_slice %arg3[%add3A_27] : memref<16384xi32, #tpu.memory_space<hbm>> -> memref<32xi32, #tpu.memory_space<hbm>>
    tpu.wait_dma2 semaphore(%arg17 : memref<!tpu.dma_semaphore, #tpu.memory_space<semaphore_mem>>) src(%dma_wait3A_139 : memref<32xi32, #tpu.memory_space<hbm>>) dst(%dma_wait3A_138 : memref<32xi32, #tpu.memory_space<vmem>>)
    %dma_wait3A_140 = arith.constant 3 : i32
    %dma_wait3A_141 = arith.constant 0 : i32
    %dma_wait3A_142 = tpu.memref_slice %arg6[%dma_wait3A_140, %dma_wait3A_141] : memref<10x32xi32, #tpu.memory_space<vmem>> -> memref<1x32xi32, #tpu.memory_space<vmem>>
    %dma_wait3A_143 = tpu.memref_squeeze %dma_wait3A_142 : memref<1x32xi32, #tpu.memory_space<vmem>> -> memref<32xi32, #tpu.memory_space<vmem>>
    %dma_wait3A_144 = tpu.memref_slice %arg3[%add3A_38] : memref<16384xi32, #tpu.memory_space<hbm>> -> memref<32xi32, #tpu.memory_space<hbm>>
    %dma_wait3A_145 = arith.constant 0 : i32
    %dma_wait3A_146 = tpu.memref_slice %arg6[%dma_wait3A_140, %dma_wait3A_145] : memref<10x32xi32, #tpu.memory_space<vmem>> -> memref<1x32xi32, #tpu.memory_space<vmem>>
    %dma_wait3A_147 = tpu.memref_squeeze %dma_wait3A_146 : memref<1x32xi32, #tpu.memory_space<vmem>> -> memref<32xi32, #tpu.memory_space<vmem>>
    %dma_wait3A_148 = tpu.memref_slice %arg3[%add3A_38] : memref<16384xi32, #tpu.memory_space<hbm>> -> memref<32xi32, #tpu.memory_space<hbm>>
    tpu.wait_dma2 semaphore(%arg17 : memref<!tpu.dma_semaphore, #tpu.memory_space<semaphore_mem>>) src(%dma_wait3A_148 : memref<32xi32, #tpu.memory_space<hbm>>) dst(%dma_wait3A_147 : memref<32xi32, #tpu.memory_space<vmem>>)
    %dma_wait3A_149 = arith.constant 4 : i32
    %dma_wait3A_150 = arith.constant 0 : i32
    %dma_wait3A_151 = tpu.memref_slice %arg6[%dma_wait3A_149, %dma_wait3A_150] : memref<10x32xi32, #tpu.memory_space<vmem>> -> memref<1x32xi32, #tpu.memory_space<vmem>>
    %dma_wait3A_152 = tpu.memref_squeeze %dma_wait3A_151 : memref<1x32xi32, #tpu.memory_space<vmem>> -> memref<32xi32, #tpu.memory_space<vmem>>
    %dma_wait3A_153 = tpu.memref_slice %arg3[%add3A_49] : memref<16384xi32, #tpu.memory_space<hbm>> -> memref<32xi32, #tpu.memory_space<hbm>>
    %dma_wait3A_154 = arith.constant 0 : i32
    %dma_wait3A_155 = tpu.memref_slice %arg6[%dma_wait3A_149, %dma_wait3A_154] : memref<10x32xi32, #tpu.memory_space<vmem>> -> memref<1x32xi32, #tpu.memory_space<vmem>>
    %dma_wait3A_156 = tpu.memref_squeeze %dma_wait3A_155 : memref<1x32xi32, #tpu.memory_space<vmem>> -> memref<32xi32, #tpu.memory_space<vmem>>
    %dma_wait3A_157 = tpu.memref_slice %arg3[%add3A_49] : memref<16384xi32, #tpu.memory_space<hbm>> -> memref<32xi32, #tpu.memory_space<hbm>>
    tpu.wait_dma2 semaphore(%arg17 : memref<!tpu.dma_semaphore, #tpu.memory_space<semaphore_mem>>) src(%dma_wait3A_157 : memref<32xi32, #tpu.memory_space<hbm>>) dst(%dma_wait3A_156 : memref<32xi32, #tpu.memory_space<vmem>>)
    %dma_wait3A_158 = arith.constant 5 : i32
    %dma_wait3A_159 = arith.constant 0 : i32
    %dma_wait3A_160 = tpu.memref_slice %arg6[%dma_wait3A_158, %dma_wait3A_159] : memref<10x32xi32, #tpu.memory_space<vmem>> -> memref<1x32xi32, #tpu.memory_space<vmem>>
    %dma_wait3A_161 = tpu.memref_squeeze %dma_wait3A_160 : memref<1x32xi32, #tpu.memory_space<vmem>> -> memref<32xi32, #tpu.memory_space<vmem>>
    %dma_wait3A_162 = tpu.memref_slice %arg3[%add3A_60] : memref<16384xi32, #tpu.memory_space<hbm>> -> memref<32xi32, #tpu.memory_space<hbm>>
    %dma_wait3A_163 = arith.constant 0 : i32
    %dma_wait3A_164 = tpu.memref_slice %arg6[%dma_wait3A_158, %dma_wait3A_163] : memref<10x32xi32, #tpu.memory_space<vmem>> -> memref<1x32xi32, #tpu.memory_space<vmem>>
    %dma_wait3A_165 = tpu.memref_squeeze %dma_wait3A_164 : memref<1x32xi32, #tpu.memory_space<vmem>> -> memref<32xi32, #tpu.memory_space<vmem>>
    %dma_wait3A_166 = tpu.memref_slice %arg3[%add3A_60] : memref<16384xi32, #tpu.memory_space<hbm>> -> memref<32xi32, #tpu.memory_space<hbm>>
    tpu.wait_dma2 semaphore(%arg17 : memref<!tpu.dma_semaphore, #tpu.memory_space<semaphore_mem>>) src(%dma_wait3A_166 : memref<32xi32, #tpu.memory_space<hbm>>) dst(%dma_wait3A_165 : memref<32xi32, #tpu.memory_space<vmem>>)
    %dma_wait3A_167 = arith.constant 6 : i32
    %dma_wait3A_168 = arith.constant 0 : i32
    %dma_wait3A_169 = tpu.memref_slice %arg6[%dma_wait3A_167, %dma_wait3A_168] : memref<10x32xi32, #tpu.memory_space<vmem>> -> memref<1x32xi32, #tpu.memory_space<vmem>>
    %dma_wait3A_170 = tpu.memref_squeeze %dma_wait3A_169 : memref<1x32xi32, #tpu.memory_space<vmem>> -> memref<32xi32, #tpu.memory_space<vmem>>
    %dma_wait3A_171 = tpu.memref_slice %arg3[%add3A_71] : memref<16384xi32, #tpu.memory_space<hbm>> -> memref<32xi32, #tpu.memory_space<hbm>>
    %dma_wait3A_172 = arith.constant 0 : i32
    %dma_wait3A_173 = tpu.memref_slice %arg6[%dma_wait3A_167, %dma_wait3A_172] : memref<10x32xi32, #tpu.memory_space<vmem>> -> memref<1x32xi32, #tpu.memory_space<vmem>>
    %dma_wait3A_174 = tpu.memref_squeeze %dma_wait3A_173 : memref<1x32xi32, #tpu.memory_space<vmem>> -> memref<32xi32, #tpu.memory_space<vmem>>
    %dma_wait3A_175 = tpu.memref_slice %arg3[%add3A_71] : memref<16384xi32, #tpu.memory_space<hbm>> -> memref<32xi32, #tpu.memory_space<hbm>>
    tpu.wait_dma2 semaphore(%arg17 : memref<!tpu.dma_semaphore, #tpu.memory_space<semaphore_mem>>) src(%dma_wait3A_175 : memref<32xi32, #tpu.memory_space<hbm>>) dst(%dma_wait3A_174 : memref<32xi32, #tpu.memory_space<vmem>>)
    %dma_wait3A_176 = arith.constant 7 : i32
    %dma_wait3A_177 = arith.constant 0 : i32
    %dma_wait3A_178 = tpu.memref_slice %arg6[%dma_wait3A_176, %dma_wait3A_177] : memref<10x32xi32, #tpu.memory_space<vmem>> -> memref<1x32xi32, #tpu.memory_space<vmem>>
    %dma_wait3A_179 = tpu.memref_squeeze %dma_wait3A_178 : memref<1x32xi32, #tpu.memory_space<vmem>> -> memref<32xi32, #tpu.memory_space<vmem>>
    %dma_wait3A_180 = tpu.memref_slice %arg3[%add3A_82] : memref<16384xi32, #tpu.memory_space<hbm>> -> memref<32xi32, #tpu.memory_space<hbm>>
    %dma_wait3A_181 = arith.constant 0 : i32
    %dma_wait3A_182 = tpu.memref_slice %arg6[%dma_wait3A_176, %dma_wait3A_181] : memref<10x32xi32, #tpu.memory_space<vmem>> -> memref<1x32xi32, #tpu.memory_space<vmem>>
    %dma_wait3A_183 = tpu.memref_squeeze %dma_wait3A_182 : memref<1x32xi32, #tpu.memory_space<vmem>> -> memref<32xi32, #tpu.memory_space<vmem>>
    %dma_wait3A_184 = tpu.memref_slice %arg3[%add3A_82] : memref<16384xi32, #tpu.memory_space<hbm>> -> memref<32xi32, #tpu.memory_space<hbm>>
    tpu.wait_dma2 semaphore(%arg17 : memref<!tpu.dma_semaphore, #tpu.memory_space<semaphore_mem>>) src(%dma_wait3A_184 : memref<32xi32, #tpu.memory_space<hbm>>) dst(%dma_wait3A_183 : memref<32xi32, #tpu.memory_space<vmem>>)
    %dma_wait3A_185 = arith.constant 8 : i32
    %dma_wait3A_186 = arith.constant 0 : i32
    %dma_wait3A_187 = tpu.memref_slice %arg6[%dma_wait3A_185, %dma_wait3A_186] : memref<10x32xi32, #tpu.memory_space<vmem>> -> memref<1x32xi32, #tpu.memory_space<vmem>>
    %dma_wait3A_188 = tpu.memref_squeeze %dma_wait3A_187 : memref<1x32xi32, #tpu.memory_space<vmem>> -> memref<32xi32, #tpu.memory_space<vmem>>
    %dma_wait3A_189 = tpu.memref_slice %arg3[%add3A_93] : memref<16384xi32, #tpu.memory_space<hbm>> -> memref<32xi32, #tpu.memory_space<hbm>>
    %dma_wait3A_190 = arith.constant 0 : i32
    %dma_wait3A_191 = tpu.memref_slice %arg6[%dma_wait3A_185, %dma_wait3A_190] : memref<10x32xi32, #tpu.memory_space<vmem>> -> memref<1x32xi32, #tpu.memory_space<vmem>>
    %dma_wait3A_192 = tpu.memref_squeeze %dma_wait3A_191 : memref<1x32xi32, #tpu.memory_space<vmem>> -> memref<32xi32, #tpu.memory_space<vmem>>
    %dma_wait3A_193 = tpu.memref_slice %arg3[%add3A_93] : memref<16384xi32, #tpu.memory_space<hbm>> -> memref<32xi32, #tpu.memory_space<hbm>>
    tpu.wait_dma2 semaphore(%arg17 : memref<!tpu.dma_semaphore, #tpu.memory_space<semaphore_mem>>) src(%dma_wait3A_193 : memref<32xi32, #tpu.memory_space<hbm>>) dst(%dma_wait3A_192 : memref<32xi32, #tpu.memory_space<vmem>>)
    %dma_wait3A_194 = arith.constant 9 : i32
    %dma_wait3A_195 = arith.constant 0 : i32
    %dma_wait3A_196 = tpu.memref_slice %arg6[%dma_wait3A_194, %dma_wait3A_195] : memref<10x32xi32, #tpu.memory_space<vmem>> -> memref<1x32xi32, #tpu.memory_space<vmem>>
    %dma_wait3A_197 = tpu.memref_squeeze %dma_wait3A_196 : memref<1x32xi32, #tpu.memory_space<vmem>> -> memref<32xi32, #tpu.memory_space<vmem>>
    %dma_wait3A_198 = tpu.memref_slice %arg3[%add3A_104] : memref<16384xi32, #tpu.memory_space<hbm>> -> memref<32xi32, #tpu.memory_space<hbm>>
    %dma_wait3A_199 = arith.constant 0 : i32
    %dma_wait3A_200 = tpu.memref_slice %arg6[%dma_wait3A_194, %dma_wait3A_199] : memref<10x32xi32, #tpu.memory_space<vmem>> -> memref<1x32xi32, #tpu.memory_space<vmem>>
    %dma_wait3A_201 = tpu.memref_squeeze %dma_wait3A_200 : memref<1x32xi32, #tpu.memory_space<vmem>> -> memref<32xi32, #tpu.memory_space<vmem>>
    %dma_wait3A_202 = tpu.memref_slice %arg3[%add3A_104] : memref<16384xi32, #tpu.memory_space<hbm>> -> memref<32xi32, #tpu.memory_space<hbm>>
    tpu.wait_dma2 semaphore(%arg17 : memref<!tpu.dma_semaphore, #tpu.memory_space<semaphore_mem>>) src(%dma_wait3A_202 : memref<32xi32, #tpu.memory_space<hbm>>) dst(%dma_wait3A_201 : memref<32xi32, #tpu.memory_space<vmem>>)
    %barrier3A = arith.constant 0 : index
    tpu.barrier barrier_id(%barrier3A)
    %add3A_203 = arith.constant 0 : i32
    %add3A_204 = arith.addi %mul3A_2, %add3A_203 : i32
    %dma_start3A_205 = arith.constant 0 : i32
    %dma_start3A_206 = tpu.memref_slice %arg2[%add3A_204, %dma_start3A_205] : memref<16384x512xf32, #tpu.memory_space<hbm>> -> memref<32x512xf32, #tpu.memory_space<hbm>>
    %dma_start3A_207 = arith.constant 0 : i32
    %dma_start3A_208 = tpu.memref_slice %arg2[%add3A_204, %dma_start3A_207] : memref<16384x512xf32, #tpu.memory_space<hbm>> -> memref<32x512xf32, #tpu.memory_space<hbm>>
    tpu.enqueue_dma source(%dma_start3A_208 : memref<32x512xf32, #tpu.memory_space<hbm>>) target(%arg7 : memref<32x512xf32, #tpu.memory_space<vmem>>) target_semaphore(%arg13 : memref<!tpu.dma_semaphore, #tpu.memory_space<semaphore_mem>>)
    %get3A = arith.constant 0 : i32
    %get3A_209 = arith.index_cast %get3A : i32 to index
    %get3A_210 = arith.constant 0 : index
    %get3A_211 = tpu.vector_load %arg6[%get3A_209, %get3A_210] {strides = array<i32>} : memref<10x32xi32, #tpu.memory_space<vmem>>, vector<1x16xi32>,
    %get3A_212 = vector.shape_cast %get3A_211 : vector<1x16xi32> to vector<16xi32>
    %slice3A = vector.extract_strided_slice %get3A_212 {offsets = [0], sizes = [1], strides = [1]} : vector<16xi32> to vector<1xi32>
    %squeeze3A = vector.extract %slice3A[0] : i32 from vector<1xi32>
    %mul3A_213 = arith.constant 512 : i32
    %mul3A_214 = arith.muli %squeeze3A, %mul3A_213 : i32
    %multiple_of3A = tpu.assume_multiple %mul3A_214, 512 : i32
    %dma_start3A_215 = arith.constant 0 : i32
    %dma_start3A_216 = tpu.memref_slice %arg9[%dma_start3A_215] : memref<16384xf32, #tpu.memory_space<vmem>> -> memref<512xf32, #tpu.memory_space<vmem>>
    %dma_start3A_217 = tpu.memref_slice %arg12[%multiple_of3A] : memref<512000xf32, #tpu.memory_space<vmem_shared>> -> memref<512xf32, #tpu.memory_space<vmem_shared>>
    %dma_start3A_218 = arith.constant 0 : i32
    %dma_start3A_219 = tpu.memref_slice %arg9[%dma_start3A_218] : memref<16384xf32, #tpu.memory_space<vmem>> -> memref<512xf32, #tpu.memory_space<vmem>>
    %dma_start3A_220 = tpu.memref_slice %arg12[%multiple_of3A] : memref<512000xf32, #tpu.memory_space<vmem_shared>> -> memref<512xf32, #tpu.memory_space<vmem_shared>>
    tpu.enqueue_dma source(%dma_start3A_220 : memref<512xf32, #tpu.memory_space<vmem_shared>>) target(%dma_start3A_219 : memref<512xf32, #tpu.memory_space<vmem>>) target_semaphore(%arg15 : memref<!tpu.dma_semaphore, #tpu.memory_space<semaphore_mem>>)
    %slice3A_221 = vector.extract_strided_slice %get3A_212 {offsets = [1], sizes = [1], strides = [1]} : vector<16xi32> to vector<1xi32>
    %squeeze3A_222 = vector.extract %slice3A_221[0] : i32 from vector<1xi32>
    %mul3A_223 = arith.constant 512 : i32
    %mul3A_224 = arith.muli %squeeze3A_222, %mul3A_223 : i32
    %multiple_of3A_225 = tpu.assume_multiple %mul3A_224, 512 : i32
    %dma_start3A_226 = arith.constant 512 : i32
    %dma_start3A_227 = tpu.memref_slice %arg9[%dma_start3A_226] : memref<16384xf32, #tpu.memory_space<vmem>> -> memref<512xf32, #tpu.memory_space<vmem>>
    %dma_start3A_228 = tpu.memref_slice %arg12[%multiple_of3A_225] : memref<512000xf32, #tpu.memory_space<vmem_shared>> -> memref<512xf32, #tpu.memory_space<vmem_shared>>
    %dma_start3A_229 = arith.constant 512 : i32
    %dma_start3A_230 = tpu.memref_slice %arg9[%dma_start3A_229] : memref<16384xf32, #tpu.memory_space<vmem>> -> memref<512xf32, #tpu.memory_space<vmem>>
    %dma_start3A_231 = tpu.memref_slice %arg12[%multiple_of3A_225] : memref<512000xf32, #tpu.memory_space<vmem_shared>> -> memref<512xf32, #tpu.memory_space<vmem_shared>>
    tpu.enqueue_dma source(%dma_start3A_231 : memref<512xf32, #tpu.memory_space<vmem_shared>>) target(%dma_start3A_230 : memref<512xf32, #tpu.memory_space<vmem>>) target_semaphore(%arg15 : memref<!tpu.dma_semaphore, #tpu.memory_space<semaphore_mem>>)
    %slice3A_232 = vector.extract_strided_slice %get3A_212 {offsets = [2], sizes = [1], strides = [1]} : vector<16xi32> to vector<1xi32>
    %squeeze3A_233 = vector.extract %slice3A_232[0] : i32 from vector<1xi32>
    %mul3A_234 = arith.constant 512 : i32
    %mul3A_235 = arith.muli %squeeze3A_233, %mul3A_234 : i32
    %multiple_of3A_236 = tpu.assume_multiple %mul3A_235, 512 : i32
    %dma_start3A_237 = arith.constant 1024 : i32
    %dma_start3A_238 = tpu.memref_slice %arg9[%dma_start3A_237] : memref<16384xf32, #tpu.memory_space<vmem>> -> memref<512xf32, #tpu.memory_space<vmem>>
    %dma_start3A_239 = tpu.memref_slice %arg12[%multiple_of3A_236] : memref<512000xf32, #tpu.memory_space<vmem_shared>> -> memref<512xf32, #tpu.memory_space<vmem_shared>>
    %dma_start3A_240 = arith.constant 1024 : i32
    %dma_start3A_241 = tpu.memref_slice %arg9[%dma_start3A_240] : memref<16384xf32, #tpu.memory_space<vmem>> -> memref<512xf32, #tpu.memory_space<vmem>>
    %dma_start3A_242 = tpu.memref_slice %arg12[%multiple_of3A_236] : memref<512000xf32, #tpu.memory_space<vmem_shared>> -> memref<512xf32, #tpu.memory_space<vmem_shared>>
    tpu.enqueue_dma source(%dma_start3A_242 : memref<512xf32, #tpu.memory_space<vmem_shared>>) target(%dma_start3A_241 : memref<512xf32, #tpu.memory_space<vmem>>) target_semaphore(%arg15 : memref<!tpu.dma_semaphore, #tpu.memory_space<semaphore_mem>>)
    %slice3A_243 = vector.extract_strided_slice %get3A_212 {offsets = [3], sizes = [1], strides = [1]} : vector<16xi32> to vector<1xi32>
    %squeeze3A_244 = vector.extract %slice3A_243[0] : i32 from vector<1xi32>
    %mul3A_245 = arith.constant 512 : i32
    %mul3A_246 = arith.muli %squeeze3A_244, %mul3A_245 : i32
    %multiple_of3A_247 = tpu.assume_multiple %mul3A_246, 512 : i32
    %dma_start3A_248 = arith.constant 1536 : i32
    %dma_start3A_249 = tpu.memref_slice %arg9[%dma_start3A_248] : memref<16384xf32, #tpu.memory_space<vmem>> -> memref<512xf32, #tpu.memory_space<vmem>>
    %dma_start3A_250 = tpu.memref_slice %arg12[%multiple_of3A_247] : memref<512000xf32, #tpu.memory_space<vmem_shared>> -> memref<512xf32, #tpu.memory_space<vmem_shared>>
    %dma_start3A_251 = arith.constant 1536 : i32
    %dma_start3A_252 = tpu.memref_slice %arg9[%dma_start3A_251] : memref<16384xf32, #tpu.memory_space<vmem>> -> memref<512xf32, #tpu.memory_space<vmem>>
    %dma_start3A_253 = tpu.memref_slice %arg12[%multiple_of3A_247] : memref<512000xf32, #tpu.memory_space<vmem_shared>> -> memref<512xf32, #tpu.memory_space<vmem_shared>>
    tpu.enqueue_dma source(%dma_start3A_253 : memref<512xf32, #tpu.memory_space<vmem_shared>>) target(%dma_start3A_252 : memref<512xf32, #tpu.memory_space<vmem>>) target_semaphore(%arg15 : memref<!tpu.dma_semaphore, #tpu.memory_space<semaphore_mem>>)
    %slice3A_254 = vector.extract_strided_slice %get3A_212 {offsets = [4], sizes = [1], strides = [1]} : vector<16xi32> to vector<1xi32>
    %squeeze3A_255 = vector.extract %slice3A_254[0] : i32 from vector<1xi32>
    %mul3A_256 = arith.constant 512 : i32
    %mul3A_257 = arith.muli %squeeze3A_255, %mul3A_256 : i32
    %multiple_of3A_258 = tpu.assume_multiple %mul3A_257, 512 : i32
    %dma_start3A_259 = arith.constant 2048 : i32
    %dma_start3A_260 = tpu.memref_slice %arg9[%dma_start3A_259] : memref<16384xf32, #tpu.memory_space<vmem>> -> memref<512xf32, #tpu.memory_space<vmem>>
    %dma_start3A_261 = tpu.memref_slice %arg12[%multiple_of3A_258] : memref<512000xf32, #tpu.memory_space<vmem_shared>> -> memref<512xf32, #tpu.memory_space<vmem_shared>>
    %dma_start3A_262 = arith.constant 2048 : i32
    %dma_start3A_263 = tpu.memref_slice %arg9[%dma_start3A_262] : memref<16384xf32, #tpu.memory_space<vmem>> -> memref<512xf32, #tpu.memory_space<vmem>>
    %dma_start3A_264 = tpu.memref_slice %arg12[%multiple_of3A_258] : memref<512000xf32, #tpu.memory_space<vmem_shared>> -> memref<512xf32, #tpu.memory_space<vmem_shared>>
    tpu.enqueue_dma source(%dma_start3A_264 : memref<512xf32, #tpu.memory_space<vmem_shared>>) target(%dma_start3A_263 : memref<512xf32, #tpu.memory_space<vmem>>) target_semaphore(%arg15 : memref<!tpu.dma_semaphore, #tpu.memory_space<semaphore_mem>>)
    %slice3A_265 = vector.extract_strided_slice %get3A_212 {offsets = [5], sizes = [1], strides = [1]} : vector<16xi32> to vector<1xi32>
    %squeeze3A_266 = vector.extract %slice3A_265[0] : i32 from vector<1xi32>
    %mul3A_267 = arith.constant 512 : i32
    %mul3A_268 = arith.muli %squeeze3A_266, %mul3A_267 : i32
    %multiple_of3A_269 = tpu.assume_multiple %mul3A_268, 512 : i32
    %dma_start3A_270 = arith.constant 2560 : i32
    %dma_start3A_271 = tpu.memref_slice %arg9[%dma_start3A_270] : memref<16384xf32, #tpu.memory_space<vmem>> -> memref<512xf32, #tpu.memory_space<vmem>>
    %dma_start3A_272 = tpu.memref_slice %arg12[%multiple_of3A_269] : memref<512000xf32, #tpu.memory_space<vmem_shared>> -> memref<512xf32, #tpu.memory_space<vmem_shared>>
    %dma_start3A_273 = arith.constant 2560 : i32
    %dma_start3A_274 = tpu.memref_slice %arg9[%dma_start3A_273] : memref<16384xf32, #tpu.memory_space<vmem>> -> memref<512xf32, #tpu.memory_space<vmem>>
    %dma_start3A_275 = tpu.memref_slice %arg12[%multiple_of3A_269] : memref<512000xf32, #tpu.memory_space<vmem_shared>> -> memref<512xf32, #tpu.memory_space<vmem_shared>>
    tpu.enqueue_dma source(%dma_start3A_275 : memref<512xf32, #tpu.memory_space<vmem_shared>>) target(%dma_start3A_274 : memref<512xf32, #tpu.memory_space<vmem>>) target_semaphore(%arg15 : memref<!tpu.dma_semaphore, #tpu.memory_space<semaphore_mem>>)
    %slice3A_276 = vector.extract_strided_slice %get3A_212 {offsets = [6], sizes = [1], strides = [1]} : vector<16xi32> to vector<1xi32>
    %squeeze3A_277 = vector.extract %slice3A_276[0] : i32 from vector<1xi32>
    %mul3A_278 = arith.constant 512 : i32
    %mul3A_279 = arith.muli %squeeze3A_277, %mul3A_278 : i32
    %multiple_of3A_280 = tpu.assume_multiple %mul3A_279, 512 : i32
    %dma_start3A_281 = arith.constant 3072 : i32
    %dma_start3A_282 = tpu.memref_slice %arg9[%dma_start3A_281] : memref<16384xf32, #tpu.memory_space<vmem>> -> memref<512xf32, #tpu.memory_space<vmem>>
    %dma_start3A_283 = tpu.memref_slice %arg12[%multiple_of3A_280] : memref<512000xf32, #tpu.memory_space<vmem_shared>> -> memref<512xf32, #tpu.memory_space<vmem_shared>>
    %dma_start3A_284 = arith.constant 3072 : i32
    %dma_start3A_285 = tpu.memref_slice %arg9[%dma_start3A_284] : memref<16384xf32, #tpu.memory_space<vmem>> -> memref<512xf32, #tpu.memory_space<vmem>>
    %dma_start3A_286 = tpu.memref_slice %arg12[%multiple_of3A_280] : memref<512000xf32, #tpu.memory_space<vmem_shared>> -> memref<512xf32, #tpu.memory_space<vmem_shared>>
    tpu.enqueue_dma source(%dma_start3A_286 : memref<512xf32, #tpu.memory_space<vmem_shared>>) target(%dma_start3A_285 : memref<512xf32, #tpu.memory_space<vmem>>) target_semaphore(%arg15 : memref<!tpu.dma_semaphore, #tpu.memory_space<semaphore_mem>>)
    %slice3A_287 = vector.extract_strided_slice %get3A_212 {offsets = [7], sizes = [1], strides = [1]} : vector<16xi32> to vector<1xi32>
    %squeeze3A_288 = vector.extract %slice3A_287[0] : i32 from vector<1xi32>
    %mul3A_289 = arith.constant 512 : i32
    %mul3A_290 = arith.muli %squeeze3A_288, %mul3A_289 : i32
    %multiple_of3A_291 = tpu.assume_multiple %mul3A_290, 512 : i32
    %dma_start3A_292 = arith.constant 3584 : i32
    %dma_start3A_293 = tpu.memref_slice %arg9[%dma_start3A_292] : memref<16384xf32, #tpu.memory_space<vmem>> -> memref<512xf32, #tpu.memory_space<vmem>>
    %dma_start3A_294 = tpu.memref_slice %arg12[%multiple_of3A_291] : memref<512000xf32, #tpu.memory_space<vmem_shared>> -> memref<512xf32, #tpu.memory_space<vmem_shared>>
    %dma_start3A_295 = arith.constant 3584 : i32
    %dma_start3A_296 = tpu.memref_slice %arg9[%dma_start3A_295] : memref<16384xf32, #tpu.memory_space<vmem>> -> memref<512xf32, #tpu.memory_space<vmem>>
    %dma_start3A_297 = tpu.memref_slice %arg12[%multiple_of3A_291] : memref<512000xf32, #tpu.memory_space<vmem_shared>> -> memref<512xf32, #tpu.memory_space<vmem_shared>>
    tpu.enqueue_dma source(%dma_start3A_297 : memref<512xf32, #tpu.memory_space<vmem_shared>>) target(%dma_start3A_296 : memref<512xf32, #tpu.memory_space<vmem>>) target_semaphore(%arg15 : memref<!tpu.dma_semaphore, #tpu.memory_space<semaphore_mem>>)
    %slice3A_298 = vector.extract_strided_slice %get3A_212 {offsets = [8], sizes = [1], strides = [1]} : vector<16xi32> to vector<1xi32>
    %squeeze3A_299 = vector.extract %slice3A_298[0] : i32 from vector<1xi32>
    %mul3A_300 = arith.constant 512 : i32
    %mul3A_301 = arith.muli %squeeze3A_299, %mul3A_300 : i32
    %multiple_of3A_302 = tpu.assume_multiple %mul3A_301, 512 : i32
    %dma_start3A_303 = arith.constant 4096 : i32
    %dma_start3A_304 = tpu.memref_slice %arg9[%dma_start3A_303] : memref<16384xf32, #tpu.memory_space<vmem>> -> memref<512xf32, #tpu.memory_space<vmem>>
    %dma_start3A_305 = tpu.memref_slice %arg12[%multiple_of3A_302] : memref<512000xf32, #tpu.memory_space<vmem_shared>> -> memref<512xf32, #tpu.memory_space<vmem_shared>>
    %dma_start3A_306 = arith.constant 4096 : i32
    %dma_start3A_307 = tpu.memref_slice %arg9[%dma_start3A_306] : memref<16384xf32, #tpu.memory_space<vmem>> -> memref<512xf32, #tpu.memory_space<vmem>>
    %dma_start3A_308 = tpu.memref_slice %arg12[%multiple_of3A_302] : memref<512000xf32, #tpu.memory_space<vmem_shared>> -> memref<512xf32, #tpu.memory_space<vmem_shared>>
    tpu.enqueue_dma source(%dma_start3A_308 : memref<512xf32, #tpu.memory_space<vmem_shared>>) target(%dma_start3A_307 : memref<512xf32, #tpu.memory_space<vmem>>) target_semaphore(%arg15 : memref<!tpu.dma_semaphore, #tpu.memory_space<semaphore_mem>>)
    %slice3A_309 = vector.extract_strided_slice %get3A_212 {offsets = [9], sizes = [1], strides = [1]} : vector<16xi32> to vector<1xi32>
    %squeeze3A_310 = vector.extract %slice3A_309[0] : i32 from vector<1xi32>
    %mul3A_311 = arith.constant 512 : i32
    %mul3A_312 = arith.muli %squeeze3A_310, %mul3A_311 : i32
    %multiple_of3A_313 = tpu.assume_multiple %mul3A_312, 512 : i32
    %dma_start3A_314 = arith.constant 4608 : i32
    %dma_start3A_315 = tpu.memref_slice %arg9[%dma_start3A_314] : memref<16384xf32, #tpu.memory_space<vmem>> -> memref<512xf32, #tpu.memory_space<vmem>>
    %dma_start3A_316 = tpu.memref_slice %arg12[%multiple_of3A_313] : memref<512000xf32, #tpu.memory_space<vmem_shared>> -> memref<512xf32, #tpu.memory_space<vmem_shared>>
    %dma_start3A_317 = arith.constant 4608 : i32
    %dma_start3A_318 = tpu.memref_slice %arg9[%dma_start3A_317] : memref<16384xf32, #tpu.memory_space<vmem>> -> memref<512xf32, #tpu.memory_space<vmem>>
    %dma_start3A_319 = tpu.memref_slice %arg12[%multiple_of3A_313] : memref<512000xf32, #tpu.memory_space<vmem_shared>> -> memref<512xf32, #tpu.memory_space<vmem_shared>>
    tpu.enqueue_dma source(%dma_start3A_319 : memref<512xf32, #tpu.memory_space<vmem_shared>>) target(%dma_start3A_318 : memref<512xf32, #tpu.memory_space<vmem>>) target_semaphore(%arg15 : memref<!tpu.dma_semaphore, #tpu.memory_space<semaphore_mem>>)
    %slice3A_320 = vector.extract_strided_slice %get3A_212 {offsets = [10], sizes = [1], strides = [1]} : vector<16xi32> to vector<1xi32>
    %squeeze3A_321 = vector.extract %slice3A_320[0] : i32 from vector<1xi32>
    %mul3A_322 = arith.constant 512 : i32
    %mul3A_323 = arith.muli %squeeze3A_321, %mul3A_322 : i32
    %multiple_of3A_324 = tpu.assume_multiple %mul3A_323, 512 : i32
    %dma_start3A_325 = arith.constant 5120 : i32
    %dma_start3A_326 = tpu.memref_slice %arg9[%dma_start3A_325] : memref<16384xf32, #tpu.memory_space<vmem>> -> memref<512xf32, #tpu.memory_space<vmem>>
    %dma_start3A_327 = tpu.memref_slice %arg12[%multiple_of3A_324] : memref<512000xf32, #tpu.memory_space<vmem_shared>> -> memref<512xf32, #tpu.memory_space<vmem_shared>>
    %dma_start3A_328 = arith.constant 5120 : i32
    %dma_start3A_329 = tpu.memref_slice %arg9[%dma_start3A_328] : memref<16384xf32, #tpu.memory_space<vmem>> -> memref<512xf32, #tpu.memory_space<vmem>>
    %dma_start3A_330 = tpu.memref_slice %arg12[%multiple_of3A_324] : memref<512000xf32, #tpu.memory_space<vmem_shared>> -> memref<512xf32, #tpu.memory_space<vmem_shared>>
    tpu.enqueue_dma source(%dma_start3A_330 : memref<512xf32, #tpu.memory_space<vmem_shared>>) target(%dma_start3A_329 : memref<512xf32, #tpu.memory_space<vmem>>) target_semaphore(%arg15 : memref<!tpu.dma_semaphore, #tpu.memory_space<semaphore_mem>>)
    %slice3A_331 = vector.extract_strided_slice %get3A_212 {offsets = [11], sizes = [1], strides = [1]} : vector<16xi32> to vector<1xi32>
    %squeeze3A_332 = vector.extract %slice3A_331[0] : i32 from vector<1xi32>
    %mul3A_333 = arith.constant 512 : i32
    %mul3A_334 = arith.muli %squeeze3A_332, %mul3A_333 : i32
    %multiple_of3A_335 = tpu.assume_multiple %mul3A_334, 512 : i32
    %dma_start3A_336 = arith.constant 5632 : i32
    %dma_start3A_337 = tpu.memref_slice %arg9[%dma_start3A_336] : memref<16384xf32, #tpu.memory_space<vmem>> -> memref<512xf32, #tpu.memory_space<vmem>>
    %dma_start3A_338 = tpu.memref_slice %arg12[%multiple_of3A_335] : memref<512000xf32, #tpu.memory_space<vmem_shared>> -> memref<512xf32, #tpu.memory_space<vmem_shared>>
    %dma_start3A_339 = arith.constant 5632 : i32
    %dma_start3A_340 = tpu.memref_slice %arg9[%dma_start3A_339] : memref<16384xf32, #tpu.memory_space<vmem>> -> memref<512xf32, #tpu.memory_space<vmem>>
    %dma_start3A_341 = tpu.memref_slice %arg12[%multiple_of3A_335] : memref<512000xf32, #tpu.memory_space<vmem_shared>> -> memref<512xf32, #tpu.memory_space<vmem_shared>>
    tpu.enqueue_dma source(%dma_start3A_341 : memref<512xf32, #tpu.memory_space<vmem_shared>>) target(%dma_start3A_340 : memref<512xf32, #tpu.memory_space<vmem>>) target_semaphore(%arg15 : memref<!tpu.dma_semaphore, #tpu.memory_space<semaphore_mem>>)
    %slice3A_342 = vector.extract_strided_slice %get3A_212 {offsets = [12], sizes = [1], strides = [1]} : vector<16xi32> to vector<1xi32>
    %squeeze3A_343 = vector.extract %slice3A_342[0] : i32 from vector<1xi32>
    %mul3A_344 = arith.constant 512 : i32
    %mul3A_345 = arith.muli %squeeze3A_343, %mul3A_344 : i32
    %multiple_of3A_346 = tpu.assume_multiple %mul3A_345, 512 : i32
    %dma_start3A_347 = arith.constant 6144 : i32
    %dma_start3A_348 = tpu.memref_slice %arg9[%dma_start3A_347] : memref<16384xf32, #tpu.memory_space<vmem>> -> memref<512xf32, #tpu.memory_space<vmem>>
    %dma_start3A_349 = tpu.memref_slice %arg12[%multiple_of3A_346] : memref<512000xf32, #tpu.memory_space<vmem_shared>> -> memref<512xf32, #tpu.memory_space<vmem_shared>>
    %dma_start3A_350 = arith.constant 6144 : i32
    %dma_start3A_351 = tpu.memref_slice %arg9[%dma_start3A_350] : memref<16384xf32, #tpu.memory_space<vmem>> -> memref<512xf32, #tpu.memory_space<vmem>>
    %dma_start3A_352 = tpu.memref_slice %arg12[%multiple_of3A_346] : memref<512000xf32, #tpu.memory_space<vmem_shared>> -> memref<512xf32, #tpu.memory_space<vmem_shared>>
    tpu.enqueue_dma source(%dma_start3A_352 : memref<512xf32, #tpu.memory_space<vmem_shared>>) target(%dma_start3A_351 : memref<512xf32, #tpu.memory_space<vmem>>) target_semaphore(%arg15 : memref<!tpu.dma_semaphore, #tpu.memory_space<semaphore_mem>>)
    %slice3A_353 = vector.extract_strided_slice %get3A_212 {offsets = [13], sizes = [1], strides = [1]} : vector<16xi32> to vector<1xi32>
    %squeeze3A_354 = vector.extract %slice3A_353[0] : i32 from vector<1xi32>
    %mul3A_355 = arith.constant 512 : i32
    %mul3A_356 = arith.muli %squeeze3A_354, %mul3A_355 : i32
    %multiple_of3A_357 = tpu.assume_multiple %mul3A_356, 512 : i32
    %dma_start3A_358 = arith.constant 6656 : i32
    %dma_start3A_359 = tpu.memref_slice %arg9[%dma_start3A_358] : memref<16384xf32, #tpu.memory_space<vmem>> -> memref<512xf32, #tpu.memory_space<vmem>>
    %dma_start3A_360 = tpu.memref_slice %arg12[%multiple_of3A_357] : memref<512000xf32, #tpu.memory_space<vmem_shared>> -> memref<512xf32, #tpu.memory_space<vmem_shared>>
    %dma_start3A_361 = arith.constant 6656 : i32
    %dma_start3A_362 = tpu.memref_slice %arg9[%dma_start3A_361] : memref<16384xf32, #tpu.memory_space<vmem>> -> memref<512xf32, #tpu.memory_space<vmem>>
    %dma_start3A_363 = tpu.memref_slice %arg12[%multiple_of3A_357] : memref<512000xf32, #tpu.memory_space<vmem_shared>> -> memref<512xf32, #tpu.memory_space<vmem_shared>>
    tpu.enqueue_dma source(%dma_start3A_363 : memref<512xf32, #tpu.memory_space<vmem_shared>>) target(%dma_start3A_362 : memref<512xf32, #tpu.memory_space<vmem>>) target_semaphore(%arg15 : memref<!tpu.dma_semaphore, #tpu.memory_space<semaphore_mem>>)
    %slice3A_364 = vector.extract_strided_slice %get3A_212 {offsets = [14], sizes = [1], strides = [1]} : vector<16xi32> to vector<1xi32>
    %squeeze3A_365 = vector.extract %slice3A_364[0] : i32 from vector<1xi32>
    %mul3A_366 = arith.constant 512 : i32
    %mul3A_367 = arith.muli %squeeze3A_365, %mul3A_366 : i32
    %multiple_of3A_368 = tpu.assume_multiple %mul3A_367, 512 : i32
    %dma_start3A_369 = arith.constant 7168 : i32
    %dma_start3A_370 = tpu.memref_slice %arg9[%dma_start3A_369] : memref<16384xf32, #tpu.memory_space<vmem>> -> memref<512xf32, #tpu.memory_space<vmem>>
    %dma_start3A_371 = tpu.memref_slice %arg12[%multiple_of3A_368] : memref<512000xf32, #tpu.memory_space<vmem_shared>> -> memref<512xf32, #tpu.memory_space<vmem_shared>>
    %dma_start3A_372 = arith.constant 7168 : i32
    %dma_start3A_373 = tpu.memref_slice %arg9[%dma_start3A_372] : memref<16384xf32, #tpu.memory_space<vmem>> -> memref<512xf32, #tpu.memory_space<vmem>>
    %dma_start3A_374 = tpu.memref_slice %arg12[%multiple_of3A_368] : memref<512000xf32, #tpu.memory_space<vmem_shared>> -> memref<512xf32, #tpu.memory_space<vmem_shared>>
    tpu.enqueue_dma source(%dma_start3A_374 : memref<512xf32, #tpu.memory_space<vmem_shared>>) target(%dma_start3A_373 : memref<512xf32, #tpu.memory_space<vmem>>) target_semaphore(%arg15 : memref<!tpu.dma_semaphore, #tpu.memory_space<semaphore_mem>>)
    %slice3A_375 = vector.extract_strided_slice %get3A_212 {offsets = [15], sizes = [1], strides = [1]} : vector<16xi32> to vector<1xi32>
    %squeeze3A_376 = vector.extract %slice3A_375[0] : i32 from vector<1xi32>
    %mul3A_377 = arith.constant 512 : i32
    %mul3A_378 = arith.muli %squeeze3A_376, %mul3A_377 : i32
    %multiple_of3A_379 = tpu.assume_multiple %mul3A_378, 512 : i32
    %dma_start3A_380 = arith.constant 7680 : i32
    %dma_start3A_381 = tpu.memref_slice %arg9[%dma_start3A_380] : memref<16384xf32, #tpu.memory_space<vmem>> -> memref<512xf32, #tpu.memory_space<vmem>>
    %dma_start3A_382 = tpu.memref_slice %arg12[%multiple_of3A_379] : memref<512000xf32, #tpu.memory_space<vmem_shared>> -> memref<512xf32, #tpu.memory_space<vmem_shared>>
    %dma_start3A_383 = arith.constant 7680 : i32
    %dma_start3A_384 = tpu.memref_slice %arg9[%dma_start3A_383] : memref<16384xf32, #tpu.memory_space<vmem>> -> memref<512xf32, #tpu.memory_space<vmem>>
    %dma_start3A_385 = tpu.memref_slice %arg12[%multiple_of3A_379] : memref<512000xf32, #tpu.memory_space<vmem_shared>> -> memref<512xf32, #tpu.memory_space<vmem_shared>>
    tpu.enqueue_dma source(%dma_start3A_385 : memref<512xf32, #tpu.memory_space<vmem_shared>>) target(%dma_start3A_384 : memref<512xf32, #tpu.memory_space<vmem>>) target_semaphore(%arg15 : memref<!tpu.dma_semaphore, #tpu.memory_space<semaphore_mem>>)
    %get3A_386 = arith.constant 0 : i32
    %get3A_387 = arith.index_cast %get3A_386 : i32 to index
    %get3A_388 = arith.constant 16 : index
    %get3A_389 = tpu.vector_load %arg6[%get3A_387, %get3A_388] {strides = array<i32>} : memref<10x32xi32, #tpu.memory_space<vmem>>, vector<1x16xi32>,
    %get3A_390 = vector.shape_cast %get3A_389 : vector<1x16xi32> to vector<16xi32>
    %slice3A_391 = vector.extract_strided_slice %get3A_390 {offsets = [0], sizes = [1], strides = [1]} : vector<16xi32> to vector<1xi32>
    %squeeze3A_392 = vector.extract %slice3A_391[0] : i32 from vector<1xi32>
    %mul3A_393 = arith.constant 512 : i32
    %mul3A_394 = arith.muli %squeeze3A_392, %mul3A_393 : i32
    %multiple_of3A_395 = tpu.assume_multiple %mul3A_394, 512 : i32
    %dma_start3A_396 = arith.constant 8192 : i32
    %dma_start3A_397 = tpu.memref_slice %arg9[%dma_start3A_396] : memref<16384xf32, #tpu.memory_space<vmem>> -> memref<512xf32, #tpu.memory_space<vmem>>
    %dma_start3A_398 = tpu.memref_slice %arg12[%multiple_of3A_395] : memref<512000xf32, #tpu.memory_space<vmem_shared>> -> memref<512xf32, #tpu.memory_space<vmem_shared>>
    %dma_start3A_399 = arith.constant 8192 : i32
    %dma_start3A_400 = tpu.memref_slice %arg9[%dma_start3A_399] : memref<16384xf32, #tpu.memory_space<vmem>> -> memref<512xf32, #tpu.memory_space<vmem>>
    %dma_start3A_401 = tpu.memref_slice %arg12[%multiple_of3A_395] : memref<512000xf32, #tpu.memory_space<vmem_shared>> -> memref<512xf32, #tpu.memory_space<vmem_shared>>
    tpu.enqueue_dma source(%dma_start3A_401 : memref<512xf32, #tpu.memory_space<vmem_shared>>) target(%dma_start3A_400 : memref<512xf32, #tpu.memory_space<vmem>>) target_semaphore(%arg15 : memref<!tpu.dma_semaphore, #tpu.memory_space<semaphore_mem>>)
    %slice3A_402 = vector.extract_strided_slice %get3A_390 {offsets = [1], sizes = [1], strides = [1]} : vector<16xi32> to vector<1xi32>
    %squeeze3A_403 = vector.extract %slice3A_402[0] : i32 from vector<1xi32>
    %mul3A_404 = arith.constant 512 : i32
    %mul3A_405 = arith.muli %squeeze3A_403, %mul3A_404 : i32
    %multiple_of3A_406 = tpu.assume_multiple %mul3A_405, 512 : i32
    %dma_start3A_407 = arith.constant 8704 : i32
    %dma_start3A_408 = tpu.memref_slice %arg9[%dma_start3A_407] : memref<16384xf32, #tpu.memory_space<vmem>> -> memref<512xf32, #tpu.memory_space<vmem>>
    %dma_start3A_409 = tpu.memref_slice %arg12[%multiple_of3A_406] : memref<512000xf32, #tpu.memory_space<vmem_shared>> -> memref<512xf32, #tpu.memory_space<vmem_shared>>
    %dma_start3A_410 = arith.constant 8704 : i32
    %dma_start3A_411 = tpu.memref_slice %arg9[%dma_start3A_410] : memref<16384xf32, #tpu.memory_space<vmem>> -> memref<512xf32, #tpu.memory_space<vmem>>
    %dma_start3A_412 = tpu.memref_slice %arg12[%multiple_of3A_406] : memref<512000xf32, #tpu.memory_space<vmem_shared>> -> memref<512xf32, #tpu.memory_space<vmem_shared>>
    tpu.enqueue_dma source(%dma_start3A_412 : memref<512xf32, #tpu.memory_space<vmem_shared>>) target(%dma_start3A_411 : memref<512xf32, #tpu.memory_space<vmem>>) target_semaphore(%arg15 : memref<!tpu.dma_semaphore, #tpu.memory_space<semaphore_mem>>)
    %slice3A_413 = vector.extract_strided_slice %get3A_390 {offsets = [2], sizes = [1], strides = [1]} : vector<16xi32> to vector<1xi32>
    %squeeze3A_414 = vector.extract %slice3A_413[0] : i32 from vector<1xi32>
    %mul3A_415 = arith.constant 512 : i32
    %mul3A_416 = arith.muli %squeeze3A_414, %mul3A_415 : i32
    %multiple_of3A_417 = tpu.assume_multiple %mul3A_416, 512 : i32
    %dma_start3A_418 = arith.constant 9216 : i32
    %dma_start3A_419 = tpu.memref_slice %arg9[%dma_start3A_418] : memref<16384xf32, #tpu.memory_space<vmem>> -> memref<512xf32, #tpu.memory_space<vmem>>
    %dma_start3A_420 = tpu.memref_slice %arg12[%multiple_of3A_417] : memref<512000xf32, #tpu.memory_space<vmem_shared>> -> memref<512xf32, #tpu.memory_space<vmem_shared>>
    %dma_start3A_421 = arith.constant 9216 : i32
    %dma_start3A_422 = tpu.memref_slice %arg9[%dma_start3A_421] : memref<16384xf32, #tpu.memory_space<vmem>> -> memref<512xf32, #tpu.memory_space<vmem>>
    %dma_start3A_423 = tpu.memref_slice %arg12[%multiple_of3A_417] : memref<512000xf32, #tpu.memory_space<vmem_shared>> -> memref<512xf32, #tpu.memory_space<vmem_shared>>
    tpu.enqueue_dma source(%dma_start3A_423 : memref<512xf32, #tpu.memory_space<vmem_shared>>) target(%dma_start3A_422 : memref<512xf32, #tpu.memory_space<vmem>>) target_semaphore(%arg15 : memref<!tpu.dma_semaphore, #tpu.memory_space<semaphore_mem>>)
    %slice3A_424 = vector.extract_strided_slice %get3A_390 {offsets = [3], sizes = [1], strides = [1]} : vector<16xi32> to vector<1xi32>
    %squeeze3A_425 = vector.extract %slice3A_424[0] : i32 from vector<1xi32>
    %mul3A_426 = arith.constant 512 : i32
    %mul3A_427 = arith.muli %squeeze3A_425, %mul3A_426 : i32
    %multiple_of3A_428 = tpu.assume_multiple %mul3A_427, 512 : i32
    %dma_start3A_429 = arith.constant 9728 : i32
    %dma_start3A_430 = tpu.memref_slice %arg9[%dma_start3A_429] : memref<16384xf32, #tpu.memory_space<vmem>> -> memref<512xf32, #tpu.memory_space<vmem>>
    %dma_start3A_431 = tpu.memref_slice %arg12[%multiple_of3A_428] : memref<512000xf32, #tpu.memory_space<vmem_shared>> -> memref<512xf32, #tpu.memory_space<vmem_shared>>
    %dma_start3A_432 = arith.constant 9728 : i32
    %dma_start3A_433 = tpu.memref_slice %arg9[%dma_start3A_432] : memref<16384xf32, #tpu.memory_space<vmem>> -> memref<512xf32, #tpu.memory_space<vmem>>
    %dma_start3A_434 = tpu.memref_slice %arg12[%multiple_of3A_428] : memref<512000xf32, #tpu.memory_space<vmem_shared>> -> memref<512xf32, #tpu.memory_space<vmem_shared>>
    tpu.enqueue_dma source(%dma_start3A_434 : memref<512xf32, #tpu.memory_space<vmem_shared>>) target(%dma_start3A_433 : memref<512xf32, #tpu.memory_space<vmem>>) target_semaphore(%arg15 : memref<!tpu.dma_semaphore, #tpu.memory_space<semaphore_mem>>)
    %slice3A_435 = vector.extract_strided_slice %get3A_390 {offsets = [4], sizes = [1], strides = [1]} : vector<16xi32> to vector<1xi32>
    %squeeze3A_436 = vector.extract %slice3A_435[0] : i32 from vector<1xi32>
    %mul3A_437 = arith.constant 512 : i32
    %mul3A_438 = arith.muli %squeeze3A_436, %mul3A_437 : i32
    %multiple_of3A_439 = tpu.assume_multiple %mul3A_438, 512 : i32
    %dma_start3A_440 = arith.constant 10240 : i32
    %dma_start3A_441 = tpu.memref_slice %arg9[%dma_start3A_440] : memref<16384xf32, #tpu.memory_space<vmem>> -> memref<512xf32, #tpu.memory_space<vmem>>
    %dma_start3A_442 = tpu.memref_slice %arg12[%multiple_of3A_439] : memref<512000xf32, #tpu.memory_space<vmem_shared>> -> memref<512xf32, #tpu.memory_space<vmem_shared>>
    %dma_start3A_443 = arith.constant 10240 : i32
    %dma_start3A_444 = tpu.memref_slice %arg9[%dma_start3A_443] : memref<16384xf32, #tpu.memory_space<vmem>> -> memref<512xf32, #tpu.memory_space<vmem>>
    %dma_start3A_445 = tpu.memref_slice %arg12[%multiple_of3A_439] : memref<512000xf32, #tpu.memory_space<vmem_shared>> -> memref<512xf32, #tpu.memory_space<vmem_shared>>
    tpu.enqueue_dma source(%dma_start3A_445 : memref<512xf32, #tpu.memory_space<vmem_shared>>) target(%dma_start3A_444 : memref<512xf32, #tpu.memory_space<vmem>>) target_semaphore(%arg15 : memref<!tpu.dma_semaphore, #tpu.memory_space<semaphore_mem>>)
    %slice3A_446 = vector.extract_strided_slice %get3A_390 {offsets = [5], sizes = [1], strides = [1]} : vector<16xi32> to vector<1xi32>
    %squeeze3A_447 = vector.extract %slice3A_446[0] : i32 from vector<1xi32>
    %mul3A_448 = arith.constant 512 : i32
    %mul3A_449 = arith.muli %squeeze3A_447, %mul3A_448 : i32
    %multiple_of3A_450 = tpu.assume_multiple %mul3A_449, 512 : i32
    %dma_start3A_451 = arith.constant 10752 : i32
    %dma_start3A_452 = tpu.memref_slice %arg9[%dma_start3A_451] : memref<16384xf32, #tpu.memory_space<vmem>> -> memref<512xf32, #tpu.memory_space<vmem>>
    %dma_start3A_453 = tpu.memref_slice %arg12[%multiple_of3A_450] : memref<512000xf32, #tpu.memory_space<vmem_shared>> -> memref<512xf32, #tpu.memory_space<vmem_shared>>
    %dma_start3A_454 = arith.constant 10752 : i32
    %dma_start3A_455 = tpu.memref_slice %arg9[%dma_start3A_454] : memref<16384xf32, #tpu.memory_space<vmem>> -> memref<512xf32, #tpu.memory_space<vmem>>
    %dma_start3A_456 = tpu.memref_slice %arg12[%multiple_of3A_450] : memref<512000xf32, #tpu.memory_space<vmem_shared>> -> memref<512xf32, #tpu.memory_space<vmem_shared>>
    tpu.enqueue_dma source(%dma_start3A_456 : memref<512xf32, #tpu.memory_space<vmem_shared>>) target(%dma_start3A_455 : memref<512xf32, #tpu.memory_space<vmem>>) target_semaphore(%arg15 : memref<!tpu.dma_semaphore, #tpu.memory_space<semaphore_mem>>)
    %slice3A_457 = vector.extract_strided_slice %get3A_390 {offsets = [6], sizes = [1], strides = [1]} : vector<16xi32> to vector<1xi32>
    %squeeze3A_458 = vector.extract %slice3A_457[0] : i32 from vector<1xi32>
    %mul3A_459 = arith.constant 512 : i32
    %mul3A_460 = arith.muli %squeeze3A_458, %mul3A_459 : i32
    %multiple_of3A_461 = tpu.assume_multiple %mul3A_460, 512 : i32
    %dma_start3A_462 = arith.constant 11264 : i32
    %dma_start3A_463 = tpu.memref_slice %arg9[%dma_start3A_462] : memref<16384xf32, #tpu.memory_space<vmem>> -> memref<512xf32, #tpu.memory_space<vmem>>
    %dma_start3A_464 = tpu.memref_slice %arg12[%multiple_of3A_461] : memref<512000xf32, #tpu.memory_space<vmem_shared>> -> memref<512xf32, #tpu.memory_space<vmem_shared>>
    %dma_start3A_465 = arith.constant 11264 : i32
    %dma_start3A_466 = tpu.memref_slice %arg9[%dma_start3A_465] : memref<16384xf32, #tpu.memory_space<vmem>> -> memref<512xf32, #tpu.memory_space<vmem>>
    %dma_start3A_467 = tpu.memref_slice %arg12[%multiple_of3A_461] : memref<512000xf32, #tpu.memory_space<vmem_shared>> -> memref<512xf32, #tpu.memory_space<vmem_shared>>
    tpu.enqueue_dma source(%dma_start3A_467 : memref<512xf32, #tpu.memory_space<vmem_shared>>) target(%dma_start3A_466 : memref<512xf32, #tpu.memory_space<vmem>>) target_semaphore(%arg15 : memref<!tpu.dma_semaphore, #tpu.memory_space<semaphore_mem>>)
    %slice3A_468 = vector.extract_strided_slice %get3A_390 {offsets = [7], sizes = [1], strides = [1]} : vector<16xi32> to vector<1xi32>
    %squeeze3A_469 = vector.extract %slice3A_468[0] : i32 from vector<1xi32>
    %mul3A_470 = arith.constant 512 : i32
    %mul3A_471 = arith.muli %squeeze3A_469, %mul3A_470 : i32
    %multiple_of3A_472 = tpu.assume_multiple %mul3A_471, 512 : i32
    %dma_start3A_473 = arith.constant 11776 : i32
    %dma_start3A_474 = tpu.memref_slice %arg9[%dma_start3A_473] : memref<16384xf32, #tpu.memory_space<vmem>> -> memref<512xf32, #tpu.memory_space<vmem>>
    %dma_start3A_475 = tpu.memref_slice %arg12[%multiple_of3A_472] : memref<512000xf32, #tpu.memory_space<vmem_shared>> -> memref<512xf32, #tpu.memory_space<vmem_shared>>
    %dma_start3A_476 = arith.constant 11776 : i32
    %dma_start3A_477 = tpu.memref_slice %arg9[%dma_start3A_476] : memref<16384xf32, #tpu.memory_space<vmem>> -> memref<512xf32, #tpu.memory_space<vmem>>
    %dma_start3A_478 = tpu.memref_slice %arg12[%multiple_of3A_472] : memref<512000xf32, #tpu.memory_space<vmem_shared>> -> memref<512xf32, #tpu.memory_space<vmem_shared>>
    tpu.enqueue_dma source(%dma_start3A_478 : memref<512xf32, #tpu.memory_space<vmem_shared>>) target(%dma_start3A_477 : memref<512xf32, #tpu.memory_space<vmem>>) target_semaphore(%arg15 : memref<!tpu.dma_semaphore, #tpu.memory_space<semaphore_mem>>)
    %slice3A_479 = vector.extract_strided_slice %get3A_390 {offsets = [8], sizes = [1], strides = [1]} : vector<16xi32> to vector<1xi32>
    %squeeze3A_480 = vector.extract %slice3A_479[0] : i32 from vector<1xi32>
    %mul3A_481 = arith.constant 512 : i32
    %mul3A_482 = arith.muli %squeeze3A_480, %mul3A_481 : i32
    %multiple_of3A_483 = tpu.assume_multiple %mul3A_482, 512 : i32
    %dma_start3A_484 = arith.constant 12288 : i32
    %dma_start3A_485 = tpu.memref_slice %arg9[%dma_start3A_484] : memref<16384xf32, #tpu.memory_space<vmem>> -> memref<512xf32, #tpu.memory_space<vmem>>
    %dma_start3A_486 = tpu.memref_slice %arg12[%multiple_of3A_483] : memref<512000xf32, #tpu.memory_space<vmem_shared>> -> memref<512xf32, #tpu.memory_space<vmem_shared>>
    %dma_start3A_487 = arith.constant 12288 : i32
    %dma_start3A_488 = tpu.memref_slice %arg9[%dma_start3A_487] : memref<16384xf32, #tpu.memory_space<vmem>> -> memref<512xf32, #tpu.memory_space<vmem>>
    %dma_start3A_489 = tpu.memref_slice %arg12[%multiple_of3A_483] : memref<512000xf32, #tpu.memory_space<vmem_shared>> -> memref<512xf32, #tpu.memory_space<vmem_shared>>
    tpu.enqueue_dma source(%dma_start3A_489 : memref<512xf32, #tpu.memory_space<vmem_shared>>) target(%dma_start3A_488 : memref<512xf32, #tpu.memory_space<vmem>>) target_semaphore(%arg15 : memref<!tpu.dma_semaphore, #tpu.memory_space<semaphore_mem>>)
    %slice3A_490 = vector.extract_strided_slice %get3A_390 {offsets = [9], sizes = [1], strides = [1]} : vector<16xi32> to vector<1xi32>
    %squeeze3A_491 = vector.extract %slice3A_490[0] : i32 from vector<1xi32>
    %mul3A_492 = arith.constant 512 : i32
    %mul3A_493 = arith.muli %squeeze3A_491, %mul3A_492 : i32
    %multiple_of3A_494 = tpu.assume_multiple %mul3A_493, 512 : i32
    %dma_start3A_495 = arith.constant 12800 : i32
    %dma_start3A_496 = tpu.memref_slice %arg9[%dma_start3A_495] : memref<16384xf32, #tpu.memory_space<vmem>> -> memref<512xf32, #tpu.memory_space<vmem>>
    %dma_start3A_497 = tpu.memref_slice %arg12[%multiple_of3A_494] : memref<512000xf32, #tpu.memory_space<vmem_shared>> -> memref<512xf32, #tpu.memory_space<vmem_shared>>
    %dma_start3A_498 = arith.constant 12800 : i32
    %dma_start3A_499 = tpu.memref_slice %arg9[%dma_start3A_498] : memref<16384xf32, #tpu.memory_space<vmem>> -> memref<512xf32, #tpu.memory_space<vmem>>
    %dma_start3A_500 = tpu.memref_slice %arg12[%multiple_of3A_494] : memref<512000xf32, #tpu.memory_space<vmem_shared>> -> memref<512xf32, #tpu.memory_space<vmem_shared>>
    tpu.enqueue_dma source(%dma_start3A_500 : memref<512xf32, #tpu.memory_space<vmem_shared>>) target(%dma_start3A_499 : memref<512xf32, #tpu.memory_space<vmem>>) target_semaphore(%arg15 : memref<!tpu.dma_semaphore, #tpu.memory_space<semaphore_mem>>)
    %slice3A_501 = vector.extract_strided_slice %get3A_390 {offsets = [10], sizes = [1], strides = [1]} : vector<16xi32> to vector<1xi32>
    %squeeze3A_502 = vector.extract %slice3A_501[0] : i32 from vector<1xi32>
    %mul3A_503 = arith.constant 512 : i32
    %mul3A_504 = arith.muli %squeeze3A_502, %mul3A_503 : i32
    %multiple_of3A_505 = tpu.assume_multiple %mul3A_504, 512 : i32
    %dma_start3A_506 = arith.constant 13312 : i32
    %dma_start3A_507 = tpu.memref_slice %arg9[%dma_start3A_506] : memref<16384xf32, #tpu.memory_space<vmem>> -> memref<512xf32, #tpu.memory_space<vmem>>
    %dma_start3A_508 = tpu.memref_slice %arg12[%multiple_of3A_505] : memref<512000xf32, #tpu.memory_space<vmem_shared>> -> memref<512xf32, #tpu.memory_space<vmem_shared>>
    %dma_start3A_509 = arith.constant 13312 : i32
    %dma_start3A_510 = tpu.memref_slice %arg9[%dma_start3A_509] : memref<16384xf32, #tpu.memory_space<vmem>> -> memref<512xf32, #tpu.memory_space<vmem>>
    %dma_start3A_511 = tpu.memref_slice %arg12[%multiple_of3A_505] : memref<512000xf32, #tpu.memory_space<vmem_shared>> -> memref<512xf32, #tpu.memory_space<vmem_shared>>
    tpu.enqueue_dma source(%dma_start3A_511 : memref<512xf32, #tpu.memory_space<vmem_shared>>) target(%dma_start3A_510 : memref<512xf32, #tpu.memory_space<vmem>>) target_semaphore(%arg15 : memref<!tpu.dma_semaphore, #tpu.memory_space<semaphore_mem>>)
    %slice3A_512 = vector.extract_strided_slice %get3A_390 {offsets = [11], sizes = [1], strides = [1]} : vector<16xi32> to vector<1xi32>
    %squeeze3A_513 = vector.extract %slice3A_512[0] : i32 from vector<1xi32>
    %mul3A_514 = arith.constant 512 : i32
    %mul3A_515 = arith.muli %squeeze3A_513, %mul3A_514 : i32
    %multiple_of3A_516 = tpu.assume_multiple %mul3A_515, 512 : i32
    %dma_start3A_517 = arith.constant 13824 : i32
    %dma_start3A_518 = tpu.memref_slice %arg9[%dma_start3A_517] : memref<16384xf32, #tpu.memory_space<vmem>> -> memref<512xf32, #tpu.memory_space<vmem>>
    %dma_start3A_519 = tpu.memref_slice %arg12[%multiple_of3A_516] : memref<512000xf32, #tpu.memory_space<vmem_shared>> -> memref<512xf32, #tpu.memory_space<vmem_shared>>
    %dma_start3A_520 = arith.constant 13824 : i32
    %dma_start3A_521 = tpu.memref_slice %arg9[%dma_start3A_520] : memref<16384xf32, #tpu.memory_space<vmem>> -> memref<512xf32, #tpu.memory_space<vmem>>
    %dma_start3A_522 = tpu.memref_slice %arg12[%multiple_of3A_516] : memref<512000xf32, #tpu.memory_space<vmem_shared>> -> memref<512xf32, #tpu.memory_space<vmem_shared>>
    tpu.enqueue_dma source(%dma_start3A_522 : memref<512xf32, #tpu.memory_space<vmem_shared>>) target(%dma_start3A_521 : memref<512xf32, #tpu.memory_space<vmem>>) target_semaphore(%arg15 : memref<!tpu.dma_semaphore, #tpu.memory_space<semaphore_mem>>)
    %slice3A_523 = vector.extract_strided_slice %get3A_390 {offsets = [12], sizes = [1], strides = [1]} : vector<16xi32> to vector<1xi32>
    %squeeze3A_524 = vector.extract %slice3A_523[0] : i32 from vector<1xi32>
    %mul3A_525 = arith.constant 512 : i32
    %mul3A_526 = arith.muli %squeeze3A_524, %mul3A_525 : i32
    %multiple_of3A_527 = tpu.assume_multiple %mul3A_526, 512 : i32
    %dma_start3A_528 = arith.constant 14336 : i32
    %dma_start3A_529 = tpu.memref_slice %arg9[%dma_start3A_528] : memref<16384xf32, #tpu.memory_space<vmem>> -> memref<512xf32, #tpu.memory_space<vmem>>
    %dma_start3A_530 = tpu.memref_slice %arg12[%multiple_of3A_527] : memref<512000xf32, #tpu.memory_space<vmem_shared>> -> memref<512xf32, #tpu.memory_space<vmem_shared>>
    %dma_start3A_531 = arith.constant 14336 : i32
    %dma_start3A_532 = tpu.memref_slice %arg9[%dma_start3A_531] : memref<16384xf32, #tpu.memory_space<vmem>> -> memref<512xf32, #tpu.memory_space<vmem>>
    %dma_start3A_533 = tpu.memref_slice %arg12[%multiple_of3A_527] : memref<512000xf32, #tpu.memory_space<vmem_shared>> -> memref<512xf32, #tpu.memory_space<vmem_shared>>
    tpu.enqueue_dma source(%dma_start3A_533 : memref<512xf32, #tpu.memory_space<vmem_shared>>) target(%dma_start3A_532 : memref<512xf32, #tpu.memory_space<vmem>>) target_semaphore(%arg15 : memref<!tpu.dma_semaphore, #tpu.memory_space<semaphore_mem>>)
    %slice3A_534 = vector.extract_strided_slice %get3A_390 {offsets = [13], sizes = [1], strides = [1]} : vector<16xi32> to vector<1xi32>
    %squeeze3A_535 = vector.extract %slice3A_534[0] : i32 from vector<1xi32>
    %mul3A_536 = arith.constant 512 : i32
    %mul3A_537 = arith.muli %squeeze3A_535, %mul3A_536 : i32
    %multiple_of3A_538 = tpu.assume_multiple %mul3A_537, 512 : i32
    %dma_start3A_539 = arith.constant 14848 : i32
    %dma_start3A_540 = tpu.memref_slice %arg9[%dma_start3A_539] : memref<16384xf32, #tpu.memory_space<vmem>> -> memref<512xf32, #tpu.memory_space<vmem>>
    %dma_start3A_541 = tpu.memref_slice %arg12[%multiple_of3A_538] : memref<512000xf32, #tpu.memory_space<vmem_shared>> -> memref<512xf32, #tpu.memory_space<vmem_shared>>
    %dma_start3A_542 = arith.constant 14848 : i32
    %dma_start3A_543 = tpu.memref_slice %arg9[%dma_start3A_542] : memref<16384xf32, #tpu.memory_space<vmem>> -> memref<512xf32, #tpu.memory_space<vmem>>
    %dma_start3A_544 = tpu.memref_slice %arg12[%multiple_of3A_538] : memref<512000xf32, #tpu.memory_space<vmem_shared>> -> memref<512xf32, #tpu.memory_space<vmem_shared>>
    tpu.enqueue_dma source(%dma_start3A_544 : memref<512xf32, #tpu.memory_space<vmem_shared>>) target(%dma_start3A_543 : memref<512xf32, #tpu.memory_space<vmem>>) target_semaphore(%arg15 : memref<!tpu.dma_semaphore, #tpu.memory_space<semaphore_mem>>)
    %slice3A_545 = vector.extract_strided_slice %get3A_390 {offsets = [14], sizes = [1], strides = [1]} : vector<16xi32> to vector<1xi32>
    %squeeze3A_546 = vector.extract %slice3A_545[0] : i32 from vector<1xi32>
    %mul3A_547 = arith.constant 512 : i32
    %mul3A_548 = arith.muli %squeeze3A_546, %mul3A_547 : i32
    %multiple_of3A_549 = tpu.assume_multiple %mul3A_548, 512 : i32
    %dma_start3A_550 = arith.constant 15360 : i32
    %dma_start3A_551 = tpu.memref_slice %arg9[%dma_start3A_550] : memref<16384xf32, #tpu.memory_space<vmem>> -> memref<512xf32, #tpu.memory_space<vmem>>
    %dma_start3A_552 = tpu.memref_slice %arg12[%multiple_of3A_549] : memref<512000xf32, #tpu.memory_space<vmem_shared>> -> memref<512xf32, #tpu.memory_space<vmem_shared>>
    %dma_start3A_553 = arith.constant 15360 : i32
    %dma_start3A_554 = tpu.memref_slice %arg9[%dma_start3A_553] : memref<16384xf32, #tpu.memory_space<vmem>> -> memref<512xf32, #tpu.memory_space<vmem>>
    %dma_start3A_555 = tpu.memref_slice %arg12[%multiple_of3A_549] : memref<512000xf32, #tpu.memory_space<vmem_shared>> -> memref<512xf32, #tpu.memory_space<vmem_shared>>
    tpu.enqueue_dma source(%dma_start3A_555 : memref<512xf32, #tpu.memory_space<vmem_shared>>) target(%dma_start3A_554 : memref<512xf32, #tpu.memory_space<vmem>>) target_semaphore(%arg15 : memref<!tpu.dma_semaphore, #tpu.memory_space<semaphore_mem>>)
    %slice3A_556 = vector.extract_strided_slice %get3A_390 {offsets = [15], sizes = [1], strides = [1]} : vector<16xi32> to vector<1xi32>
    %squeeze3A_557 = vector.extract %slice3A_556[0] : i32 from vector<1xi32>
    %mul3A_558 = arith.constant 512 : i32
    %mul3A_559 = arith.muli %squeeze3A_557, %mul3A_558 : i32
    %multiple_of3A_560 = tpu.assume_multiple %mul3A_559, 512 : i32
    %dma_start3A_561 = arith.constant 15872 : i32
    %dma_start3A_562 = tpu.memref_slice %arg9[%dma_start3A_561] : memref<16384xf32, #tpu.memory_space<vmem>> -> memref<512xf32, #tpu.memory_space<vmem>>
    %dma_start3A_563 = tpu.memref_slice %arg12[%multiple_of3A_560] : memref<512000xf32, #tpu.memory_space<vmem_shared>> -> memref<512xf32, #tpu.memory_space<vmem_shared>>
    %dma_start3A_564 = arith.constant 15872 : i32
    %dma_start3A_565 = tpu.memref_slice %arg9[%dma_start3A_564] : memref<16384xf32, #tpu.memory_space<vmem>> -> memref<512xf32, #tpu.memory_space<vmem>>
    %dma_start3A_566 = tpu.memref_slice %arg12[%multiple_of3A_560] : memref<512000xf32, #tpu.memory_space<vmem_shared>> -> memref<512xf32, #tpu.memory_space<vmem_shared>>
    tpu.enqueue_dma source(%dma_start3A_566 : memref<512xf32, #tpu.memory_space<vmem_shared>>) target(%dma_start3A_565 : memref<512xf32, #tpu.memory_space<vmem>>) target_semaphore(%arg15 : memref<!tpu.dma_semaphore, #tpu.memory_space<semaphore_mem>>)
    %add3A_567 = arith.constant 32 : i32
    %add3A_568 = arith.addi %mul3A_2, %add3A_567 : i32
    %dma_start3A_569 = arith.constant 0 : i32
    %dma_start3A_570 = tpu.memref_slice %arg2[%add3A_568, %dma_start3A_569] : memref<16384x512xf32, #tpu.memory_space<hbm>> -> memref<32x512xf32, #tpu.memory_space<hbm>>
    %dma_start3A_571 = arith.constant 0 : i32
    %dma_start3A_572 = tpu.memref_slice %arg2[%add3A_568, %dma_start3A_571] : memref<16384x512xf32, #tpu.memory_space<hbm>> -> memref<32x512xf32, #tpu.memory_space<hbm>>
    tpu.enqueue_dma source(%dma_start3A_572 : memref<32x512xf32, #tpu.memory_space<hbm>>) target(%arg8 : memref<32x512xf32, #tpu.memory_space<vmem>>) target_semaphore(%arg14 : memref<!tpu.dma_semaphore, #tpu.memory_space<semaphore_mem>>)
    %get3A_573 = arith.constant 1 : i32
    %get3A_574 = arith.index_cast %get3A_573 : i32 to index
    %get3A_575 = arith.constant 0 : index
    %get3A_576 = tpu.vector_load %arg6[%get3A_574, %get3A_575] {strides = array<i32>} : memref<10x32xi32, #tpu.memory_space<vmem>>, vector<1x16xi32>,
    %get3A_577 = vector.shape_cast %get3A_576 : vector<1x16xi32> to vector<16xi32>
    %slice3A_578 = vector.extract_strided_slice %get3A_577 {offsets = [0], sizes = [1], strides = [1]} : vector<16xi32> to vector<1xi32>
    %squeeze3A_579 = vector.extract %slice3A_578[0] : i32 from vector<1xi32>
    %mul3A_580 = arith.constant 512 : i32
    %mul3A_581 = arith.muli %squeeze3A_579, %mul3A_580 : i32
    %multiple_of3A_582 = tpu.assume_multiple %mul3A_581, 512 : i32
    %dma_start3A_583 = arith.constant 0 : i32
    %dma_start3A_584 = tpu.memref_slice %arg10[%dma_start3A_583] : memref<16384xf32, #tpu.memory_space<vmem>> -> memref<512xf32, #tpu.memory_space<vmem>>
    %dma_start3A_585 = tpu.memref_slice %arg12[%multiple_of3A_582] : memref<512000xf32, #tpu.memory_space<vmem_shared>> -> memref<512xf32, #tpu.memory_space<vmem_shared>>
    %dma_start3A_586 = arith.constant 0 : i32
    %dma_start3A_587 = tpu.memref_slice %arg10[%dma_start3A_586] : memref<16384xf32, #tpu.memory_space<vmem>> -> memref<512xf32, #tpu.memory_space<vmem>>
    %dma_start3A_588 = tpu.memref_slice %arg12[%multiple_of3A_582] : memref<512000xf32, #tpu.memory_space<vmem_shared>> -> memref<512xf32, #tpu.memory_space<vmem_shared>>
    tpu.enqueue_dma source(%dma_start3A_588 : memref<512xf32, #tpu.memory_space<vmem_shared>>) target(%dma_start3A_587 : memref<512xf32, #tpu.memory_space<vmem>>) target_semaphore(%arg16 : memref<!tpu.dma_semaphore, #tpu.memory_space<semaphore_mem>>)
    %slice3A_589 = vector.extract_strided_slice %get3A_577 {offsets = [1], sizes = [1], strides = [1]} : vector<16xi32> to vector<1xi32>
    %squeeze3A_590 = vector.extract %slice3A_589[0] : i32 from vector<1xi32>
    %mul3A_591 = arith.constant 512 : i32
    %mul3A_592 = arith.muli %squeeze3A_590, %mul3A_591 : i32
    %multiple_of3A_593 = tpu.assume_multiple %mul3A_592, 512 : i32
    %dma_start3A_594 = arith.constant 512 : i32
    %dma_start3A_595 = tpu.memref_slice %arg10[%dma_start3A_594] : memref<16384xf32, #tpu.memory_space<vmem>> -> memref<512xf32, #tpu.memory_space<vmem>>
    %dma_start3A_596 = tpu.memref_slice %arg12[%multiple_of3A_593] : memref<512000xf32, #tpu.memory_space<vmem_shared>> -> memref<512xf32, #tpu.memory_space<vmem_shared>>
    %dma_start3A_597 = arith.constant 512 : i32
    %dma_start3A_598 = tpu.memref_slice %arg10[%dma_start3A_597] : memref<16384xf32, #tpu.memory_space<vmem>> -> memref<512xf32, #tpu.memory_space<vmem>>
    %dma_start3A_599 = tpu.memref_slice %arg12[%multiple_of3A_593] : memref<512000xf32, #tpu.memory_space<vmem_shared>> -> memref<512xf32, #tpu.memory_space<vmem_shared>>
    tpu.enqueue_dma source(%dma_start3A_599 : memref<512xf32, #tpu.memory_space<vmem_shared>>) target(%dma_start3A_598 : memref<512xf32, #tpu.memory_space<vmem>>) target_semaphore(%arg16 : memref<!tpu.dma_semaphore, #tpu.memory_space<semaphore_mem>>)
    %slice3A_600 = vector.extract_strided_slice %get3A_577 {offsets = [2], sizes = [1], strides = [1]} : vector<16xi32> to vector<1xi32>
    %squeeze3A_601 = vector.extract %slice3A_600[0] : i32 from vector<1xi32>
    %mul3A_602 = arith.constant 512 : i32
    %mul3A_603 = arith.muli %squeeze3A_601, %mul3A_602 : i32
    %multiple_of3A_604 = tpu.assume_multiple %mul3A_603, 512 : i32
    %dma_start3A_605 = arith.constant 1024 : i32
    %dma_start3A_606 = tpu.memref_slice %arg10[%dma_start3A_605] : memref<16384xf32, #tpu.memory_space<vmem>> -> memref<512xf32, #tpu.memory_space<vmem>>
    %dma_start3A_607 = tpu.memref_slice %arg12[%multiple_of3A_604] : memref<512000xf32, #tpu.memory_space<vmem_shared>> -> memref<512xf32, #tpu.memory_space<vmem_shared>>
    %dma_start3A_608 = arith.constant 1024 : i32
    %dma_start3A_609 = tpu.memref_slice %arg10[%dma_start3A_608] : memref<16384xf32, #tpu.memory_space<vmem>> -> memref<512xf32, #tpu.memory_space<vmem>>
    %dma_start3A_610 = tpu.memref_slice %arg12[%multiple_of3A_604] : memref<512000xf32, #tpu.memory_space<vmem_shared>> -> memref<512xf32, #tpu.memory_space<vmem_shared>>
    tpu.enqueue_dma source(%dma_start3A_610 : memref<512xf32, #tpu.memory_space<vmem_shared>>) target(%dma_start3A_609 : memref<512xf32, #tpu.memory_space<vmem>>) target_semaphore(%arg16 : memref<!tpu.dma_semaphore, #tpu.memory_space<semaphore_mem>>)
    %slice3A_611 = vector.extract_strided_slice %get3A_577 {offsets = [3], sizes = [1], strides = [1]} : vector<16xi32> to vector<1xi32>
    %squeeze3A_612 = vector.extract %slice3A_611[0] : i32 from vector<1xi32>
    %mul3A_613 = arith.constant 512 : i32
    %mul3A_614 = arith.muli %squeeze3A_612, %mul3A_613 : i32
    %multiple_of3A_615 = tpu.assume_multiple %mul3A_614, 512 : i32
    %dma_start3A_616 = arith.constant 1536 : i32
    %dma_start3A_617 = tpu.memref_slice %arg10[%dma_start3A_616] : memref<16384xf32, #tpu.memory_space<vmem>> -> memref<512xf32, #tpu.memory_space<vmem>>
    %dma_start3A_618 = tpu.memref_slice %arg12[%multiple_of3A_615] : memref<512000xf32, #tpu.memory_space<vmem_shared>> -> memref<512xf32, #tpu.memory_space<vmem_shared>>
    %dma_start3A_619 = arith.constant 1536 : i32
    %dma_start3A_620 = tpu.memref_slice %arg10[%dma_start3A_619] : memref<16384xf32, #tpu.memory_space<vmem>> -> memref<512xf32, #tpu.memory_space<vmem>>
    %dma_start3A_621 = tpu.memref_slice %arg12[%multiple_of3A_615] : memref<512000xf32, #tpu.memory_space<vmem_shared>> -> memref<512xf32, #tpu.memory_space<vmem_shared>>
    tpu.enqueue_dma source(%dma_start3A_621 : memref<512xf32, #tpu.memory_space<vmem_shared>>) target(%dma_start3A_620 : memref<512xf32, #tpu.memory_space<vmem>>) target_semaphore(%arg16 : memref<!tpu.dma_semaphore, #tpu.memory_space<semaphore_mem>>)
    %slice3A_622 = vector.extract_strided_slice %get3A_577 {offsets = [4], sizes = [1], strides = [1]} : vector<16xi32> to vector<1xi32>
    %squeeze3A_623 = vector.extract %slice3A_622[0] : i32 from vector<1xi32>
    %mul3A_624 = arith.constant 512 : i32
    %mul3A_625 = arith.muli %squeeze3A_623, %mul3A_624 : i32
    %multiple_of3A_626 = tpu.assume_multiple %mul3A_625, 512 : i32
    %dma_start3A_627 = arith.constant 2048 : i32
    %dma_start3A_628 = tpu.memref_slice %arg10[%dma_start3A_627] : memref<16384xf32, #tpu.memory_space<vmem>> -> memref<512xf32, #tpu.memory_space<vmem>>
    %dma_start3A_629 = tpu.memref_slice %arg12[%multiple_of3A_626] : memref<512000xf32, #tpu.memory_space<vmem_shared>> -> memref<512xf32, #tpu.memory_space<vmem_shared>>
    %dma_start3A_630 = arith.constant 2048 : i32
    %dma_start3A_631 = tpu.memref_slice %arg10[%dma_start3A_630] : memref<16384xf32, #tpu.memory_space<vmem>> -> memref<512xf32, #tpu.memory_space<vmem>>
    %dma_start3A_632 = tpu.memref_slice %arg12[%multiple_of3A_626] : memref<512000xf32, #tpu.memory_space<vmem_shared>> -> memref<512xf32, #tpu.memory_space<vmem_shared>>
    tpu.enqueue_dma source(%dma_start3A_632 : memref<512xf32, #tpu.memory_space<vmem_shared>>) target(%dma_start3A_631 : memref<512xf32, #tpu.memory_space<vmem>>) target_semaphore(%arg16 : memref<!tpu.dma_semaphore, #tpu.memory_space<semaphore_mem>>)
    %slice3A_633 = vector.extract_strided_slice %get3A_577 {offsets = [5], sizes = [1], strides = [1]} : vector<16xi32> to vector<1xi32>
    %squeeze3A_634 = vector.extract %slice3A_633[0] : i32 from vector<1xi32>
    %mul3A_635 = arith.constant 512 : i32
    %mul3A_636 = arith.muli %squeeze3A_634, %mul3A_635 : i32
    %multiple_of3A_637 = tpu.assume_multiple %mul3A_636, 512 : i32
    %dma_start3A_638 = arith.constant 2560 : i32
    %dma_start3A_639 = tpu.memref_slice %arg10[%dma_start3A_638] : memref<16384xf32, #tpu.memory_space<vmem>> -> memref<512xf32, #tpu.memory_space<vmem>>
    %dma_start3A_640 = tpu.memref_slice %arg12[%multiple_of3A_637] : memref<512000xf32, #tpu.memory_space<vmem_shared>> -> memref<512xf32, #tpu.memory_space<vmem_shared>>
    %dma_start3A_641 = arith.constant 2560 : i32
    %dma_start3A_642 = tpu.memref_slice %arg10[%dma_start3A_641] : memref<16384xf32, #tpu.memory_space<vmem>> -> memref<512xf32, #tpu.memory_space<vmem>>
    %dma_start3A_643 = tpu.memref_slice %arg12[%multiple_of3A_637] : memref<512000xf32, #tpu.memory_space<vmem_shared>> -> memref<512xf32, #tpu.memory_space<vmem_shared>>
    tpu.enqueue_dma source(%dma_start3A_643 : memref<512xf32, #tpu.memory_space<vmem_shared>>) target(%dma_start3A_642 : memref<512xf32, #tpu.memory_space<vmem>>) target_semaphore(%arg16 : memref<!tpu.dma_semaphore, #tpu.memory_space<semaphore_mem>>)
    %slice3A_644 = vector.extract_strided_slice %get3A_577 {offsets = [6], sizes = [1], strides = [1]} : vector<16xi32> to vector<1xi32>
    %squeeze3A_645 = vector.extract %slice3A_644[0] : i32 from vector<1xi32>
    %mul3A_646 = arith.constant 512 : i32
    %mul3A_647 = arith.muli %squeeze3A_645, %mul3A_646 : i32
    %multiple_of3A_648 = tpu.assume_multiple %mul3A_647, 512 : i32
    %dma_start3A_649 = arith.constant 3072 : i32
    %dma_start3A_650 = tpu.memref_slice %arg10[%dma_start3A_649] : memref<16384xf32, #tpu.memory_space<vmem>> -> memref<512xf32, #tpu.memory_space<vmem>>
    %dma_start3A_651 = tpu.memref_slice %arg12[%multiple_of3A_648] : memref<512000xf32, #tpu.memory_space<vmem_shared>> -> memref<512xf32, #tpu.memory_space<vmem_shared>>
    %dma_start3A_652 = arith.constant 3072 : i32
    %dma_start3A_653 = tpu.memref_slice %arg10[%dma_start3A_652] : memref<16384xf32, #tpu.memory_space<vmem>> -> memref<512xf32, #tpu.memory_space<vmem>>
    %dma_start3A_654 = tpu.memref_slice %arg12[%multiple_of3A_648] : memref<512000xf32, #tpu.memory_space<vmem_shared>> -> memref<512xf32, #tpu.memory_space<vmem_shared>>
    tpu.enqueue_dma source(%dma_start3A_654 : memref<512xf32, #tpu.memory_space<vmem_shared>>) target(%dma_start3A_653 : memref<512xf32, #tpu.memory_space<vmem>>) target_semaphore(%arg16 : memref<!tpu.dma_semaphore, #tpu.memory_space<semaphore_mem>>)
    %slice3A_655 = vector.extract_strided_slice %get3A_577 {offsets = [7], sizes = [1], strides = [1]} : vector<16xi32> to vector<1xi32>
    %squeeze3A_656 = vector.extract %slice3A_655[0] : i32 from vector<1xi32>
    %mul3A_657 = arith.constant 512 : i32
    %mul3A_658 = arith.muli %squeeze3A_656, %mul3A_657 : i32
    %multiple_of3A_659 = tpu.assume_multiple %mul3A_658, 512 : i32
    %dma_start3A_660 = arith.constant 3584 : i32
    %dma_start3A_661 = tpu.memref_slice %arg10[%dma_start3A_660] : memref<16384xf32, #tpu.memory_space<vmem>> -> memref<512xf32, #tpu.memory_space<vmem>>
    %dma_start3A_662 = tpu.memref_slice %arg12[%multiple_of3A_659] : memref<512000xf32, #tpu.memory_space<vmem_shared>> -> memref<512xf32, #tpu.memory_space<vmem_shared>>
    %dma_start3A_663 = arith.constant 3584 : i32
    %dma_start3A_664 = tpu.memref_slice %arg10[%dma_start3A_663] : memref<16384xf32, #tpu.memory_space<vmem>> -> memref<512xf32, #tpu.memory_space<vmem>>
    %dma_start3A_665 = tpu.memref_slice %arg12[%multiple_of3A_659] : memref<512000xf32, #tpu.memory_space<vmem_shared>> -> memref<512xf32, #tpu.memory_space<vmem_shared>>
    tpu.enqueue_dma source(%dma_start3A_665 : memref<512xf32, #tpu.memory_space<vmem_shared>>) target(%dma_start3A_664 : memref<512xf32, #tpu.memory_space<vmem>>) target_semaphore(%arg16 : memref<!tpu.dma_semaphore, #tpu.memory_space<semaphore_mem>>)
    %slice3A_666 = vector.extract_strided_slice %get3A_577 {offsets = [8], sizes = [1], strides = [1]} : vector<16xi32> to vector<1xi32>
    %squeeze3A_667 = vector.extract %slice3A_666[0] : i32 from vector<1xi32>
    %mul3A_668 = arith.constant 512 : i32
    %mul3A_669 = arith.muli %squeeze3A_667, %mul3A_668 : i32
    %multiple_of3A_670 = tpu.assume_multiple %mul3A_669, 512 : i32
    %dma_start3A_671 = arith.constant 4096 : i32
    %dma_start3A_672 = tpu.memref_slice %arg10[%dma_start3A_671] : memref<16384xf32, #tpu.memory_space<vmem>> -> memref<512xf32, #tpu.memory_space<vmem>>
    %dma_start3A_673 = tpu.memref_slice %arg12[%multiple_of3A_670] : memref<512000xf32, #tpu.memory_space<vmem_shared>> -> memref<512xf32, #tpu.memory_space<vmem_shared>>
    %dma_start3A_674 = arith.constant 4096 : i32
    %dma_start3A_675 = tpu.memref_slice %arg10[%dma_start3A_674] : memref<16384xf32, #tpu.memory_space<vmem>> -> memref<512xf32, #tpu.memory_space<vmem>>
    %dma_start3A_676 = tpu.memref_slice %arg12[%multiple_of3A_670] : memref<512000xf32, #tpu.memory_space<vmem_shared>> -> memref<512xf32, #tpu.memory_space<vmem_shared>>
    tpu.enqueue_dma source(%dma_start3A_676 : memref<512xf32, #tpu.memory_space<vmem_shared>>) target(%dma_start3A_675 : memref<512xf32, #tpu.memory_space<vmem>>) target_semaphore(%arg16 : memref<!tpu.dma_semaphore, #tpu.memory_space<semaphore_mem>>)
    %slice3A_677 = vector.extract_strided_slice %get3A_577 {offsets = [9], sizes = [1], strides = [1]} : vector<16xi32> to vector<1xi32>
    %squeeze3A_678 = vector.extract %slice3A_677[0] : i32 from vector<1xi32>
    %mul3A_679 = arith.constant 512 : i32
    %mul3A_680 = arith.muli %squeeze3A_678, %mul3A_679 : i32
    %multiple_of3A_681 = tpu.assume_multiple %mul3A_680, 512 : i32
    %dma_start3A_682 = arith.constant 4608 : i32
    %dma_start3A_683 = tpu.memref_slice %arg10[%dma_start3A_682] : memref<16384xf32, #tpu.memory_space<vmem>> -> memref<512xf32, #tpu.memory_space<vmem>>
    %dma_start3A_684 = tpu.memref_slice %arg12[%multiple_of3A_681] : memref<512000xf32, #tpu.memory_space<vmem_shared>> -> memref<512xf32, #tpu.memory_space<vmem_shared>>
    %dma_start3A_685 = arith.constant 4608 : i32
    %dma_start3A_686 = tpu.memref_slice %arg10[%dma_start3A_685] : memref<16384xf32, #tpu.memory_space<vmem>> -> memref<512xf32, #tpu.memory_space<vmem>>
    %dma_start3A_687 = tpu.memref_slice %arg12[%multiple_of3A_681] : memref<512000xf32, #tpu.memory_space<vmem_shared>> -> memref<512xf32, #tpu.memory_space<vmem_shared>>
    tpu.enqueue_dma source(%dma_start3A_687 : memref<512xf32, #tpu.memory_space<vmem_shared>>) target(%dma_start3A_686 : memref<512xf32, #tpu.memory_space<vmem>>) target_semaphore(%arg16 : memref<!tpu.dma_semaphore, #tpu.memory_space<semaphore_mem>>)
    %slice3A_688 = vector.extract_strided_slice %get3A_577 {offsets = [10], sizes = [1], strides = [1]} : vector<16xi32> to vector<1xi32>
    %squeeze3A_689 = vector.extract %slice3A_688[0] : i32 from vector<1xi32>
    %mul3A_690 = arith.constant 512 : i32
    %mul3A_691 = arith.muli %squeeze3A_689, %mul3A_690 : i32
    %multiple_of3A_692 = tpu.assume_multiple %mul3A_691, 512 : i32
    %dma_start3A_693 = arith.constant 5120 : i32
    %dma_start3A_694 = tpu.memref_slice %arg10[%dma_start3A_693] : memref<16384xf32, #tpu.memory_space<vmem>> -> memref<512xf32, #tpu.memory_space<vmem>>
    %dma_start3A_695 = tpu.memref_slice %arg12[%multiple_of3A_692] : memref<512000xf32, #tpu.memory_space<vmem_shared>> -> memref<512xf32, #tpu.memory_space<vmem_shared>>
    %dma_start3A_696 = arith.constant 5120 : i32
    %dma_start3A_697 = tpu.memref_slice %arg10[%dma_start3A_696] : memref<16384xf32, #tpu.memory_space<vmem>> -> memref<512xf32, #tpu.memory_space<vmem>>
    %dma_start3A_698 = tpu.memref_slice %arg12[%multiple_of3A_692] : memref<512000xf32, #tpu.memory_space<vmem_shared>> -> memref<512xf32, #tpu.memory_space<vmem_shared>>
    tpu.enqueue_dma source(%dma_start3A_698 : memref<512xf32, #tpu.memory_space<vmem_shared>>) target(%dma_start3A_697 : memref<512xf32, #tpu.memory_space<vmem>>) target_semaphore(%arg16 : memref<!tpu.dma_semaphore, #tpu.memory_space<semaphore_mem>>)
    %slice3A_699 = vector.extract_strided_slice %get3A_577 {offsets = [11], sizes = [1], strides = [1]} : vector<16xi32> to vector<1xi32>
    %squeeze3A_700 = vector.extract %slice3A_699[0] : i32 from vector<1xi32>
    %mul3A_701 = arith.constant 512 : i32
    %mul3A_702 = arith.muli %squeeze3A_700, %mul3A_701 : i32
    %multiple_of3A_703 = tpu.assume_multiple %mul3A_702, 512 : i32
    %dma_start3A_704 = arith.constant 5632 : i32
    %dma_start3A_705 = tpu.memref_slice %arg10[%dma_start3A_704] : memref<16384xf32, #tpu.memory_space<vmem>> -> memref<512xf32, #tpu.memory_space<vmem>>
    %dma_start3A_706 = tpu.memref_slice %arg12[%multiple_of3A_703] : memref<512000xf32, #tpu.memory_space<vmem_shared>> -> memref<512xf32, #tpu.memory_space<vmem_shared>>
    %dma_start3A_707 = arith.constant 5632 : i32
    %dma_start3A_708 = tpu.memref_slice %arg10[%dma_start3A_707] : memref<16384xf32, #tpu.memory_space<vmem>> -> memref<512xf32, #tpu.memory_space<vmem>>
    %dma_start3A_709 = tpu.memref_slice %arg12[%multiple_of3A_703] : memref<512000xf32, #tpu.memory_space<vmem_shared>> -> memref<512xf32, #tpu.memory_space<vmem_shared>>
    tpu.enqueue_dma source(%dma_start3A_709 : memref<512xf32, #tpu.memory_space<vmem_shared>>) target(%dma_start3A_708 : memref<512xf32, #tpu.memory_space<vmem>>) target_semaphore(%arg16 : memref<!tpu.dma_semaphore, #tpu.memory_space<semaphore_mem>>)
    %slice3A_710 = vector.extract_strided_slice %get3A_577 {offsets = [12], sizes = [1], strides = [1]} : vector<16xi32> to vector<1xi32>
    %squeeze3A_711 = vector.extract %slice3A_710[0] : i32 from vector<1xi32>
    %mul3A_712 = arith.constant 512 : i32
    %mul3A_713 = arith.muli %squeeze3A_711, %mul3A_712 : i32
    %multiple_of3A_714 = tpu.assume_multiple %mul3A_713, 512 : i32
    %dma_start3A_715 = arith.constant 6144 : i32
    %dma_start3A_716 = tpu.memref_slice %arg10[%dma_start3A_715] : memref<16384xf32, #tpu.memory_space<vmem>> -> memref<512xf32, #tpu.memory_space<vmem>>
    %dma_start3A_717 = tpu.memref_slice %arg12[%multiple_of3A_714] : memref<512000xf32, #tpu.memory_space<vmem_shared>> -> memref<512xf32, #tpu.memory_space<vmem_shared>>
    %dma_start3A_718 = arith.constant 6144 : i32
    %dma_start3A_719 = tpu.memref_slice %arg10[%dma_start3A_718] : memref<16384xf32, #tpu.memory_space<vmem>> -> memref<512xf32, #tpu.memory_space<vmem>>
    %dma_start3A_720 = tpu.memref_slice %arg12[%multiple_of3A_714] : memref<512000xf32, #tpu.memory_space<vmem_shared>> -> memref<512xf32, #tpu.memory_space<vmem_shared>>
    tpu.enqueue_dma source(%dma_start3A_720 : memref<512xf32, #tpu.memory_space<vmem_shared>>) target(%dma_start3A_719 : memref<512xf32, #tpu.memory_space<vmem>>) target_semaphore(%arg16 : memref<!tpu.dma_semaphore, #tpu.memory_space<semaphore_mem>>)
    %slice3A_721 = vector.extract_strided_slice %get3A_577 {offsets = [13], sizes = [1], strides = [1]} : vector<16xi32> to vector<1xi32>
    %squeeze3A_722 = vector.extract %slice3A_721[0] : i32 from vector<1xi32>
    %mul3A_723 = arith.constant 512 : i32
    %mul3A_724 = arith.muli %squeeze3A_722, %mul3A_723 : i32
    %multiple_of3A_725 = tpu.assume_multiple %mul3A_724, 512 : i32
    %dma_start3A_726 = arith.constant 6656 : i32
    %dma_start3A_727 = tpu.memref_slice %arg10[%dma_start3A_726] : memref<16384xf32, #tpu.memory_space<vmem>> -> memref<512xf32, #tpu.memory_space<vmem>>
    %dma_start3A_728 = tpu.memref_slice %arg12[%multiple_of3A_725] : memref<512000xf32, #tpu.memory_space<vmem_shared>> -> memref<512xf32, #tpu.memory_space<vmem_shared>>
    %dma_start3A_729 = arith.constant 6656 : i32
    %dma_start3A_730 = tpu.memref_slice %arg10[%dma_start3A_729] : memref<16384xf32, #tpu.memory_space<vmem>> -> memref<512xf32, #tpu.memory_space<vmem>>
    %dma_start3A_731 = tpu.memref_slice %arg12[%multiple_of3A_725] : memref<512000xf32, #tpu.memory_space<vmem_shared>> -> memref<512xf32, #tpu.memory_space<vmem_shared>>
    tpu.enqueue_dma source(%dma_start3A_731 : memref<512xf32, #tpu.memory_space<vmem_shared>>) target(%dma_start3A_730 : memref<512xf32, #tpu.memory_space<vmem>>) target_semaphore(%arg16 : memref<!tpu.dma_semaphore, #tpu.memory_space<semaphore_mem>>)
    %slice3A_732 = vector.extract_strided_slice %get3A_577 {offsets = [14], sizes = [1], strides = [1]} : vector<16xi32> to vector<1xi32>
    %squeeze3A_733 = vector.extract %slice3A_732[0] : i32 from vector<1xi32>
    %mul3A_734 = arith.constant 512 : i32
    %mul3A_735 = arith.muli %squeeze3A_733, %mul3A_734 : i32
    %multiple_of3A_736 = tpu.assume_multiple %mul3A_735, 512 : i32
    %dma_start3A_737 = arith.constant 7168 : i32
    %dma_start3A_738 = tpu.memref_slice %arg10[%dma_start3A_737] : memref<16384xf32, #tpu.memory_space<vmem>> -> memref<512xf32, #tpu.memory_space<vmem>>
    %dma_start3A_739 = tpu.memref_slice %arg12[%multiple_of3A_736] : memref<512000xf32, #tpu.memory_space<vmem_shared>> -> memref<512xf32, #tpu.memory_space<vmem_shared>>
    %dma_start3A_740 = arith.constant 7168 : i32
    %dma_start3A_741 = tpu.memref_slice %arg10[%dma_start3A_740] : memref<16384xf32, #tpu.memory_space<vmem>> -> memref<512xf32, #tpu.memory_space<vmem>>
    %dma_start3A_742 = tpu.memref_slice %arg12[%multiple_of3A_736] : memref<512000xf32, #tpu.memory_space<vmem_shared>> -> memref<512xf32, #tpu.memory_space<vmem_shared>>
    tpu.enqueue_dma source(%dma_start3A_742 : memref<512xf32, #tpu.memory_space<vmem_shared>>) target(%dma_start3A_741 : memref<512xf32, #tpu.memory_space<vmem>>) target_semaphore(%arg16 : memref<!tpu.dma_semaphore, #tpu.memory_space<semaphore_mem>>)
    %slice3A_743 = vector.extract_strided_slice %get3A_577 {offsets = [15], sizes = [1], strides = [1]} : vector<16xi32> to vector<1xi32>
    %squeeze3A_744 = vector.extract %slice3A_743[0] : i32 from vector<1xi32>
    %mul3A_745 = arith.constant 512 : i32
    %mul3A_746 = arith.muli %squeeze3A_744, %mul3A_745 : i32
    %multiple_of3A_747 = tpu.assume_multiple %mul3A_746, 512 : i32
    %dma_start3A_748 = arith.constant 7680 : i32
    %dma_start3A_749 = tpu.memref_slice %arg10[%dma_start3A_748] : memref<16384xf32, #tpu.memory_space<vmem>> -> memref<512xf32, #tpu.memory_space<vmem>>
    %dma_start3A_750 = tpu.memref_slice %arg12[%multiple_of3A_747] : memref<512000xf32, #tpu.memory_space<vmem_shared>> -> memref<512xf32, #tpu.memory_space<vmem_shared>>
    %dma_start3A_751 = arith.constant 7680 : i32
    %dma_start3A_752 = tpu.memref_slice %arg10[%dma_start3A_751] : memref<16384xf32, #tpu.memory_space<vmem>> -> memref<512xf32, #tpu.memory_space<vmem>>
    %dma_start3A_753 = tpu.memref_slice %arg12[%multiple_of3A_747] : memref<512000xf32, #tpu.memory_space<vmem_shared>> -> memref<512xf32, #tpu.memory_space<vmem_shared>>
    tpu.enqueue_dma source(%dma_start3A_753 : memref<512xf32, #tpu.memory_space<vmem_shared>>) target(%dma_start3A_752 : memref<512xf32, #tpu.memory_space<vmem>>) target_semaphore(%arg16 : memref<!tpu.dma_semaphore, #tpu.memory_space<semaphore_mem>>)
    %get3A_754 = arith.constant 1 : i32
    %get3A_755 = arith.index_cast %get3A_754 : i32 to index
    %get3A_756 = arith.constant 16 : index
    %get3A_757 = tpu.vector_load %arg6[%get3A_755, %get3A_756] {strides = array<i32>} : memref<10x32xi32, #tpu.memory_space<vmem>>, vector<1x16xi32>,
    %get3A_758 = vector.shape_cast %get3A_757 : vector<1x16xi32> to vector<16xi32>
    %slice3A_759 = vector.extract_strided_slice %get3A_758 {offsets = [0], sizes = [1], strides = [1]} : vector<16xi32> to vector<1xi32>
    %squeeze3A_760 = vector.extract %slice3A_759[0] : i32 from vector<1xi32>
    %mul3A_761 = arith.constant 512 : i32
    %mul3A_762 = arith.muli %squeeze3A_760, %mul3A_761 : i32
    %multiple_of3A_763 = tpu.assume_multiple %mul3A_762, 512 : i32
    %dma_start3A_764 = arith.constant 8192 : i32
    %dma_start3A_765 = tpu.memref_slice %arg10[%dma_start3A_764] : memref<16384xf32, #tpu.memory_space<vmem>> -> memref<512xf32, #tpu.memory_space<vmem>>
    %dma_start3A_766 = tpu.memref_slice %arg12[%multiple_of3A_763] : memref<512000xf32, #tpu.memory_space<vmem_shared>> -> memref<512xf32, #tpu.memory_space<vmem_shared>>
    %dma_start3A_767 = arith.constant 8192 : i32
    %dma_start3A_768 = tpu.memref_slice %arg10[%dma_start3A_767] : memref<16384xf32, #tpu.memory_space<vmem>> -> memref<512xf32, #tpu.memory_space<vmem>>
    %dma_start3A_769 = tpu.memref_slice %arg12[%multiple_of3A_763] : memref<512000xf32, #tpu.memory_space<vmem_shared>> -> memref<512xf32, #tpu.memory_space<vmem_shared>>
    tpu.enqueue_dma source(%dma_start3A_769 : memref<512xf32, #tpu.memory_space<vmem_shared>>) target(%dma_start3A_768 : memref<512xf32, #tpu.memory_space<vmem>>) target_semaphore(%arg16 : memref<!tpu.dma_semaphore, #tpu.memory_space<semaphore_mem>>)
    %slice3A_770 = vector.extract_strided_slice %get3A_758 {offsets = [1], sizes = [1], strides = [1]} : vector<16xi32> to vector<1xi32>
    %squeeze3A_771 = vector.extract %slice3A_770[0] : i32 from vector<1xi32>
    %mul3A_772 = arith.constant 512 : i32
    %mul3A_773 = arith.muli %squeeze3A_771, %mul3A_772 : i32
    %multiple_of3A_774 = tpu.assume_multiple %mul3A_773, 512 : i32
    %dma_start3A_775 = arith.constant 8704 : i32
    %dma_start3A_776 = tpu.memref_slice %arg10[%dma_start3A_775] : memref<16384xf32, #tpu.memory_space<vmem>> -> memref<512xf32, #tpu.memory_space<vmem>>
    %dma_start3A_777 = tpu.memref_slice %arg12[%multiple_of3A_774] : memref<512000xf32, #tpu.memory_space<vmem_shared>> -> memref<512xf32, #tpu.memory_space<vmem_shared>>
    %dma_start3A_778 = arith.constant 8704 : i32
    %dma_start3A_779 = tpu.memref_slice %arg10[%dma_start3A_778] : memref<16384xf32, #tpu.memory_space<vmem>> -> memref<512xf32, #tpu.memory_space<vmem>>
    %dma_start3A_780 = tpu.memref_slice %arg12[%multiple_of3A_774] : memref<512000xf32, #tpu.memory_space<vmem_shared>> -> memref<512xf32, #tpu.memory_space<vmem_shared>>
    tpu.enqueue_dma source(%dma_start3A_780 : memref<512xf32, #tpu.memory_space<vmem_shared>>) target(%dma_start3A_779 : memref<512xf32, #tpu.memory_space<vmem>>) target_semaphore(%arg16 : memref<!tpu.dma_semaphore, #tpu.memory_space<semaphore_mem>>)
    %slice3A_781 = vector.extract_strided_slice %get3A_758 {offsets = [2], sizes = [1], strides = [1]} : vector<16xi32> to vector<1xi32>
    %squeeze3A_782 = vector.extract %slice3A_781[0] : i32 from vector<1xi32>
    %mul3A_783 = arith.constant 512 : i32
    %mul3A_784 = arith.muli %squeeze3A_782, %mul3A_783 : i32
    %multiple_of3A_785 = tpu.assume_multiple %mul3A_784, 512 : i32
    %dma_start3A_786 = arith.constant 9216 : i32
    %dma_start3A_787 = tpu.memref_slice %arg10[%dma_start3A_786] : memref<16384xf32, #tpu.memory_space<vmem>> -> memref<512xf32, #tpu.memory_space<vmem>>
    %dma_start3A_788 = tpu.memref_slice %arg12[%multiple_of3A_785] : memref<512000xf32, #tpu.memory_space<vmem_shared>> -> memref<512xf32, #tpu.memory_space<vmem_shared>>
    %dma_start3A_789 = arith.constant 9216 : i32
    %dma_start3A_790 = tpu.memref_slice %arg10[%dma_start3A_789] : memref<16384xf32, #tpu.memory_space<vmem>> -> memref<512xf32, #tpu.memory_space<vmem>>
    %dma_start3A_791 = tpu.memref_slice %arg12[%multiple_of3A_785] : memref<512000xf32, #tpu.memory_space<vmem_shared>> -> memref<512xf32, #tpu.memory_space<vmem_shared>>
    tpu.enqueue_dma source(%dma_start3A_791 : memref<512xf32, #tpu.memory_space<vmem_shared>>) target(%dma_start3A_790 : memref<512xf32, #tpu.memory_space<vmem>>) target_semaphore(%arg16 : memref<!tpu.dma_semaphore, #tpu.memory_space<semaphore_mem>>)
    %slice3A_792 = vector.extract_strided_slice %get3A_758 {offsets = [3], sizes = [1], strides = [1]} : vector<16xi32> to vector<1xi32>
    %squeeze3A_793 = vector.extract %slice3A_792[0] : i32 from vector<1xi32>
    %mul3A_794 = arith.constant 512 : i32
    %mul3A_795 = arith.muli %squeeze3A_793, %mul3A_794 : i32
    %multiple_of3A_796 = tpu.assume_multiple %mul3A_795, 512 : i32
    %dma_start3A_797 = arith.constant 9728 : i32
    %dma_start3A_798 = tpu.memref_slice %arg10[%dma_start3A_797] : memref<16384xf32, #tpu.memory_space<vmem>> -> memref<512xf32, #tpu.memory_space<vmem>>
    %dma_start3A_799 = tpu.memref_slice %arg12[%multiple_of3A_796] : memref<512000xf32, #tpu.memory_space<vmem_shared>> -> memref<512xf32, #tpu.memory_space<vmem_shared>>
    %dma_start3A_800 = arith.constant 9728 : i32
    %dma_start3A_801 = tpu.memref_slice %arg10[%dma_start3A_800] : memref<16384xf32, #tpu.memory_space<vmem>> -> memref<512xf32, #tpu.memory_space<vmem>>
    %dma_start3A_802 = tpu.memref_slice %arg12[%multiple_of3A_796] : memref<512000xf32, #tpu.memory_space<vmem_shared>> -> memref<512xf32, #tpu.memory_space<vmem_shared>>
    tpu.enqueue_dma source(%dma_start3A_802 : memref<512xf32, #tpu.memory_space<vmem_shared>>) target(%dma_start3A_801 : memref<512xf32, #tpu.memory_space<vmem>>) target_semaphore(%arg16 : memref<!tpu.dma_semaphore, #tpu.memory_space<semaphore_mem>>)
    %slice3A_803 = vector.extract_strided_slice %get3A_758 {offsets = [4], sizes = [1], strides = [1]} : vector<16xi32> to vector<1xi32>
    %squeeze3A_804 = vector.extract %slice3A_803[0] : i32 from vector<1xi32>
    %mul3A_805 = arith.constant 512 : i32
    %mul3A_806 = arith.muli %squeeze3A_804, %mul3A_805 : i32
    %multiple_of3A_807 = tpu.assume_multiple %mul3A_806, 512 : i32
    %dma_start3A_808 = arith.constant 10240 : i32
    %dma_start3A_809 = tpu.memref_slice %arg10[%dma_start3A_808] : memref<16384xf32, #tpu.memory_space<vmem>> -> memref<512xf32, #tpu.memory_space<vmem>>
    %dma_start3A_810 = tpu.memref_slice %arg12[%multiple_of3A_807] : memref<512000xf32, #tpu.memory_space<vmem_shared>> -> memref<512xf32, #tpu.memory_space<vmem_shared>>
    %dma_start3A_811 = arith.constant 10240 : i32
    %dma_start3A_812 = tpu.memref_slice %arg10[%dma_start3A_811] : memref<16384xf32, #tpu.memory_space<vmem>> -> memref<512xf32, #tpu.memory_space<vmem>>
    %dma_start3A_813 = tpu.memref_slice %arg12[%multiple_of3A_807] : memref<512000xf32, #tpu.memory_space<vmem_shared>> -> memref<512xf32, #tpu.memory_space<vmem_shared>>
    tpu.enqueue_dma source(%dma_start3A_813 : memref<512xf32, #tpu.memory_space<vmem_shared>>) target(%dma_start3A_812 : memref<512xf32, #tpu.memory_space<vmem>>) target_semaphore(%arg16 : memref<!tpu.dma_semaphore, #tpu.memory_space<semaphore_mem>>)
    %slice3A_814 = vector.extract_strided_slice %get3A_758 {offsets = [5], sizes = [1], strides = [1]} : vector<16xi32> to vector<1xi32>
    %squeeze3A_815 = vector.extract %slice3A_814[0] : i32 from vector<1xi32>
    %mul3A_816 = arith.constant 512 : i32
    %mul3A_817 = arith.muli %squeeze3A_815, %mul3A_816 : i32
    %multiple_of3A_818 = tpu.assume_multiple %mul3A_817, 512 : i32
    %dma_start3A_819 = arith.constant 10752 : i32
    %dma_start3A_820 = tpu.memref_slice %arg10[%dma_start3A_819] : memref<16384xf32, #tpu.memory_space<vmem>> -> memref<512xf32, #tpu.memory_space<vmem>>
    %dma_start3A_821 = tpu.memref_slice %arg12[%multiple_of3A_818] : memref<512000xf32, #tpu.memory_space<vmem_shared>> -> memref<512xf32, #tpu.memory_space<vmem_shared>>
    %dma_start3A_822 = arith.constant 10752 : i32
    %dma_start3A_823 = tpu.memref_slice %arg10[%dma_start3A_822] : memref<16384xf32, #tpu.memory_space<vmem>> -> memref<512xf32, #tpu.memory_space<vmem>>
    %dma_start3A_824 = tpu.memref_slice %arg12[%multiple_of3A_818] : memref<512000xf32, #tpu.memory_space<vmem_shared>> -> memref<512xf32, #tpu.memory_space<vmem_shared>>
    tpu.enqueue_dma source(%dma_start3A_824 : memref<512xf32, #tpu.memory_space<vmem_shared>>) target(%dma_start3A_823 : memref<512xf32, #tpu.memory_space<vmem>>) target_semaphore(%arg16 : memref<!tpu.dma_semaphore, #tpu.memory_space<semaphore_mem>>)
    %slice3A_825 = vector.extract_strided_slice %get3A_758 {offsets = [6], sizes = [1], strides = [1]} : vector<16xi32> to vector<1xi32>
    %squeeze3A_826 = vector.extract %slice3A_825[0] : i32 from vector<1xi32>
    %mul3A_827 = arith.constant 512 : i32
    %mul3A_828 = arith.muli %squeeze3A_826, %mul3A_827 : i32
    %multiple_of3A_829 = tpu.assume_multiple %mul3A_828, 512 : i32
    %dma_start3A_830 = arith.constant 11264 : i32
    %dma_start3A_831 = tpu.memref_slice %arg10[%dma_start3A_830] : memref<16384xf32, #tpu.memory_space<vmem>> -> memref<512xf32, #tpu.memory_space<vmem>>
    %dma_start3A_832 = tpu.memref_slice %arg12[%multiple_of3A_829] : memref<512000xf32, #tpu.memory_space<vmem_shared>> -> memref<512xf32, #tpu.memory_space<vmem_shared>>
    %dma_start3A_833 = arith.constant 11264 : i32
    %dma_start3A_834 = tpu.memref_slice %arg10[%dma_start3A_833] : memref<16384xf32, #tpu.memory_space<vmem>> -> memref<512xf32, #tpu.memory_space<vmem>>
    %dma_start3A_835 = tpu.memref_slice %arg12[%multiple_of3A_829] : memref<512000xf32, #tpu.memory_space<vmem_shared>> -> memref<512xf32, #tpu.memory_space<vmem_shared>>
    tpu.enqueue_dma source(%dma_start3A_835 : memref<512xf32, #tpu.memory_space<vmem_shared>>) target(%dma_start3A_834 : memref<512xf32, #tpu.memory_space<vmem>>) target_semaphore(%arg16 : memref<!tpu.dma_semaphore, #tpu.memory_space<semaphore_mem>>)
    %slice3A_836 = vector.extract_strided_slice %get3A_758 {offsets = [7], sizes = [1], strides = [1]} : vector<16xi32> to vector<1xi32>
    %squeeze3A_837 = vector.extract %slice3A_836[0] : i32 from vector<1xi32>
    %mul3A_838 = arith.constant 512 : i32
    %mul3A_839 = arith.muli %squeeze3A_837, %mul3A_838 : i32
    %multiple_of3A_840 = tpu.assume_multiple %mul3A_839, 512 : i32
    %dma_start3A_841 = arith.constant 11776 : i32
    %dma_start3A_842 = tpu.memref_slice %arg10[%dma_start3A_841] : memref<16384xf32, #tpu.memory_space<vmem>> -> memref<512xf32, #tpu.memory_space<vmem>>
    %dma_start3A_843 = tpu.memref_slice %arg12[%multiple_of3A_840] : memref<512000xf32, #tpu.memory_space<vmem_shared>> -> memref<512xf32, #tpu.memory_space<vmem_shared>>
    %dma_start3A_844 = arith.constant 11776 : i32
    %dma_start3A_845 = tpu.memref_slice %arg10[%dma_start3A_844] : memref<16384xf32, #tpu.memory_space<vmem>> -> memref<512xf32, #tpu.memory_space<vmem>>
    %dma_start3A_846 = tpu.memref_slice %arg12[%multiple_of3A_840] : memref<512000xf32, #tpu.memory_space<vmem_shared>> -> memref<512xf32, #tpu.memory_space<vmem_shared>>
    tpu.enqueue_dma source(%dma_start3A_846 : memref<512xf32, #tpu.memory_space<vmem_shared>>) target(%dma_start3A_845 : memref<512xf32, #tpu.memory_space<vmem>>) target_semaphore(%arg16 : memref<!tpu.dma_semaphore, #tpu.memory_space<semaphore_mem>>)
    %slice3A_847 = vector.extract_strided_slice %get3A_758 {offsets = [8], sizes = [1], strides = [1]} : vector<16xi32> to vector<1xi32>
    %squeeze3A_848 = vector.extract %slice3A_847[0] : i32 from vector<1xi32>
    %mul3A_849 = arith.constant 512 : i32
    %mul3A_850 = arith.muli %squeeze3A_848, %mul3A_849 : i32
    %multiple_of3A_851 = tpu.assume_multiple %mul3A_850, 512 : i32
    %dma_start3A_852 = arith.constant 12288 : i32
    %dma_start3A_853 = tpu.memref_slice %arg10[%dma_start3A_852] : memref<16384xf32, #tpu.memory_space<vmem>> -> memref<512xf32, #tpu.memory_space<vmem>>
    %dma_start3A_854 = tpu.memref_slice %arg12[%multiple_of3A_851] : memref<512000xf32, #tpu.memory_space<vmem_shared>> -> memref<512xf32, #tpu.memory_space<vmem_shared>>
    %dma_start3A_855 = arith.constant 12288 : i32
    %dma_start3A_856 = tpu.memref_slice %arg10[%dma_start3A_855] : memref<16384xf32, #tpu.memory_space<vmem>> -> memref<512xf32, #tpu.memory_space<vmem>>
    %dma_start3A_857 = tpu.memref_slice %arg12[%multiple_of3A_851] : memref<512000xf32, #tpu.memory_space<vmem_shared>> -> memref<512xf32, #tpu.memory_space<vmem_shared>>
    tpu.enqueue_dma source(%dma_start3A_857 : memref<512xf32, #tpu.memory_space<vmem_shared>>) target(%dma_start3A_856 : memref<512xf32, #tpu.memory_space<vmem>>) target_semaphore(%arg16 : memref<!tpu.dma_semaphore, #tpu.memory_space<semaphore_mem>>)
    %slice3A_858 = vector.extract_strided_slice %get3A_758 {offsets = [9], sizes = [1], strides = [1]} : vector<16xi32> to vector<1xi32>
    %squeeze3A_859 = vector.extract %slice3A_858[0] : i32 from vector<1xi32>
    %mul3A_860 = arith.constant 512 : i32
    %mul3A_861 = arith.muli %squeeze3A_859, %mul3A_860 : i32
    %multiple_of3A_862 = tpu.assume_multiple %mul3A_861, 512 : i32
    %dma_start3A_863 = arith.constant 12800 : i32
    %dma_start3A_864 = tpu.memref_slice %arg10[%dma_start3A_863] : memref<16384xf32, #tpu.memory_space<vmem>> -> memref<512xf32, #tpu.memory_space<vmem>>
    %dma_start3A_865 = tpu.memref_slice %arg12[%multiple_of3A_862] : memref<512000xf32, #tpu.memory_space<vmem_shared>> -> memref<512xf32, #tpu.memory_space<vmem_shared>>
    %dma_start3A_866 = arith.constant 12800 : i32
    %dma_start3A_867 = tpu.memref_slice %arg10[%dma_start3A_866] : memref<16384xf32, #tpu.memory_space<vmem>> -> memref<512xf32, #tpu.memory_space<vmem>>
    %dma_start3A_868 = tpu.memref_slice %arg12[%multiple_of3A_862] : memref<512000xf32, #tpu.memory_space<vmem_shared>> -> memref<512xf32, #tpu.memory_space<vmem_shared>>
    tpu.enqueue_dma source(%dma_start3A_868 : memref<512xf32, #tpu.memory_space<vmem_shared>>) target(%dma_start3A_867 : memref<512xf32, #tpu.memory_space<vmem>>) target_semaphore(%arg16 : memref<!tpu.dma_semaphore, #tpu.memory_space<semaphore_mem>>)
    %slice3A_869 = vector.extract_strided_slice %get3A_758 {offsets = [10], sizes = [1], strides = [1]} : vector<16xi32> to vector<1xi32>
    %squeeze3A_870 = vector.extract %slice3A_869[0] : i32 from vector<1xi32>
    %mul3A_871 = arith.constant 512 : i32
    %mul3A_872 = arith.muli %squeeze3A_870, %mul3A_871 : i32
    %multiple_of3A_873 = tpu.assume_multiple %mul3A_872, 512 : i32
    %dma_start3A_874 = arith.constant 13312 : i32
    %dma_start3A_875 = tpu.memref_slice %arg10[%dma_start3A_874] : memref<16384xf32, #tpu.memory_space<vmem>> -> memref<512xf32, #tpu.memory_space<vmem>>
    %dma_start3A_876 = tpu.memref_slice %arg12[%multiple_of3A_873] : memref<512000xf32, #tpu.memory_space<vmem_shared>> -> memref<512xf32, #tpu.memory_space<vmem_shared>>
    %dma_start3A_877 = arith.constant 13312 : i32
    %dma_start3A_878 = tpu.memref_slice %arg10[%dma_start3A_877] : memref<16384xf32, #tpu.memory_space<vmem>> -> memref<512xf32, #tpu.memory_space<vmem>>
    %dma_start3A_879 = tpu.memref_slice %arg12[%multiple_of3A_873] : memref<512000xf32, #tpu.memory_space<vmem_shared>> -> memref<512xf32, #tpu.memory_space<vmem_shared>>
    tpu.enqueue_dma source(%dma_start3A_879 : memref<512xf32, #tpu.memory_space<vmem_shared>>) target(%dma_start3A_878 : memref<512xf32, #tpu.memory_space<vmem>>) target_semaphore(%arg16 : memref<!tpu.dma_semaphore, #tpu.memory_space<semaphore_mem>>)
    %slice3A_880 = vector.extract_strided_slice %get3A_758 {offsets = [11], sizes = [1], strides = [1]} : vector<16xi32> to vector<1xi32>
    %squeeze3A_881 = vector.extract %slice3A_880[0] : i32 from vector<1xi32>
    %mul3A_882 = arith.constant 512 : i32
    %mul3A_883 = arith.muli %squeeze3A_881, %mul3A_882 : i32
    %multiple_of3A_884 = tpu.assume_multiple %mul3A_883, 512 : i32
    %dma_start3A_885 = arith.constant 13824 : i32
    %dma_start3A_886 = tpu.memref_slice %arg10[%dma_start3A_885] : memref<16384xf32, #tpu.memory_space<vmem>> -> memref<512xf32, #tpu.memory_space<vmem>>
    %dma_start3A_887 = tpu.memref_slice %arg12[%multiple_of3A_884] : memref<512000xf32, #tpu.memory_space<vmem_shared>> -> memref<512xf32, #tpu.memory_space<vmem_shared>>
    %dma_start3A_888 = arith.constant 13824 : i32
    %dma_start3A_889 = tpu.memref_slice %arg10[%dma_start3A_888] : memref<16384xf32, #tpu.memory_space<vmem>> -> memref<512xf32, #tpu.memory_space<vmem>>
    %dma_start3A_890 = tpu.memref_slice %arg12[%multiple_of3A_884] : memref<512000xf32, #tpu.memory_space<vmem_shared>> -> memref<512xf32, #tpu.memory_space<vmem_shared>>
    tpu.enqueue_dma source(%dma_start3A_890 : memref<512xf32, #tpu.memory_space<vmem_shared>>) target(%dma_start3A_889 : memref<512xf32, #tpu.memory_space<vmem>>) target_semaphore(%arg16 : memref<!tpu.dma_semaphore, #tpu.memory_space<semaphore_mem>>)
    %slice3A_891 = vector.extract_strided_slice %get3A_758 {offsets = [12], sizes = [1], strides = [1]} : vector<16xi32> to vector<1xi32>
    %squeeze3A_892 = vector.extract %slice3A_891[0] : i32 from vector<1xi32>
    %mul3A_893 = arith.constant 512 : i32
    %mul3A_894 = arith.muli %squeeze3A_892, %mul3A_893 : i32
    %multiple_of3A_895 = tpu.assume_multiple %mul3A_894, 512 : i32
    %dma_start3A_896 = arith.constant 14336 : i32
    %dma_start3A_897 = tpu.memref_slice %arg10[%dma_start3A_896] : memref<16384xf32, #tpu.memory_space<vmem>> -> memref<512xf32, #tpu.memory_space<vmem>>
    %dma_start3A_898 = tpu.memref_slice %arg12[%multiple_of3A_895] : memref<512000xf32, #tpu.memory_space<vmem_shared>> -> memref<512xf32, #tpu.memory_space<vmem_shared>>
    %dma_start3A_899 = arith.constant 14336 : i32
    %dma_start3A_900 = tpu.memref_slice %arg10[%dma_start3A_899] : memref<16384xf32, #tpu.memory_space<vmem>> -> memref<512xf32, #tpu.memory_space<vmem>>
    %dma_start3A_901 = tpu.memref_slice %arg12[%multiple_of3A_895] : memref<512000xf32, #tpu.memory_space<vmem_shared>> -> memref<512xf32, #tpu.memory_space<vmem_shared>>
    tpu.enqueue_dma source(%dma_start3A_901 : memref<512xf32, #tpu.memory_space<vmem_shared>>) target(%dma_start3A_900 : memref<512xf32, #tpu.memory_space<vmem>>) target_semaphore(%arg16 : memref<!tpu.dma_semaphore, #tpu.memory_space<semaphore_mem>>)
    %slice3A_902 = vector.extract_strided_slice %get3A_758 {offsets = [13], sizes = [1], strides = [1]} : vector<16xi32> to vector<1xi32>
    %squeeze3A_903 = vector.extract %slice3A_902[0] : i32 from vector<1xi32>
    %mul3A_904 = arith.constant 512 : i32
    %mul3A_905 = arith.muli %squeeze3A_903, %mul3A_904 : i32
    %multiple_of3A_906 = tpu.assume_multiple %mul3A_905, 512 : i32
    %dma_start3A_907 = arith.constant 14848 : i32
    %dma_start3A_908 = tpu.memref_slice %arg10[%dma_start3A_907] : memref<16384xf32, #tpu.memory_space<vmem>> -> memref<512xf32, #tpu.memory_space<vmem>>
    %dma_start3A_909 = tpu.memref_slice %arg12[%multiple_of3A_906] : memref<512000xf32, #tpu.memory_space<vmem_shared>> -> memref<512xf32, #tpu.memory_space<vmem_shared>>
    %dma_start3A_910 = arith.constant 14848 : i32
    %dma_start3A_911 = tpu.memref_slice %arg10[%dma_start3A_910] : memref<16384xf32, #tpu.memory_space<vmem>> -> memref<512xf32, #tpu.memory_space<vmem>>
    %dma_start3A_912 = tpu.memref_slice %arg12[%multiple_of3A_906] : memref<512000xf32, #tpu.memory_space<vmem_shared>> -> memref<512xf32, #tpu.memory_space<vmem_shared>>
    tpu.enqueue_dma source(%dma_start3A_912 : memref<512xf32, #tpu.memory_space<vmem_shared>>) target(%dma_start3A_911 : memref<512xf32, #tpu.memory_space<vmem>>) target_semaphore(%arg16 : memref<!tpu.dma_semaphore, #tpu.memory_space<semaphore_mem>>)
    %slice3A_913 = vector.extract_strided_slice %get3A_758 {offsets = [14], sizes = [1], strides = [1]} : vector<16xi32> to vector<1xi32>
    %squeeze3A_914 = vector.extract %slice3A_913[0] : i32 from vector<1xi32>
    %mul3A_915 = arith.constant 512 : i32
    %mul3A_916 = arith.muli %squeeze3A_914, %mul3A_915 : i32
    %multiple_of3A_917 = tpu.assume_multiple %mul3A_916, 512 : i32
    %dma_start3A_918 = arith.constant 15360 : i32
    %dma_start3A_919 = tpu.memref_slice %arg10[%dma_start3A_918] : memref<16384xf32, #tpu.memory_space<vmem>> -> memref<512xf32, #tpu.memory_space<vmem>>
    %dma_start3A_920 = tpu.memref_slice %arg12[%multiple_of3A_917] : memref<512000xf32, #tpu.memory_space<vmem_shared>> -> memref<512xf32, #tpu.memory_space<vmem_shared>>
    %dma_start3A_921 = arith.constant 15360 : i32
    %dma_start3A_922 = tpu.memref_slice %arg10[%dma_start3A_921] : memref<16384xf32, #tpu.memory_space<vmem>> -> memref<512xf32, #tpu.memory_space<vmem>>
    %dma_start3A_923 = tpu.memref_slice %arg12[%multiple_of3A_917] : memref<512000xf32, #tpu.memory_space<vmem_shared>> -> memref<512xf32, #tpu.memory_space<vmem_shared>>
    tpu.enqueue_dma source(%dma_start3A_923 : memref<512xf32, #tpu.memory_space<vmem_shared>>) target(%dma_start3A_922 : memref<512xf32, #tpu.memory_space<vmem>>) target_semaphore(%arg16 : memref<!tpu.dma_semaphore, #tpu.memory_space<semaphore_mem>>)
    %slice3A_924 = vector.extract_strided_slice %get3A_758 {offsets = [15], sizes = [1], strides = [1]} : vector<16xi32> to vector<1xi32>
    %squeeze3A_925 = vector.extract %slice3A_924[0] : i32 from vector<1xi32>
    %mul3A_926 = arith.constant 512 : i32
    %mul3A_927 = arith.muli %squeeze3A_925, %mul3A_926 : i32
    %multiple_of3A_928 = tpu.assume_multiple %mul3A_927, 512 : i32
    %dma_start3A_929 = arith.constant 15872 : i32
    %dma_start3A_930 = tpu.memref_slice %arg10[%dma_start3A_929] : memref<16384xf32, #tpu.memory_space<vmem>> -> memref<512xf32, #tpu.memory_space<vmem>>
    %dma_start3A_931 = tpu.memref_slice %arg12[%multiple_of3A_928] : memref<512000xf32, #tpu.memory_space<vmem_shared>> -> memref<512xf32, #tpu.memory_space<vmem_shared>>
    %dma_start3A_932 = arith.constant 15872 : i32
    %dma_start3A_933 = tpu.memref_slice %arg10[%dma_start3A_932] : memref<16384xf32, #tpu.memory_space<vmem>> -> memref<512xf32, #tpu.memory_space<vmem>>
    %dma_start3A_934 = tpu.memref_slice %arg12[%multiple_of3A_928] : memref<512000xf32, #tpu.memory_space<vmem_shared>> -> memref<512xf32, #tpu.memory_space<vmem_shared>>
    tpu.enqueue_dma source(%dma_start3A_934 : memref<512xf32, #tpu.memory_space<vmem_shared>>) target(%dma_start3A_933 : memref<512xf32, #tpu.memory_space<vmem>>) target_semaphore(%arg16 : memref<!tpu.dma_semaphore, #tpu.memory_space<semaphore_mem>>)
    %broadcast_in_dim3A = arith.constant 0.000000e+00 : f32
    %broadcast_in_dim3A_935 = vector.broadcast %broadcast_in_dim3A : f32 to vector<16xf32>
    %scan3A = arith.constant 0 : i32
    %scan3A_936 = arith.constant 5 : i32
    %scan3A_937 = arith.addi %scan3A, %scan3A_936 : i32
    %scan3A_938 = arith.constant 1 : i32
    %scan3A_939:4 = scf.for %scan3A_947 = %scan3A to %scan3A_937 step %scan3A_938 iter_args(%scan3A_948 = %broadcast_in_dim3A_935, %scan3A_949 = %broadcast_in_dim3A_935, %scan3A_950 = %broadcast_in_dim3A_935, %scan3A_951 = %broadcast_in_dim3A_935) -> (vector<16xf32>, vector<16xf32>, vector<16xf32>, vector<16xf32>)  : i32 {
      %mul3A_952 = arith.constant 2 : i32
      %mul3A_953 = arith.muli %scan3A_947, %mul3A_952 : i32
      %add3A_954 = arith.constant 0 : i32
      %add3A_955 = arith.addi %mul3A_953, %add3A_954 : i32
      %dma_wait3A_956 = arith.constant 0 : i32
      %dma_wait3A_957 = arith.constant 0 : i32
      %dma_wait3A_958 = tpu.memref_slice %arg2[%dma_wait3A_956, %dma_wait3A_957] : memref<16384x512xf32, #tpu.memory_space<hbm>> -> memref<32x512xf32, #tpu.memory_space<hbm>>
      %dma_wait3A_959 = arith.constant 0 : i32
      %dma_wait3A_960 = arith.constant 0 : i32
      %dma_wait3A_961 = tpu.memref_slice %arg2[%dma_wait3A_959, %dma_wait3A_960] : memref<16384x512xf32, #tpu.memory_space<hbm>> -> memref<32x512xf32, #tpu.memory_space<hbm>>
      tpu.wait_dma2 semaphore(%arg13 : memref<!tpu.dma_semaphore, #tpu.memory_space<semaphore_mem>>) src(%dma_wait3A_961 : memref<32x512xf32, #tpu.memory_space<hbm>>) dst(%arg7 : memref<32x512xf32, #tpu.memory_space<vmem>>)
      %dma_wait3A_962 = arith.constant 0 : i32
      %dma_wait3A_963 = tpu.memref_slice %arg4[%dma_wait3A_962] : memref<512000xf32, #tpu.memory_space<hbm>> -> memref<16384xf32, #tpu.memory_space<hbm>>
      %dma_wait3A_964 = arith.constant 0 : i32
      %dma_wait3A_965 = tpu.memref_slice %arg4[%dma_wait3A_964] : memref<512000xf32, #tpu.memory_space<hbm>> -> memref<16384xf32, #tpu.memory_space<hbm>>
      tpu.wait_dma2 semaphore(%arg15 : memref<!tpu.dma_semaphore, #tpu.memory_space<semaphore_mem>>) src(%dma_wait3A_965 : memref<16384xf32, #tpu.memory_space<hbm>>) dst(%arg9 : memref<16384xf32, #tpu.memory_space<vmem>>)
      %parallel_loop3A = arith.constant 0 : i32
      %parallel_loop3A_966 = arith.constant 32 : i32
      %parallel_loop3A_967 = arith.constant 1 : i32
      %parallel_loop3A_968:4 = scf.for %parallel_loop3A_999 = %parallel_loop3A to %parallel_loop3A_966 step %parallel_loop3A_967 iter_args(%parallel_loop3A_1000 = %scan3A_948, %parallel_loop3A_1001 = %scan3A_949, %parallel_loop3A_1002 = %scan3A_950, %parallel_loop3A_1003 = %scan3A_951) -> (vector<16xf32>, vector<16xf32>, vector<16xf32>, vector<16xf32>)  : i32 {
        %parallel_loop3A_1004 = arith.constant 512 : i32
        %parallel_loop3A_1005 = arith.muli %parallel_loop3A_999, %parallel_loop3A_1004 : i32
        %parallel_loop3A_1006 = arith.index_cast %parallel_loop3A_999 : i32 to index
        %parallel_loop3A_1007 = arith.constant 0 : index
        %parallel_loop3A_1008 = tpu.vector_load %arg7[%parallel_loop3A_1006, %parallel_loop3A_1007] {strides = array<i32>} : memref<32x512xf32, #tpu.memory_space<vmem>>, vector<1x16xf32>,
        %parallel_loop3A_1009 = vector.shape_cast %parallel_loop3A_1008 : vector<1x16xf32> to vector<16xf32>
        %parallel_loop3A_1010 = arith.constant 0 : i32
        %parallel_loop3A_1011 = arith.addi %parallel_loop3A_1005, %parallel_loop3A_1010 : i32
        %parallel_loop3A_1012 = arith.index_cast %parallel_loop3A_1011 : i32 to index
        %parallel_loop3A_1013 = tpu.vector_load %arg9[%parallel_loop3A_1012] {strides = array<i32>} : memref<16384xf32, #tpu.memory_space<vmem>>, vector<16xf32>,
        %parallel_loop3A_1014 = vector.shape_cast %parallel_loop3A_1013 : vector<16xf32> to vector<16xf32>
        %parallel_loop3A_1015 = arith.subf %parallel_loop3A_1009, %parallel_loop3A_1014 : vector<16xf32>
        %parallel_loop3A_1016 = arith.mulf %parallel_loop3A_1015, %parallel_loop3A_1015 : vector<16xf32>
        %parallel_loop3A_1017 = arith.addf %parallel_loop3A_1000, %parallel_loop3A_1016 : vector<16xf32>
        %parallel_loop3A_1018 = arith.index_cast %parallel_loop3A_999 : i32 to index
        %parallel_loop3A_1019 = arith.constant 16 : index
        %parallel_loop3A_1020 = tpu.vector_load %arg7[%parallel_loop3A_1018, %parallel_loop3A_1019] {strides = array<i32>} : memref<32x512xf32, #tpu.memory_space<vmem>>, vector<1x16xf32>,
        %parallel_loop3A_1021 = vector.shape_cast %parallel_loop3A_1020 : vector<1x16xf32> to vector<16xf32>
        %parallel_loop3A_1022 = arith.constant 16 : i32
        %parallel_loop3A_1023 = arith.addi %parallel_loop3A_1005, %parallel_loop3A_1022 : i32
        %parallel_loop3A_1024 = arith.index_cast %parallel_loop3A_1023 : i32 to index
        %parallel_loop3A_1025 = tpu.vector_load %arg9[%parallel_loop3A_1024] {strides = array<i32>} : memref<16384xf32, #tpu.memory_space<vmem>>, vector<16xf32>,
        %parallel_loop3A_1026 = vector.shape_cast %parallel_loop3A_1025 : vector<16xf32> to vector<16xf32>
        %parallel_loop3A_1027 = arith.subf %parallel_loop3A_1021, %parallel_loop3A_1026 : vector<16xf32>
        %parallel_loop3A_1028 = arith.mulf %parallel_loop3A_1027, %parallel_loop3A_1027 : vector<16xf32>
        %parallel_loop3A_1029 = arith.addf %parallel_loop3A_1001, %parallel_loop3A_1028 : vector<16xf32>
        %parallel_loop3A_1030 = arith.index_cast %parallel_loop3A_999 : i32 to index
        %parallel_loop3A_1031 = arith.constant 32 : index
        %parallel_loop3A_1032 = tpu.vector_load %arg7[%parallel_loop3A_1030, %parallel_loop3A_1031] {strides = array<i32>} : memref<32x512xf32, #tpu.memory_space<vmem>>, vector<1x16xf32>,
        %parallel_loop3A_1033 = vector.shape_cast %parallel_loop3A_1032 : vector<1x16xf32> to vector<16xf32>
        %parallel_loop3A_1034 = arith.constant 32 : i32
        %parallel_loop3A_1035 = arith.addi %parallel_loop3A_1005, %parallel_loop3A_1034 : i32
        %parallel_loop3A_1036 = arith.index_cast %parallel_loop3A_1035 : i32 to index
        %parallel_loop3A_1037 = tpu.vector_load %arg9[%parallel_loop3A_1036] {strides = array<i32>} : memref<16384xf32, #tpu.memory_space<vmem>>, vector<16xf32>,
        %parallel_loop3A_1038 = vector.shape_cast %parallel_loop3A_1037 : vector<16xf32> to vector<16xf32>
        %parallel_loop3A_1039 = arith.subf %parallel_loop3A_1033, %parallel_loop3A_1038 : vector<16xf32>
        %parallel_loop3A_1040 = arith.mulf %parallel_loop3A_1039, %parallel_loop3A_1039 : vector<16xf32>
        %parallel_loop3A_1041 = arith.addf %parallel_loop3A_1002, %parallel_loop3A_1040 : vector<16xf32>
        %parallel_loop3A_1042 = arith.index_cast %parallel_loop3A_999 : i32 to index
        %parallel_loop3A_1043 = arith.constant 48 : index
        %parallel_loop3A_1044 = tpu.vector_load %arg7[%parallel_loop3A_1042, %parallel_loop3A_1043] {strides = array<i32>} : memref<32x512xf32, #tpu.memory_space<vmem>>, vector<1x16xf32>,
        %parallel_loop3A_1045 = vector.shape_cast %parallel_loop3A_1044 : vector<1x16xf32> to vector<16xf32>
        %parallel_loop3A_1046 = arith.constant 48 : i32
        %parallel_loop3A_1047 = arith.addi %parallel_loop3A_1005, %parallel_loop3A_1046 : i32
        %parallel_loop3A_1048 = arith.index_cast %parallel_loop3A_1047 : i32 to index
        %parallel_loop3A_1049 = tpu.vector_load %arg9[%parallel_loop3A_1048] {strides = array<i32>} : memref<16384xf32, #tpu.memory_space<vmem>>, vector<16xf32>,
        %parallel_loop3A_1050 = vector.shape_cast %parallel_loop3A_1049 : vector<16xf32> to vector<16xf32>
        %parallel_loop3A_1051 = arith.subf %parallel_loop3A_1045, %parallel_loop3A_1050 : vector<16xf32>
        %parallel_loop3A_1052 = arith.mulf %parallel_loop3A_1051, %parallel_loop3A_1051 : vector<16xf32>
        %parallel_loop3A_1053 = arith.addf %parallel_loop3A_1003, %parallel_loop3A_1052 : vector<16xf32>
        %parallel_loop3A_1054 = arith.index_cast %parallel_loop3A_999 : i32 to index
        %parallel_loop3A_1055 = arith.constant 64 : index
        %parallel_loop3A_1056 = tpu.vector_load %arg7[%parallel_loop3A_1054, %parallel_loop3A_1055] {strides = array<i32>} : memref<32x512xf32, #tpu.memory_space<vmem>>, vector<1x16xf32>,
        %parallel_loop3A_1057 = vector.shape_cast %parallel_loop3A_1056 : vector<1x16xf32> to vector<16xf32>
        %parallel_loop3A_1058 = arith.constant 64 : i32
        %parallel_loop3A_1059 = arith.addi %parallel_loop3A_1005, %parallel_loop3A_1058 : i32
        %parallel_loop3A_1060 = arith.index_cast %parallel_loop3A_1059 : i32 to index
        %parallel_loop3A_1061 = tpu.vector_load %arg9[%parallel_loop3A_1060] {strides = array<i32>} : memref<16384xf32, #tpu.memory_space<vmem>>, vector<16xf32>,
        %parallel_loop3A_1062 = vector.shape_cast %parallel_loop3A_1061 : vector<16xf32> to vector<16xf32>
        %parallel_loop3A_1063 = arith.subf %parallel_loop3A_1057, %parallel_loop3A_1062 : vector<16xf32>
        %parallel_loop3A_1064 = arith.mulf %parallel_loop3A_1063, %parallel_loop3A_1063 : vector<16xf32>
        %parallel_loop3A_1065 = arith.addf %parallel_loop3A_1017, %parallel_loop3A_1064 : vector<16xf32>
        %parallel_loop3A_1066 = arith.index_cast %parallel_loop3A_999 : i32 to index
        %parallel_loop3A_1067 = arith.constant 80 : index
        %parallel_loop3A_1068 = tpu.vector_load %arg7[%parallel_loop3A_1066, %parallel_loop3A_1067] {strides = array<i32>} : memref<32x512xf32, #tpu.memory_space<vmem>>, vector<1x16xf32>,
        %parallel_loop3A_1069 = vector.shape_cast %parallel_loop3A_1068 : vector<1x16xf32> to vector<16xf32>
        %parallel_loop3A_1070 = arith.constant 80 : i32
        %parallel_loop3A_1071 = arith.addi %parallel_loop3A_1005, %parallel_loop3A_1070 : i32
        %parallel_loop3A_1072 = arith.index_cast %parallel_loop3A_1071 : i32 to index
        %parallel_loop3A_1073 = tpu.vector_load %arg9[%parallel_loop3A_1072] {strides = array<i32>} : memref<16384xf32, #tpu.memory_space<vmem>>, vector<16xf32>,
        %parallel_loop3A_1074 = vector.shape_cast %parallel_loop3A_1073 : vector<16xf32> to vector<16xf32>
        %parallel_loop3A_1075 = arith.subf %parallel_loop3A_1069, %parallel_loop3A_1074 : vector<16xf32>
        %parallel_loop3A_1076 = arith.mulf %parallel_loop3A_1075, %parallel_loop3A_1075 : vector<16xf32>
        %parallel_loop3A_1077 = arith.addf %parallel_loop3A_1029, %parallel_loop3A_1076 : vector<16xf32>
        %parallel_loop3A_1078 = arith.index_cast %parallel_loop3A_999 : i32 to index
        %parallel_loop3A_1079 = arith.constant 96 : index
        %parallel_loop3A_1080 = tpu.vector_load %arg7[%parallel_loop3A_1078, %parallel_loop3A_1079] {strides = array<i32>} : memref<32x512xf32, #tpu.memory_space<vmem>>, vector<1x16xf32>,
        %parallel_loop3A_1081 = vector.shape_cast %parallel_loop3A_1080 : vector<1x16xf32> to vector<16xf32>
        %parallel_loop3A_1082 = arith.constant 96 : i32
        %parallel_loop3A_1083 = arith.addi %parallel_loop3A_1005, %parallel_loop3A_1082 : i32
        %parallel_loop3A_1084 = arith.index_cast %parallel_loop3A_1083 : i32 to index
        %parallel_loop3A_1085 = tpu.vector_load %arg9[%parallel_loop3A_1084] {strides = array<i32>} : memref<16384xf32, #tpu.memory_space<vmem>>, vector<16xf32>,
        %parallel_loop3A_1086 = vector.shape_cast %parallel_loop3A_1085 : vector<16xf32> to vector<16xf32>
        %parallel_loop3A_1087 = arith.subf %parallel_loop3A_1081, %parallel_loop3A_1086 : vector<16xf32>
        %parallel_loop3A_1088 = arith.mulf %parallel_loop3A_1087, %parallel_loop3A_1087 : vector<16xf32>
        %parallel_loop3A_1089 = arith.addf %parallel_loop3A_1041, %parallel_loop3A_1088 : vector<16xf32>
        %parallel_loop3A_1090 = arith.index_cast %parallel_loop3A_999 : i32 to index
        %parallel_loop3A_1091 = arith.constant 112 : index
        %parallel_loop3A_1092 = tpu.vector_load %arg7[%parallel_loop3A_1090, %parallel_loop3A_1091] {strides = array<i32>} : memref<32x512xf32, #tpu.memory_space<vmem>>, vector<1x16xf32>,
        %parallel_loop3A_1093 = vector.shape_cast %parallel_loop3A_1092 : vector<1x16xf32> to vector<16xf32>
        %parallel_loop3A_1094 = arith.constant 112 : i32
        %parallel_loop3A_1095 = arith.addi %parallel_loop3A_1005, %parallel_loop3A_1094 : i32
        %parallel_loop3A_1096 = arith.index_cast %parallel_loop3A_1095 : i32 to index
        %parallel_loop3A_1097 = tpu.vector_load %arg9[%parallel_loop3A_1096] {strides = array<i32>} : memref<16384xf32, #tpu.memory_space<vmem>>, vector<16xf32>,
        %parallel_loop3A_1098 = vector.shape_cast %parallel_loop3A_1097 : vector<16xf32> to vector<16xf32>
        %parallel_loop3A_1099 = arith.subf %parallel_loop3A_1093, %parallel_loop3A_1098 : vector<16xf32>
        %parallel_loop3A_1100 = arith.mulf %parallel_loop3A_1099, %parallel_loop3A_1099 : vector<16xf32>
        %parallel_loop3A_1101 = arith.addf %parallel_loop3A_1053, %parallel_loop3A_1100 : vector<16xf32>
        %parallel_loop3A_1102 = arith.index_cast %parallel_loop3A_999 : i32 to index
        %parallel_loop3A_1103 = arith.constant 128 : index
        %parallel_loop3A_1104 = tpu.vector_load %arg7[%parallel_loop3A_1102, %parallel_loop3A_1103] {strides = array<i32>} : memref<32x512xf32, #tpu.memory_space<vmem>>, vector<1x16xf32>,
        %parallel_loop3A_1105 = vector.shape_cast %parallel_loop3A_1104 : vector<1x16xf32> to vector<16xf32>
        %parallel_loop3A_1106 = arith.constant 128 : i32
        %parallel_loop3A_1107 = arith.addi %parallel_loop3A_1005, %parallel_loop3A_1106 : i32
        %parallel_loop3A_1108 = arith.index_cast %parallel_loop3A_1107 : i32 to index
        %parallel_loop3A_1109 = tpu.vector_load %arg9[%parallel_loop3A_1108] {strides = array<i32>} : memref<16384xf32, #tpu.memory_space<vmem>>, vector<16xf32>,
        %parallel_loop3A_1110 = vector.shape_cast %parallel_loop3A_1109 : vector<16xf32> to vector<16xf32>
        %parallel_loop3A_1111 = arith.subf %parallel_loop3A_1105, %parallel_loop3A_1110 : vector<16xf32>
        %parallel_loop3A_1112 = arith.mulf %parallel_loop3A_1111, %parallel_loop3A_1111 : vector<16xf32>
        %parallel_loop3A_1113 = arith.addf %parallel_loop3A_1065, %parallel_loop3A_1112 : vector<16xf32>
        %parallel_loop3A_1114 = arith.index_cast %parallel_loop3A_999 : i32 to index
        %parallel_loop3A_1115 = arith.constant 144 : index
        %parallel_loop3A_1116 = tpu.vector_load %arg7[%parallel_loop3A_1114, %parallel_loop3A_1115] {strides = array<i32>} : memref<32x512xf32, #tpu.memory_space<vmem>>, vector<1x16xf32>,
        %parallel_loop3A_1117 = vector.shape_cast %parallel_loop3A_1116 : vector<1x16xf32> to vector<16xf32>
        %parallel_loop3A_1118 = arith.constant 144 : i32
        %parallel_loop3A_1119 = arith.addi %parallel_loop3A_1005, %parallel_loop3A_1118 : i32
        %parallel_loop3A_1120 = arith.index_cast %parallel_loop3A_1119 : i32 to index
        %parallel_loop3A_1121 = tpu.vector_load %arg9[%parallel_loop3A_1120] {strides = array<i32>} : memref<16384xf32, #tpu.memory_space<vmem>>, vector<16xf32>,
        %parallel_loop3A_1122 = vector.shape_cast %parallel_loop3A_1121 : vector<16xf32> to vector<16xf32>
        %parallel_loop3A_1123 = arith.subf %parallel_loop3A_1117, %parallel_loop3A_1122 : vector<16xf32>
        %parallel_loop3A_1124 = arith.mulf %parallel_loop3A_1123, %parallel_loop3A_1123 : vector<16xf32>
        %parallel_loop3A_1125 = arith.addf %parallel_loop3A_1077, %parallel_loop3A_1124 : vector<16xf32>
        %parallel_loop3A_1126 = arith.index_cast %parallel_loop3A_999 : i32 to index
        %parallel_loop3A_1127 = arith.constant 160 : index
        %parallel_loop3A_1128 = tpu.vector_load %arg7[%parallel_loop3A_1126, %parallel_loop3A_1127] {strides = array<i32>} : memref<32x512xf32, #tpu.memory_space<vmem>>, vector<1x16xf32>,
        %parallel_loop3A_1129 = vector.shape_cast %parallel_loop3A_1128 : vector<1x16xf32> to vector<16xf32>
        %parallel_loop3A_1130 = arith.constant 160 : i32
        %parallel_loop3A_1131 = arith.addi %parallel_loop3A_1005, %parallel_loop3A_1130 : i32
        %parallel_loop3A_1132 = arith.index_cast %parallel_loop3A_1131 : i32 to index
        %parallel_loop3A_1133 = tpu.vector_load %arg9[%parallel_loop3A_1132] {strides = array<i32>} : memref<16384xf32, #tpu.memory_space<vmem>>, vector<16xf32>,
        %parallel_loop3A_1134 = vector.shape_cast %parallel_loop3A_1133 : vector<16xf32> to vector<16xf32>
        %parallel_loop3A_1135 = arith.subf %parallel_loop3A_1129, %parallel_loop3A_1134 : vector<16xf32>
        %parallel_loop3A_1136 = arith.mulf %parallel_loop3A_1135, %parallel_loop3A_1135 : vector<16xf32>
        %parallel_loop3A_1137 = arith.addf %parallel_loop3A_1089, %parallel_loop3A_1136 : vector<16xf32>
        %parallel_loop3A_1138 = arith.index_cast %parallel_loop3A_999 : i32 to index
        %parallel_loop3A_1139 = arith.constant 176 : index
        %parallel_loop3A_1140 = tpu.vector_load %arg7[%parallel_loop3A_1138, %parallel_loop3A_1139] {strides = array<i32>} : memref<32x512xf32, #tpu.memory_space<vmem>>, vector<1x16xf32>,
        %parallel_loop3A_1141 = vector.shape_cast %parallel_loop3A_1140 : vector<1x16xf32> to vector<16xf32>
        %parallel_loop3A_1142 = arith.constant 176 : i32
        %parallel_loop3A_1143 = arith.addi %parallel_loop3A_1005, %parallel_loop3A_1142 : i32
        %parallel_loop3A_1144 = arith.index_cast %parallel_loop3A_1143 : i32 to index
        %parallel_loop3A_1145 = tpu.vector_load %arg9[%parallel_loop3A_1144] {strides = array<i32>} : memref<16384xf32, #tpu.memory_space<vmem>>, vector<16xf32>,
        %parallel_loop3A_1146 = vector.shape_cast %parallel_loop3A_1145 : vector<16xf32> to vector<16xf32>
        %parallel_loop3A_1147 = arith.subf %parallel_loop3A_1141, %parallel_loop3A_1146 : vector<16xf32>
        %parallel_loop3A_1148 = arith.mulf %parallel_loop3A_1147, %parallel_loop3A_1147 : vector<16xf32>
        %parallel_loop3A_1149 = arith.addf %parallel_loop3A_1101, %parallel_loop3A_1148 : vector<16xf32>
        %parallel_loop3A_1150 = arith.index_cast %parallel_loop3A_999 : i32 to index
        %parallel_loop3A_1151 = arith.constant 192 : index
        %parallel_loop3A_1152 = tpu.vector_load %arg7[%parallel_loop3A_1150, %parallel_loop3A_1151] {strides = array<i32>} : memref<32x512xf32, #tpu.memory_space<vmem>>, vector<1x16xf32>,
        %parallel_loop3A_1153 = vector.shape_cast %parallel_loop3A_1152 : vector<1x16xf32> to vector<16xf32>
        %parallel_loop3A_1154 = arith.constant 192 : i32
        %parallel_loop3A_1155 = arith.addi %parallel_loop3A_1005, %parallel_loop3A_1154 : i32
        %parallel_loop3A_1156 = arith.index_cast %parallel_loop3A_1155 : i32 to index
        %parallel_loop3A_1157 = tpu.vector_load %arg9[%parallel_loop3A_1156] {strides = array<i32>} : memref<16384xf32, #tpu.memory_space<vmem>>, vector<16xf32>,
        %parallel_loop3A_1158 = vector.shape_cast %parallel_loop3A_1157 : vector<16xf32> to vector<16xf32>
        %parallel_loop3A_1159 = arith.subf %parallel_loop3A_1153, %parallel_loop3A_1158 : vector<16xf32>
        %parallel_loop3A_1160 = arith.mulf %parallel_loop3A_1159, %parallel_loop3A_1159 : vector<16xf32>
        %parallel_loop3A_1161 = arith.addf %parallel_loop3A_1113, %parallel_loop3A_1160 : vector<16xf32>
        %parallel_loop3A_1162 = arith.index_cast %parallel_loop3A_999 : i32 to index
        %parallel_loop3A_1163 = arith.constant 208 : index
        %parallel_loop3A_1164 = tpu.vector_load %arg7[%parallel_loop3A_1162, %parallel_loop3A_1163] {strides = array<i32>} : memref<32x512xf32, #tpu.memory_space<vmem>>, vector<1x16xf32>,
        %parallel_loop3A_1165 = vector.shape_cast %parallel_loop3A_1164 : vector<1x16xf32> to vector<16xf32>
        %parallel_loop3A_1166 = arith.constant 208 : i32
        %parallel_loop3A_1167 = arith.addi %parallel_loop3A_1005, %parallel_loop3A_1166 : i32
        %parallel_loop3A_1168 = arith.index_cast %parallel_loop3A_1167 : i32 to index
        %parallel_loop3A_1169 = tpu.vector_load %arg9[%parallel_loop3A_1168] {strides = array<i32>} : memref<16384xf32, #tpu.memory_space<vmem>>, vector<16xf32>,
        %parallel_loop3A_1170 = vector.shape_cast %parallel_loop3A_1169 : vector<16xf32> to vector<16xf32>
        %parallel_loop3A_1171 = arith.subf %parallel_loop3A_1165, %parallel_loop3A_1170 : vector<16xf32>
        %parallel_loop3A_1172 = arith.mulf %parallel_loop3A_1171, %parallel_loop3A_1171 : vector<16xf32>
        %parallel_loop3A_1173 = arith.addf %parallel_loop3A_1125, %parallel_loop3A_1172 : vector<16xf32>
        %parallel_loop3A_1174 = arith.index_cast %parallel_loop3A_999 : i32 to index
        %parallel_loop3A_1175 = arith.constant 224 : index
        %parallel_loop3A_1176 = tpu.vector_load %arg7[%parallel_loop3A_1174, %parallel_loop3A_1175] {strides = array<i32>} : memref<32x512xf32, #tpu.memory_space<vmem>>, vector<1x16xf32>,
        %parallel_loop3A_1177 = vector.shape_cast %parallel_loop3A_1176 : vector<1x16xf32> to vector<16xf32>
        %parallel_loop3A_1178 = arith.constant 224 : i32
        %parallel_loop3A_1179 = arith.addi %parallel_loop3A_1005, %parallel_loop3A_1178 : i32
        %parallel_loop3A_1180 = arith.index_cast %parallel_loop3A_1179 : i32 to index
        %parallel_loop3A_1181 = tpu.vector_load %arg9[%parallel_loop3A_1180] {strides = array<i32>} : memref<16384xf32, #tpu.memory_space<vmem>>, vector<16xf32>,
        %parallel_loop3A_1182 = vector.shape_cast %parallel_loop3A_1181 : vector<16xf32> to vector<16xf32>
        %parallel_loop3A_1183 = arith.subf %parallel_loop3A_1177, %parallel_loop3A_1182 : vector<16xf32>
        %parallel_loop3A_1184 = arith.mulf %parallel_loop3A_1183, %parallel_loop3A_1183 : vector<16xf32>
        %parallel_loop3A_1185 = arith.addf %parallel_loop3A_1137, %parallel_loop3A_1184 : vector<16xf32>
        %parallel_loop3A_1186 = arith.index_cast %parallel_loop3A_999 : i32 to index
        %parallel_loop3A_1187 = arith.constant 240 : index
        %parallel_loop3A_1188 = tpu.vector_load %arg7[%parallel_loop3A_1186, %parallel_loop3A_1187] {strides = array<i32>} : memref<32x512xf32, #tpu.memory_space<vmem>>, vector<1x16xf32>,
        %parallel_loop3A_1189 = vector.shape_cast %parallel_loop3A_1188 : vector<1x16xf32> to vector<16xf32>
        %parallel_loop3A_1190 = arith.constant 240 : i32
        %parallel_loop3A_1191 = arith.addi %parallel_loop3A_1005, %parallel_loop3A_1190 : i32
        %parallel_loop3A_1192 = arith.index_cast %parallel_loop3A_1191 : i32 to index
        %parallel_loop3A_1193 = tpu.vector_load %arg9[%parallel_loop3A_1192] {strides = array<i32>} : memref<16384xf32, #tpu.memory_space<vmem>>, vector<16xf32>,
        %parallel_loop3A_1194 = vector.shape_cast %parallel_loop3A_1193 : vector<16xf32> to vector<16xf32>
        %parallel_loop3A_1195 = arith.subf %parallel_loop3A_1189, %parallel_loop3A_1194 : vector<16xf32>
        %parallel_loop3A_1196 = arith.mulf %parallel_loop3A_1195, %parallel_loop3A_1195 : vector<16xf32>
        %parallel_loop3A_1197 = arith.addf %parallel_loop3A_1149, %parallel_loop3A_1196 : vector<16xf32>
        %parallel_loop3A_1198 = arith.index_cast %parallel_loop3A_999 : i32 to index
        %parallel_loop3A_1199 = arith.constant 256 : index
        %parallel_loop3A_1200 = tpu.vector_load %arg7[%parallel_loop3A_1198, %parallel_loop3A_1199] {strides = array<i32>} : memref<32x512xf32, #tpu.memory_space<vmem>>, vector<1x16xf32>,
        %parallel_loop3A_1201 = vector.shape_cast %parallel_loop3A_1200 : vector<1x16xf32> to vector<16xf32>
        %parallel_loop3A_1202 = arith.constant 256 : i32
        %parallel_loop3A_1203 = arith.addi %parallel_loop3A_1005, %parallel_loop3A_1202 : i32
        %parallel_loop3A_1204 = arith.index_cast %parallel_loop3A_1203 : i32 to index
        %parallel_loop3A_1205 = tpu.vector_load %arg9[%parallel_loop3A_1204] {strides = array<i32>} : memref<16384xf32, #tpu.memory_space<vmem>>, vector<16xf32>,
        %parallel_loop3A_1206 = vector.shape_cast %parallel_loop3A_1205 : vector<16xf32> to vector<16xf32>
        %parallel_loop3A_1207 = arith.subf %parallel_loop3A_1201, %parallel_loop3A_1206 : vector<16xf32>
        %parallel_loop3A_1208 = arith.mulf %parallel_loop3A_1207, %parallel_loop3A_1207 : vector<16xf32>
        %parallel_loop3A_1209 = arith.addf %parallel_loop3A_1161, %parallel_loop3A_1208 : vector<16xf32>
        %parallel_loop3A_1210 = arith.index_cast %parallel_loop3A_999 : i32 to index
        %parallel_loop3A_1211 = arith.constant 272 : index
        %parallel_loop3A_1212 = tpu.vector_load %arg7[%parallel_loop3A_1210, %parallel_loop3A_1211] {strides = array<i32>} : memref<32x512xf32, #tpu.memory_space<vmem>>, vector<1x16xf32>,
        %parallel_loop3A_1213 = vector.shape_cast %parallel_loop3A_1212 : vector<1x16xf32> to vector<16xf32>
        %parallel_loop3A_1214 = arith.constant 272 : i32
        %parallel_loop3A_1215 = arith.addi %parallel_loop3A_1005, %parallel_loop3A_1214 : i32
        %parallel_loop3A_1216 = arith.index_cast %parallel_loop3A_1215 : i32 to index
        %parallel_loop3A_1217 = tpu.vector_load %arg9[%parallel_loop3A_1216] {strides = array<i32>} : memref<16384xf32, #tpu.memory_space<vmem>>, vector<16xf32>,
        %parallel_loop3A_1218 = vector.shape_cast %parallel_loop3A_1217 : vector<16xf32> to vector<16xf32>
        %parallel_loop3A_1219 = arith.subf %parallel_loop3A_1213, %parallel_loop3A_1218 : vector<16xf32>
        %parallel_loop3A_1220 = arith.mulf %parallel_loop3A_1219, %parallel_loop3A_1219 : vector<16xf32>
        %parallel_loop3A_1221 = arith.addf %parallel_loop3A_1173, %parallel_loop3A_1220 : vector<16xf32>
        %parallel_loop3A_1222 = arith.index_cast %parallel_loop3A_999 : i32 to index
        %parallel_loop3A_1223 = arith.constant 288 : index
        %parallel_loop3A_1224 = tpu.vector_load %arg7[%parallel_loop3A_1222, %parallel_loop3A_1223] {strides = array<i32>} : memref<32x512xf32, #tpu.memory_space<vmem>>, vector<1x16xf32>,
        %parallel_loop3A_1225 = vector.shape_cast %parallel_loop3A_1224 : vector<1x16xf32> to vector<16xf32>
        %parallel_loop3A_1226 = arith.constant 288 : i32
        %parallel_loop3A_1227 = arith.addi %parallel_loop3A_1005, %parallel_loop3A_1226 : i32
        %parallel_loop3A_1228 = arith.index_cast %parallel_loop3A_1227 : i32 to index
        %parallel_loop3A_1229 = tpu.vector_load %arg9[%parallel_loop3A_1228] {strides = array<i32>} : memref<16384xf32, #tpu.memory_space<vmem>>, vector<16xf32>,
        %parallel_loop3A_1230 = vector.shape_cast %parallel_loop3A_1229 : vector<16xf32> to vector<16xf32>
        %parallel_loop3A_1231 = arith.subf %parallel_loop3A_1225, %parallel_loop3A_1230 : vector<16xf32>
        %parallel_loop3A_1232 = arith.mulf %parallel_loop3A_1231, %parallel_loop3A_1231 : vector<16xf32>
        %parallel_loop3A_1233 = arith.addf %parallel_loop3A_1185, %parallel_loop3A_1232 : vector<16xf32>
        %parallel_loop3A_1234 = arith.index_cast %parallel_loop3A_999 : i32 to index
        %parallel_loop3A_1235 = arith.constant 304 : index
        %parallel_loop3A_1236 = tpu.vector_load %arg7[%parallel_loop3A_1234, %parallel_loop3A_1235] {strides = array<i32>} : memref<32x512xf32, #tpu.memory_space<vmem>>, vector<1x16xf32>,
        %parallel_loop3A_1237 = vector.shape_cast %parallel_loop3A_1236 : vector<1x16xf32> to vector<16xf32>
        %parallel_loop3A_1238 = arith.constant 304 : i32
        %parallel_loop3A_1239 = arith.addi %parallel_loop3A_1005, %parallel_loop3A_1238 : i32
        %parallel_loop3A_1240 = arith.index_cast %parallel_loop3A_1239 : i32 to index
        %parallel_loop3A_1241 = tpu.vector_load %arg9[%parallel_loop3A_1240] {strides = array<i32>} : memref<16384xf32, #tpu.memory_space<vmem>>, vector<16xf32>,
        %parallel_loop3A_1242 = vector.shape_cast %parallel_loop3A_1241 : vector<16xf32> to vector<16xf32>
        %parallel_loop3A_1243 = arith.subf %parallel_loop3A_1237, %parallel_loop3A_1242 : vector<16xf32>
        %parallel_loop3A_1244 = arith.mulf %parallel_loop3A_1243, %parallel_loop3A_1243 : vector<16xf32>
        %parallel_loop3A_1245 = arith.addf %parallel_loop3A_1197, %parallel_loop3A_1244 : vector<16xf32>
        %parallel_loop3A_1246 = arith.index_cast %parallel_loop3A_999 : i32 to index
        %parallel_loop3A_1247 = arith.constant 320 : index
        %parallel_loop3A_1248 = tpu.vector_load %arg7[%parallel_loop3A_1246, %parallel_loop3A_1247] {strides = array<i32>} : memref<32x512xf32, #tpu.memory_space<vmem>>, vector<1x16xf32>,
        %parallel_loop3A_1249 = vector.shape_cast %parallel_loop3A_1248 : vector<1x16xf32> to vector<16xf32>
        %parallel_loop3A_1250 = arith.constant 320 : i32
        %parallel_loop3A_1251 = arith.addi %parallel_loop3A_1005, %parallel_loop3A_1250 : i32
        %parallel_loop3A_1252 = arith.index_cast %parallel_loop3A_1251 : i32 to index
        %parallel_loop3A_1253 = tpu.vector_load %arg9[%parallel_loop3A_1252] {strides = array<i32>} : memref<16384xf32, #tpu.memory_space<vmem>>, vector<16xf32>,
        %parallel_loop3A_1254 = vector.shape_cast %parallel_loop3A_1253 : vector<16xf32> to vector<16xf32>
        %parallel_loop3A_1255 = arith.subf %parallel_loop3A_1249, %parallel_loop3A_1254 : vector<16xf32>
        %parallel_loop3A_1256 = arith.mulf %parallel_loop3A_1255, %parallel_loop3A_1255 : vector<16xf32>
        %parallel_loop3A_1257 = arith.addf %parallel_loop3A_1209, %parallel_loop3A_1256 : vector<16xf32>
        %parallel_loop3A_1258 = arith.index_cast %parallel_loop3A_999 : i32 to index
        %parallel_loop3A_1259 = arith.constant 336 : index
        %parallel_loop3A_1260 = tpu.vector_load %arg7[%parallel_loop3A_1258, %parallel_loop3A_1259] {strides = array<i32>} : memref<32x512xf32, #tpu.memory_space<vmem>>, vector<1x16xf32>,
        %parallel_loop3A_1261 = vector.shape_cast %parallel_loop3A_1260 : vector<1x16xf32> to vector<16xf32>
        %parallel_loop3A_1262 = arith.constant 336 : i32
        %parallel_loop3A_1263 = arith.addi %parallel_loop3A_1005, %parallel_loop3A_1262 : i32
        %parallel_loop3A_1264 = arith.index_cast %parallel_loop3A_1263 : i32 to index
        %parallel_loop3A_1265 = tpu.vector_load %arg9[%parallel_loop3A_1264] {strides = array<i32>} : memref<16384xf32, #tpu.memory_space<vmem>>, vector<16xf32>,
        %parallel_loop3A_1266 = vector.shape_cast %parallel_loop3A_1265 : vector<16xf32> to vector<16xf32>
        %parallel_loop3A_1267 = arith.subf %parallel_loop3A_1261, %parallel_loop3A_1266 : vector<16xf32>
        %parallel_loop3A_1268 = arith.mulf %parallel_loop3A_1267, %parallel_loop3A_1267 : vector<16xf32>
        %parallel_loop3A_1269 = arith.addf %parallel_loop3A_1221, %parallel_loop3A_1268 : vector<16xf32>
        %parallel_loop3A_1270 = arith.index_cast %parallel_loop3A_999 : i32 to index
        %parallel_loop3A_1271 = arith.constant 352 : index
        %parallel_loop3A_1272 = tpu.vector_load %arg7[%parallel_loop3A_1270, %parallel_loop3A_1271] {strides = array<i32>} : memref<32x512xf32, #tpu.memory_space<vmem>>, vector<1x16xf32>,
        %parallel_loop3A_1273 = vector.shape_cast %parallel_loop3A_1272 : vector<1x16xf32> to vector<16xf32>
        %parallel_loop3A_1274 = arith.constant 352 : i32
        %parallel_loop3A_1275 = arith.addi %parallel_loop3A_1005, %parallel_loop3A_1274 : i32
        %parallel_loop3A_1276 = arith.index_cast %parallel_loop3A_1275 : i32 to index
        %parallel_loop3A_1277 = tpu.vector_load %arg9[%parallel_loop3A_1276] {strides = array<i32>} : memref<16384xf32, #tpu.memory_space<vmem>>, vector<16xf32>,
        %parallel_loop3A_1278 = vector.shape_cast %parallel_loop3A_1277 : vector<16xf32> to vector<16xf32>
        %parallel_loop3A_1279 = arith.subf %parallel_loop3A_1273, %parallel_loop3A_1278 : vector<16xf32>
        %parallel_loop3A_1280 = arith.mulf %parallel_loop3A_1279, %parallel_loop3A_1279 : vector<16xf32>
        %parallel_loop3A_1281 = arith.addf %parallel_loop3A_1233, %parallel_loop3A_1280 : vector<16xf32>
        %parallel_loop3A_1282 = arith.index_cast %parallel_loop3A_999 : i32 to index
        %parallel_loop3A_1283 = arith.constant 368 : index
        %parallel_loop3A_1284 = tpu.vector_load %arg7[%parallel_loop3A_1282, %parallel_loop3A_1283] {strides = array<i32>} : memref<32x512xf32, #tpu.memory_space<vmem>>, vector<1x16xf32>,
        %parallel_loop3A_1285 = vector.shape_cast %parallel_loop3A_1284 : vector<1x16xf32> to vector<16xf32>
        %parallel_loop3A_1286 = arith.constant 368 : i32
        %parallel_loop3A_1287 = arith.addi %parallel_loop3A_1005, %parallel_loop3A_1286 : i32
        %parallel_loop3A_1288 = arith.index_cast %parallel_loop3A_1287 : i32 to index
        %parallel_loop3A_1289 = tpu.vector_load %arg9[%parallel_loop3A_1288] {strides = array<i32>} : memref<16384xf32, #tpu.memory_space<vmem>>, vector<16xf32>,
        %parallel_loop3A_1290 = vector.shape_cast %parallel_loop3A_1289 : vector<16xf32> to vector<16xf32>
        %parallel_loop3A_1291 = arith.subf %parallel_loop3A_1285, %parallel_loop3A_1290 : vector<16xf32>
        %parallel_loop3A_1292 = arith.mulf %parallel_loop3A_1291, %parallel_loop3A_1291 : vector<16xf32>
        %parallel_loop3A_1293 = arith.addf %parallel_loop3A_1245, %parallel_loop3A_1292 : vector<16xf32>
        %parallel_loop3A_1294 = arith.index_cast %parallel_loop3A_999 : i32 to index
        %parallel_loop3A_1295 = arith.constant 384 : index
        %parallel_loop3A_1296 = tpu.vector_load %arg7[%parallel_loop3A_1294, %parallel_loop3A_1295] {strides = array<i32>} : memref<32x512xf32, #tpu.memory_space<vmem>>, vector<1x16xf32>,
        %parallel_loop3A_1297 = vector.shape_cast %parallel_loop3A_1296 : vector<1x16xf32> to vector<16xf32>
        %parallel_loop3A_1298 = arith.constant 384 : i32
        %parallel_loop3A_1299 = arith.addi %parallel_loop3A_1005, %parallel_loop3A_1298 : i32
        %parallel_loop3A_1300 = arith.index_cast %parallel_loop3A_1299 : i32 to index
        %parallel_loop3A_1301 = tpu.vector_load %arg9[%parallel_loop3A_1300] {strides = array<i32>} : memref<16384xf32, #tpu.memory_space<vmem>>, vector<16xf32>,
        %parallel_loop3A_1302 = vector.shape_cast %parallel_loop3A_1301 : vector<16xf32> to vector<16xf32>
        %parallel_loop3A_1303 = arith.subf %parallel_loop3A_1297, %parallel_loop3A_1302 : vector<16xf32>
        %parallel_loop3A_1304 = arith.mulf %parallel_loop3A_1303, %parallel_loop3A_1303 : vector<16xf32>
        %parallel_loop3A_1305 = arith.addf %parallel_loop3A_1257, %parallel_loop3A_1304 : vector<16xf32>
        %parallel_loop3A_1306 = arith.index_cast %parallel_loop3A_999 : i32 to index
        %parallel_loop3A_1307 = arith.constant 400 : index
        %parallel_loop3A_1308 = tpu.vector_load %arg7[%parallel_loop3A_1306, %parallel_loop3A_1307] {strides = array<i32>} : memref<32x512xf32, #tpu.memory_space<vmem>>, vector<1x16xf32>,
        %parallel_loop3A_1309 = vector.shape_cast %parallel_loop3A_1308 : vector<1x16xf32> to vector<16xf32>
        %parallel_loop3A_1310 = arith.constant 400 : i32
        %parallel_loop3A_1311 = arith.addi %parallel_loop3A_1005, %parallel_loop3A_1310 : i32
        %parallel_loop3A_1312 = arith.index_cast %parallel_loop3A_1311 : i32 to index
        %parallel_loop3A_1313 = tpu.vector_load %arg9[%parallel_loop3A_1312] {strides = array<i32>} : memref<16384xf32, #tpu.memory_space<vmem>>, vector<16xf32>,
        %parallel_loop3A_1314 = vector.shape_cast %parallel_loop3A_1313 : vector<16xf32> to vector<16xf32>
        %parallel_loop3A_1315 = arith.subf %parallel_loop3A_1309, %parallel_loop3A_1314 : vector<16xf32>
        %parallel_loop3A_1316 = arith.mulf %parallel_loop3A_1315, %parallel_loop3A_1315 : vector<16xf32>
        %parallel_loop3A_1317 = arith.addf %parallel_loop3A_1269, %parallel_loop3A_1316 : vector<16xf32>
        %parallel_loop3A_1318 = arith.index_cast %parallel_loop3A_999 : i32 to index
        %parallel_loop3A_1319 = arith.constant 416 : index
        %parallel_loop3A_1320 = tpu.vector_load %arg7[%parallel_loop3A_1318, %parallel_loop3A_1319] {strides = array<i32>} : memref<32x512xf32, #tpu.memory_space<vmem>>, vector<1x16xf32>,
        %parallel_loop3A_1321 = vector.shape_cast %parallel_loop3A_1320 : vector<1x16xf32> to vector<16xf32>
        %parallel_loop3A_1322 = arith.constant 416 : i32
        %parallel_loop3A_1323 = arith.addi %parallel_loop3A_1005, %parallel_loop3A_1322 : i32
        %parallel_loop3A_1324 = arith.index_cast %parallel_loop3A_1323 : i32 to index
        %parallel_loop3A_1325 = tpu.vector_load %arg9[%parallel_loop3A_1324] {strides = array<i32>} : memref<16384xf32, #tpu.memory_space<vmem>>, vector<16xf32>,
        %parallel_loop3A_1326 = vector.shape_cast %parallel_loop3A_1325 : vector<16xf32> to vector<16xf32>
        %parallel_loop3A_1327 = arith.subf %parallel_loop3A_1321, %parallel_loop3A_1326 : vector<16xf32>
        %parallel_loop3A_1328 = arith.mulf %parallel_loop3A_1327, %parallel_loop3A_1327 : vector<16xf32>
        %parallel_loop3A_1329 = arith.addf %parallel_loop3A_1281, %parallel_loop3A_1328 : vector<16xf32>
        %parallel_loop3A_1330 = arith.index_cast %parallel_loop3A_999 : i32 to index
        %parallel_loop3A_1331 = arith.constant 432 : index
        %parallel_loop3A_1332 = tpu.vector_load %arg7[%parallel_loop3A_1330, %parallel_loop3A_1331] {strides = array<i32>} : memref<32x512xf32, #tpu.memory_space<vmem>>, vector<1x16xf32>,
        %parallel_loop3A_1333 = vector.shape_cast %parallel_loop3A_1332 : vector<1x16xf32> to vector<16xf32>
        %parallel_loop3A_1334 = arith.constant 432 : i32
        %parallel_loop3A_1335 = arith.addi %parallel_loop3A_1005, %parallel_loop3A_1334 : i32
        %parallel_loop3A_1336 = arith.index_cast %parallel_loop3A_1335 : i32 to index
        %parallel_loop3A_1337 = tpu.vector_load %arg9[%parallel_loop3A_1336] {strides = array<i32>} : memref<16384xf32, #tpu.memory_space<vmem>>, vector<16xf32>,
        %parallel_loop3A_1338 = vector.shape_cast %parallel_loop3A_1337 : vector<16xf32> to vector<16xf32>
        %parallel_loop3A_1339 = arith.subf %parallel_loop3A_1333, %parallel_loop3A_1338 : vector<16xf32>
        %parallel_loop3A_1340 = arith.mulf %parallel_loop3A_1339, %parallel_loop3A_1339 : vector<16xf32>
        %parallel_loop3A_1341 = arith.addf %parallel_loop3A_1293, %parallel_loop3A_1340 : vector<16xf32>
        %parallel_loop3A_1342 = arith.index_cast %parallel_loop3A_999 : i32 to index
        %parallel_loop3A_1343 = arith.constant 448 : index
        %parallel_loop3A_1344 = tpu.vector_load %arg7[%parallel_loop3A_1342, %parallel_loop3A_1343] {strides = array<i32>} : memref<32x512xf32, #tpu.memory_space<vmem>>, vector<1x16xf32>,
        %parallel_loop3A_1345 = vector.shape_cast %parallel_loop3A_1344 : vector<1x16xf32> to vector<16xf32>
        %parallel_loop3A_1346 = arith.constant 448 : i32
        %parallel_loop3A_1347 = arith.addi %parallel_loop3A_1005, %parallel_loop3A_1346 : i32
        %parallel_loop3A_1348 = arith.index_cast %parallel_loop3A_1347 : i32 to index
        %parallel_loop3A_1349 = tpu.vector_load %arg9[%parallel_loop3A_1348] {strides = array<i32>} : memref<16384xf32, #tpu.memory_space<vmem>>, vector<16xf32>,
        %parallel_loop3A_1350 = vector.shape_cast %parallel_loop3A_1349 : vector<16xf32> to vector<16xf32>
        %parallel_loop3A_1351 = arith.subf %parallel_loop3A_1345, %parallel_loop3A_1350 : vector<16xf32>
        %parallel_loop3A_1352 = arith.mulf %parallel_loop3A_1351, %parallel_loop3A_1351 : vector<16xf32>
        %parallel_loop3A_1353 = arith.addf %parallel_loop3A_1305, %parallel_loop3A_1352 : vector<16xf32>
        %parallel_loop3A_1354 = arith.index_cast %parallel_loop3A_999 : i32 to index
        %parallel_loop3A_1355 = arith.constant 464 : index
        %parallel_loop3A_1356 = tpu.vector_load %arg7[%parallel_loop3A_1354, %parallel_loop3A_1355] {strides = array<i32>} : memref<32x512xf32, #tpu.memory_space<vmem>>, vector<1x16xf32>,
        %parallel_loop3A_1357 = vector.shape_cast %parallel_loop3A_1356 : vector<1x16xf32> to vector<16xf32>
        %parallel_loop3A_1358 = arith.constant 464 : i32
        %parallel_loop3A_1359 = arith.addi %parallel_loop3A_1005, %parallel_loop3A_1358 : i32
        %parallel_loop3A_1360 = arith.index_cast %parallel_loop3A_1359 : i32 to index
        %parallel_loop3A_1361 = tpu.vector_load %arg9[%parallel_loop3A_1360] {strides = array<i32>} : memref<16384xf32, #tpu.memory_space<vmem>>, vector<16xf32>,
        %parallel_loop3A_1362 = vector.shape_cast %parallel_loop3A_1361 : vector<16xf32> to vector<16xf32>
        %parallel_loop3A_1363 = arith.subf %parallel_loop3A_1357, %parallel_loop3A_1362 : vector<16xf32>
        %parallel_loop3A_1364 = arith.mulf %parallel_loop3A_1363, %parallel_loop3A_1363 : vector<16xf32>
        %parallel_loop3A_1365 = arith.addf %parallel_loop3A_1317, %parallel_loop3A_1364 : vector<16xf32>
        %parallel_loop3A_1366 = arith.index_cast %parallel_loop3A_999 : i32 to index
        %parallel_loop3A_1367 = arith.constant 480 : index
        %parallel_loop3A_1368 = tpu.vector_load %arg7[%parallel_loop3A_1366, %parallel_loop3A_1367] {strides = array<i32>} : memref<32x512xf32, #tpu.memory_space<vmem>>, vector<1x16xf32>,
        %parallel_loop3A_1369 = vector.shape_cast %parallel_loop3A_1368 : vector<1x16xf32> to vector<16xf32>
        %parallel_loop3A_1370 = arith.constant 480 : i32
        %parallel_loop3A_1371 = arith.addi %parallel_loop3A_1005, %parallel_loop3A_1370 : i32
        %parallel_loop3A_1372 = arith.index_cast %parallel_loop3A_1371 : i32 to index
        %parallel_loop3A_1373 = tpu.vector_load %arg9[%parallel_loop3A_1372] {strides = array<i32>} : memref<16384xf32, #tpu.memory_space<vmem>>, vector<16xf32>,
        %parallel_loop3A_1374 = vector.shape_cast %parallel_loop3A_1373 : vector<16xf32> to vector<16xf32>
        %parallel_loop3A_1375 = arith.subf %parallel_loop3A_1369, %parallel_loop3A_1374 : vector<16xf32>
        %parallel_loop3A_1376 = arith.mulf %parallel_loop3A_1375, %parallel_loop3A_1375 : vector<16xf32>
        %parallel_loop3A_1377 = arith.addf %parallel_loop3A_1329, %parallel_loop3A_1376 : vector<16xf32>
        %parallel_loop3A_1378 = arith.index_cast %parallel_loop3A_999 : i32 to index
        %parallel_loop3A_1379 = arith.constant 496 : index
        %parallel_loop3A_1380 = tpu.vector_load %arg7[%parallel_loop3A_1378, %parallel_loop3A_1379] {strides = array<i32>} : memref<32x512xf32, #tpu.memory_space<vmem>>, vector<1x16xf32>,
        %parallel_loop3A_1381 = vector.shape_cast %parallel_loop3A_1380 : vector<1x16xf32> to vector<16xf32>
        %parallel_loop3A_1382 = arith.constant 496 : i32
        %parallel_loop3A_1383 = arith.addi %parallel_loop3A_1005, %parallel_loop3A_1382 : i32
        %parallel_loop3A_1384 = arith.index_cast %parallel_loop3A_1383 : i32 to index
        %parallel_loop3A_1385 = tpu.vector_load %arg9[%parallel_loop3A_1384] {strides = array<i32>} : memref<16384xf32, #tpu.memory_space<vmem>>, vector<16xf32>,
        %parallel_loop3A_1386 = vector.shape_cast %parallel_loop3A_1385 : vector<16xf32> to vector<16xf32>
        %parallel_loop3A_1387 = arith.subf %parallel_loop3A_1381, %parallel_loop3A_1386 : vector<16xf32>
        %parallel_loop3A_1388 = arith.mulf %parallel_loop3A_1387, %parallel_loop3A_1387 : vector<16xf32>
        %parallel_loop3A_1389 = arith.addf %parallel_loop3A_1341, %parallel_loop3A_1388 : vector<16xf32>
        scf.yield %parallel_loop3A_1353, %parallel_loop3A_1365, %parallel_loop3A_1377, %parallel_loop3A_1389 : vector<16xf32>, vector<16xf32>, vector<16xf32>, vector<16xf32>
      } {sc.loop_unroll_factor = 1 : i64, sc.parallel_access}
      %add3A_969 = arith.constant 2 : i32
      %add3A_970 = arith.addi %add3A_955, %add3A_969 : i32
      %lt3A_971 = arith.constant 10 : i32
      %lt3A_972 = arith.cmpi slt, %add3A_970, %lt3A_971 : i32
      %convert_element_type3A_973 = arith.extui %lt3A_972 : i1 to i32
      %cond3A_974 = arith.constant 0 : i32
      %cond3A_975 = arith.cmpi ne, %convert_element_type3A_973, %cond3A_974 : i32
      scf.if %cond3A_975 {
        %add3A_999 = arith.constant 2 : i32
        %add3A_1000 = arith.addi %add3A_955, %add3A_999 : i32
        %mul3A_1001 = arith.constant 32 : i32
        %mul3A_1002 = arith.muli %add3A_1000, %mul3A_1001 : i32
        %add3A_1003 = arith.addi %mul3A_2, %mul3A_1002 : i32
        %dma_start3A_1004 = arith.constant 0 : i32
        %dma_start3A_1005 = tpu.memref_slice %arg2[%add3A_1003, %dma_start3A_1004] : memref<16384x512xf32, #tpu.memory_space<hbm>> -> memref<32x512xf32, #tpu.memory_space<hbm>>
        %dma_start3A_1006 = arith.constant 0 : i32
        %dma_start3A_1007 = tpu.memref_slice %arg2[%add3A_1003, %dma_start3A_1006] : memref<16384x512xf32, #tpu.memory_space<hbm>> -> memref<32x512xf32, #tpu.memory_space<hbm>>
        tpu.enqueue_dma source(%dma_start3A_1007 : memref<32x512xf32, #tpu.memory_space<hbm>>) target(%arg7 : memref<32x512xf32, #tpu.memory_space<vmem>>) target_semaphore(%arg13 : memref<!tpu.dma_semaphore, #tpu.memory_space<semaphore_mem>>)
        %get3A_1008 = arith.index_cast %add3A_1000 : i32 to index
        %get3A_1009 = arith.constant 0 : index
        %get3A_1010 = tpu.vector_load %arg6[%get3A_1008, %get3A_1009] {strides = array<i32>} : memref<10x32xi32, #tpu.memory_space<vmem>>, vector<1x16xi32>,
        %get3A_1011 = vector.shape_cast %get3A_1010 : vector<1x16xi32> to vector<16xi32>
        %slice3A_1012 = vector.extract_strided_slice %get3A_1011 {offsets = [0], sizes = [1], strides = [1]} : vector<16xi32> to vector<1xi32>
        %squeeze3A_1013 = vector.extract %slice3A_1012[0] : i32 from vector<1xi32>
        %mul3A_1014 = arith.constant 512 : i32
        %mul3A_1015 = arith.muli %squeeze3A_1013, %mul3A_1014 : i32
        %multiple_of3A_1016 = tpu.assume_multiple %mul3A_1015, 512 : i32
        %dma_start3A_1017 = arith.constant 0 : i32
        %dma_start3A_1018 = tpu.memref_slice %arg9[%dma_start3A_1017] : memref<16384xf32, #tpu.memory_space<vmem>> -> memref<512xf32, #tpu.memory_space<vmem>>
        %dma_start3A_1019 = tpu.memref_slice %arg12[%multiple_of3A_1016] : memref<512000xf32, #tpu.memory_space<vmem_shared>> -> memref<512xf32, #tpu.memory_space<vmem_shared>>
        %dma_start3A_1020 = arith.constant 0 : i32
        %dma_start3A_1021 = tpu.memref_slice %arg9[%dma_start3A_1020] : memref<16384xf32, #tpu.memory_space<vmem>> -> memref<512xf32, #tpu.memory_space<vmem>>
        %dma_start3A_1022 = tpu.memref_slice %arg12[%multiple_of3A_1016] : memref<512000xf32, #tpu.memory_space<vmem_shared>> -> memref<512xf32, #tpu.memory_space<vmem_shared>>
        tpu.enqueue_dma source(%dma_start3A_1022 : memref<512xf32, #tpu.memory_space<vmem_shared>>) target(%dma_start3A_1021 : memref<512xf32, #tpu.memory_space<vmem>>) target_semaphore(%arg15 : memref<!tpu.dma_semaphore, #tpu.memory_space<semaphore_mem>>)
        %slice3A_1023 = vector.extract_strided_slice %get3A_1011 {offsets = [1], sizes = [1], strides = [1]} : vector<16xi32> to vector<1xi32>
        %squeeze3A_1024 = vector.extract %slice3A_1023[0] : i32 from vector<1xi32>
        %mul3A_1025 = arith.constant 512 : i32
        %mul3A_1026 = arith.muli %squeeze3A_1024, %mul3A_1025 : i32
        %multiple_of3A_1027 = tpu.assume_multiple %mul3A_1026, 512 : i32
        %dma_start3A_1028 = arith.constant 512 : i32
        %dma_start3A_1029 = tpu.memref_slice %arg9[%dma_start3A_1028] : memref<16384xf32, #tpu.memory_space<vmem>> -> memref<512xf32, #tpu.memory_space<vmem>>
        %dma_start3A_1030 = tpu.memref_slice %arg12[%multiple_of3A_1027] : memref<512000xf32, #tpu.memory_space<vmem_shared>> -> memref<512xf32, #tpu.memory_space<vmem_shared>>
        %dma_start3A_1031 = arith.constant 512 : i32
        %dma_start3A_1032 = tpu.memref_slice %arg9[%dma_start3A_1031] : memref<16384xf32, #tpu.memory_space<vmem>> -> memref<512xf32, #tpu.memory_space<vmem>>
        %dma_start3A_1033 = tpu.memref_slice %arg12[%multiple_of3A_1027] : memref<512000xf32, #tpu.memory_space<vmem_shared>> -> memref<512xf32, #tpu.memory_space<vmem_shared>>
        tpu.enqueue_dma source(%dma_start3A_1033 : memref<512xf32, #tpu.memory_space<vmem_shared>>) target(%dma_start3A_1032 : memref<512xf32, #tpu.memory_space<vmem>>) target_semaphore(%arg15 : memref<!tpu.dma_semaphore, #tpu.memory_space<semaphore_mem>>)
        %slice3A_1034 = vector.extract_strided_slice %get3A_1011 {offsets = [2], sizes = [1], strides = [1]} : vector<16xi32> to vector<1xi32>
        %squeeze3A_1035 = vector.extract %slice3A_1034[0] : i32 from vector<1xi32>
        %mul3A_1036 = arith.constant 512 : i32
        %mul3A_1037 = arith.muli %squeeze3A_1035, %mul3A_1036 : i32
        %multiple_of3A_1038 = tpu.assume_multiple %mul3A_1037, 512 : i32
        %dma_start3A_1039 = arith.constant 1024 : i32
        %dma_start3A_1040 = tpu.memref_slice %arg9[%dma_start3A_1039] : memref<16384xf32, #tpu.memory_space<vmem>> -> memref<512xf32, #tpu.memory_space<vmem>>
        %dma_start3A_1041 = tpu.memref_slice %arg12[%multiple_of3A_1038] : memref<512000xf32, #tpu.memory_space<vmem_shared>> -> memref<512xf32, #tpu.memory_space<vmem_shared>>
        %dma_start3A_1042 = arith.constant 1024 : i32
        %dma_start3A_1043 = tpu.memref_slice %arg9[%dma_start3A_1042] : memref<16384xf32, #tpu.memory_space<vmem>> -> memref<512xf32, #tpu.memory_space<vmem>>
        %dma_start3A_1044 = tpu.memref_slice %arg12[%multiple_of3A_1038] : memref<512000xf32, #tpu.memory_space<vmem_shared>> -> memref<512xf32, #tpu.memory_space<vmem_shared>>
        tpu.enqueue_dma source(%dma_start3A_1044 : memref<512xf32, #tpu.memory_space<vmem_shared>>) target(%dma_start3A_1043 : memref<512xf32, #tpu.memory_space<vmem>>) target_semaphore(%arg15 : memref<!tpu.dma_semaphore, #tpu.memory_space<semaphore_mem>>)
        %slice3A_1045 = vector.extract_strided_slice %get3A_1011 {offsets = [3], sizes = [1], strides = [1]} : vector<16xi32> to vector<1xi32>
        %squeeze3A_1046 = vector.extract %slice3A_1045[0] : i32 from vector<1xi32>
        %mul3A_1047 = arith.constant 512 : i32
        %mul3A_1048 = arith.muli %squeeze3A_1046, %mul3A_1047 : i32
        %multiple_of3A_1049 = tpu.assume_multiple %mul3A_1048, 512 : i32
        %dma_start3A_1050 = arith.constant 1536 : i32
        %dma_start3A_1051 = tpu.memref_slice %arg9[%dma_start3A_1050] : memref<16384xf32, #tpu.memory_space<vmem>> -> memref<512xf32, #tpu.memory_space<vmem>>
        %dma_start3A_1052 = tpu.memref_slice %arg12[%multiple_of3A_1049] : memref<512000xf32, #tpu.memory_space<vmem_shared>> -> memref<512xf32, #tpu.memory_space<vmem_shared>>
        %dma_start3A_1053 = arith.constant 1536 : i32
        %dma_start3A_1054 = tpu.memref_slice %arg9[%dma_start3A_1053] : memref<16384xf32, #tpu.memory_space<vmem>> -> memref<512xf32, #tpu.memory_space<vmem>>
        %dma_start3A_1055 = tpu.memref_slice %arg12[%multiple_of3A_1049] : memref<512000xf32, #tpu.memory_space<vmem_shared>> -> memref<512xf32, #tpu.memory_space<vmem_shared>>
        tpu.enqueue_dma source(%dma_start3A_1055 : memref<512xf32, #tpu.memory_space<vmem_shared>>) target(%dma_start3A_1054 : memref<512xf32, #tpu.memory_space<vmem>>) target_semaphore(%arg15 : memref<!tpu.dma_semaphore, #tpu.memory_space<semaphore_mem>>)
        %slice3A_1056 = vector.extract_strided_slice %get3A_1011 {offsets = [4], sizes = [1], strides = [1]} : vector<16xi32> to vector<1xi32>
        %squeeze3A_1057 = vector.extract %slice3A_1056[0] : i32 from vector<1xi32>
        %mul3A_1058 = arith.constant 512 : i32
        %mul3A_1059 = arith.muli %squeeze3A_1057, %mul3A_1058 : i32
        %multiple_of3A_1060 = tpu.assume_multiple %mul3A_1059, 512 : i32
        %dma_start3A_1061 = arith.constant 2048 : i32
        %dma_start3A_1062 = tpu.memref_slice %arg9[%dma_start3A_1061] : memref<16384xf32, #tpu.memory_space<vmem>> -> memref<512xf32, #tpu.memory_space<vmem>>
        %dma_start3A_1063 = tpu.memref_slice %arg12[%multiple_of3A_1060] : memref<512000xf32, #tpu.memory_space<vmem_shared>> -> memref<512xf32, #tpu.memory_space<vmem_shared>>
        %dma_start3A_1064 = arith.constant 2048 : i32
        %dma_start3A_1065 = tpu.memref_slice %arg9[%dma_start3A_1064] : memref<16384xf32, #tpu.memory_space<vmem>> -> memref<512xf32, #tpu.memory_space<vmem>>
        %dma_start3A_1066 = tpu.memref_slice %arg12[%multiple_of3A_1060] : memref<512000xf32, #tpu.memory_space<vmem_shared>> -> memref<512xf32, #tpu.memory_space<vmem_shared>>
        tpu.enqueue_dma source(%dma_start3A_1066 : memref<512xf32, #tpu.memory_space<vmem_shared>>) target(%dma_start3A_1065 : memref<512xf32, #tpu.memory_space<vmem>>) target_semaphore(%arg15 : memref<!tpu.dma_semaphore, #tpu.memory_space<semaphore_mem>>)
        %slice3A_1067 = vector.extract_strided_slice %get3A_1011 {offsets = [5], sizes = [1], strides = [1]} : vector<16xi32> to vector<1xi32>
        %squeeze3A_1068 = vector.extract %slice3A_1067[0] : i32 from vector<1xi32>
        %mul3A_1069 = arith.constant 512 : i32
        %mul3A_1070 = arith.muli %squeeze3A_1068, %mul3A_1069 : i32
        %multiple_of3A_1071 = tpu.assume_multiple %mul3A_1070, 512 : i32
        %dma_start3A_1072 = arith.constant 2560 : i32
        %dma_start3A_1073 = tpu.memref_slice %arg9[%dma_start3A_1072] : memref<16384xf32, #tpu.memory_space<vmem>> -> memref<512xf32, #tpu.memory_space<vmem>>
        %dma_start3A_1074 = tpu.memref_slice %arg12[%multiple_of3A_1071] : memref<512000xf32, #tpu.memory_space<vmem_shared>> -> memref<512xf32, #tpu.memory_space<vmem_shared>>
        %dma_start3A_1075 = arith.constant 2560 : i32
        %dma_start3A_1076 = tpu.memref_slice %arg9[%dma_start3A_1075] : memref<16384xf32, #tpu.memory_space<vmem>> -> memref<512xf32, #tpu.memory_space<vmem>>
        %dma_start3A_1077 = tpu.memref_slice %arg12[%multiple_of3A_1071] : memref<512000xf32, #tpu.memory_space<vmem_shared>> -> memref<512xf32, #tpu.memory_space<vmem_shared>>
        tpu.enqueue_dma source(%dma_start3A_1077 : memref<512xf32, #tpu.memory_space<vmem_shared>>) target(%dma_start3A_1076 : memref<512xf32, #tpu.memory_space<vmem>>) target_semaphore(%arg15 : memref<!tpu.dma_semaphore, #tpu.memory_space<semaphore_mem>>)
        %slice3A_1078 = vector.extract_strided_slice %get3A_1011 {offsets = [6], sizes = [1], strides = [1]} : vector<16xi32> to vector<1xi32>
        %squeeze3A_1079 = vector.extract %slice3A_1078[0] : i32 from vector<1xi32>
        %mul3A_1080 = arith.constant 512 : i32
        %mul3A_1081 = arith.muli %squeeze3A_1079, %mul3A_1080 : i32
        %multiple_of3A_1082 = tpu.assume_multiple %mul3A_1081, 512 : i32
        %dma_start3A_1083 = arith.constant 3072 : i32
        %dma_start3A_1084 = tpu.memref_slice %arg9[%dma_start3A_1083] : memref<16384xf32, #tpu.memory_space<vmem>> -> memref<512xf32, #tpu.memory_space<vmem>>
        %dma_start3A_1085 = tpu.memref_slice %arg12[%multiple_of3A_1082] : memref<512000xf32, #tpu.memory_space<vmem_shared>> -> memref<512xf32, #tpu.memory_space<vmem_shared>>
        %dma_start3A_1086 = arith.constant 3072 : i32
        %dma_start3A_1087 = tpu.memref_slice %arg9[%dma_start3A_1086] : memref<16384xf32, #tpu.memory_space<vmem>> -> memref<512xf32, #tpu.memory_space<vmem>>
        %dma_start3A_1088 = tpu.memref_slice %arg12[%multiple_of3A_1082] : memref<512000xf32, #tpu.memory_space<vmem_shared>> -> memref<512xf32, #tpu.memory_space<vmem_shared>>
        tpu.enqueue_dma source(%dma_start3A_1088 : memref<512xf32, #tpu.memory_space<vmem_shared>>) target(%dma_start3A_1087 : memref<512xf32, #tpu.memory_space<vmem>>) target_semaphore(%arg15 : memref<!tpu.dma_semaphore, #tpu.memory_space<semaphore_mem>>)
        %slice3A_1089 = vector.extract_strided_slice %get3A_1011 {offsets = [7], sizes = [1], strides = [1]} : vector<16xi32> to vector<1xi32>
        %squeeze3A_1090 = vector.extract %slice3A_1089[0] : i32 from vector<1xi32>
        %mul3A_1091 = arith.constant 512 : i32
        %mul3A_1092 = arith.muli %squeeze3A_1090, %mul3A_1091 : i32
        %multiple_of3A_1093 = tpu.assume_multiple %mul3A_1092, 512 : i32
        %dma_start3A_1094 = arith.constant 3584 : i32
        %dma_start3A_1095 = tpu.memref_slice %arg9[%dma_start3A_1094] : memref<16384xf32, #tpu.memory_space<vmem>> -> memref<512xf32, #tpu.memory_space<vmem>>
        %dma_start3A_1096 = tpu.memref_slice %arg12[%multiple_of3A_1093] : memref<512000xf32, #tpu.memory_space<vmem_shared>> -> memref<512xf32, #tpu.memory_space<vmem_shared>>
        %dma_start3A_1097 = arith.constant 3584 : i32
        %dma_start3A_1098 = tpu.memref_slice %arg9[%dma_start3A_1097] : memref<16384xf32, #tpu.memory_space<vmem>> -> memref<512xf32, #tpu.memory_space<vmem>>
        %dma_start3A_1099 = tpu.memref_slice %arg12[%multiple_of3A_1093] : memref<512000xf32, #tpu.memory_space<vmem_shared>> -> memref<512xf32, #tpu.memory_space<vmem_shared>>
        tpu.enqueue_dma source(%dma_start3A_1099 : memref<512xf32, #tpu.memory_space<vmem_shared>>) target(%dma_start3A_1098 : memref<512xf32, #tpu.memory_space<vmem>>) target_semaphore(%arg15 : memref<!tpu.dma_semaphore, #tpu.memory_space<semaphore_mem>>)
        %slice3A_1100 = vector.extract_strided_slice %get3A_1011 {offsets = [8], sizes = [1], strides = [1]} : vector<16xi32> to vector<1xi32>
        %squeeze3A_1101 = vector.extract %slice3A_1100[0] : i32 from vector<1xi32>
        %mul3A_1102 = arith.constant 512 : i32
        %mul3A_1103 = arith.muli %squeeze3A_1101, %mul3A_1102 : i32
        %multiple_of3A_1104 = tpu.assume_multiple %mul3A_1103, 512 : i32
        %dma_start3A_1105 = arith.constant 4096 : i32
        %dma_start3A_1106 = tpu.memref_slice %arg9[%dma_start3A_1105] : memref<16384xf32, #tpu.memory_space<vmem>> -> memref<512xf32, #tpu.memory_space<vmem>>
        %dma_start3A_1107 = tpu.memref_slice %arg12[%multiple_of3A_1104] : memref<512000xf32, #tpu.memory_space<vmem_shared>> -> memref<512xf32, #tpu.memory_space<vmem_shared>>
        %dma_start3A_1108 = arith.constant 4096 : i32
        %dma_start3A_1109 = tpu.memref_slice %arg9[%dma_start3A_1108] : memref<16384xf32, #tpu.memory_space<vmem>> -> memref<512xf32, #tpu.memory_space<vmem>>
        %dma_start3A_1110 = tpu.memref_slice %arg12[%multiple_of3A_1104] : memref<512000xf32, #tpu.memory_space<vmem_shared>> -> memref<512xf32, #tpu.memory_space<vmem_shared>>
        tpu.enqueue_dma source(%dma_start3A_1110 : memref<512xf32, #tpu.memory_space<vmem_shared>>) target(%dma_start3A_1109 : memref<512xf32, #tpu.memory_space<vmem>>) target_semaphore(%arg15 : memref<!tpu.dma_semaphore, #tpu.memory_space<semaphore_mem>>)
        %slice3A_1111 = vector.extract_strided_slice %get3A_1011 {offsets = [9], sizes = [1], strides = [1]} : vector<16xi32> to vector<1xi32>
        %squeeze3A_1112 = vector.extract %slice3A_1111[0] : i32 from vector<1xi32>
        %mul3A_1113 = arith.constant 512 : i32
        %mul3A_1114 = arith.muli %squeeze3A_1112, %mul3A_1113 : i32
        %multiple_of3A_1115 = tpu.assume_multiple %mul3A_1114, 512 : i32
        %dma_start3A_1116 = arith.constant 4608 : i32
        %dma_start3A_1117 = tpu.memref_slice %arg9[%dma_start3A_1116] : memref<16384xf32, #tpu.memory_space<vmem>> -> memref<512xf32, #tpu.memory_space<vmem>>
        %dma_start3A_1118 = tpu.memref_slice %arg12[%multiple_of3A_1115] : memref<512000xf32, #tpu.memory_space<vmem_shared>> -> memref<512xf32, #tpu.memory_space<vmem_shared>>
        %dma_start3A_1119 = arith.constant 4608 : i32
        %dma_start3A_1120 = tpu.memref_slice %arg9[%dma_start3A_1119] : memref<16384xf32, #tpu.memory_space<vmem>> -> memref<512xf32, #tpu.memory_space<vmem>>
        %dma_start3A_1121 = tpu.memref_slice %arg12[%multiple_of3A_1115] : memref<512000xf32, #tpu.memory_space<vmem_shared>> -> memref<512xf32, #tpu.memory_space<vmem_shared>>
        tpu.enqueue_dma source(%dma_start3A_1121 : memref<512xf32, #tpu.memory_space<vmem_shared>>) target(%dma_start3A_1120 : memref<512xf32, #tpu.memory_space<vmem>>) target_semaphore(%arg15 : memref<!tpu.dma_semaphore, #tpu.memory_space<semaphore_mem>>)
        %slice3A_1122 = vector.extract_strided_slice %get3A_1011 {offsets = [10], sizes = [1], strides = [1]} : vector<16xi32> to vector<1xi32>
        %squeeze3A_1123 = vector.extract %slice3A_1122[0] : i32 from vector<1xi32>
        %mul3A_1124 = arith.constant 512 : i32
        %mul3A_1125 = arith.muli %squeeze3A_1123, %mul3A_1124 : i32
        %multiple_of3A_1126 = tpu.assume_multiple %mul3A_1125, 512 : i32
        %dma_start3A_1127 = arith.constant 5120 : i32
        %dma_start3A_1128 = tpu.memref_slice %arg9[%dma_start3A_1127] : memref<16384xf32, #tpu.memory_space<vmem>> -> memref<512xf32, #tpu.memory_space<vmem>>
        %dma_start3A_1129 = tpu.memref_slice %arg12[%multiple_of3A_1126] : memref<512000xf32, #tpu.memory_space<vmem_shared>> -> memref<512xf32, #tpu.memory_space<vmem_shared>>
        %dma_start3A_1130 = arith.constant 5120 : i32
        %dma_start3A_1131 = tpu.memref_slice %arg9[%dma_start3A_1130] : memref<16384xf32, #tpu.memory_space<vmem>> -> memref<512xf32, #tpu.memory_space<vmem>>
        %dma_start3A_1132 = tpu.memref_slice %arg12[%multiple_of3A_1126] : memref<512000xf32, #tpu.memory_space<vmem_shared>> -> memref<512xf32, #tpu.memory_space<vmem_shared>>
        tpu.enqueue_dma source(%dma_start3A_1132 : memref<512xf32, #tpu.memory_space<vmem_shared>>) target(%dma_start3A_1131 : memref<512xf32, #tpu.memory_space<vmem>>) target_semaphore(%arg15 : memref<!tpu.dma_semaphore, #tpu.memory_space<semaphore_mem>>)
        %slice3A_1133 = vector.extract_strided_slice %get3A_1011 {offsets = [11], sizes = [1], strides = [1]} : vector<16xi32> to vector<1xi32>
        %squeeze3A_1134 = vector.extract %slice3A_1133[0] : i32 from vector<1xi32>
        %mul3A_1135 = arith.constant 512 : i32
        %mul3A_1136 = arith.muli %squeeze3A_1134, %mul3A_1135 : i32
        %multiple_of3A_1137 = tpu.assume_multiple %mul3A_1136, 512 : i32
        %dma_start3A_1138 = arith.constant 5632 : i32
        %dma_start3A_1139 = tpu.memref_slice %arg9[%dma_start3A_1138] : memref<16384xf32, #tpu.memory_space<vmem>> -> memref<512xf32, #tpu.memory_space<vmem>>
        %dma_start3A_1140 = tpu.memref_slice %arg12[%multiple_of3A_1137] : memref<512000xf32, #tpu.memory_space<vmem_shared>> -> memref<512xf32, #tpu.memory_space<vmem_shared>>
        %dma_start3A_1141 = arith.constant 5632 : i32
        %dma_start3A_1142 = tpu.memref_slice %arg9[%dma_start3A_1141] : memref<16384xf32, #tpu.memory_space<vmem>> -> memref<512xf32, #tpu.memory_space<vmem>>
        %dma_start3A_1143 = tpu.memref_slice %arg12[%multiple_of3A_1137] : memref<512000xf32, #tpu.memory_space<vmem_shared>> -> memref<512xf32, #tpu.memory_space<vmem_shared>>
        tpu.enqueue_dma source(%dma_start3A_1143 : memref<512xf32, #tpu.memory_space<vmem_shared>>) target(%dma_start3A_1142 : memref<512xf32, #tpu.memory_space<vmem>>) target_semaphore(%arg15 : memref<!tpu.dma_semaphore, #tpu.memory_space<semaphore_mem>>)
        %slice3A_1144 = vector.extract_strided_slice %get3A_1011 {offsets = [12], sizes = [1], strides = [1]} : vector<16xi32> to vector<1xi32>
        %squeeze3A_1145 = vector.extract %slice3A_1144[0] : i32 from vector<1xi32>
        %mul3A_1146 = arith.constant 512 : i32
        %mul3A_1147 = arith.muli %squeeze3A_1145, %mul3A_1146 : i32
        %multiple_of3A_1148 = tpu.assume_multiple %mul3A_1147, 512 : i32
        %dma_start3A_1149 = arith.constant 6144 : i32
        %dma_start3A_1150 = tpu.memref_slice %arg9[%dma_start3A_1149] : memref<16384xf32, #tpu.memory_space<vmem>> -> memref<512xf32, #tpu.memory_space<vmem>>
        %dma_start3A_1151 = tpu.memref_slice %arg12[%multiple_of3A_1148] : memref<512000xf32, #tpu.memory_space<vmem_shared>> -> memref<512xf32, #tpu.memory_space<vmem_shared>>
        %dma_start3A_1152 = arith.constant 6144 : i32
        %dma_start3A_1153 = tpu.memref_slice %arg9[%dma_start3A_1152] : memref<16384xf32, #tpu.memory_space<vmem>> -> memref<512xf32, #tpu.memory_space<vmem>>
        %dma_start3A_1154 = tpu.memref_slice %arg12[%multiple_of3A_1148] : memref<512000xf32, #tpu.memory_space<vmem_shared>> -> memref<512xf32, #tpu.memory_space<vmem_shared>>
        tpu.enqueue_dma source(%dma_start3A_1154 : memref<512xf32, #tpu.memory_space<vmem_shared>>) target(%dma_start3A_1153 : memref<512xf32, #tpu.memory_space<vmem>>) target_semaphore(%arg15 : memref<!tpu.dma_semaphore, #tpu.memory_space<semaphore_mem>>)
        %slice3A_1155 = vector.extract_strided_slice %get3A_1011 {offsets = [13], sizes = [1], strides = [1]} : vector<16xi32> to vector<1xi32>
        %squeeze3A_1156 = vector.extract %slice3A_1155[0] : i32 from vector<1xi32>
        %mul3A_1157 = arith.constant 512 : i32
        %mul3A_1158 = arith.muli %squeeze3A_1156, %mul3A_1157 : i32
        %multiple_of3A_1159 = tpu.assume_multiple %mul3A_1158, 512 : i32
        %dma_start3A_1160 = arith.constant 6656 : i32
        %dma_start3A_1161 = tpu.memref_slice %arg9[%dma_start3A_1160] : memref<16384xf32, #tpu.memory_space<vmem>> -> memref<512xf32, #tpu.memory_space<vmem>>
        %dma_start3A_1162 = tpu.memref_slice %arg12[%multiple_of3A_1159] : memref<512000xf32, #tpu.memory_space<vmem_shared>> -> memref<512xf32, #tpu.memory_space<vmem_shared>>
        %dma_start3A_1163 = arith.constant 6656 : i32
        %dma_start3A_1164 = tpu.memref_slice %arg9[%dma_start3A_1163] : memref<16384xf32, #tpu.memory_space<vmem>> -> memref<512xf32, #tpu.memory_space<vmem>>
        %dma_start3A_1165 = tpu.memref_slice %arg12[%multiple_of3A_1159] : memref<512000xf32, #tpu.memory_space<vmem_shared>> -> memref<512xf32, #tpu.memory_space<vmem_shared>>
        tpu.enqueue_dma source(%dma_start3A_1165 : memref<512xf32, #tpu.memory_space<vmem_shared>>) target(%dma_start3A_1164 : memref<512xf32, #tpu.memory_space<vmem>>) target_semaphore(%arg15 : memref<!tpu.dma_semaphore, #tpu.memory_space<semaphore_mem>>)
        %slice3A_1166 = vector.extract_strided_slice %get3A_1011 {offsets = [14], sizes = [1], strides = [1]} : vector<16xi32> to vector<1xi32>
        %squeeze3A_1167 = vector.extract %slice3A_1166[0] : i32 from vector<1xi32>
        %mul3A_1168 = arith.constant 512 : i32
        %mul3A_1169 = arith.muli %squeeze3A_1167, %mul3A_1168 : i32
        %multiple_of3A_1170 = tpu.assume_multiple %mul3A_1169, 512 : i32
        %dma_start3A_1171 = arith.constant 7168 : i32
        %dma_start3A_1172 = tpu.memref_slice %arg9[%dma_start3A_1171] : memref<16384xf32, #tpu.memory_space<vmem>> -> memref<512xf32, #tpu.memory_space<vmem>>
        %dma_start3A_1173 = tpu.memref_slice %arg12[%multiple_of3A_1170] : memref<512000xf32, #tpu.memory_space<vmem_shared>> -> memref<512xf32, #tpu.memory_space<vmem_shared>>
        %dma_start3A_1174 = arith.constant 7168 : i32
        %dma_start3A_1175 = tpu.memref_slice %arg9[%dma_start3A_1174] : memref<16384xf32, #tpu.memory_space<vmem>> -> memref<512xf32, #tpu.memory_space<vmem>>
        %dma_start3A_1176 = tpu.memref_slice %arg12[%multiple_of3A_1170] : memref<512000xf32, #tpu.memory_space<vmem_shared>> -> memref<512xf32, #tpu.memory_space<vmem_shared>>
        tpu.enqueue_dma source(%dma_start3A_1176 : memref<512xf32, #tpu.memory_space<vmem_shared>>) target(%dma_start3A_1175 : memref<512xf32, #tpu.memory_space<vmem>>) target_semaphore(%arg15 : memref<!tpu.dma_semaphore, #tpu.memory_space<semaphore_mem>>)
        %slice3A_1177 = vector.extract_strided_slice %get3A_1011 {offsets = [15], sizes = [1], strides = [1]} : vector<16xi32> to vector<1xi32>
        %squeeze3A_1178 = vector.extract %slice3A_1177[0] : i32 from vector<1xi32>
        %mul3A_1179 = arith.constant 512 : i32
        %mul3A_1180 = arith.muli %squeeze3A_1178, %mul3A_1179 : i32
        %multiple_of3A_1181 = tpu.assume_multiple %mul3A_1180, 512 : i32
        %dma_start3A_1182 = arith.constant 7680 : i32
        %dma_start3A_1183 = tpu.memref_slice %arg9[%dma_start3A_1182] : memref<16384xf32, #tpu.memory_space<vmem>> -> memref<512xf32, #tpu.memory_space<vmem>>
        %dma_start3A_1184 = tpu.memref_slice %arg12[%multiple_of3A_1181] : memref<512000xf32, #tpu.memory_space<vmem_shared>> -> memref<512xf32, #tpu.memory_space<vmem_shared>>
        %dma_start3A_1185 = arith.constant 7680 : i32
        %dma_start3A_1186 = tpu.memref_slice %arg9[%dma_start3A_1185] : memref<16384xf32, #tpu.memory_space<vmem>> -> memref<512xf32, #tpu.memory_space<vmem>>
        %dma_start3A_1187 = tpu.memref_slice %arg12[%multiple_of3A_1181] : memref<512000xf32, #tpu.memory_space<vmem_shared>> -> memref<512xf32, #tpu.memory_space<vmem_shared>>
        tpu.enqueue_dma source(%dma_start3A_1187 : memref<512xf32, #tpu.memory_space<vmem_shared>>) target(%dma_start3A_1186 : memref<512xf32, #tpu.memory_space<vmem>>) target_semaphore(%arg15 : memref<!tpu.dma_semaphore, #tpu.memory_space<semaphore_mem>>)
        %get3A_1188 = arith.index_cast %add3A_1000 : i32 to index
        %get3A_1189 = arith.constant 16 : index
        %get3A_1190 = tpu.vector_load %arg6[%get3A_1188, %get3A_1189] {strides = array<i32>} : memref<10x32xi32, #tpu.memory_space<vmem>>, vector<1x16xi32>,
        %get3A_1191 = vector.shape_cast %get3A_1190 : vector<1x16xi32> to vector<16xi32>
        %slice3A_1192 = vector.extract_strided_slice %get3A_1191 {offsets = [0], sizes = [1], strides = [1]} : vector<16xi32> to vector<1xi32>
        %squeeze3A_1193 = vector.extract %slice3A_1192[0] : i32 from vector<1xi32>
        %mul3A_1194 = arith.constant 512 : i32
        %mul3A_1195 = arith.muli %squeeze3A_1193, %mul3A_1194 : i32
        %multiple_of3A_1196 = tpu.assume_multiple %mul3A_1195, 512 : i32
        %dma_start3A_1197 = arith.constant 8192 : i32
        %dma_start3A_1198 = tpu.memref_slice %arg9[%dma_start3A_1197] : memref<16384xf32, #tpu.memory_space<vmem>> -> memref<512xf32, #tpu.memory_space<vmem>>
        %dma_start3A_1199 = tpu.memref_slice %arg12[%multiple_of3A_1196] : memref<512000xf32, #tpu.memory_space<vmem_shared>> -> memref<512xf32, #tpu.memory_space<vmem_shared>>
        %dma_start3A_1200 = arith.constant 8192 : i32
        %dma_start3A_1201 = tpu.memref_slice %arg9[%dma_start3A_1200] : memref<16384xf32, #tpu.memory_space<vmem>> -> memref<512xf32, #tpu.memory_space<vmem>>
        %dma_start3A_1202 = tpu.memref_slice %arg12[%multiple_of3A_1196] : memref<512000xf32, #tpu.memory_space<vmem_shared>> -> memref<512xf32, #tpu.memory_space<vmem_shared>>
        tpu.enqueue_dma source(%dma_start3A_1202 : memref<512xf32, #tpu.memory_space<vmem_shared>>) target(%dma_start3A_1201 : memref<512xf32, #tpu.memory_space<vmem>>) target_semaphore(%arg15 : memref<!tpu.dma_semaphore, #tpu.memory_space<semaphore_mem>>)
        %slice3A_1203 = vector.extract_strided_slice %get3A_1191 {offsets = [1], sizes = [1], strides = [1]} : vector<16xi32> to vector<1xi32>
        %squeeze3A_1204 = vector.extract %slice3A_1203[0] : i32 from vector<1xi32>
        %mul3A_1205 = arith.constant 512 : i32
        %mul3A_1206 = arith.muli %squeeze3A_1204, %mul3A_1205 : i32
        %multiple_of3A_1207 = tpu.assume_multiple %mul3A_1206, 512 : i32
        %dma_start3A_1208 = arith.constant 8704 : i32
        %dma_start3A_1209 = tpu.memref_slice %arg9[%dma_start3A_1208] : memref<16384xf32, #tpu.memory_space<vmem>> -> memref<512xf32, #tpu.memory_space<vmem>>
        %dma_start3A_1210 = tpu.memref_slice %arg12[%multiple_of3A_1207] : memref<512000xf32, #tpu.memory_space<vmem_shared>> -> memref<512xf32, #tpu.memory_space<vmem_shared>>
        %dma_start3A_1211 = arith.constant 8704 : i32
        %dma_start3A_1212 = tpu.memref_slice %arg9[%dma_start3A_1211] : memref<16384xf32, #tpu.memory_space<vmem>> -> memref<512xf32, #tpu.memory_space<vmem>>
        %dma_start3A_1213 = tpu.memref_slice %arg12[%multiple_of3A_1207] : memref<512000xf32, #tpu.memory_space<vmem_shared>> -> memref<512xf32, #tpu.memory_space<vmem_shared>>
        tpu.enqueue_dma source(%dma_start3A_1213 : memref<512xf32, #tpu.memory_space<vmem_shared>>) target(%dma_start3A_1212 : memref<512xf32, #tpu.memory_space<vmem>>) target_semaphore(%arg15 : memref<!tpu.dma_semaphore, #tpu.memory_space<semaphore_mem>>)
        %slice3A_1214 = vector.extract_strided_slice %get3A_1191 {offsets = [2], sizes = [1], strides = [1]} : vector<16xi32> to vector<1xi32>
        %squeeze3A_1215 = vector.extract %slice3A_1214[0] : i32 from vector<1xi32>
        %mul3A_1216 = arith.constant 512 : i32
        %mul3A_1217 = arith.muli %squeeze3A_1215, %mul3A_1216 : i32
        %multiple_of3A_1218 = tpu.assume_multiple %mul3A_1217, 512 : i32
        %dma_start3A_1219 = arith.constant 9216 : i32
        %dma_start3A_1220 = tpu.memref_slice %arg9[%dma_start3A_1219] : memref<16384xf32, #tpu.memory_space<vmem>> -> memref<512xf32, #tpu.memory_space<vmem>>
        %dma_start3A_1221 = tpu.memref_slice %arg12[%multiple_of3A_1218] : memref<512000xf32, #tpu.memory_space<vmem_shared>> -> memref<512xf32, #tpu.memory_space<vmem_shared>>
        %dma_start3A_1222 = arith.constant 9216 : i32
        %dma_start3A_1223 = tpu.memref_slice %arg9[%dma_start3A_1222] : memref<16384xf32, #tpu.memory_space<vmem>> -> memref<512xf32, #tpu.memory_space<vmem>>
        %dma_start3A_1224 = tpu.memref_slice %arg12[%multiple_of3A_1218] : memref<512000xf32, #tpu.memory_space<vmem_shared>> -> memref<512xf32, #tpu.memory_space<vmem_shared>>
        tpu.enqueue_dma source(%dma_start3A_1224 : memref<512xf32, #tpu.memory_space<vmem_shared>>) target(%dma_start3A_1223 : memref<512xf32, #tpu.memory_space<vmem>>) target_semaphore(%arg15 : memref<!tpu.dma_semaphore, #tpu.memory_space<semaphore_mem>>)
        %slice3A_1225 = vector.extract_strided_slice %get3A_1191 {offsets = [3], sizes = [1], strides = [1]} : vector<16xi32> to vector<1xi32>
        %squeeze3A_1226 = vector.extract %slice3A_1225[0] : i32 from vector<1xi32>
        %mul3A_1227 = arith.constant 512 : i32
        %mul3A_1228 = arith.muli %squeeze3A_1226, %mul3A_1227 : i32
        %multiple_of3A_1229 = tpu.assume_multiple %mul3A_1228, 512 : i32
        %dma_start3A_1230 = arith.constant 9728 : i32
        %dma_start3A_1231 = tpu.memref_slice %arg9[%dma_start3A_1230] : memref<16384xf32, #tpu.memory_space<vmem>> -> memref<512xf32, #tpu.memory_space<vmem>>
        %dma_start3A_1232 = tpu.memref_slice %arg12[%multiple_of3A_1229] : memref<512000xf32, #tpu.memory_space<vmem_shared>> -> memref<512xf32, #tpu.memory_space<vmem_shared>>
        %dma_start3A_1233 = arith.constant 9728 : i32
        %dma_start3A_1234 = tpu.memref_slice %arg9[%dma_start3A_1233] : memref<16384xf32, #tpu.memory_space<vmem>> -> memref<512xf32, #tpu.memory_space<vmem>>
        %dma_start3A_1235 = tpu.memref_slice %arg12[%multiple_of3A_1229] : memref<512000xf32, #tpu.memory_space<vmem_shared>> -> memref<512xf32, #tpu.memory_space<vmem_shared>>
        tpu.enqueue_dma source(%dma_start3A_1235 : memref<512xf32, #tpu.memory_space<vmem_shared>>) target(%dma_start3A_1234 : memref<512xf32, #tpu.memory_space<vmem>>) target_semaphore(%arg15 : memref<!tpu.dma_semaphore, #tpu.memory_space<semaphore_mem>>)
        %slice3A_1236 = vector.extract_strided_slice %get3A_1191 {offsets = [4], sizes = [1], strides = [1]} : vector<16xi32> to vector<1xi32>
        %squeeze3A_1237 = vector.extract %slice3A_1236[0] : i32 from vector<1xi32>
        %mul3A_1238 = arith.constant 512 : i32
        %mul3A_1239 = arith.muli %squeeze3A_1237, %mul3A_1238 : i32
        %multiple_of3A_1240 = tpu.assume_multiple %mul3A_1239, 512 : i32
        %dma_start3A_1241 = arith.constant 10240 : i32
        %dma_start3A_1242 = tpu.memref_slice %arg9[%dma_start3A_1241] : memref<16384xf32, #tpu.memory_space<vmem>> -> memref<512xf32, #tpu.memory_space<vmem>>
        %dma_start3A_1243 = tpu.memref_slice %arg12[%multiple_of3A_1240] : memref<512000xf32, #tpu.memory_space<vmem_shared>> -> memref<512xf32, #tpu.memory_space<vmem_shared>>
        %dma_start3A_1244 = arith.constant 10240 : i32
        %dma_start3A_1245 = tpu.memref_slice %arg9[%dma_start3A_1244] : memref<16384xf32, #tpu.memory_space<vmem>> -> memref<512xf32, #tpu.memory_space<vmem>>
        %dma_start3A_1246 = tpu.memref_slice %arg12[%multiple_of3A_1240] : memref<512000xf32, #tpu.memory_space<vmem_shared>> -> memref<512xf32, #tpu.memory_space<vmem_shared>>
        tpu.enqueue_dma source(%dma_start3A_1246 : memref<512xf32, #tpu.memory_space<vmem_shared>>) target(%dma_start3A_1245 : memref<512xf32, #tpu.memory_space<vmem>>) target_semaphore(%arg15 : memref<!tpu.dma_semaphore, #tpu.memory_space<semaphore_mem>>)
        %slice3A_1247 = vector.extract_strided_slice %get3A_1191 {offsets = [5], sizes = [1], strides = [1]} : vector<16xi32> to vector<1xi32>
        %squeeze3A_1248 = vector.extract %slice3A_1247[0] : i32 from vector<1xi32>
        %mul3A_1249 = arith.constant 512 : i32
        %mul3A_1250 = arith.muli %squeeze3A_1248, %mul3A_1249 : i32
        %multiple_of3A_1251 = tpu.assume_multiple %mul3A_1250, 512 : i32
        %dma_start3A_1252 = arith.constant 10752 : i32
        %dma_start3A_1253 = tpu.memref_slice %arg9[%dma_start3A_1252] : memref<16384xf32, #tpu.memory_space<vmem>> -> memref<512xf32, #tpu.memory_space<vmem>>
        %dma_start3A_1254 = tpu.memref_slice %arg12[%multiple_of3A_1251] : memref<512000xf32, #tpu.memory_space<vmem_shared>> -> memref<512xf32, #tpu.memory_space<vmem_shared>>
        %dma_start3A_1255 = arith.constant 10752 : i32
        %dma_start3A_1256 = tpu.memref_slice %arg9[%dma_start3A_1255] : memref<16384xf32, #tpu.memory_space<vmem>> -> memref<512xf32, #tpu.memory_space<vmem>>
        %dma_start3A_1257 = tpu.memref_slice %arg12[%multiple_of3A_1251] : memref<512000xf32, #tpu.memory_space<vmem_shared>> -> memref<512xf32, #tpu.memory_space<vmem_shared>>
        tpu.enqueue_dma source(%dma_start3A_1257 : memref<512xf32, #tpu.memory_space<vmem_shared>>) target(%dma_start3A_1256 : memref<512xf32, #tpu.memory_space<vmem>>) target_semaphore(%arg15 : memref<!tpu.dma_semaphore, #tpu.memory_space<semaphore_mem>>)
        %slice3A_1258 = vector.extract_strided_slice %get3A_1191 {offsets = [6], sizes = [1], strides = [1]} : vector<16xi32> to vector<1xi32>
        %squeeze3A_1259 = vector.extract %slice3A_1258[0] : i32 from vector<1xi32>
        %mul3A_1260 = arith.constant 512 : i32
        %mul3A_1261 = arith.muli %squeeze3A_1259, %mul3A_1260 : i32
        %multiple_of3A_1262 = tpu.assume_multiple %mul3A_1261, 512 : i32
        %dma_start3A_1263 = arith.constant 11264 : i32
        %dma_start3A_1264 = tpu.memref_slice %arg9[%dma_start3A_1263] : memref<16384xf32, #tpu.memory_space<vmem>> -> memref<512xf32, #tpu.memory_space<vmem>>
        %dma_start3A_1265 = tpu.memref_slice %arg12[%multiple_of3A_1262] : memref<512000xf32, #tpu.memory_space<vmem_shared>> -> memref<512xf32, #tpu.memory_space<vmem_shared>>
        %dma_start3A_1266 = arith.constant 11264 : i32
        %dma_start3A_1267 = tpu.memref_slice %arg9[%dma_start3A_1266] : memref<16384xf32, #tpu.memory_space<vmem>> -> memref<512xf32, #tpu.memory_space<vmem>>
        %dma_start3A_1268 = tpu.memref_slice %arg12[%multiple_of3A_1262] : memref<512000xf32, #tpu.memory_space<vmem_shared>> -> memref<512xf32, #tpu.memory_space<vmem_shared>>
        tpu.enqueue_dma source(%dma_start3A_1268 : memref<512xf32, #tpu.memory_space<vmem_shared>>) target(%dma_start3A_1267 : memref<512xf32, #tpu.memory_space<vmem>>) target_semaphore(%arg15 : memref<!tpu.dma_semaphore, #tpu.memory_space<semaphore_mem>>)
        %slice3A_1269 = vector.extract_strided_slice %get3A_1191 {offsets = [7], sizes = [1], strides = [1]} : vector<16xi32> to vector<1xi32>
        %squeeze3A_1270 = vector.extract %slice3A_1269[0] : i32 from vector<1xi32>
        %mul3A_1271 = arith.constant 512 : i32
        %mul3A_1272 = arith.muli %squeeze3A_1270, %mul3A_1271 : i32
        %multiple_of3A_1273 = tpu.assume_multiple %mul3A_1272, 512 : i32
        %dma_start3A_1274 = arith.constant 11776 : i32
        %dma_start3A_1275 = tpu.memref_slice %arg9[%dma_start3A_1274] : memref<16384xf32, #tpu.memory_space<vmem>> -> memref<512xf32, #tpu.memory_space<vmem>>
        %dma_start3A_1276 = tpu.memref_slice %arg12[%multiple_of3A_1273] : memref<512000xf32, #tpu.memory_space<vmem_shared>> -> memref<512xf32, #tpu.memory_space<vmem_shared>>
        %dma_start3A_1277 = arith.constant 11776 : i32
        %dma_start3A_1278 = tpu.memref_slice %arg9[%dma_start3A_1277] : memref<16384xf32, #tpu.memory_space<vmem>> -> memref<512xf32, #tpu.memory_space<vmem>>
        %dma_start3A_1279 = tpu.memref_slice %arg12[%multiple_of3A_1273] : memref<512000xf32, #tpu.memory_space<vmem_shared>> -> memref<512xf32, #tpu.memory_space<vmem_shared>>
        tpu.enqueue_dma source(%dma_start3A_1279 : memref<512xf32, #tpu.memory_space<vmem_shared>>) target(%dma_start3A_1278 : memref<512xf32, #tpu.memory_space<vmem>>) target_semaphore(%arg15 : memref<!tpu.dma_semaphore, #tpu.memory_space<semaphore_mem>>)
        %slice3A_1280 = vector.extract_strided_slice %get3A_1191 {offsets = [8], sizes = [1], strides = [1]} : vector<16xi32> to vector<1xi32>
        %squeeze3A_1281 = vector.extract %slice3A_1280[0] : i32 from vector<1xi32>
        %mul3A_1282 = arith.constant 512 : i32
        %mul3A_1283 = arith.muli %squeeze3A_1281, %mul3A_1282 : i32
        %multiple_of3A_1284 = tpu.assume_multiple %mul3A_1283, 512 : i32
        %dma_start3A_1285 = arith.constant 12288 : i32
        %dma_start3A_1286 = tpu.memref_slice %arg9[%dma_start3A_1285] : memref<16384xf32, #tpu.memory_space<vmem>> -> memref<512xf32, #tpu.memory_space<vmem>>
        %dma_start3A_1287 = tpu.memref_slice %arg12[%multiple_of3A_1284] : memref<512000xf32, #tpu.memory_space<vmem_shared>> -> memref<512xf32, #tpu.memory_space<vmem_shared>>
        %dma_start3A_1288 = arith.constant 12288 : i32
        %dma_start3A_1289 = tpu.memref_slice %arg9[%dma_start3A_1288] : memref<16384xf32, #tpu.memory_space<vmem>> -> memref<512xf32, #tpu.memory_space<vmem>>
        %dma_start3A_1290 = tpu.memref_slice %arg12[%multiple_of3A_1284] : memref<512000xf32, #tpu.memory_space<vmem_shared>> -> memref<512xf32, #tpu.memory_space<vmem_shared>>
        tpu.enqueue_dma source(%dma_start3A_1290 : memref<512xf32, #tpu.memory_space<vmem_shared>>) target(%dma_start3A_1289 : memref<512xf32, #tpu.memory_space<vmem>>) target_semaphore(%arg15 : memref<!tpu.dma_semaphore, #tpu.memory_space<semaphore_mem>>)
        %slice3A_1291 = vector.extract_strided_slice %get3A_1191 {offsets = [9], sizes = [1], strides = [1]} : vector<16xi32> to vector<1xi32>
        %squeeze3A_1292 = vector.extract %slice3A_1291[0] : i32 from vector<1xi32>
        %mul3A_1293 = arith.constant 512 : i32
        %mul3A_1294 = arith.muli %squeeze3A_1292, %mul3A_1293 : i32
        %multiple_of3A_1295 = tpu.assume_multiple %mul3A_1294, 512 : i32
        %dma_start3A_1296 = arith.constant 12800 : i32
        %dma_start3A_1297 = tpu.memref_slice %arg9[%dma_start3A_1296] : memref<16384xf32, #tpu.memory_space<vmem>> -> memref<512xf32, #tpu.memory_space<vmem>>
        %dma_start3A_1298 = tpu.memref_slice %arg12[%multiple_of3A_1295] : memref<512000xf32, #tpu.memory_space<vmem_shared>> -> memref<512xf32, #tpu.memory_space<vmem_shared>>
        %dma_start3A_1299 = arith.constant 12800 : i32
        %dma_start3A_1300 = tpu.memref_slice %arg9[%dma_start3A_1299] : memref<16384xf32, #tpu.memory_space<vmem>> -> memref<512xf32, #tpu.memory_space<vmem>>
        %dma_start3A_1301 = tpu.memref_slice %arg12[%multiple_of3A_1295] : memref<512000xf32, #tpu.memory_space<vmem_shared>> -> memref<512xf32, #tpu.memory_space<vmem_shared>>
        tpu.enqueue_dma source(%dma_start3A_1301 : memref<512xf32, #tpu.memory_space<vmem_shared>>) target(%dma_start3A_1300 : memref<512xf32, #tpu.memory_space<vmem>>) target_semaphore(%arg15 : memref<!tpu.dma_semaphore, #tpu.memory_space<semaphore_mem>>)
        %slice3A_1302 = vector.extract_strided_slice %get3A_1191 {offsets = [10], sizes = [1], strides = [1]} : vector<16xi32> to vector<1xi32>
        %squeeze3A_1303 = vector.extract %slice3A_1302[0] : i32 from vector<1xi32>
        %mul3A_1304 = arith.constant 512 : i32
        %mul3A_1305 = arith.muli %squeeze3A_1303, %mul3A_1304 : i32
        %multiple_of3A_1306 = tpu.assume_multiple %mul3A_1305, 512 : i32
        %dma_start3A_1307 = arith.constant 13312 : i32
        %dma_start3A_1308 = tpu.memref_slice %arg9[%dma_start3A_1307] : memref<16384xf32, #tpu.memory_space<vmem>> -> memref<512xf32, #tpu.memory_space<vmem>>
        %dma_start3A_1309 = tpu.memref_slice %arg12[%multiple_of3A_1306] : memref<512000xf32, #tpu.memory_space<vmem_shared>> -> memref<512xf32, #tpu.memory_space<vmem_shared>>
        %dma_start3A_1310 = arith.constant 13312 : i32
        %dma_start3A_1311 = tpu.memref_slice %arg9[%dma_start3A_1310] : memref<16384xf32, #tpu.memory_space<vmem>> -> memref<512xf32, #tpu.memory_space<vmem>>
        %dma_start3A_1312 = tpu.memref_slice %arg12[%multiple_of3A_1306] : memref<512000xf32, #tpu.memory_space<vmem_shared>> -> memref<512xf32, #tpu.memory_space<vmem_shared>>
        tpu.enqueue_dma source(%dma_start3A_1312 : memref<512xf32, #tpu.memory_space<vmem_shared>>) target(%dma_start3A_1311 : memref<512xf32, #tpu.memory_space<vmem>>) target_semaphore(%arg15 : memref<!tpu.dma_semaphore, #tpu.memory_space<semaphore_mem>>)
        %slice3A_1313 = vector.extract_strided_slice %get3A_1191 {offsets = [11], sizes = [1], strides = [1]} : vector<16xi32> to vector<1xi32>
        %squeeze3A_1314 = vector.extract %slice3A_1313[0] : i32 from vector<1xi32>
        %mul3A_1315 = arith.constant 512 : i32
        %mul3A_1316 = arith.muli %squeeze3A_1314, %mul3A_1315 : i32
        %multiple_of3A_1317 = tpu.assume_multiple %mul3A_1316, 512 : i32
        %dma_start3A_1318 = arith.constant 13824 : i32
        %dma_start3A_1319 = tpu.memref_slice %arg9[%dma_start3A_1318] : memref<16384xf32, #tpu.memory_space<vmem>> -> memref<512xf32, #tpu.memory_space<vmem>>
        %dma_start3A_1320 = tpu.memref_slice %arg12[%multiple_of3A_1317] : memref<512000xf32, #tpu.memory_space<vmem_shared>> -> memref<512xf32, #tpu.memory_space<vmem_shared>>
        %dma_start3A_1321 = arith.constant 13824 : i32
        %dma_start3A_1322 = tpu.memref_slice %arg9[%dma_start3A_1321] : memref<16384xf32, #tpu.memory_space<vmem>> -> memref<512xf32, #tpu.memory_space<vmem>>
        %dma_start3A_1323 = tpu.memref_slice %arg12[%multiple_of3A_1317] : memref<512000xf32, #tpu.memory_space<vmem_shared>> -> memref<512xf32, #tpu.memory_space<vmem_shared>>
        tpu.enqueue_dma source(%dma_start3A_1323 : memref<512xf32, #tpu.memory_space<vmem_shared>>) target(%dma_start3A_1322 : memref<512xf32, #tpu.memory_space<vmem>>) target_semaphore(%arg15 : memref<!tpu.dma_semaphore, #tpu.memory_space<semaphore_mem>>)
        %slice3A_1324 = vector.extract_strided_slice %get3A_1191 {offsets = [12], sizes = [1], strides = [1]} : vector<16xi32> to vector<1xi32>
        %squeeze3A_1325 = vector.extract %slice3A_1324[0] : i32 from vector<1xi32>
        %mul3A_1326 = arith.constant 512 : i32
        %mul3A_1327 = arith.muli %squeeze3A_1325, %mul3A_1326 : i32
        %multiple_of3A_1328 = tpu.assume_multiple %mul3A_1327, 512 : i32
        %dma_start3A_1329 = arith.constant 14336 : i32
        %dma_start3A_1330 = tpu.memref_slice %arg9[%dma_start3A_1329] : memref<16384xf32, #tpu.memory_space<vmem>> -> memref<512xf32, #tpu.memory_space<vmem>>
        %dma_start3A_1331 = tpu.memref_slice %arg12[%multiple_of3A_1328] : memref<512000xf32, #tpu.memory_space<vmem_shared>> -> memref<512xf32, #tpu.memory_space<vmem_shared>>
        %dma_start3A_1332 = arith.constant 14336 : i32
        %dma_start3A_1333 = tpu.memref_slice %arg9[%dma_start3A_1332] : memref<16384xf32, #tpu.memory_space<vmem>> -> memref<512xf32, #tpu.memory_space<vmem>>
        %dma_start3A_1334 = tpu.memref_slice %arg12[%multiple_of3A_1328] : memref<512000xf32, #tpu.memory_space<vmem_shared>> -> memref<512xf32, #tpu.memory_space<vmem_shared>>
        tpu.enqueue_dma source(%dma_start3A_1334 : memref<512xf32, #tpu.memory_space<vmem_shared>>) target(%dma_start3A_1333 : memref<512xf32, #tpu.memory_space<vmem>>) target_semaphore(%arg15 : memref<!tpu.dma_semaphore, #tpu.memory_space<semaphore_mem>>)
        %slice3A_1335 = vector.extract_strided_slice %get3A_1191 {offsets = [13], sizes = [1], strides = [1]} : vector<16xi32> to vector<1xi32>
        %squeeze3A_1336 = vector.extract %slice3A_1335[0] : i32 from vector<1xi32>
        %mul3A_1337 = arith.constant 512 : i32
        %mul3A_1338 = arith.muli %squeeze3A_1336, %mul3A_1337 : i32
        %multiple_of3A_1339 = tpu.assume_multiple %mul3A_1338, 512 : i32
        %dma_start3A_1340 = arith.constant 14848 : i32
        %dma_start3A_1341 = tpu.memref_slice %arg9[%dma_start3A_1340] : memref<16384xf32, #tpu.memory_space<vmem>> -> memref<512xf32, #tpu.memory_space<vmem>>
        %dma_start3A_1342 = tpu.memref_slice %arg12[%multiple_of3A_1339] : memref<512000xf32, #tpu.memory_space<vmem_shared>> -> memref<512xf32, #tpu.memory_space<vmem_shared>>
        %dma_start3A_1343 = arith.constant 14848 : i32
        %dma_start3A_1344 = tpu.memref_slice %arg9[%dma_start3A_1343] : memref<16384xf32, #tpu.memory_space<vmem>> -> memref<512xf32, #tpu.memory_space<vmem>>
        %dma_start3A_1345 = tpu.memref_slice %arg12[%multiple_of3A_1339] : memref<512000xf32, #tpu.memory_space<vmem_shared>> -> memref<512xf32, #tpu.memory_space<vmem_shared>>
        tpu.enqueue_dma source(%dma_start3A_1345 : memref<512xf32, #tpu.memory_space<vmem_shared>>) target(%dma_start3A_1344 : memref<512xf32, #tpu.memory_space<vmem>>) target_semaphore(%arg15 : memref<!tpu.dma_semaphore, #tpu.memory_space<semaphore_mem>>)
        %slice3A_1346 = vector.extract_strided_slice %get3A_1191 {offsets = [14], sizes = [1], strides = [1]} : vector<16xi32> to vector<1xi32>
        %squeeze3A_1347 = vector.extract %slice3A_1346[0] : i32 from vector<1xi32>
        %mul3A_1348 = arith.constant 512 : i32
        %mul3A_1349 = arith.muli %squeeze3A_1347, %mul3A_1348 : i32
        %multiple_of3A_1350 = tpu.assume_multiple %mul3A_1349, 512 : i32
        %dma_start3A_1351 = arith.constant 15360 : i32
        %dma_start3A_1352 = tpu.memref_slice %arg9[%dma_start3A_1351] : memref<16384xf32, #tpu.memory_space<vmem>> -> memref<512xf32, #tpu.memory_space<vmem>>
        %dma_start3A_1353 = tpu.memref_slice %arg12[%multiple_of3A_1350] : memref<512000xf32, #tpu.memory_space<vmem_shared>> -> memref<512xf32, #tpu.memory_space<vmem_shared>>
        %dma_start3A_1354 = arith.constant 15360 : i32
        %dma_start3A_1355 = tpu.memref_slice %arg9[%dma_start3A_1354] : memref<16384xf32, #tpu.memory_space<vmem>> -> memref<512xf32, #tpu.memory_space<vmem>>
        %dma_start3A_1356 = tpu.memref_slice %arg12[%multiple_of3A_1350] : memref<512000xf32, #tpu.memory_space<vmem_shared>> -> memref<512xf32, #tpu.memory_space<vmem_shared>>
        tpu.enqueue_dma source(%dma_start3A_1356 : memref<512xf32, #tpu.memory_space<vmem_shared>>) target(%dma_start3A_1355 : memref<512xf32, #tpu.memory_space<vmem>>) target_semaphore(%arg15 : memref<!tpu.dma_semaphore, #tpu.memory_space<semaphore_mem>>)
        %slice3A_1357 = vector.extract_strided_slice %get3A_1191 {offsets = [15], sizes = [1], strides = [1]} : vector<16xi32> to vector<1xi32>
        %squeeze3A_1358 = vector.extract %slice3A_1357[0] : i32 from vector<1xi32>
        %mul3A_1359 = arith.constant 512 : i32
        %mul3A_1360 = arith.muli %squeeze3A_1358, %mul3A_1359 : i32
        %multiple_of3A_1361 = tpu.assume_multiple %mul3A_1360, 512 : i32
        %dma_start3A_1362 = arith.constant 15872 : i32
        %dma_start3A_1363 = tpu.memref_slice %arg9[%dma_start3A_1362] : memref<16384xf32, #tpu.memory_space<vmem>> -> memref<512xf32, #tpu.memory_space<vmem>>
        %dma_start3A_1364 = tpu.memref_slice %arg12[%multiple_of3A_1361] : memref<512000xf32, #tpu.memory_space<vmem_shared>> -> memref<512xf32, #tpu.memory_space<vmem_shared>>
        %dma_start3A_1365 = arith.constant 15872 : i32
        %dma_start3A_1366 = tpu.memref_slice %arg9[%dma_start3A_1365] : memref<16384xf32, #tpu.memory_space<vmem>> -> memref<512xf32, #tpu.memory_space<vmem>>
        %dma_start3A_1367 = tpu.memref_slice %arg12[%multiple_of3A_1361] : memref<512000xf32, #tpu.memory_space<vmem_shared>> -> memref<512xf32, #tpu.memory_space<vmem_shared>>
        tpu.enqueue_dma source(%dma_start3A_1367 : memref<512xf32, #tpu.memory_space<vmem_shared>>) target(%dma_start3A_1366 : memref<512xf32, #tpu.memory_space<vmem>>) target_semaphore(%arg15 : memref<!tpu.dma_semaphore, #tpu.memory_space<semaphore_mem>>)
      } else {
      }
      %add3A_976 = arith.constant 1 : i32
      %add3A_977 = arith.addi %mul3A_953, %add3A_976 : i32
      %dma_wait3A_978 = arith.constant 0 : i32
      %dma_wait3A_979 = arith.constant 0 : i32
      %dma_wait3A_980 = tpu.memref_slice %arg2[%dma_wait3A_978, %dma_wait3A_979] : memref<16384x512xf32, #tpu.memory_space<hbm>> -> memref<32x512xf32, #tpu.memory_space<hbm>>
      %dma_wait3A_981 = arith.constant 0 : i32
      %dma_wait3A_982 = arith.constant 0 : i32
      %dma_wait3A_983 = tpu.memref_slice %arg2[%dma_wait3A_981, %dma_wait3A_982] : memref<16384x512xf32, #tpu.memory_space<hbm>> -> memref<32x512xf32, #tpu.memory_space<hbm>>
      tpu.wait_dma2 semaphore(%arg14 : memref<!tpu.dma_semaphore, #tpu.memory_space<semaphore_mem>>) src(%dma_wait3A_983 : memref<32x512xf32, #tpu.memory_space<hbm>>) dst(%arg8 : memref<32x512xf32, #tpu.memory_space<vmem>>)
      %dma_wait3A_984 = arith.constant 0 : i32
      %dma_wait3A_985 = tpu.memref_slice %arg4[%dma_wait3A_984] : memref<512000xf32, #tpu.memory_space<hbm>> -> memref<16384xf32, #tpu.memory_space<hbm>>
      %dma_wait3A_986 = arith.constant 0 : i32
      %dma_wait3A_987 = tpu.memref_slice %arg4[%dma_wait3A_986] : memref<512000xf32, #tpu.memory_space<hbm>> -> memref<16384xf32, #tpu.memory_space<hbm>>
      tpu.wait_dma2 semaphore(%arg16 : memref<!tpu.dma_semaphore, #tpu.memory_space<semaphore_mem>>) src(%dma_wait3A_987 : memref<16384xf32, #tpu.memory_space<hbm>>) dst(%arg10 : memref<16384xf32, #tpu.memory_space<vmem>>)
      %parallel_loop3A_988 = arith.constant 0 : i32
      %parallel_loop3A_989 = arith.constant 32 : i32
      %parallel_loop3A_990 = arith.constant 1 : i32
      %parallel_loop3A_991:4 = scf.for %parallel_loop3A_999 = %parallel_loop3A_988 to %parallel_loop3A_989 step %parallel_loop3A_990 iter_args(%parallel_loop3A_1000 = %parallel_loop3A_968#0, %parallel_loop3A_1001 = %parallel_loop3A_968#1, %parallel_loop3A_1002 = %parallel_loop3A_968#2, %parallel_loop3A_1003 = %parallel_loop3A_968#3) -> (vector<16xf32>, vector<16xf32>, vector<16xf32>, vector<16xf32>)  : i32 {
        %parallel_loop3A_1004 = arith.constant 512 : i32
        %parallel_loop3A_1005 = arith.muli %parallel_loop3A_999, %parallel_loop3A_1004 : i32
        %parallel_loop3A_1006 = arith.index_cast %parallel_loop3A_999 : i32 to index
        %parallel_loop3A_1007 = arith.constant 0 : index
        %parallel_loop3A_1008 = tpu.vector_load %arg8[%parallel_loop3A_1006, %parallel_loop3A_1007] {strides = array<i32>} : memref<32x512xf32, #tpu.memory_space<vmem>>, vector<1x16xf32>,
        %parallel_loop3A_1009 = vector.shape_cast %parallel_loop3A_1008 : vector<1x16xf32> to vector<16xf32>
        %parallel_loop3A_1010 = arith.constant 0 : i32
        %parallel_loop3A_1011 = arith.addi %parallel_loop3A_1005, %parallel_loop3A_1010 : i32
        %parallel_loop3A_1012 = arith.index_cast %parallel_loop3A_1011 : i32 to index
        %parallel_loop3A_1013 = tpu.vector_load %arg10[%parallel_loop3A_1012] {strides = array<i32>} : memref<16384xf32, #tpu.memory_space<vmem>>, vector<16xf32>,
        %parallel_loop3A_1014 = vector.shape_cast %parallel_loop3A_1013 : vector<16xf32> to vector<16xf32>
        %parallel_loop3A_1015 = arith.subf %parallel_loop3A_1009, %parallel_loop3A_1014 : vector<16xf32>
        %parallel_loop3A_1016 = arith.mulf %parallel_loop3A_1015, %parallel_loop3A_1015 : vector<16xf32>
        %parallel_loop3A_1017 = arith.addf %parallel_loop3A_1000, %parallel_loop3A_1016 : vector<16xf32>
        %parallel_loop3A_1018 = arith.index_cast %parallel_loop3A_999 : i32 to index
        %parallel_loop3A_1019 = arith.constant 16 : index
        %parallel_loop3A_1020 = tpu.vector_load %arg8[%parallel_loop3A_1018, %parallel_loop3A_1019] {strides = array<i32>} : memref<32x512xf32, #tpu.memory_space<vmem>>, vector<1x16xf32>,
        %parallel_loop3A_1021 = vector.shape_cast %parallel_loop3A_1020 : vector<1x16xf32> to vector<16xf32>
        %parallel_loop3A_1022 = arith.constant 16 : i32
        %parallel_loop3A_1023 = arith.addi %parallel_loop3A_1005, %parallel_loop3A_1022 : i32
        %parallel_loop3A_1024 = arith.index_cast %parallel_loop3A_1023 : i32 to index
        %parallel_loop3A_1025 = tpu.vector_load %arg10[%parallel_loop3A_1024] {strides = array<i32>} : memref<16384xf32, #tpu.memory_space<vmem>>, vector<16xf32>,
        %parallel_loop3A_1026 = vector.shape_cast %parallel_loop3A_1025 : vector<16xf32> to vector<16xf32>
        %parallel_loop3A_1027 = arith.subf %parallel_loop3A_1021, %parallel_loop3A_1026 : vector<16xf32>
        %parallel_loop3A_1028 = arith.mulf %parallel_loop3A_1027, %parallel_loop3A_1027 : vector<16xf32>
        %parallel_loop3A_1029 = arith.addf %parallel_loop3A_1001, %parallel_loop3A_1028 : vector<16xf32>
        %parallel_loop3A_1030 = arith.index_cast %parallel_loop3A_999 : i32 to index
        %parallel_loop3A_1031 = arith.constant 32 : index
        %parallel_loop3A_1032 = tpu.vector_load %arg8[%parallel_loop3A_1030, %parallel_loop3A_1031] {strides = array<i32>} : memref<32x512xf32, #tpu.memory_space<vmem>>, vector<1x16xf32>,
        %parallel_loop3A_1033 = vector.shape_cast %parallel_loop3A_1032 : vector<1x16xf32> to vector<16xf32>
        %parallel_loop3A_1034 = arith.constant 32 : i32
        %parallel_loop3A_1035 = arith.addi %parallel_loop3A_1005, %parallel_loop3A_1034 : i32
        %parallel_loop3A_1036 = arith.index_cast %parallel_loop3A_1035 : i32 to index
        %parallel_loop3A_1037 = tpu.vector_load %arg10[%parallel_loop3A_1036] {strides = array<i32>} : memref<16384xf32, #tpu.memory_space<vmem>>, vector<16xf32>,
        %parallel_loop3A_1038 = vector.shape_cast %parallel_loop3A_1037 : vector<16xf32> to vector<16xf32>
        %parallel_loop3A_1039 = arith.subf %parallel_loop3A_1033, %parallel_loop3A_1038 : vector<16xf32>
        %parallel_loop3A_1040 = arith.mulf %parallel_loop3A_1039, %parallel_loop3A_1039 : vector<16xf32>
        %parallel_loop3A_1041 = arith.addf %parallel_loop3A_1002, %parallel_loop3A_1040 : vector<16xf32>
        %parallel_loop3A_1042 = arith.index_cast %parallel_loop3A_999 : i32 to index
        %parallel_loop3A_1043 = arith.constant 48 : index
        %parallel_loop3A_1044 = tpu.vector_load %arg8[%parallel_loop3A_1042, %parallel_loop3A_1043] {strides = array<i32>} : memref<32x512xf32, #tpu.memory_space<vmem>>, vector<1x16xf32>,
        %parallel_loop3A_1045 = vector.shape_cast %parallel_loop3A_1044 : vector<1x16xf32> to vector<16xf32>
        %parallel_loop3A_1046 = arith.constant 48 : i32
        %parallel_loop3A_1047 = arith.addi %parallel_loop3A_1005, %parallel_loop3A_1046 : i32
        %parallel_loop3A_1048 = arith.index_cast %parallel_loop3A_1047 : i32 to index
        %parallel_loop3A_1049 = tpu.vector_load %arg10[%parallel_loop3A_1048] {strides = array<i32>} : memref<16384xf32, #tpu.memory_space<vmem>>, vector<16xf32>,
        %parallel_loop3A_1050 = vector.shape_cast %parallel_loop3A_1049 : vector<16xf32> to vector<16xf32>
        %parallel_loop3A_1051 = arith.subf %parallel_loop3A_1045, %parallel_loop3A_1050 : vector<16xf32>
        %parallel_loop3A_1052 = arith.mulf %parallel_loop3A_1051, %parallel_loop3A_1051 : vector<16xf32>
        %parallel_loop3A_1053 = arith.addf %parallel_loop3A_1003, %parallel_loop3A_1052 : vector<16xf32>
        %parallel_loop3A_1054 = arith.index_cast %parallel_loop3A_999 : i32 to index
        %parallel_loop3A_1055 = arith.constant 64 : index
        %parallel_loop3A_1056 = tpu.vector_load %arg8[%parallel_loop3A_1054, %parallel_loop3A_1055] {strides = array<i32>} : memref<32x512xf32, #tpu.memory_space<vmem>>, vector<1x16xf32>,
        %parallel_loop3A_1057 = vector.shape_cast %parallel_loop3A_1056 : vector<1x16xf32> to vector<16xf32>
        %parallel_loop3A_1058 = arith.constant 64 : i32
        %parallel_loop3A_1059 = arith.addi %parallel_loop3A_1005, %parallel_loop3A_1058 : i32
        %parallel_loop3A_1060 = arith.index_cast %parallel_loop3A_1059 : i32 to index
        %parallel_loop3A_1061 = tpu.vector_load %arg10[%parallel_loop3A_1060] {strides = array<i32>} : memref<16384xf32, #tpu.memory_space<vmem>>, vector<16xf32>,
        %parallel_loop3A_1062 = vector.shape_cast %parallel_loop3A_1061 : vector<16xf32> to vector<16xf32>
        %parallel_loop3A_1063 = arith.subf %parallel_loop3A_1057, %parallel_loop3A_1062 : vector<16xf32>
        %parallel_loop3A_1064 = arith.mulf %parallel_loop3A_1063, %parallel_loop3A_1063 : vector<16xf32>
        %parallel_loop3A_1065 = arith.addf %parallel_loop3A_1017, %parallel_loop3A_1064 : vector<16xf32>
        %parallel_loop3A_1066 = arith.index_cast %parallel_loop3A_999 : i32 to index
        %parallel_loop3A_1067 = arith.constant 80 : index
        %parallel_loop3A_1068 = tpu.vector_load %arg8[%parallel_loop3A_1066, %parallel_loop3A_1067] {strides = array<i32>} : memref<32x512xf32, #tpu.memory_space<vmem>>, vector<1x16xf32>,
        %parallel_loop3A_1069 = vector.shape_cast %parallel_loop3A_1068 : vector<1x16xf32> to vector<16xf32>
        %parallel_loop3A_1070 = arith.constant 80 : i32
        %parallel_loop3A_1071 = arith.addi %parallel_loop3A_1005, %parallel_loop3A_1070 : i32
        %parallel_loop3A_1072 = arith.index_cast %parallel_loop3A_1071 : i32 to index
        %parallel_loop3A_1073 = tpu.vector_load %arg10[%parallel_loop3A_1072] {strides = array<i32>} : memref<16384xf32, #tpu.memory_space<vmem>>, vector<16xf32>,
        %parallel_loop3A_1074 = vector.shape_cast %parallel_loop3A_1073 : vector<16xf32> to vector<16xf32>
        %parallel_loop3A_1075 = arith.subf %parallel_loop3A_1069, %parallel_loop3A_1074 : vector<16xf32>
        %parallel_loop3A_1076 = arith.mulf %parallel_loop3A_1075, %parallel_loop3A_1075 : vector<16xf32>
        %parallel_loop3A_1077 = arith.addf %parallel_loop3A_1029, %parallel_loop3A_1076 : vector<16xf32>
        %parallel_loop3A_1078 = arith.index_cast %parallel_loop3A_999 : i32 to index
        %parallel_loop3A_1079 = arith.constant 96 : index
        %parallel_loop3A_1080 = tpu.vector_load %arg8[%parallel_loop3A_1078, %parallel_loop3A_1079] {strides = array<i32>} : memref<32x512xf32, #tpu.memory_space<vmem>>, vector<1x16xf32>,
        %parallel_loop3A_1081 = vector.shape_cast %parallel_loop3A_1080 : vector<1x16xf32> to vector<16xf32>
        %parallel_loop3A_1082 = arith.constant 96 : i32
        %parallel_loop3A_1083 = arith.addi %parallel_loop3A_1005, %parallel_loop3A_1082 : i32
        %parallel_loop3A_1084 = arith.index_cast %parallel_loop3A_1083 : i32 to index
        %parallel_loop3A_1085 = tpu.vector_load %arg10[%parallel_loop3A_1084] {strides = array<i32>} : memref<16384xf32, #tpu.memory_space<vmem>>, vector<16xf32>,
        %parallel_loop3A_1086 = vector.shape_cast %parallel_loop3A_1085 : vector<16xf32> to vector<16xf32>
        %parallel_loop3A_1087 = arith.subf %parallel_loop3A_1081, %parallel_loop3A_1086 : vector<16xf32>
        %parallel_loop3A_1088 = arith.mulf %parallel_loop3A_1087, %parallel_loop3A_1087 : vector<16xf32>
        %parallel_loop3A_1089 = arith.addf %parallel_loop3A_1041, %parallel_loop3A_1088 : vector<16xf32>
        %parallel_loop3A_1090 = arith.index_cast %parallel_loop3A_999 : i32 to index
        %parallel_loop3A_1091 = arith.constant 112 : index
        %parallel_loop3A_1092 = tpu.vector_load %arg8[%parallel_loop3A_1090, %parallel_loop3A_1091] {strides = array<i32>} : memref<32x512xf32, #tpu.memory_space<vmem>>, vector<1x16xf32>,
        %parallel_loop3A_1093 = vector.shape_cast %parallel_loop3A_1092 : vector<1x16xf32> to vector<16xf32>
        %parallel_loop3A_1094 = arith.constant 112 : i32
        %parallel_loop3A_1095 = arith.addi %parallel_loop3A_1005, %parallel_loop3A_1094 : i32
        %parallel_loop3A_1096 = arith.index_cast %parallel_loop3A_1095 : i32 to index
        %parallel_loop3A_1097 = tpu.vector_load %arg10[%parallel_loop3A_1096] {strides = array<i32>} : memref<16384xf32, #tpu.memory_space<vmem>>, vector<16xf32>,
        %parallel_loop3A_1098 = vector.shape_cast %parallel_loop3A_1097 : vector<16xf32> to vector<16xf32>
        %parallel_loop3A_1099 = arith.subf %parallel_loop3A_1093, %parallel_loop3A_1098 : vector<16xf32>
        %parallel_loop3A_1100 = arith.mulf %parallel_loop3A_1099, %parallel_loop3A_1099 : vector<16xf32>
        %parallel_loop3A_1101 = arith.addf %parallel_loop3A_1053, %parallel_loop3A_1100 : vector<16xf32>
        %parallel_loop3A_1102 = arith.index_cast %parallel_loop3A_999 : i32 to index
        %parallel_loop3A_1103 = arith.constant 128 : index
        %parallel_loop3A_1104 = tpu.vector_load %arg8[%parallel_loop3A_1102, %parallel_loop3A_1103] {strides = array<i32>} : memref<32x512xf32, #tpu.memory_space<vmem>>, vector<1x16xf32>,
        %parallel_loop3A_1105 = vector.shape_cast %parallel_loop3A_1104 : vector<1x16xf32> to vector<16xf32>
        %parallel_loop3A_1106 = arith.constant 128 : i32
        %parallel_loop3A_1107 = arith.addi %parallel_loop3A_1005, %parallel_loop3A_1106 : i32
        %parallel_loop3A_1108 = arith.index_cast %parallel_loop3A_1107 : i32 to index
        %parallel_loop3A_1109 = tpu.vector_load %arg10[%parallel_loop3A_1108] {strides = array<i32>} : memref<16384xf32, #tpu.memory_space<vmem>>, vector<16xf32>,
        %parallel_loop3A_1110 = vector.shape_cast %parallel_loop3A_1109 : vector<16xf32> to vector<16xf32>
        %parallel_loop3A_1111 = arith.subf %parallel_loop3A_1105, %parallel_loop3A_1110 : vector<16xf32>
        %parallel_loop3A_1112 = arith.mulf %parallel_loop3A_1111, %parallel_loop3A_1111 : vector<16xf32>
        %parallel_loop3A_1113 = arith.addf %parallel_loop3A_1065, %parallel_loop3A_1112 : vector<16xf32>
        %parallel_loop3A_1114 = arith.index_cast %parallel_loop3A_999 : i32 to index
        %parallel_loop3A_1115 = arith.constant 144 : index
        %parallel_loop3A_1116 = tpu.vector_load %arg8[%parallel_loop3A_1114, %parallel_loop3A_1115] {strides = array<i32>} : memref<32x512xf32, #tpu.memory_space<vmem>>, vector<1x16xf32>,
        %parallel_loop3A_1117 = vector.shape_cast %parallel_loop3A_1116 : vector<1x16xf32> to vector<16xf32>
        %parallel_loop3A_1118 = arith.constant 144 : i32
        %parallel_loop3A_1119 = arith.addi %parallel_loop3A_1005, %parallel_loop3A_1118 : i32
        %parallel_loop3A_1120 = arith.index_cast %parallel_loop3A_1119 : i32 to index
        %parallel_loop3A_1121 = tpu.vector_load %arg10[%parallel_loop3A_1120] {strides = array<i32>} : memref<16384xf32, #tpu.memory_space<vmem>>, vector<16xf32>,
        %parallel_loop3A_1122 = vector.shape_cast %parallel_loop3A_1121 : vector<16xf32> to vector<16xf32>
        %parallel_loop3A_1123 = arith.subf %parallel_loop3A_1117, %parallel_loop3A_1122 : vector<16xf32>
        %parallel_loop3A_1124 = arith.mulf %parallel_loop3A_1123, %parallel_loop3A_1123 : vector<16xf32>
        %parallel_loop3A_1125 = arith.addf %parallel_loop3A_1077, %parallel_loop3A_1124 : vector<16xf32>
        %parallel_loop3A_1126 = arith.index_cast %parallel_loop3A_999 : i32 to index
        %parallel_loop3A_1127 = arith.constant 160 : index
        %parallel_loop3A_1128 = tpu.vector_load %arg8[%parallel_loop3A_1126, %parallel_loop3A_1127] {strides = array<i32>} : memref<32x512xf32, #tpu.memory_space<vmem>>, vector<1x16xf32>,
        %parallel_loop3A_1129 = vector.shape_cast %parallel_loop3A_1128 : vector<1x16xf32> to vector<16xf32>
        %parallel_loop3A_1130 = arith.constant 160 : i32
        %parallel_loop3A_1131 = arith.addi %parallel_loop3A_1005, %parallel_loop3A_1130 : i32
        %parallel_loop3A_1132 = arith.index_cast %parallel_loop3A_1131 : i32 to index
        %parallel_loop3A_1133 = tpu.vector_load %arg10[%parallel_loop3A_1132] {strides = array<i32>} : memref<16384xf32, #tpu.memory_space<vmem>>, vector<16xf32>,
        %parallel_loop3A_1134 = vector.shape_cast %parallel_loop3A_1133 : vector<16xf32> to vector<16xf32>
        %parallel_loop3A_1135 = arith.subf %parallel_loop3A_1129, %parallel_loop3A_1134 : vector<16xf32>
        %parallel_loop3A_1136 = arith.mulf %parallel_loop3A_1135, %parallel_loop3A_1135 : vector<16xf32>
        %parallel_loop3A_1137 = arith.addf %parallel_loop3A_1089, %parallel_loop3A_1136 : vector<16xf32>
        %parallel_loop3A_1138 = arith.index_cast %parallel_loop3A_999 : i32 to index
        %parallel_loop3A_1139 = arith.constant 176 : index
        %parallel_loop3A_1140 = tpu.vector_load %arg8[%parallel_loop3A_1138, %parallel_loop3A_1139] {strides = array<i32>} : memref<32x512xf32, #tpu.memory_space<vmem>>, vector<1x16xf32>,
        %parallel_loop3A_1141 = vector.shape_cast %parallel_loop3A_1140 : vector<1x16xf32> to vector<16xf32>
        %parallel_loop3A_1142 = arith.constant 176 : i32
        %parallel_loop3A_1143 = arith.addi %parallel_loop3A_1005, %parallel_loop3A_1142 : i32
        %parallel_loop3A_1144 = arith.index_cast %parallel_loop3A_1143 : i32 to index
        %parallel_loop3A_1145 = tpu.vector_load %arg10[%parallel_loop3A_1144] {strides = array<i32>} : memref<16384xf32, #tpu.memory_space<vmem>>, vector<16xf32>,
        %parallel_loop3A_1146 = vector.shape_cast %parallel_loop3A_1145 : vector<16xf32> to vector<16xf32>
        %parallel_loop3A_1147 = arith.subf %parallel_loop3A_1141, %parallel_loop3A_1146 : vector<16xf32>
        %parallel_loop3A_1148 = arith.mulf %parallel_loop3A_1147, %parallel_loop3A_1147 : vector<16xf32>
        %parallel_loop3A_1149 = arith.addf %parallel_loop3A_1101, %parallel_loop3A_1148 : vector<16xf32>
        %parallel_loop3A_1150 = arith.index_cast %parallel_loop3A_999 : i32 to index
        %parallel_loop3A_1151 = arith.constant 192 : index
        %parallel_loop3A_1152 = tpu.vector_load %arg8[%parallel_loop3A_1150, %parallel_loop3A_1151] {strides = array<i32>} : memref<32x512xf32, #tpu.memory_space<vmem>>, vector<1x16xf32>,
        %parallel_loop3A_1153 = vector.shape_cast %parallel_loop3A_1152 : vector<1x16xf32> to vector<16xf32>
        %parallel_loop3A_1154 = arith.constant 192 : i32
        %parallel_loop3A_1155 = arith.addi %parallel_loop3A_1005, %parallel_loop3A_1154 : i32
        %parallel_loop3A_1156 = arith.index_cast %parallel_loop3A_1155 : i32 to index
        %parallel_loop3A_1157 = tpu.vector_load %arg10[%parallel_loop3A_1156] {strides = array<i32>} : memref<16384xf32, #tpu.memory_space<vmem>>, vector<16xf32>,
        %parallel_loop3A_1158 = vector.shape_cast %parallel_loop3A_1157 : vector<16xf32> to vector<16xf32>
        %parallel_loop3A_1159 = arith.subf %parallel_loop3A_1153, %parallel_loop3A_1158 : vector<16xf32>
        %parallel_loop3A_1160 = arith.mulf %parallel_loop3A_1159, %parallel_loop3A_1159 : vector<16xf32>
        %parallel_loop3A_1161 = arith.addf %parallel_loop3A_1113, %parallel_loop3A_1160 : vector<16xf32>
        %parallel_loop3A_1162 = arith.index_cast %parallel_loop3A_999 : i32 to index
        %parallel_loop3A_1163 = arith.constant 208 : index
        %parallel_loop3A_1164 = tpu.vector_load %arg8[%parallel_loop3A_1162, %parallel_loop3A_1163] {strides = array<i32>} : memref<32x512xf32, #tpu.memory_space<vmem>>, vector<1x16xf32>,
        %parallel_loop3A_1165 = vector.shape_cast %parallel_loop3A_1164 : vector<1x16xf32> to vector<16xf32>
        %parallel_loop3A_1166 = arith.constant 208 : i32
        %parallel_loop3A_1167 = arith.addi %parallel_loop3A_1005, %parallel_loop3A_1166 : i32
        %parallel_loop3A_1168 = arith.index_cast %parallel_loop3A_1167 : i32 to index
        %parallel_loop3A_1169 = tpu.vector_load %arg10[%parallel_loop3A_1168] {strides = array<i32>} : memref<16384xf32, #tpu.memory_space<vmem>>, vector<16xf32>,
        %parallel_loop3A_1170 = vector.shape_cast %parallel_loop3A_1169 : vector<16xf32> to vector<16xf32>
        %parallel_loop3A_1171 = arith.subf %parallel_loop3A_1165, %parallel_loop3A_1170 : vector<16xf32>
        %parallel_loop3A_1172 = arith.mulf %parallel_loop3A_1171, %parallel_loop3A_1171 : vector<16xf32>
        %parallel_loop3A_1173 = arith.addf %parallel_loop3A_1125, %parallel_loop3A_1172 : vector<16xf32>
        %parallel_loop3A_1174 = arith.index_cast %parallel_loop3A_999 : i32 to index
        %parallel_loop3A_1175 = arith.constant 224 : index
        %parallel_loop3A_1176 = tpu.vector_load %arg8[%parallel_loop3A_1174, %parallel_loop3A_1175] {strides = array<i32>} : memref<32x512xf32, #tpu.memory_space<vmem>>, vector<1x16xf32>,
        %parallel_loop3A_1177 = vector.shape_cast %parallel_loop3A_1176 : vector<1x16xf32> to vector<16xf32>
        %parallel_loop3A_1178 = arith.constant 224 : i32
        %parallel_loop3A_1179 = arith.addi %parallel_loop3A_1005, %parallel_loop3A_1178 : i32
        %parallel_loop3A_1180 = arith.index_cast %parallel_loop3A_1179 : i32 to index
        %parallel_loop3A_1181 = tpu.vector_load %arg10[%parallel_loop3A_1180] {strides = array<i32>} : memref<16384xf32, #tpu.memory_space<vmem>>, vector<16xf32>,
        %parallel_loop3A_1182 = vector.shape_cast %parallel_loop3A_1181 : vector<16xf32> to vector<16xf32>
        %parallel_loop3A_1183 = arith.subf %parallel_loop3A_1177, %parallel_loop3A_1182 : vector<16xf32>
        %parallel_loop3A_1184 = arith.mulf %parallel_loop3A_1183, %parallel_loop3A_1183 : vector<16xf32>
        %parallel_loop3A_1185 = arith.addf %parallel_loop3A_1137, %parallel_loop3A_1184 : vector<16xf32>
        %parallel_loop3A_1186 = arith.index_cast %parallel_loop3A_999 : i32 to index
        %parallel_loop3A_1187 = arith.constant 240 : index
        %parallel_loop3A_1188 = tpu.vector_load %arg8[%parallel_loop3A_1186, %parallel_loop3A_1187] {strides = array<i32>} : memref<32x512xf32, #tpu.memory_space<vmem>>, vector<1x16xf32>,
        %parallel_loop3A_1189 = vector.shape_cast %parallel_loop3A_1188 : vector<1x16xf32> to vector<16xf32>
        %parallel_loop3A_1190 = arith.constant 240 : i32
        %parallel_loop3A_1191 = arith.addi %parallel_loop3A_1005, %parallel_loop3A_1190 : i32
        %parallel_loop3A_1192 = arith.index_cast %parallel_loop3A_1191 : i32 to index
        %parallel_loop3A_1193 = tpu.vector_load %arg10[%parallel_loop3A_1192] {strides = array<i32>} : memref<16384xf32, #tpu.memory_space<vmem>>, vector<16xf32>,
        %parallel_loop3A_1194 = vector.shape_cast %parallel_loop3A_1193 : vector<16xf32> to vector<16xf32>
        %parallel_loop3A_1195 = arith.subf %parallel_loop3A_1189, %parallel_loop3A_1194 : vector<16xf32>
        %parallel_loop3A_1196 = arith.mulf %parallel_loop3A_1195, %parallel_loop3A_1195 : vector<16xf32>
        %parallel_loop3A_1197 = arith.addf %parallel_loop3A_1149, %parallel_loop3A_1196 : vector<16xf32>
        %parallel_loop3A_1198 = arith.index_cast %parallel_loop3A_999 : i32 to index
        %parallel_loop3A_1199 = arith.constant 256 : index
        %parallel_loop3A_1200 = tpu.vector_load %arg8[%parallel_loop3A_1198, %parallel_loop3A_1199] {strides = array<i32>} : memref<32x512xf32, #tpu.memory_space<vmem>>, vector<1x16xf32>,
        %parallel_loop3A_1201 = vector.shape_cast %parallel_loop3A_1200 : vector<1x16xf32> to vector<16xf32>
        %parallel_loop3A_1202 = arith.constant 256 : i32
        %parallel_loop3A_1203 = arith.addi %parallel_loop3A_1005, %parallel_loop3A_1202 : i32
        %parallel_loop3A_1204 = arith.index_cast %parallel_loop3A_1203 : i32 to index
        %parallel_loop3A_1205 = tpu.vector_load %arg10[%parallel_loop3A_1204] {strides = array<i32>} : memref<16384xf32, #tpu.memory_space<vmem>>, vector<16xf32>,
        %parallel_loop3A_1206 = vector.shape_cast %parallel_loop3A_1205 : vector<16xf32> to vector<16xf32>
        %parallel_loop3A_1207 = arith.subf %parallel_loop3A_1201, %parallel_loop3A_1206 : vector<16xf32>
        %parallel_loop3A_1208 = arith.mulf %parallel_loop3A_1207, %parallel_loop3A_1207 : vector<16xf32>
        %parallel_loop3A_1209 = arith.addf %parallel_loop3A_1161, %parallel_loop3A_1208 : vector<16xf32>
        %parallel_loop3A_1210 = arith.index_cast %parallel_loop3A_999 : i32 to index
        %parallel_loop3A_1211 = arith.constant 272 : index
        %parallel_loop3A_1212 = tpu.vector_load %arg8[%parallel_loop3A_1210, %parallel_loop3A_1211] {strides = array<i32>} : memref<32x512xf32, #tpu.memory_space<vmem>>, vector<1x16xf32>,
        %parallel_loop3A_1213 = vector.shape_cast %parallel_loop3A_1212 : vector<1x16xf32> to vector<16xf32>
        %parallel_loop3A_1214 = arith.constant 272 : i32
        %parallel_loop3A_1215 = arith.addi %parallel_loop3A_1005, %parallel_loop3A_1214 : i32
        %parallel_loop3A_1216 = arith.index_cast %parallel_loop3A_1215 : i32 to index
        %parallel_loop3A_1217 = tpu.vector_load %arg10[%parallel_loop3A_1216] {strides = array<i32>} : memref<16384xf32, #tpu.memory_space<vmem>>, vector<16xf32>,
        %parallel_loop3A_1218 = vector.shape_cast %parallel_loop3A_1217 : vector<16xf32> to vector<16xf32>
        %parallel_loop3A_1219 = arith.subf %parallel_loop3A_1213, %parallel_loop3A_1218 : vector<16xf32>
        %parallel_loop3A_1220 = arith.mulf %parallel_loop3A_1219, %parallel_loop3A_1219 : vector<16xf32>
        %parallel_loop3A_1221 = arith.addf %parallel_loop3A_1173, %parallel_loop3A_1220 : vector<16xf32>
        %parallel_loop3A_1222 = arith.index_cast %parallel_loop3A_999 : i32 to index
        %parallel_loop3A_1223 = arith.constant 288 : index
        %parallel_loop3A_1224 = tpu.vector_load %arg8[%parallel_loop3A_1222, %parallel_loop3A_1223] {strides = array<i32>} : memref<32x512xf32, #tpu.memory_space<vmem>>, vector<1x16xf32>,
        %parallel_loop3A_1225 = vector.shape_cast %parallel_loop3A_1224 : vector<1x16xf32> to vector<16xf32>
        %parallel_loop3A_1226 = arith.constant 288 : i32
        %parallel_loop3A_1227 = arith.addi %parallel_loop3A_1005, %parallel_loop3A_1226 : i32
        %parallel_loop3A_1228 = arith.index_cast %parallel_loop3A_1227 : i32 to index
        %parallel_loop3A_1229 = tpu.vector_load %arg10[%parallel_loop3A_1228] {strides = array<i32>} : memref<16384xf32, #tpu.memory_space<vmem>>, vector<16xf32>,
        %parallel_loop3A_1230 = vector.shape_cast %parallel_loop3A_1229 : vector<16xf32> to vector<16xf32>
        %parallel_loop3A_1231 = arith.subf %parallel_loop3A_1225, %parallel_loop3A_1230 : vector<16xf32>
        %parallel_loop3A_1232 = arith.mulf %parallel_loop3A_1231, %parallel_loop3A_1231 : vector<16xf32>
        %parallel_loop3A_1233 = arith.addf %parallel_loop3A_1185, %parallel_loop3A_1232 : vector<16xf32>
        %parallel_loop3A_1234 = arith.index_cast %parallel_loop3A_999 : i32 to index
        %parallel_loop3A_1235 = arith.constant 304 : index
        %parallel_loop3A_1236 = tpu.vector_load %arg8[%parallel_loop3A_1234, %parallel_loop3A_1235] {strides = array<i32>} : memref<32x512xf32, #tpu.memory_space<vmem>>, vector<1x16xf32>,
        %parallel_loop3A_1237 = vector.shape_cast %parallel_loop3A_1236 : vector<1x16xf32> to vector<16xf32>
        %parallel_loop3A_1238 = arith.constant 304 : i32
        %parallel_loop3A_1239 = arith.addi %parallel_loop3A_1005, %parallel_loop3A_1238 : i32
        %parallel_loop3A_1240 = arith.index_cast %parallel_loop3A_1239 : i32 to index
        %parallel_loop3A_1241 = tpu.vector_load %arg10[%parallel_loop3A_1240] {strides = array<i32>} : memref<16384xf32, #tpu.memory_space<vmem>>, vector<16xf32>,
        %parallel_loop3A_1242 = vector.shape_cast %parallel_loop3A_1241 : vector<16xf32> to vector<16xf32>
        %parallel_loop3A_1243 = arith.subf %parallel_loop3A_1237, %parallel_loop3A_1242 : vector<16xf32>
        %parallel_loop3A_1244 = arith.mulf %parallel_loop3A_1243, %parallel_loop3A_1243 : vector<16xf32>
        %parallel_loop3A_1245 = arith.addf %parallel_loop3A_1197, %parallel_loop3A_1244 : vector<16xf32>
        %parallel_loop3A_1246 = arith.index_cast %parallel_loop3A_999 : i32 to index
        %parallel_loop3A_1247 = arith.constant 320 : index
        %parallel_loop3A_1248 = tpu.vector_load %arg8[%parallel_loop3A_1246, %parallel_loop3A_1247] {strides = array<i32>} : memref<32x512xf32, #tpu.memory_space<vmem>>, vector<1x16xf32>,
        %parallel_loop3A_1249 = vector.shape_cast %parallel_loop3A_1248 : vector<1x16xf32> to vector<16xf32>
        %parallel_loop3A_1250 = arith.constant 320 : i32
        %parallel_loop3A_1251 = arith.addi %parallel_loop3A_1005, %parallel_loop3A_1250 : i32
        %parallel_loop3A_1252 = arith.index_cast %parallel_loop3A_1251 : i32 to index
        %parallel_loop3A_1253 = tpu.vector_load %arg10[%parallel_loop3A_1252] {strides = array<i32>} : memref<16384xf32, #tpu.memory_space<vmem>>, vector<16xf32>,
        %parallel_loop3A_1254 = vector.shape_cast %parallel_loop3A_1253 : vector<16xf32> to vector<16xf32>
        %parallel_loop3A_1255 = arith.subf %parallel_loop3A_1249, %parallel_loop3A_1254 : vector<16xf32>
        %parallel_loop3A_1256 = arith.mulf %parallel_loop3A_1255, %parallel_loop3A_1255 : vector<16xf32>
        %parallel_loop3A_1257 = arith.addf %parallel_loop3A_1209, %parallel_loop3A_1256 : vector<16xf32>
        %parallel_loop3A_1258 = arith.index_cast %parallel_loop3A_999 : i32 to index
        %parallel_loop3A_1259 = arith.constant 336 : index
        %parallel_loop3A_1260 = tpu.vector_load %arg8[%parallel_loop3A_1258, %parallel_loop3A_1259] {strides = array<i32>} : memref<32x512xf32, #tpu.memory_space<vmem>>, vector<1x16xf32>,
        %parallel_loop3A_1261 = vector.shape_cast %parallel_loop3A_1260 : vector<1x16xf32> to vector<16xf32>
        %parallel_loop3A_1262 = arith.constant 336 : i32
        %parallel_loop3A_1263 = arith.addi %parallel_loop3A_1005, %parallel_loop3A_1262 : i32
        %parallel_loop3A_1264 = arith.index_cast %parallel_loop3A_1263 : i32 to index
        %parallel_loop3A_1265 = tpu.vector_load %arg10[%parallel_loop3A_1264] {strides = array<i32>} : memref<16384xf32, #tpu.memory_space<vmem>>, vector<16xf32>,
        %parallel_loop3A_1266 = vector.shape_cast %parallel_loop3A_1265 : vector<16xf32> to vector<16xf32>
        %parallel_loop3A_1267 = arith.subf %parallel_loop3A_1261, %parallel_loop3A_1266 : vector<16xf32>
        %parallel_loop3A_1268 = arith.mulf %parallel_loop3A_1267, %parallel_loop3A_1267 : vector<16xf32>
        %parallel_loop3A_1269 = arith.addf %parallel_loop3A_1221, %parallel_loop3A_1268 : vector<16xf32>
        %parallel_loop3A_1270 = arith.index_cast %parallel_loop3A_999 : i32 to index
        %parallel_loop3A_1271 = arith.constant 352 : index
        %parallel_loop3A_1272 = tpu.vector_load %arg8[%parallel_loop3A_1270, %parallel_loop3A_1271] {strides = array<i32>} : memref<32x512xf32, #tpu.memory_space<vmem>>, vector<1x16xf32>,
        %parallel_loop3A_1273 = vector.shape_cast %parallel_loop3A_1272 : vector<1x16xf32> to vector<16xf32>
        %parallel_loop3A_1274 = arith.constant 352 : i32
        %parallel_loop3A_1275 = arith.addi %parallel_loop3A_1005, %parallel_loop3A_1274 : i32
        %parallel_loop3A_1276 = arith.index_cast %parallel_loop3A_1275 : i32 to index
        %parallel_loop3A_1277 = tpu.vector_load %arg10[%parallel_loop3A_1276] {strides = array<i32>} : memref<16384xf32, #tpu.memory_space<vmem>>, vector<16xf32>,
        %parallel_loop3A_1278 = vector.shape_cast %parallel_loop3A_1277 : vector<16xf32> to vector<16xf32>
        %parallel_loop3A_1279 = arith.subf %parallel_loop3A_1273, %parallel_loop3A_1278 : vector<16xf32>
        %parallel_loop3A_1280 = arith.mulf %parallel_loop3A_1279, %parallel_loop3A_1279 : vector<16xf32>
        %parallel_loop3A_1281 = arith.addf %parallel_loop3A_1233, %parallel_loop3A_1280 : vector<16xf32>
        %parallel_loop3A_1282 = arith.index_cast %parallel_loop3A_999 : i32 to index
        %parallel_loop3A_1283 = arith.constant 368 : index
        %parallel_loop3A_1284 = tpu.vector_load %arg8[%parallel_loop3A_1282, %parallel_loop3A_1283] {strides = array<i32>} : memref<32x512xf32, #tpu.memory_space<vmem>>, vector<1x16xf32>,
        %parallel_loop3A_1285 = vector.shape_cast %parallel_loop3A_1284 : vector<1x16xf32> to vector<16xf32>
        %parallel_loop3A_1286 = arith.constant 368 : i32
        %parallel_loop3A_1287 = arith.addi %parallel_loop3A_1005, %parallel_loop3A_1286 : i32
        %parallel_loop3A_1288 = arith.index_cast %parallel_loop3A_1287 : i32 to index
        %parallel_loop3A_1289 = tpu.vector_load %arg10[%parallel_loop3A_1288] {strides = array<i32>} : memref<16384xf32, #tpu.memory_space<vmem>>, vector<16xf32>,
        %parallel_loop3A_1290 = vector.shape_cast %parallel_loop3A_1289 : vector<16xf32> to vector<16xf32>
        %parallel_loop3A_1291 = arith.subf %parallel_loop3A_1285, %parallel_loop3A_1290 : vector<16xf32>
        %parallel_loop3A_1292 = arith.mulf %parallel_loop3A_1291, %parallel_loop3A_1291 : vector<16xf32>
        %parallel_loop3A_1293 = arith.addf %parallel_loop3A_1245, %parallel_loop3A_1292 : vector<16xf32>
        %parallel_loop3A_1294 = arith.index_cast %parallel_loop3A_999 : i32 to index
        %parallel_loop3A_1295 = arith.constant 384 : index
        %parallel_loop3A_1296 = tpu.vector_load %arg8[%parallel_loop3A_1294, %parallel_loop3A_1295] {strides = array<i32>} : memref<32x512xf32, #tpu.memory_space<vmem>>, vector<1x16xf32>,
        %parallel_loop3A_1297 = vector.shape_cast %parallel_loop3A_1296 : vector<1x16xf32> to vector<16xf32>
        %parallel_loop3A_1298 = arith.constant 384 : i32
        %parallel_loop3A_1299 = arith.addi %parallel_loop3A_1005, %parallel_loop3A_1298 : i32
        %parallel_loop3A_1300 = arith.index_cast %parallel_loop3A_1299 : i32 to index
        %parallel_loop3A_1301 = tpu.vector_load %arg10[%parallel_loop3A_1300] {strides = array<i32>} : memref<16384xf32, #tpu.memory_space<vmem>>, vector<16xf32>,
        %parallel_loop3A_1302 = vector.shape_cast %parallel_loop3A_1301 : vector<16xf32> to vector<16xf32>
        %parallel_loop3A_1303 = arith.subf %parallel_loop3A_1297, %parallel_loop3A_1302 : vector<16xf32>
        %parallel_loop3A_1304 = arith.mulf %parallel_loop3A_1303, %parallel_loop3A_1303 : vector<16xf32>
        %parallel_loop3A_1305 = arith.addf %parallel_loop3A_1257, %parallel_loop3A_1304 : vector<16xf32>
        %parallel_loop3A_1306 = arith.index_cast %parallel_loop3A_999 : i32 to index
        %parallel_loop3A_1307 = arith.constant 400 : index
        %parallel_loop3A_1308 = tpu.vector_load %arg8[%parallel_loop3A_1306, %parallel_loop3A_1307] {strides = array<i32>} : memref<32x512xf32, #tpu.memory_space<vmem>>, vector<1x16xf32>,
        %parallel_loop3A_1309 = vector.shape_cast %parallel_loop3A_1308 : vector<1x16xf32> to vector<16xf32>
        %parallel_loop3A_1310 = arith.constant 400 : i32
        %parallel_loop3A_1311 = arith.addi %parallel_loop3A_1005, %parallel_loop3A_1310 : i32
        %parallel_loop3A_1312 = arith.index_cast %parallel_loop3A_1311 : i32 to index
        %parallel_loop3A_1313 = tpu.vector_load %arg10[%parallel_loop3A_1312] {strides = array<i32>} : memref<16384xf32, #tpu.memory_space<vmem>>, vector<16xf32>,
        %parallel_loop3A_1314 = vector.shape_cast %parallel_loop3A_1313 : vector<16xf32> to vector<16xf32>
        %parallel_loop3A_1315 = arith.subf %parallel_loop3A_1309, %parallel_loop3A_1314 : vector<16xf32>
        %parallel_loop3A_1316 = arith.mulf %parallel_loop3A_1315, %parallel_loop3A_1315 : vector<16xf32>
        %parallel_loop3A_1317 = arith.addf %parallel_loop3A_1269, %parallel_loop3A_1316 : vector<16xf32>
        %parallel_loop3A_1318 = arith.index_cast %parallel_loop3A_999 : i32 to index
        %parallel_loop3A_1319 = arith.constant 416 : index
        %parallel_loop3A_1320 = tpu.vector_load %arg8[%parallel_loop3A_1318, %parallel_loop3A_1319] {strides = array<i32>} : memref<32x512xf32, #tpu.memory_space<vmem>>, vector<1x16xf32>,
        %parallel_loop3A_1321 = vector.shape_cast %parallel_loop3A_1320 : vector<1x16xf32> to vector<16xf32>
        %parallel_loop3A_1322 = arith.constant 416 : i32
        %parallel_loop3A_1323 = arith.addi %parallel_loop3A_1005, %parallel_loop3A_1322 : i32
        %parallel_loop3A_1324 = arith.index_cast %parallel_loop3A_1323 : i32 to index
        %parallel_loop3A_1325 = tpu.vector_load %arg10[%parallel_loop3A_1324] {strides = array<i32>} : memref<16384xf32, #tpu.memory_space<vmem>>, vector<16xf32>,
        %parallel_loop3A_1326 = vector.shape_cast %parallel_loop3A_1325 : vector<16xf32> to vector<16xf32>
        %parallel_loop3A_1327 = arith.subf %parallel_loop3A_1321, %parallel_loop3A_1326 : vector<16xf32>
        %parallel_loop3A_1328 = arith.mulf %parallel_loop3A_1327, %parallel_loop3A_1327 : vector<16xf32>
        %parallel_loop3A_1329 = arith.addf %parallel_loop3A_1281, %parallel_loop3A_1328 : vector<16xf32>
        %parallel_loop3A_1330 = arith.index_cast %parallel_loop3A_999 : i32 to index
        %parallel_loop3A_1331 = arith.constant 432 : index
        %parallel_loop3A_1332 = tpu.vector_load %arg8[%parallel_loop3A_1330, %parallel_loop3A_1331] {strides = array<i32>} : memref<32x512xf32, #tpu.memory_space<vmem>>, vector<1x16xf32>,
        %parallel_loop3A_1333 = vector.shape_cast %parallel_loop3A_1332 : vector<1x16xf32> to vector<16xf32>
        %parallel_loop3A_1334 = arith.constant 432 : i32
        %parallel_loop3A_1335 = arith.addi %parallel_loop3A_1005, %parallel_loop3A_1334 : i32
        %parallel_loop3A_1336 = arith.index_cast %parallel_loop3A_1335 : i32 to index
        %parallel_loop3A_1337 = tpu.vector_load %arg10[%parallel_loop3A_1336] {strides = array<i32>} : memref<16384xf32, #tpu.memory_space<vmem>>, vector<16xf32>,
        %parallel_loop3A_1338 = vector.shape_cast %parallel_loop3A_1337 : vector<16xf32> to vector<16xf32>
        %parallel_loop3A_1339 = arith.subf %parallel_loop3A_1333, %parallel_loop3A_1338 : vector<16xf32>
        %parallel_loop3A_1340 = arith.mulf %parallel_loop3A_1339, %parallel_loop3A_1339 : vector<16xf32>
        %parallel_loop3A_1341 = arith.addf %parallel_loop3A_1293, %parallel_loop3A_1340 : vector<16xf32>
        %parallel_loop3A_1342 = arith.index_cast %parallel_loop3A_999 : i32 to index
        %parallel_loop3A_1343 = arith.constant 448 : index
        %parallel_loop3A_1344 = tpu.vector_load %arg8[%parallel_loop3A_1342, %parallel_loop3A_1343] {strides = array<i32>} : memref<32x512xf32, #tpu.memory_space<vmem>>, vector<1x16xf32>,
        %parallel_loop3A_1345 = vector.shape_cast %parallel_loop3A_1344 : vector<1x16xf32> to vector<16xf32>
        %parallel_loop3A_1346 = arith.constant 448 : i32
        %parallel_loop3A_1347 = arith.addi %parallel_loop3A_1005, %parallel_loop3A_1346 : i32
        %parallel_loop3A_1348 = arith.index_cast %parallel_loop3A_1347 : i32 to index
        %parallel_loop3A_1349 = tpu.vector_load %arg10[%parallel_loop3A_1348] {strides = array<i32>} : memref<16384xf32, #tpu.memory_space<vmem>>, vector<16xf32>,
        %parallel_loop3A_1350 = vector.shape_cast %parallel_loop3A_1349 : vector<16xf32> to vector<16xf32>
        %parallel_loop3A_1351 = arith.subf %parallel_loop3A_1345, %parallel_loop3A_1350 : vector<16xf32>
        %parallel_loop3A_1352 = arith.mulf %parallel_loop3A_1351, %parallel_loop3A_1351 : vector<16xf32>
        %parallel_loop3A_1353 = arith.addf %parallel_loop3A_1305, %parallel_loop3A_1352 : vector<16xf32>
        %parallel_loop3A_1354 = arith.index_cast %parallel_loop3A_999 : i32 to index
        %parallel_loop3A_1355 = arith.constant 464 : index
        %parallel_loop3A_1356 = tpu.vector_load %arg8[%parallel_loop3A_1354, %parallel_loop3A_1355] {strides = array<i32>} : memref<32x512xf32, #tpu.memory_space<vmem>>, vector<1x16xf32>,
        %parallel_loop3A_1357 = vector.shape_cast %parallel_loop3A_1356 : vector<1x16xf32> to vector<16xf32>
        %parallel_loop3A_1358 = arith.constant 464 : i32
        %parallel_loop3A_1359 = arith.addi %parallel_loop3A_1005, %parallel_loop3A_1358 : i32
        %parallel_loop3A_1360 = arith.index_cast %parallel_loop3A_1359 : i32 to index
        %parallel_loop3A_1361 = tpu.vector_load %arg10[%parallel_loop3A_1360] {strides = array<i32>} : memref<16384xf32, #tpu.memory_space<vmem>>, vector<16xf32>,
        %parallel_loop3A_1362 = vector.shape_cast %parallel_loop3A_1361 : vector<16xf32> to vector<16xf32>
        %parallel_loop3A_1363 = arith.subf %parallel_loop3A_1357, %parallel_loop3A_1362 : vector<16xf32>
        %parallel_loop3A_1364 = arith.mulf %parallel_loop3A_1363, %parallel_loop3A_1363 : vector<16xf32>
        %parallel_loop3A_1365 = arith.addf %parallel_loop3A_1317, %parallel_loop3A_1364 : vector<16xf32>
        %parallel_loop3A_1366 = arith.index_cast %parallel_loop3A_999 : i32 to index
        %parallel_loop3A_1367 = arith.constant 480 : index
        %parallel_loop3A_1368 = tpu.vector_load %arg8[%parallel_loop3A_1366, %parallel_loop3A_1367] {strides = array<i32>} : memref<32x512xf32, #tpu.memory_space<vmem>>, vector<1x16xf32>,
        %parallel_loop3A_1369 = vector.shape_cast %parallel_loop3A_1368 : vector<1x16xf32> to vector<16xf32>
        %parallel_loop3A_1370 = arith.constant 480 : i32
        %parallel_loop3A_1371 = arith.addi %parallel_loop3A_1005, %parallel_loop3A_1370 : i32
        %parallel_loop3A_1372 = arith.index_cast %parallel_loop3A_1371 : i32 to index
        %parallel_loop3A_1373 = tpu.vector_load %arg10[%parallel_loop3A_1372] {strides = array<i32>} : memref<16384xf32, #tpu.memory_space<vmem>>, vector<16xf32>,
        %parallel_loop3A_1374 = vector.shape_cast %parallel_loop3A_1373 : vector<16xf32> to vector<16xf32>
        %parallel_loop3A_1375 = arith.subf %parallel_loop3A_1369, %parallel_loop3A_1374 : vector<16xf32>
        %parallel_loop3A_1376 = arith.mulf %parallel_loop3A_1375, %parallel_loop3A_1375 : vector<16xf32>
        %parallel_loop3A_1377 = arith.addf %parallel_loop3A_1329, %parallel_loop3A_1376 : vector<16xf32>
        %parallel_loop3A_1378 = arith.index_cast %parallel_loop3A_999 : i32 to index
        %parallel_loop3A_1379 = arith.constant 496 : index
        %parallel_loop3A_1380 = tpu.vector_load %arg8[%parallel_loop3A_1378, %parallel_loop3A_1379] {strides = array<i32>} : memref<32x512xf32, #tpu.memory_space<vmem>>, vector<1x16xf32>,
        %parallel_loop3A_1381 = vector.shape_cast %parallel_loop3A_1380 : vector<1x16xf32> to vector<16xf32>
        %parallel_loop3A_1382 = arith.constant 496 : i32
        %parallel_loop3A_1383 = arith.addi %parallel_loop3A_1005, %parallel_loop3A_1382 : i32
        %parallel_loop3A_1384 = arith.index_cast %parallel_loop3A_1383 : i32 to index
        %parallel_loop3A_1385 = tpu.vector_load %arg10[%parallel_loop3A_1384] {strides = array<i32>} : memref<16384xf32, #tpu.memory_space<vmem>>, vector<16xf32>,
        %parallel_loop3A_1386 = vector.shape_cast %parallel_loop3A_1385 : vector<16xf32> to vector<16xf32>
        %parallel_loop3A_1387 = arith.subf %parallel_loop3A_1381, %parallel_loop3A_1386 : vector<16xf32>
        %parallel_loop3A_1388 = arith.mulf %parallel_loop3A_1387, %parallel_loop3A_1387 : vector<16xf32>
        %parallel_loop3A_1389 = arith.addf %parallel_loop3A_1341, %parallel_loop3A_1388 : vector<16xf32>
        scf.yield %parallel_loop3A_1353, %parallel_loop3A_1365, %parallel_loop3A_1377, %parallel_loop3A_1389 : vector<16xf32>, vector<16xf32>, vector<16xf32>, vector<16xf32>
      } {sc.loop_unroll_factor = 1 : i64, sc.parallel_access}
      %add3A_992 = arith.constant 2 : i32
      %add3A_993 = arith.addi %add3A_977, %add3A_992 : i32
      %lt3A_994 = arith.constant 10 : i32
      %lt3A_995 = arith.cmpi slt, %add3A_993, %lt3A_994 : i32
      %convert_element_type3A_996 = arith.extui %lt3A_995 : i1 to i32
      %cond3A_997 = arith.constant 0 : i32
      %cond3A_998 = arith.cmpi ne, %convert_element_type3A_996, %cond3A_997 : i32
      scf.if %cond3A_998 {
        %add3A_999 = arith.constant 2 : i32
        %add3A_1000 = arith.addi %add3A_977, %add3A_999 : i32
        %mul3A_1001 = arith.constant 32 : i32
        %mul3A_1002 = arith.muli %add3A_1000, %mul3A_1001 : i32
        %add3A_1003 = arith.addi %mul3A_2, %mul3A_1002 : i32
        %dma_start3A_1004 = arith.constant 0 : i32
        %dma_start3A_1005 = tpu.memref_slice %arg2[%add3A_1003, %dma_start3A_1004] : memref<16384x512xf32, #tpu.memory_space<hbm>> -> memref<32x512xf32, #tpu.memory_space<hbm>>
        %dma_start3A_1006 = arith.constant 0 : i32
        %dma_start3A_1007 = tpu.memref_slice %arg2[%add3A_1003, %dma_start3A_1006] : memref<16384x512xf32, #tpu.memory_space<hbm>> -> memref<32x512xf32, #tpu.memory_space<hbm>>
        tpu.enqueue_dma source(%dma_start3A_1007 : memref<32x512xf32, #tpu.memory_space<hbm>>) target(%arg8 : memref<32x512xf32, #tpu.memory_space<vmem>>) target_semaphore(%arg14 : memref<!tpu.dma_semaphore, #tpu.memory_space<semaphore_mem>>)
        %get3A_1008 = arith.index_cast %add3A_1000 : i32 to index
        %get3A_1009 = arith.constant 0 : index
        %get3A_1010 = tpu.vector_load %arg6[%get3A_1008, %get3A_1009] {strides = array<i32>} : memref<10x32xi32, #tpu.memory_space<vmem>>, vector<1x16xi32>,
        %get3A_1011 = vector.shape_cast %get3A_1010 : vector<1x16xi32> to vector<16xi32>
        %slice3A_1012 = vector.extract_strided_slice %get3A_1011 {offsets = [0], sizes = [1], strides = [1]} : vector<16xi32> to vector<1xi32>
        %squeeze3A_1013 = vector.extract %slice3A_1012[0] : i32 from vector<1xi32>
        %mul3A_1014 = arith.constant 512 : i32
        %mul3A_1015 = arith.muli %squeeze3A_1013, %mul3A_1014 : i32
        %multiple_of3A_1016 = tpu.assume_multiple %mul3A_1015, 512 : i32
        %dma_start3A_1017 = arith.constant 0 : i32
        %dma_start3A_1018 = tpu.memref_slice %arg10[%dma_start3A_1017] : memref<16384xf32, #tpu.memory_space<vmem>> -> memref<512xf32, #tpu.memory_space<vmem>>
        %dma_start3A_1019 = tpu.memref_slice %arg12[%multiple_of3A_1016] : memref<512000xf32, #tpu.memory_space<vmem_shared>> -> memref<512xf32, #tpu.memory_space<vmem_shared>>
        %dma_start3A_1020 = arith.constant 0 : i32
        %dma_start3A_1021 = tpu.memref_slice %arg10[%dma_start3A_1020] : memref<16384xf32, #tpu.memory_space<vmem>> -> memref<512xf32, #tpu.memory_space<vmem>>
        %dma_start3A_1022 = tpu.memref_slice %arg12[%multiple_of3A_1016] : memref<512000xf32, #tpu.memory_space<vmem_shared>> -> memref<512xf32, #tpu.memory_space<vmem_shared>>
        tpu.enqueue_dma source(%dma_start3A_1022 : memref<512xf32, #tpu.memory_space<vmem_shared>>) target(%dma_start3A_1021 : memref<512xf32, #tpu.memory_space<vmem>>) target_semaphore(%arg16 : memref<!tpu.dma_semaphore, #tpu.memory_space<semaphore_mem>>)
        %slice3A_1023 = vector.extract_strided_slice %get3A_1011 {offsets = [1], sizes = [1], strides = [1]} : vector<16xi32> to vector<1xi32>
        %squeeze3A_1024 = vector.extract %slice3A_1023[0] : i32 from vector<1xi32>
        %mul3A_1025 = arith.constant 512 : i32
        %mul3A_1026 = arith.muli %squeeze3A_1024, %mul3A_1025 : i32
        %multiple_of3A_1027 = tpu.assume_multiple %mul3A_1026, 512 : i32
        %dma_start3A_1028 = arith.constant 512 : i32
        %dma_start3A_1029 = tpu.memref_slice %arg10[%dma_start3A_1028] : memref<16384xf32, #tpu.memory_space<vmem>> -> memref<512xf32, #tpu.memory_space<vmem>>
        %dma_start3A_1030 = tpu.memref_slice %arg12[%multiple_of3A_1027] : memref<512000xf32, #tpu.memory_space<vmem_shared>> -> memref<512xf32, #tpu.memory_space<vmem_shared>>
        %dma_start3A_1031 = arith.constant 512 : i32
        %dma_start3A_1032 = tpu.memref_slice %arg10[%dma_start3A_1031] : memref<16384xf32, #tpu.memory_space<vmem>> -> memref<512xf32, #tpu.memory_space<vmem>>
        %dma_start3A_1033 = tpu.memref_slice %arg12[%multiple_of3A_1027] : memref<512000xf32, #tpu.memory_space<vmem_shared>> -> memref<512xf32, #tpu.memory_space<vmem_shared>>
        tpu.enqueue_dma source(%dma_start3A_1033 : memref<512xf32, #tpu.memory_space<vmem_shared>>) target(%dma_start3A_1032 : memref<512xf32, #tpu.memory_space<vmem>>) target_semaphore(%arg16 : memref<!tpu.dma_semaphore, #tpu.memory_space<semaphore_mem>>)
        %slice3A_1034 = vector.extract_strided_slice %get3A_1011 {offsets = [2], sizes = [1], strides = [1]} : vector<16xi32> to vector<1xi32>
        %squeeze3A_1035 = vector.extract %slice3A_1034[0] : i32 from vector<1xi32>
        %mul3A_1036 = arith.constant 512 : i32
        %mul3A_1037 = arith.muli %squeeze3A_1035, %mul3A_1036 : i32
        %multiple_of3A_1038 = tpu.assume_multiple %mul3A_1037, 512 : i32
        %dma_start3A_1039 = arith.constant 1024 : i32
        %dma_start3A_1040 = tpu.memref_slice %arg10[%dma_start3A_1039] : memref<16384xf32, #tpu.memory_space<vmem>> -> memref<512xf32, #tpu.memory_space<vmem>>
        %dma_start3A_1041 = tpu.memref_slice %arg12[%multiple_of3A_1038] : memref<512000xf32, #tpu.memory_space<vmem_shared>> -> memref<512xf32, #tpu.memory_space<vmem_shared>>
        %dma_start3A_1042 = arith.constant 1024 : i32
        %dma_start3A_1043 = tpu.memref_slice %arg10[%dma_start3A_1042] : memref<16384xf32, #tpu.memory_space<vmem>> -> memref<512xf32, #tpu.memory_space<vmem>>
        %dma_start3A_1044 = tpu.memref_slice %arg12[%multiple_of3A_1038] : memref<512000xf32, #tpu.memory_space<vmem_shared>> -> memref<512xf32, #tpu.memory_space<vmem_shared>>
        tpu.enqueue_dma source(%dma_start3A_1044 : memref<512xf32, #tpu.memory_space<vmem_shared>>) target(%dma_start3A_1043 : memref<512xf32, #tpu.memory_space<vmem>>) target_semaphore(%arg16 : memref<!tpu.dma_semaphore, #tpu.memory_space<semaphore_mem>>)
        %slice3A_1045 = vector.extract_strided_slice %get3A_1011 {offsets = [3], sizes = [1], strides = [1]} : vector<16xi32> to vector<1xi32>
        %squeeze3A_1046 = vector.extract %slice3A_1045[0] : i32 from vector<1xi32>
        %mul3A_1047 = arith.constant 512 : i32
        %mul3A_1048 = arith.muli %squeeze3A_1046, %mul3A_1047 : i32
        %multiple_of3A_1049 = tpu.assume_multiple %mul3A_1048, 512 : i32
        %dma_start3A_1050 = arith.constant 1536 : i32
        %dma_start3A_1051 = tpu.memref_slice %arg10[%dma_start3A_1050] : memref<16384xf32, #tpu.memory_space<vmem>> -> memref<512xf32, #tpu.memory_space<vmem>>
        %dma_start3A_1052 = tpu.memref_slice %arg12[%multiple_of3A_1049] : memref<512000xf32, #tpu.memory_space<vmem_shared>> -> memref<512xf32, #tpu.memory_space<vmem_shared>>
        %dma_start3A_1053 = arith.constant 1536 : i32
        %dma_start3A_1054 = tpu.memref_slice %arg10[%dma_start3A_1053] : memref<16384xf32, #tpu.memory_space<vmem>> -> memref<512xf32, #tpu.memory_space<vmem>>
        %dma_start3A_1055 = tpu.memref_slice %arg12[%multiple_of3A_1049] : memref<512000xf32, #tpu.memory_space<vmem_shared>> -> memref<512xf32, #tpu.memory_space<vmem_shared>>
        tpu.enqueue_dma source(%dma_start3A_1055 : memref<512xf32, #tpu.memory_space<vmem_shared>>) target(%dma_start3A_1054 : memref<512xf32, #tpu.memory_space<vmem>>) target_semaphore(%arg16 : memref<!tpu.dma_semaphore, #tpu.memory_space<semaphore_mem>>)
        %slice3A_1056 = vector.extract_strided_slice %get3A_1011 {offsets = [4], sizes = [1], strides = [1]} : vector<16xi32> to vector<1xi32>
        %squeeze3A_1057 = vector.extract %slice3A_1056[0] : i32 from vector<1xi32>
        %mul3A_1058 = arith.constant 512 : i32
        %mul3A_1059 = arith.muli %squeeze3A_1057, %mul3A_1058 : i32
        %multiple_of3A_1060 = tpu.assume_multiple %mul3A_1059, 512 : i32
        %dma_start3A_1061 = arith.constant 2048 : i32
        %dma_start3A_1062 = tpu.memref_slice %arg10[%dma_start3A_1061] : memref<16384xf32, #tpu.memory_space<vmem>> -> memref<512xf32, #tpu.memory_space<vmem>>
        %dma_start3A_1063 = tpu.memref_slice %arg12[%multiple_of3A_1060] : memref<512000xf32, #tpu.memory_space<vmem_shared>> -> memref<512xf32, #tpu.memory_space<vmem_shared>>
        %dma_start3A_1064 = arith.constant 2048 : i32
        %dma_start3A_1065 = tpu.memref_slice %arg10[%dma_start3A_1064] : memref<16384xf32, #tpu.memory_space<vmem>> -> memref<512xf32, #tpu.memory_space<vmem>>
        %dma_start3A_1066 = tpu.memref_slice %arg12[%multiple_of3A_1060] : memref<512000xf32, #tpu.memory_space<vmem_shared>> -> memref<512xf32, #tpu.memory_space<vmem_shared>>
        tpu.enqueue_dma source(%dma_start3A_1066 : memref<512xf32, #tpu.memory_space<vmem_shared>>) target(%dma_start3A_1065 : memref<512xf32, #tpu.memory_space<vmem>>) target_semaphore(%arg16 : memref<!tpu.dma_semaphore, #tpu.memory_space<semaphore_mem>>)
        %slice3A_1067 = vector.extract_strided_slice %get3A_1011 {offsets = [5], sizes = [1], strides = [1]} : vector<16xi32> to vector<1xi32>
        %squeeze3A_1068 = vector.extract %slice3A_1067[0] : i32 from vector<1xi32>
        %mul3A_1069 = arith.constant 512 : i32
        %mul3A_1070 = arith.muli %squeeze3A_1068, %mul3A_1069 : i32
        %multiple_of3A_1071 = tpu.assume_multiple %mul3A_1070, 512 : i32
        %dma_start3A_1072 = arith.constant 2560 : i32
        %dma_start3A_1073 = tpu.memref_slice %arg10[%dma_start3A_1072] : memref<16384xf32, #tpu.memory_space<vmem>> -> memref<512xf32, #tpu.memory_space<vmem>>
        %dma_start3A_1074 = tpu.memref_slice %arg12[%multiple_of3A_1071] : memref<512000xf32, #tpu.memory_space<vmem_shared>> -> memref<512xf32, #tpu.memory_space<vmem_shared>>
        %dma_start3A_1075 = arith.constant 2560 : i32
        %dma_start3A_1076 = tpu.memref_slice %arg10[%dma_start3A_1075] : memref<16384xf32, #tpu.memory_space<vmem>> -> memref<512xf32, #tpu.memory_space<vmem>>
        %dma_start3A_1077 = tpu.memref_slice %arg12[%multiple_of3A_1071] : memref<512000xf32, #tpu.memory_space<vmem_shared>> -> memref<512xf32, #tpu.memory_space<vmem_shared>>
        tpu.enqueue_dma source(%dma_start3A_1077 : memref<512xf32, #tpu.memory_space<vmem_shared>>) target(%dma_start3A_1076 : memref<512xf32, #tpu.memory_space<vmem>>) target_semaphore(%arg16 : memref<!tpu.dma_semaphore, #tpu.memory_space<semaphore_mem>>)
        %slice3A_1078 = vector.extract_strided_slice %get3A_1011 {offsets = [6], sizes = [1], strides = [1]} : vector<16xi32> to vector<1xi32>
        %squeeze3A_1079 = vector.extract %slice3A_1078[0] : i32 from vector<1xi32>
        %mul3A_1080 = arith.constant 512 : i32
        %mul3A_1081 = arith.muli %squeeze3A_1079, %mul3A_1080 : i32
        %multiple_of3A_1082 = tpu.assume_multiple %mul3A_1081, 512 : i32
        %dma_start3A_1083 = arith.constant 3072 : i32
        %dma_start3A_1084 = tpu.memref_slice %arg10[%dma_start3A_1083] : memref<16384xf32, #tpu.memory_space<vmem>> -> memref<512xf32, #tpu.memory_space<vmem>>
        %dma_start3A_1085 = tpu.memref_slice %arg12[%multiple_of3A_1082] : memref<512000xf32, #tpu.memory_space<vmem_shared>> -> memref<512xf32, #tpu.memory_space<vmem_shared>>
        %dma_start3A_1086 = arith.constant 3072 : i32
        %dma_start3A_1087 = tpu.memref_slice %arg10[%dma_start3A_1086] : memref<16384xf32, #tpu.memory_space<vmem>> -> memref<512xf32, #tpu.memory_space<vmem>>
        %dma_start3A_1088 = tpu.memref_slice %arg12[%multiple_of3A_1082] : memref<512000xf32, #tpu.memory_space<vmem_shared>> -> memref<512xf32, #tpu.memory_space<vmem_shared>>
        tpu.enqueue_dma source(%dma_start3A_1088 : memref<512xf32, #tpu.memory_space<vmem_shared>>) target(%dma_start3A_1087 : memref<512xf32, #tpu.memory_space<vmem>>) target_semaphore(%arg16 : memref<!tpu.dma_semaphore, #tpu.memory_space<semaphore_mem>>)
        %slice3A_1089 = vector.extract_strided_slice %get3A_1011 {offsets = [7], sizes = [1], strides = [1]} : vector<16xi32> to vector<1xi32>
        %squeeze3A_1090 = vector.extract %slice3A_1089[0] : i32 from vector<1xi32>
        %mul3A_1091 = arith.constant 512 : i32
        %mul3A_1092 = arith.muli %squeeze3A_1090, %mul3A_1091 : i32
        %multiple_of3A_1093 = tpu.assume_multiple %mul3A_1092, 512 : i32
        %dma_start3A_1094 = arith.constant 3584 : i32
        %dma_start3A_1095 = tpu.memref_slice %arg10[%dma_start3A_1094] : memref<16384xf32, #tpu.memory_space<vmem>> -> memref<512xf32, #tpu.memory_space<vmem>>
        %dma_start3A_1096 = tpu.memref_slice %arg12[%multiple_of3A_1093] : memref<512000xf32, #tpu.memory_space<vmem_shared>> -> memref<512xf32, #tpu.memory_space<vmem_shared>>
        %dma_start3A_1097 = arith.constant 3584 : i32
        %dma_start3A_1098 = tpu.memref_slice %arg10[%dma_start3A_1097] : memref<16384xf32, #tpu.memory_space<vmem>> -> memref<512xf32, #tpu.memory_space<vmem>>
        %dma_start3A_1099 = tpu.memref_slice %arg12[%multiple_of3A_1093] : memref<512000xf32, #tpu.memory_space<vmem_shared>> -> memref<512xf32, #tpu.memory_space<vmem_shared>>
        tpu.enqueue_dma source(%dma_start3A_1099 : memref<512xf32, #tpu.memory_space<vmem_shared>>) target(%dma_start3A_1098 : memref<512xf32, #tpu.memory_space<vmem>>) target_semaphore(%arg16 : memref<!tpu.dma_semaphore, #tpu.memory_space<semaphore_mem>>)
        %slice3A_1100 = vector.extract_strided_slice %get3A_1011 {offsets = [8], sizes = [1], strides = [1]} : vector<16xi32> to vector<1xi32>
        %squeeze3A_1101 = vector.extract %slice3A_1100[0] : i32 from vector<1xi32>
        %mul3A_1102 = arith.constant 512 : i32
        %mul3A_1103 = arith.muli %squeeze3A_1101, %mul3A_1102 : i32
        %multiple_of3A_1104 = tpu.assume_multiple %mul3A_1103, 512 : i32
        %dma_start3A_1105 = arith.constant 4096 : i32
        %dma_start3A_1106 = tpu.memref_slice %arg10[%dma_start3A_1105] : memref<16384xf32, #tpu.memory_space<vmem>> -> memref<512xf32, #tpu.memory_space<vmem>>
        %dma_start3A_1107 = tpu.memref_slice %arg12[%multiple_of3A_1104] : memref<512000xf32, #tpu.memory_space<vmem_shared>> -> memref<512xf32, #tpu.memory_space<vmem_shared>>
        %dma_start3A_1108 = arith.constant 4096 : i32
        %dma_start3A_1109 = tpu.memref_slice %arg10[%dma_start3A_1108] : memref<16384xf32, #tpu.memory_space<vmem>> -> memref<512xf32, #tpu.memory_space<vmem>>
        %dma_start3A_1110 = tpu.memref_slice %arg12[%multiple_of3A_1104] : memref<512000xf32, #tpu.memory_space<vmem_shared>> -> memref<512xf32, #tpu.memory_space<vmem_shared>>
        tpu.enqueue_dma source(%dma_start3A_1110 : memref<512xf32, #tpu.memory_space<vmem_shared>>) target(%dma_start3A_1109 : memref<512xf32, #tpu.memory_space<vmem>>) target_semaphore(%arg16 : memref<!tpu.dma_semaphore, #tpu.memory_space<semaphore_mem>>)
        %slice3A_1111 = vector.extract_strided_slice %get3A_1011 {offsets = [9], sizes = [1], strides = [1]} : vector<16xi32> to vector<1xi32>
        %squeeze3A_1112 = vector.extract %slice3A_1111[0] : i32 from vector<1xi32>
        %mul3A_1113 = arith.constant 512 : i32
        %mul3A_1114 = arith.muli %squeeze3A_1112, %mul3A_1113 : i32
        %multiple_of3A_1115 = tpu.assume_multiple %mul3A_1114, 512 : i32
        %dma_start3A_1116 = arith.constant 4608 : i32
        %dma_start3A_1117 = tpu.memref_slice %arg10[%dma_start3A_1116] : memref<16384xf32, #tpu.memory_space<vmem>> -> memref<512xf32, #tpu.memory_space<vmem>>
        %dma_start3A_1118 = tpu.memref_slice %arg12[%multiple_of3A_1115] : memref<512000xf32, #tpu.memory_space<vmem_shared>> -> memref<512xf32, #tpu.memory_space<vmem_shared>>
        %dma_start3A_1119 = arith.constant 4608 : i32
        %dma_start3A_1120 = tpu.memref_slice %arg10[%dma_start3A_1119] : memref<16384xf32, #tpu.memory_space<vmem>> -> memref<512xf32, #tpu.memory_space<vmem>>
        %dma_start3A_1121 = tpu.memref_slice %arg12[%multiple_of3A_1115] : memref<512000xf32, #tpu.memory_space<vmem_shared>> -> memref<512xf32, #tpu.memory_space<vmem_shared>>
        tpu.enqueue_dma source(%dma_start3A_1121 : memref<512xf32, #tpu.memory_space<vmem_shared>>) target(%dma_start3A_1120 : memref<512xf32, #tpu.memory_space<vmem>>) target_semaphore(%arg16 : memref<!tpu.dma_semaphore, #tpu.memory_space<semaphore_mem>>)
        %slice3A_1122 = vector.extract_strided_slice %get3A_1011 {offsets = [10], sizes = [1], strides = [1]} : vector<16xi32> to vector<1xi32>
        %squeeze3A_1123 = vector.extract %slice3A_1122[0] : i32 from vector<1xi32>
        %mul3A_1124 = arith.constant 512 : i32
        %mul3A_1125 = arith.muli %squeeze3A_1123, %mul3A_1124 : i32
        %multiple_of3A_1126 = tpu.assume_multiple %mul3A_1125, 512 : i32
        %dma_start3A_1127 = arith.constant 5120 : i32
        %dma_start3A_1128 = tpu.memref_slice %arg10[%dma_start3A_1127] : memref<16384xf32, #tpu.memory_space<vmem>> -> memref<512xf32, #tpu.memory_space<vmem>>
        %dma_start3A_1129 = tpu.memref_slice %arg12[%multiple_of3A_1126] : memref<512000xf32, #tpu.memory_space<vmem_shared>> -> memref<512xf32, #tpu.memory_space<vmem_shared>>
        %dma_start3A_1130 = arith.constant 5120 : i32
        %dma_start3A_1131 = tpu.memref_slice %arg10[%dma_start3A_1130] : memref<16384xf32, #tpu.memory_space<vmem>> -> memref<512xf32, #tpu.memory_space<vmem>>
        %dma_start3A_1132 = tpu.memref_slice %arg12[%multiple_of3A_1126] : memref<512000xf32, #tpu.memory_space<vmem_shared>> -> memref<512xf32, #tpu.memory_space<vmem_shared>>
        tpu.enqueue_dma source(%dma_start3A_1132 : memref<512xf32, #tpu.memory_space<vmem_shared>>) target(%dma_start3A_1131 : memref<512xf32, #tpu.memory_space<vmem>>) target_semaphore(%arg16 : memref<!tpu.dma_semaphore, #tpu.memory_space<semaphore_mem>>)
        %slice3A_1133 = vector.extract_strided_slice %get3A_1011 {offsets = [11], sizes = [1], strides = [1]} : vector<16xi32> to vector<1xi32>
        %squeeze3A_1134 = vector.extract %slice3A_1133[0] : i32 from vector<1xi32>
        %mul3A_1135 = arith.constant 512 : i32
        %mul3A_1136 = arith.muli %squeeze3A_1134, %mul3A_1135 : i32
        %multiple_of3A_1137 = tpu.assume_multiple %mul3A_1136, 512 : i32
        %dma_start3A_1138 = arith.constant 5632 : i32
        %dma_start3A_1139 = tpu.memref_slice %arg10[%dma_start3A_1138] : memref<16384xf32, #tpu.memory_space<vmem>> -> memref<512xf32, #tpu.memory_space<vmem>>
        %dma_start3A_1140 = tpu.memref_slice %arg12[%multiple_of3A_1137] : memref<512000xf32, #tpu.memory_space<vmem_shared>> -> memref<512xf32, #tpu.memory_space<vmem_shared>>
        %dma_start3A_1141 = arith.constant 5632 : i32
        %dma_start3A_1142 = tpu.memref_slice %arg10[%dma_start3A_1141] : memref<16384xf32, #tpu.memory_space<vmem>> -> memref<512xf32, #tpu.memory_space<vmem>>
        %dma_start3A_1143 = tpu.memref_slice %arg12[%multiple_of3A_1137] : memref<512000xf32, #tpu.memory_space<vmem_shared>> -> memref<512xf32, #tpu.memory_space<vmem_shared>>
        tpu.enqueue_dma source(%dma_start3A_1143 : memref<512xf32, #tpu.memory_space<vmem_shared>>) target(%dma_start3A_1142 : memref<512xf32, #tpu.memory_space<vmem>>) target_semaphore(%arg16 : memref<!tpu.dma_semaphore, #tpu.memory_space<semaphore_mem>>)
        %slice3A_1144 = vector.extract_strided_slice %get3A_1011 {offsets = [12], sizes = [1], strides = [1]} : vector<16xi32> to vector<1xi32>
        %squeeze3A_1145 = vector.extract %slice3A_1144[0] : i32 from vector<1xi32>
        %mul3A_1146 = arith.constant 512 : i32
        %mul3A_1147 = arith.muli %squeeze3A_1145, %mul3A_1146 : i32
        %multiple_of3A_1148 = tpu.assume_multiple %mul3A_1147, 512 : i32
        %dma_start3A_1149 = arith.constant 6144 : i32
        %dma_start3A_1150 = tpu.memref_slice %arg10[%dma_start3A_1149] : memref<16384xf32, #tpu.memory_space<vmem>> -> memref<512xf32, #tpu.memory_space<vmem>>
        %dma_start3A_1151 = tpu.memref_slice %arg12[%multiple_of3A_1148] : memref<512000xf32, #tpu.memory_space<vmem_shared>> -> memref<512xf32, #tpu.memory_space<vmem_shared>>
        %dma_start3A_1152 = arith.constant 6144 : i32
        %dma_start3A_1153 = tpu.memref_slice %arg10[%dma_start3A_1152] : memref<16384xf32, #tpu.memory_space<vmem>> -> memref<512xf32, #tpu.memory_space<vmem>>
        %dma_start3A_1154 = tpu.memref_slice %arg12[%multiple_of3A_1148] : memref<512000xf32, #tpu.memory_space<vmem_shared>> -> memref<512xf32, #tpu.memory_space<vmem_shared>>
        tpu.enqueue_dma source(%dma_start3A_1154 : memref<512xf32, #tpu.memory_space<vmem_shared>>) target(%dma_start3A_1153 : memref<512xf32, #tpu.memory_space<vmem>>) target_semaphore(%arg16 : memref<!tpu.dma_semaphore, #tpu.memory_space<semaphore_mem>>)
        %slice3A_1155 = vector.extract_strided_slice %get3A_1011 {offsets = [13], sizes = [1], strides = [1]} : vector<16xi32> to vector<1xi32>
        %squeeze3A_1156 = vector.extract %slice3A_1155[0] : i32 from vector<1xi32>
        %mul3A_1157 = arith.constant 512 : i32
        %mul3A_1158 = arith.muli %squeeze3A_1156, %mul3A_1157 : i32
        %multiple_of3A_1159 = tpu.assume_multiple %mul3A_1158, 512 : i32
        %dma_start3A_1160 = arith.constant 6656 : i32
        %dma_start3A_1161 = tpu.memref_slice %arg10[%dma_start3A_1160] : memref<16384xf32, #tpu.memory_space<vmem>> -> memref<512xf32, #tpu.memory_space<vmem>>
        %dma_start3A_1162 = tpu.memref_slice %arg12[%multiple_of3A_1159] : memref<512000xf32, #tpu.memory_space<vmem_shared>> -> memref<512xf32, #tpu.memory_space<vmem_shared>>
        %dma_start3A_1163 = arith.constant 6656 : i32
        %dma_start3A_1164 = tpu.memref_slice %arg10[%dma_start3A_1163] : memref<16384xf32, #tpu.memory_space<vmem>> -> memref<512xf32, #tpu.memory_space<vmem>>
        %dma_start3A_1165 = tpu.memref_slice %arg12[%multiple_of3A_1159] : memref<512000xf32, #tpu.memory_space<vmem_shared>> -> memref<512xf32, #tpu.memory_space<vmem_shared>>
        tpu.enqueue_dma source(%dma_start3A_1165 : memref<512xf32, #tpu.memory_space<vmem_shared>>) target(%dma_start3A_1164 : memref<512xf32, #tpu.memory_space<vmem>>) target_semaphore(%arg16 : memref<!tpu.dma_semaphore, #tpu.memory_space<semaphore_mem>>)
        %slice3A_1166 = vector.extract_strided_slice %get3A_1011 {offsets = [14], sizes = [1], strides = [1]} : vector<16xi32> to vector<1xi32>
        %squeeze3A_1167 = vector.extract %slice3A_1166[0] : i32 from vector<1xi32>
        %mul3A_1168 = arith.constant 512 : i32
        %mul3A_1169 = arith.muli %squeeze3A_1167, %mul3A_1168 : i32
        %multiple_of3A_1170 = tpu.assume_multiple %mul3A_1169, 512 : i32
        %dma_start3A_1171 = arith.constant 7168 : i32
        %dma_start3A_1172 = tpu.memref_slice %arg10[%dma_start3A_1171] : memref<16384xf32, #tpu.memory_space<vmem>> -> memref<512xf32, #tpu.memory_space<vmem>>
        %dma_start3A_1173 = tpu.memref_slice %arg12[%multiple_of3A_1170] : memref<512000xf32, #tpu.memory_space<vmem_shared>> -> memref<512xf32, #tpu.memory_space<vmem_shared>>
        %dma_start3A_1174 = arith.constant 7168 : i32
        %dma_start3A_1175 = tpu.memref_slice %arg10[%dma_start3A_1174] : memref<16384xf32, #tpu.memory_space<vmem>> -> memref<512xf32, #tpu.memory_space<vmem>>
        %dma_start3A_1176 = tpu.memref_slice %arg12[%multiple_of3A_1170] : memref<512000xf32, #tpu.memory_space<vmem_shared>> -> memref<512xf32, #tpu.memory_space<vmem_shared>>
        tpu.enqueue_dma source(%dma_start3A_1176 : memref<512xf32, #tpu.memory_space<vmem_shared>>) target(%dma_start3A_1175 : memref<512xf32, #tpu.memory_space<vmem>>) target_semaphore(%arg16 : memref<!tpu.dma_semaphore, #tpu.memory_space<semaphore_mem>>)
        %slice3A_1177 = vector.extract_strided_slice %get3A_1011 {offsets = [15], sizes = [1], strides = [1]} : vector<16xi32> to vector<1xi32>
        %squeeze3A_1178 = vector.extract %slice3A_1177[0] : i32 from vector<1xi32>
        %mul3A_1179 = arith.constant 512 : i32
        %mul3A_1180 = arith.muli %squeeze3A_1178, %mul3A_1179 : i32
        %multiple_of3A_1181 = tpu.assume_multiple %mul3A_1180, 512 : i32
        %dma_start3A_1182 = arith.constant 7680 : i32
        %dma_start3A_1183 = tpu.memref_slice %arg10[%dma_start3A_1182] : memref<16384xf32, #tpu.memory_space<vmem>> -> memref<512xf32, #tpu.memory_space<vmem>>
        %dma_start3A_1184 = tpu.memref_slice %arg12[%multiple_of3A_1181] : memref<512000xf32, #tpu.memory_space<vmem_shared>> -> memref<512xf32, #tpu.memory_space<vmem_shared>>
        %dma_start3A_1185 = arith.constant 7680 : i32
        %dma_start3A_1186 = tpu.memref_slice %arg10[%dma_start3A_1185] : memref<16384xf32, #tpu.memory_space<vmem>> -> memref<512xf32, #tpu.memory_space<vmem>>
        %dma_start3A_1187 = tpu.memref_slice %arg12[%multiple_of3A_1181] : memref<512000xf32, #tpu.memory_space<vmem_shared>> -> memref<512xf32, #tpu.memory_space<vmem_shared>>
        tpu.enqueue_dma source(%dma_start3A_1187 : memref<512xf32, #tpu.memory_space<vmem_shared>>) target(%dma_start3A_1186 : memref<512xf32, #tpu.memory_space<vmem>>) target_semaphore(%arg16 : memref<!tpu.dma_semaphore, #tpu.memory_space<semaphore_mem>>)
        %get3A_1188 = arith.index_cast %add3A_1000 : i32 to index
        %get3A_1189 = arith.constant 16 : index
        %get3A_1190 = tpu.vector_load %arg6[%get3A_1188, %get3A_1189] {strides = array<i32>} : memref<10x32xi32, #tpu.memory_space<vmem>>, vector<1x16xi32>,
        %get3A_1191 = vector.shape_cast %get3A_1190 : vector<1x16xi32> to vector<16xi32>
        %slice3A_1192 = vector.extract_strided_slice %get3A_1191 {offsets = [0], sizes = [1], strides = [1]} : vector<16xi32> to vector<1xi32>
        %squeeze3A_1193 = vector.extract %slice3A_1192[0] : i32 from vector<1xi32>
        %mul3A_1194 = arith.constant 512 : i32
        %mul3A_1195 = arith.muli %squeeze3A_1193, %mul3A_1194 : i32
        %multiple_of3A_1196 = tpu.assume_multiple %mul3A_1195, 512 : i32
        %dma_start3A_1197 = arith.constant 8192 : i32
        %dma_start3A_1198 = tpu.memref_slice %arg10[%dma_start3A_1197] : memref<16384xf32, #tpu.memory_space<vmem>> -> memref<512xf32, #tpu.memory_space<vmem>>
        %dma_start3A_1199 = tpu.memref_slice %arg12[%multiple_of3A_1196] : memref<512000xf32, #tpu.memory_space<vmem_shared>> -> memref<512xf32, #tpu.memory_space<vmem_shared>>
        %dma_start3A_1200 = arith.constant 8192 : i32
        %dma_start3A_1201 = tpu.memref_slice %arg10[%dma_start3A_1200] : memref<16384xf32, #tpu.memory_space<vmem>> -> memref<512xf32, #tpu.memory_space<vmem>>
        %dma_start3A_1202 = tpu.memref_slice %arg12[%multiple_of3A_1196] : memref<512000xf32, #tpu.memory_space<vmem_shared>> -> memref<512xf32, #tpu.memory_space<vmem_shared>>
        tpu.enqueue_dma source(%dma_start3A_1202 : memref<512xf32, #tpu.memory_space<vmem_shared>>) target(%dma_start3A_1201 : memref<512xf32, #tpu.memory_space<vmem>>) target_semaphore(%arg16 : memref<!tpu.dma_semaphore, #tpu.memory_space<semaphore_mem>>)
        %slice3A_1203 = vector.extract_strided_slice %get3A_1191 {offsets = [1], sizes = [1], strides = [1]} : vector<16xi32> to vector<1xi32>
        %squeeze3A_1204 = vector.extract %slice3A_1203[0] : i32 from vector<1xi32>
        %mul3A_1205 = arith.constant 512 : i32
        %mul3A_1206 = arith.muli %squeeze3A_1204, %mul3A_1205 : i32
        %multiple_of3A_1207 = tpu.assume_multiple %mul3A_1206, 512 : i32
        %dma_start3A_1208 = arith.constant 8704 : i32
        %dma_start3A_1209 = tpu.memref_slice %arg10[%dma_start3A_1208] : memref<16384xf32, #tpu.memory_space<vmem>> -> memref<512xf32, #tpu.memory_space<vmem>>
        %dma_start3A_1210 = tpu.memref_slice %arg12[%multiple_of3A_1207] : memref<512000xf32, #tpu.memory_space<vmem_shared>> -> memref<512xf32, #tpu.memory_space<vmem_shared>>
        %dma_start3A_1211 = arith.constant 8704 : i32
        %dma_start3A_1212 = tpu.memref_slice %arg10[%dma_start3A_1211] : memref<16384xf32, #tpu.memory_space<vmem>> -> memref<512xf32, #tpu.memory_space<vmem>>
        %dma_start3A_1213 = tpu.memref_slice %arg12[%multiple_of3A_1207] : memref<512000xf32, #tpu.memory_space<vmem_shared>> -> memref<512xf32, #tpu.memory_space<vmem_shared>>
        tpu.enqueue_dma source(%dma_start3A_1213 : memref<512xf32, #tpu.memory_space<vmem_shared>>) target(%dma_start3A_1212 : memref<512xf32, #tpu.memory_space<vmem>>) target_semaphore(%arg16 : memref<!tpu.dma_semaphore, #tpu.memory_space<semaphore_mem>>)
        %slice3A_1214 = vector.extract_strided_slice %get3A_1191 {offsets = [2], sizes = [1], strides = [1]} : vector<16xi32> to vector<1xi32>
        %squeeze3A_1215 = vector.extract %slice3A_1214[0] : i32 from vector<1xi32>
        %mul3A_1216 = arith.constant 512 : i32
        %mul3A_1217 = arith.muli %squeeze3A_1215, %mul3A_1216 : i32
        %multiple_of3A_1218 = tpu.assume_multiple %mul3A_1217, 512 : i32
        %dma_start3A_1219 = arith.constant 9216 : i32
        %dma_start3A_1220 = tpu.memref_slice %arg10[%dma_start3A_1219] : memref<16384xf32, #tpu.memory_space<vmem>> -> memref<512xf32, #tpu.memory_space<vmem>>
        %dma_start3A_1221 = tpu.memref_slice %arg12[%multiple_of3A_1218] : memref<512000xf32, #tpu.memory_space<vmem_shared>> -> memref<512xf32, #tpu.memory_space<vmem_shared>>
        %dma_start3A_1222 = arith.constant 9216 : i32
        %dma_start3A_1223 = tpu.memref_slice %arg10[%dma_start3A_1222] : memref<16384xf32, #tpu.memory_space<vmem>> -> memref<512xf32, #tpu.memory_space<vmem>>
        %dma_start3A_1224 = tpu.memref_slice %arg12[%multiple_of3A_1218] : memref<512000xf32, #tpu.memory_space<vmem_shared>> -> memref<512xf32, #tpu.memory_space<vmem_shared>>
        tpu.enqueue_dma source(%dma_start3A_1224 : memref<512xf32, #tpu.memory_space<vmem_shared>>) target(%dma_start3A_1223 : memref<512xf32, #tpu.memory_space<vmem>>) target_semaphore(%arg16 : memref<!tpu.dma_semaphore, #tpu.memory_space<semaphore_mem>>)
        %slice3A_1225 = vector.extract_strided_slice %get3A_1191 {offsets = [3], sizes = [1], strides = [1]} : vector<16xi32> to vector<1xi32>
        %squeeze3A_1226 = vector.extract %slice3A_1225[0] : i32 from vector<1xi32>
        %mul3A_1227 = arith.constant 512 : i32
        %mul3A_1228 = arith.muli %squeeze3A_1226, %mul3A_1227 : i32
        %multiple_of3A_1229 = tpu.assume_multiple %mul3A_1228, 512 : i32
        %dma_start3A_1230 = arith.constant 9728 : i32
        %dma_start3A_1231 = tpu.memref_slice %arg10[%dma_start3A_1230] : memref<16384xf32, #tpu.memory_space<vmem>> -> memref<512xf32, #tpu.memory_space<vmem>>
        %dma_start3A_1232 = tpu.memref_slice %arg12[%multiple_of3A_1229] : memref<512000xf32, #tpu.memory_space<vmem_shared>> -> memref<512xf32, #tpu.memory_space<vmem_shared>>
        %dma_start3A_1233 = arith.constant 9728 : i32
        %dma_start3A_1234 = tpu.memref_slice %arg10[%dma_start3A_1233] : memref<16384xf32, #tpu.memory_space<vmem>> -> memref<512xf32, #tpu.memory_space<vmem>>
        %dma_start3A_1235 = tpu.memref_slice %arg12[%multiple_of3A_1229] : memref<512000xf32, #tpu.memory_space<vmem_shared>> -> memref<512xf32, #tpu.memory_space<vmem_shared>>
        tpu.enqueue_dma source(%dma_start3A_1235 : memref<512xf32, #tpu.memory_space<vmem_shared>>) target(%dma_start3A_1234 : memref<512xf32, #tpu.memory_space<vmem>>) target_semaphore(%arg16 : memref<!tpu.dma_semaphore, #tpu.memory_space<semaphore_mem>>)
        %slice3A_1236 = vector.extract_strided_slice %get3A_1191 {offsets = [4], sizes = [1], strides = [1]} : vector<16xi32> to vector<1xi32>
        %squeeze3A_1237 = vector.extract %slice3A_1236[0] : i32 from vector<1xi32>
        %mul3A_1238 = arith.constant 512 : i32
        %mul3A_1239 = arith.muli %squeeze3A_1237, %mul3A_1238 : i32
        %multiple_of3A_1240 = tpu.assume_multiple %mul3A_1239, 512 : i32
        %dma_start3A_1241 = arith.constant 10240 : i32
        %dma_start3A_1242 = tpu.memref_slice %arg10[%dma_start3A_1241] : memref<16384xf32, #tpu.memory_space<vmem>> -> memref<512xf32, #tpu.memory_space<vmem>>
        %dma_start3A_1243 = tpu.memref_slice %arg12[%multiple_of3A_1240] : memref<512000xf32, #tpu.memory_space<vmem_shared>> -> memref<512xf32, #tpu.memory_space<vmem_shared>>
        %dma_start3A_1244 = arith.constant 10240 : i32
        %dma_start3A_1245 = tpu.memref_slice %arg10[%dma_start3A_1244] : memref<16384xf32, #tpu.memory_space<vmem>> -> memref<512xf32, #tpu.memory_space<vmem>>
        %dma_start3A_1246 = tpu.memref_slice %arg12[%multiple_of3A_1240] : memref<512000xf32, #tpu.memory_space<vmem_shared>> -> memref<512xf32, #tpu.memory_space<vmem_shared>>
        tpu.enqueue_dma source(%dma_start3A_1246 : memref<512xf32, #tpu.memory_space<vmem_shared>>) target(%dma_start3A_1245 : memref<512xf32, #tpu.memory_space<vmem>>) target_semaphore(%arg16 : memref<!tpu.dma_semaphore, #tpu.memory_space<semaphore_mem>>)
        %slice3A_1247 = vector.extract_strided_slice %get3A_1191 {offsets = [5], sizes = [1], strides = [1]} : vector<16xi32> to vector<1xi32>
        %squeeze3A_1248 = vector.extract %slice3A_1247[0] : i32 from vector<1xi32>
        %mul3A_1249 = arith.constant 512 : i32
        %mul3A_1250 = arith.muli %squeeze3A_1248, %mul3A_1249 : i32
        %multiple_of3A_1251 = tpu.assume_multiple %mul3A_1250, 512 : i32
        %dma_start3A_1252 = arith.constant 10752 : i32
        %dma_start3A_1253 = tpu.memref_slice %arg10[%dma_start3A_1252] : memref<16384xf32, #tpu.memory_space<vmem>> -> memref<512xf32, #tpu.memory_space<vmem>>
        %dma_start3A_1254 = tpu.memref_slice %arg12[%multiple_of3A_1251] : memref<512000xf32, #tpu.memory_space<vmem_shared>> -> memref<512xf32, #tpu.memory_space<vmem_shared>>
        %dma_start3A_1255 = arith.constant 10752 : i32
        %dma_start3A_1256 = tpu.memref_slice %arg10[%dma_start3A_1255] : memref<16384xf32, #tpu.memory_space<vmem>> -> memref<512xf32, #tpu.memory_space<vmem>>
        %dma_start3A_1257 = tpu.memref_slice %arg12[%multiple_of3A_1251] : memref<512000xf32, #tpu.memory_space<vmem_shared>> -> memref<512xf32, #tpu.memory_space<vmem_shared>>
        tpu.enqueue_dma source(%dma_start3A_1257 : memref<512xf32, #tpu.memory_space<vmem_shared>>) target(%dma_start3A_1256 : memref<512xf32, #tpu.memory_space<vmem>>) target_semaphore(%arg16 : memref<!tpu.dma_semaphore, #tpu.memory_space<semaphore_mem>>)
        %slice3A_1258 = vector.extract_strided_slice %get3A_1191 {offsets = [6], sizes = [1], strides = [1]} : vector<16xi32> to vector<1xi32>
        %squeeze3A_1259 = vector.extract %slice3A_1258[0] : i32 from vector<1xi32>
        %mul3A_1260 = arith.constant 512 : i32
        %mul3A_1261 = arith.muli %squeeze3A_1259, %mul3A_1260 : i32
        %multiple_of3A_1262 = tpu.assume_multiple %mul3A_1261, 512 : i32
        %dma_start3A_1263 = arith.constant 11264 : i32
        %dma_start3A_1264 = tpu.memref_slice %arg10[%dma_start3A_1263] : memref<16384xf32, #tpu.memory_space<vmem>> -> memref<512xf32, #tpu.memory_space<vmem>>
        %dma_start3A_1265 = tpu.memref_slice %arg12[%multiple_of3A_1262] : memref<512000xf32, #tpu.memory_space<vmem_shared>> -> memref<512xf32, #tpu.memory_space<vmem_shared>>
        %dma_start3A_1266 = arith.constant 11264 : i32
        %dma_start3A_1267 = tpu.memref_slice %arg10[%dma_start3A_1266] : memref<16384xf32, #tpu.memory_space<vmem>> -> memref<512xf32, #tpu.memory_space<vmem>>
        %dma_start3A_1268 = tpu.memref_slice %arg12[%multiple_of3A_1262] : memref<512000xf32, #tpu.memory_space<vmem_shared>> -> memref<512xf32, #tpu.memory_space<vmem_shared>>
        tpu.enqueue_dma source(%dma_start3A_1268 : memref<512xf32, #tpu.memory_space<vmem_shared>>) target(%dma_start3A_1267 : memref<512xf32, #tpu.memory_space<vmem>>) target_semaphore(%arg16 : memref<!tpu.dma_semaphore, #tpu.memory_space<semaphore_mem>>)
        %slice3A_1269 = vector.extract_strided_slice %get3A_1191 {offsets = [7], sizes = [1], strides = [1]} : vector<16xi32> to vector<1xi32>
        %squeeze3A_1270 = vector.extract %slice3A_1269[0] : i32 from vector<1xi32>
        %mul3A_1271 = arith.constant 512 : i32
        %mul3A_1272 = arith.muli %squeeze3A_1270, %mul3A_1271 : i32
        %multiple_of3A_1273 = tpu.assume_multiple %mul3A_1272, 512 : i32
        %dma_start3A_1274 = arith.constant 11776 : i32
        %dma_start3A_1275 = tpu.memref_slice %arg10[%dma_start3A_1274] : memref<16384xf32, #tpu.memory_space<vmem>> -> memref<512xf32, #tpu.memory_space<vmem>>
        %dma_start3A_1276 = tpu.memref_slice %arg12[%multiple_of3A_1273] : memref<512000xf32, #tpu.memory_space<vmem_shared>> -> memref<512xf32, #tpu.memory_space<vmem_shared>>
        %dma_start3A_1277 = arith.constant 11776 : i32
        %dma_start3A_1278 = tpu.memref_slice %arg10[%dma_start3A_1277] : memref<16384xf32, #tpu.memory_space<vmem>> -> memref<512xf32, #tpu.memory_space<vmem>>
        %dma_start3A_1279 = tpu.memref_slice %arg12[%multiple_of3A_1273] : memref<512000xf32, #tpu.memory_space<vmem_shared>> -> memref<512xf32, #tpu.memory_space<vmem_shared>>
        tpu.enqueue_dma source(%dma_start3A_1279 : memref<512xf32, #tpu.memory_space<vmem_shared>>) target(%dma_start3A_1278 : memref<512xf32, #tpu.memory_space<vmem>>) target_semaphore(%arg16 : memref<!tpu.dma_semaphore, #tpu.memory_space<semaphore_mem>>)
        %slice3A_1280 = vector.extract_strided_slice %get3A_1191 {offsets = [8], sizes = [1], strides = [1]} : vector<16xi32> to vector<1xi32>
        %squeeze3A_1281 = vector.extract %slice3A_1280[0] : i32 from vector<1xi32>
        %mul3A_1282 = arith.constant 512 : i32
        %mul3A_1283 = arith.muli %squeeze3A_1281, %mul3A_1282 : i32
        %multiple_of3A_1284 = tpu.assume_multiple %mul3A_1283, 512 : i32
        %dma_start3A_1285 = arith.constant 12288 : i32
        %dma_start3A_1286 = tpu.memref_slice %arg10[%dma_start3A_1285] : memref<16384xf32, #tpu.memory_space<vmem>> -> memref<512xf32, #tpu.memory_space<vmem>>
        %dma_start3A_1287 = tpu.memref_slice %arg12[%multiple_of3A_1284] : memref<512000xf32, #tpu.memory_space<vmem_shared>> -> memref<512xf32, #tpu.memory_space<vmem_shared>>
        %dma_start3A_1288 = arith.constant 12288 : i32
        %dma_start3A_1289 = tpu.memref_slice %arg10[%dma_start3A_1288] : memref<16384xf32, #tpu.memory_space<vmem>> -> memref<512xf32, #tpu.memory_space<vmem>>
        %dma_start3A_1290 = tpu.memref_slice %arg12[%multiple_of3A_1284] : memref<512000xf32, #tpu.memory_space<vmem_shared>> -> memref<512xf32, #tpu.memory_space<vmem_shared>>
        tpu.enqueue_dma source(%dma_start3A_1290 : memref<512xf32, #tpu.memory_space<vmem_shared>>) target(%dma_start3A_1289 : memref<512xf32, #tpu.memory_space<vmem>>) target_semaphore(%arg16 : memref<!tpu.dma_semaphore, #tpu.memory_space<semaphore_mem>>)
        %slice3A_1291 = vector.extract_strided_slice %get3A_1191 {offsets = [9], sizes = [1], strides = [1]} : vector<16xi32> to vector<1xi32>
        %squeeze3A_1292 = vector.extract %slice3A_1291[0] : i32 from vector<1xi32>
        %mul3A_1293 = arith.constant 512 : i32
        %mul3A_1294 = arith.muli %squeeze3A_1292, %mul3A_1293 : i32
        %multiple_of3A_1295 = tpu.assume_multiple %mul3A_1294, 512 : i32
        %dma_start3A_1296 = arith.constant 12800 : i32
        %dma_start3A_1297 = tpu.memref_slice %arg10[%dma_start3A_1296] : memref<16384xf32, #tpu.memory_space<vmem>> -> memref<512xf32, #tpu.memory_space<vmem>>
        %dma_start3A_1298 = tpu.memref_slice %arg12[%multiple_of3A_1295] : memref<512000xf32, #tpu.memory_space<vmem_shared>> -> memref<512xf32, #tpu.memory_space<vmem_shared>>
        %dma_start3A_1299 = arith.constant 12800 : i32
        %dma_start3A_1300 = tpu.memref_slice %arg10[%dma_start3A_1299] : memref<16384xf32, #tpu.memory_space<vmem>> -> memref<512xf32, #tpu.memory_space<vmem>>
        %dma_start3A_1301 = tpu.memref_slice %arg12[%multiple_of3A_1295] : memref<512000xf32, #tpu.memory_space<vmem_shared>> -> memref<512xf32, #tpu.memory_space<vmem_shared>>
        tpu.enqueue_dma source(%dma_start3A_1301 : memref<512xf32, #tpu.memory_space<vmem_shared>>) target(%dma_start3A_1300 : memref<512xf32, #tpu.memory_space<vmem>>) target_semaphore(%arg16 : memref<!tpu.dma_semaphore, #tpu.memory_space<semaphore_mem>>)
        %slice3A_1302 = vector.extract_strided_slice %get3A_1191 {offsets = [10], sizes = [1], strides = [1]} : vector<16xi32> to vector<1xi32>
        %squeeze3A_1303 = vector.extract %slice3A_1302[0] : i32 from vector<1xi32>
        %mul3A_1304 = arith.constant 512 : i32
        %mul3A_1305 = arith.muli %squeeze3A_1303, %mul3A_1304 : i32
        %multiple_of3A_1306 = tpu.assume_multiple %mul3A_1305, 512 : i32
        %dma_start3A_1307 = arith.constant 13312 : i32
        %dma_start3A_1308 = tpu.memref_slice %arg10[%dma_start3A_1307] : memref<16384xf32, #tpu.memory_space<vmem>> -> memref<512xf32, #tpu.memory_space<vmem>>
        %dma_start3A_1309 = tpu.memref_slice %arg12[%multiple_of3A_1306] : memref<512000xf32, #tpu.memory_space<vmem_shared>> -> memref<512xf32, #tpu.memory_space<vmem_shared>>
        %dma_start3A_1310 = arith.constant 13312 : i32
        %dma_start3A_1311 = tpu.memref_slice %arg10[%dma_start3A_1310] : memref<16384xf32, #tpu.memory_space<vmem>> -> memref<512xf32, #tpu.memory_space<vmem>>
        %dma_start3A_1312 = tpu.memref_slice %arg12[%multiple_of3A_1306] : memref<512000xf32, #tpu.memory_space<vmem_shared>> -> memref<512xf32, #tpu.memory_space<vmem_shared>>
        tpu.enqueue_dma source(%dma_start3A_1312 : memref<512xf32, #tpu.memory_space<vmem_shared>>) target(%dma_start3A_1311 : memref<512xf32, #tpu.memory_space<vmem>>) target_semaphore(%arg16 : memref<!tpu.dma_semaphore, #tpu.memory_space<semaphore_mem>>)
        %slice3A_1313 = vector.extract_strided_slice %get3A_1191 {offsets = [11], sizes = [1], strides = [1]} : vector<16xi32> to vector<1xi32>
        %squeeze3A_1314 = vector.extract %slice3A_1313[0] : i32 from vector<1xi32>
        %mul3A_1315 = arith.constant 512 : i32
        %mul3A_1316 = arith.muli %squeeze3A_1314, %mul3A_1315 : i32
        %multiple_of3A_1317 = tpu.assume_multiple %mul3A_1316, 512 : i32
        %dma_start3A_1318 = arith.constant 13824 : i32
        %dma_start3A_1319 = tpu.memref_slice %arg10[%dma_start3A_1318] : memref<16384xf32, #tpu.memory_space<vmem>> -> memref<512xf32, #tpu.memory_space<vmem>>
        %dma_start3A_1320 = tpu.memref_slice %arg12[%multiple_of3A_1317] : memref<512000xf32, #tpu.memory_space<vmem_shared>> -> memref<512xf32, #tpu.memory_space<vmem_shared>>
        %dma_start3A_1321 = arith.constant 13824 : i32
        %dma_start3A_1322 = tpu.memref_slice %arg10[%dma_start3A_1321] : memref<16384xf32, #tpu.memory_space<vmem>> -> memref<512xf32, #tpu.memory_space<vmem>>
        %dma_start3A_1323 = tpu.memref_slice %arg12[%multiple_of3A_1317] : memref<512000xf32, #tpu.memory_space<vmem_shared>> -> memref<512xf32, #tpu.memory_space<vmem_shared>>
        tpu.enqueue_dma source(%dma_start3A_1323 : memref<512xf32, #tpu.memory_space<vmem_shared>>) target(%dma_start3A_1322 : memref<512xf32, #tpu.memory_space<vmem>>) target_semaphore(%arg16 : memref<!tpu.dma_semaphore, #tpu.memory_space<semaphore_mem>>)
        %slice3A_1324 = vector.extract_strided_slice %get3A_1191 {offsets = [12], sizes = [1], strides = [1]} : vector<16xi32> to vector<1xi32>
        %squeeze3A_1325 = vector.extract %slice3A_1324[0] : i32 from vector<1xi32>
        %mul3A_1326 = arith.constant 512 : i32
        %mul3A_1327 = arith.muli %squeeze3A_1325, %mul3A_1326 : i32
        %multiple_of3A_1328 = tpu.assume_multiple %mul3A_1327, 512 : i32
        %dma_start3A_1329 = arith.constant 14336 : i32
        %dma_start3A_1330 = tpu.memref_slice %arg10[%dma_start3A_1329] : memref<16384xf32, #tpu.memory_space<vmem>> -> memref<512xf32, #tpu.memory_space<vmem>>
        %dma_start3A_1331 = tpu.memref_slice %arg12[%multiple_of3A_1328] : memref<512000xf32, #tpu.memory_space<vmem_shared>> -> memref<512xf32, #tpu.memory_space<vmem_shared>>
        %dma_start3A_1332 = arith.constant 14336 : i32
        %dma_start3A_1333 = tpu.memref_slice %arg10[%dma_start3A_1332] : memref<16384xf32, #tpu.memory_space<vmem>> -> memref<512xf32, #tpu.memory_space<vmem>>
        %dma_start3A_1334 = tpu.memref_slice %arg12[%multiple_of3A_1328] : memref<512000xf32, #tpu.memory_space<vmem_shared>> -> memref<512xf32, #tpu.memory_space<vmem_shared>>
        tpu.enqueue_dma source(%dma_start3A_1334 : memref<512xf32, #tpu.memory_space<vmem_shared>>) target(%dma_start3A_1333 : memref<512xf32, #tpu.memory_space<vmem>>) target_semaphore(%arg16 : memref<!tpu.dma_semaphore, #tpu.memory_space<semaphore_mem>>)
        %slice3A_1335 = vector.extract_strided_slice %get3A_1191 {offsets = [13], sizes = [1], strides = [1]} : vector<16xi32> to vector<1xi32>
        %squeeze3A_1336 = vector.extract %slice3A_1335[0] : i32 from vector<1xi32>
        %mul3A_1337 = arith.constant 512 : i32
        %mul3A_1338 = arith.muli %squeeze3A_1336, %mul3A_1337 : i32
        %multiple_of3A_1339 = tpu.assume_multiple %mul3A_1338, 512 : i32
        %dma_start3A_1340 = arith.constant 14848 : i32
        %dma_start3A_1341 = tpu.memref_slice %arg10[%dma_start3A_1340] : memref<16384xf32, #tpu.memory_space<vmem>> -> memref<512xf32, #tpu.memory_space<vmem>>
        %dma_start3A_1342 = tpu.memref_slice %arg12[%multiple_of3A_1339] : memref<512000xf32, #tpu.memory_space<vmem_shared>> -> memref<512xf32, #tpu.memory_space<vmem_shared>>
        %dma_start3A_1343 = arith.constant 14848 : i32
        %dma_start3A_1344 = tpu.memref_slice %arg10[%dma_start3A_1343] : memref<16384xf32, #tpu.memory_space<vmem>> -> memref<512xf32, #tpu.memory_space<vmem>>
        %dma_start3A_1345 = tpu.memref_slice %arg12[%multiple_of3A_1339] : memref<512000xf32, #tpu.memory_space<vmem_shared>> -> memref<512xf32, #tpu.memory_space<vmem_shared>>
        tpu.enqueue_dma source(%dma_start3A_1345 : memref<512xf32, #tpu.memory_space<vmem_shared>>) target(%dma_start3A_1344 : memref<512xf32, #tpu.memory_space<vmem>>) target_semaphore(%arg16 : memref<!tpu.dma_semaphore, #tpu.memory_space<semaphore_mem>>)
        %slice3A_1346 = vector.extract_strided_slice %get3A_1191 {offsets = [14], sizes = [1], strides = [1]} : vector<16xi32> to vector<1xi32>
        %squeeze3A_1347 = vector.extract %slice3A_1346[0] : i32 from vector<1xi32>
        %mul3A_1348 = arith.constant 512 : i32
        %mul3A_1349 = arith.muli %squeeze3A_1347, %mul3A_1348 : i32
        %multiple_of3A_1350 = tpu.assume_multiple %mul3A_1349, 512 : i32
        %dma_start3A_1351 = arith.constant 15360 : i32
        %dma_start3A_1352 = tpu.memref_slice %arg10[%dma_start3A_1351] : memref<16384xf32, #tpu.memory_space<vmem>> -> memref<512xf32, #tpu.memory_space<vmem>>
        %dma_start3A_1353 = tpu.memref_slice %arg12[%multiple_of3A_1350] : memref<512000xf32, #tpu.memory_space<vmem_shared>> -> memref<512xf32, #tpu.memory_space<vmem_shared>>
        %dma_start3A_1354 = arith.constant 15360 : i32
        %dma_start3A_1355 = tpu.memref_slice %arg10[%dma_start3A_1354] : memref<16384xf32, #tpu.memory_space<vmem>> -> memref<512xf32, #tpu.memory_space<vmem>>
        %dma_start3A_1356 = tpu.memref_slice %arg12[%multiple_of3A_1350] : memref<512000xf32, #tpu.memory_space<vmem_shared>> -> memref<512xf32, #tpu.memory_space<vmem_shared>>
        tpu.enqueue_dma source(%dma_start3A_1356 : memref<512xf32, #tpu.memory_space<vmem_shared>>) target(%dma_start3A_1355 : memref<512xf32, #tpu.memory_space<vmem>>) target_semaphore(%arg16 : memref<!tpu.dma_semaphore, #tpu.memory_space<semaphore_mem>>)
        %slice3A_1357 = vector.extract_strided_slice %get3A_1191 {offsets = [15], sizes = [1], strides = [1]} : vector<16xi32> to vector<1xi32>
        %squeeze3A_1358 = vector.extract %slice3A_1357[0] : i32 from vector<1xi32>
        %mul3A_1359 = arith.constant 512 : i32
        %mul3A_1360 = arith.muli %squeeze3A_1358, %mul3A_1359 : i32
        %multiple_of3A_1361 = tpu.assume_multiple %mul3A_1360, 512 : i32
        %dma_start3A_1362 = arith.constant 15872 : i32
        %dma_start3A_1363 = tpu.memref_slice %arg10[%dma_start3A_1362] : memref<16384xf32, #tpu.memory_space<vmem>> -> memref<512xf32, #tpu.memory_space<vmem>>
        %dma_start3A_1364 = tpu.memref_slice %arg12[%multiple_of3A_1361] : memref<512000xf32, #tpu.memory_space<vmem_shared>> -> memref<512xf32, #tpu.memory_space<vmem_shared>>
        %dma_start3A_1365 = arith.constant 15872 : i32
        %dma_start3A_1366 = tpu.memref_slice %arg10[%dma_start3A_1365] : memref<16384xf32, #tpu.memory_space<vmem>> -> memref<512xf32, #tpu.memory_space<vmem>>
        %dma_start3A_1367 = tpu.memref_slice %arg12[%multiple_of3A_1361] : memref<512000xf32, #tpu.memory_space<vmem_shared>> -> memref<512xf32, #tpu.memory_space<vmem_shared>>
        tpu.enqueue_dma source(%dma_start3A_1367 : memref<512xf32, #tpu.memory_space<vmem_shared>>) target(%dma_start3A_1366 : memref<512xf32, #tpu.memory_space<vmem>>) target_semaphore(%arg16 : memref<!tpu.dma_semaphore, #tpu.memory_space<semaphore_mem>>)
      } else {
      }
      scf.yield %parallel_loop3A_991#0, %parallel_loop3A_991#1, %parallel_loop3A_991#2, %parallel_loop3A_991#3 : vector<16xf32>, vector<16xf32>, vector<16xf32>, vector<16xf32>
    }
    %scan3A_940 = arith.constant 5 : i32
    %add3A_941 = arith.addf %scan3A_939#0, %scan3A_939#1 : vector<16xf32>
    %add3A_942 = arith.addf %add3A_941, %scan3A_939#2 : vector<16xf32>
    %add3A_943 = arith.addf %add3A_942, %scan3A_939#3 : vector<16xf32>
    %swap3A = arith.constant 0 : index
    %swap3A_944 = tpu.vector_load %arg11[%swap3A] {strides = array<i32>} : memref<16xf32, #tpu.memory_space<vmem>>, vector<16xf32>,
    %swap3A_945 = vector.shape_cast %swap3A_944 : vector<16xf32> to vector<16xf32>
    %swap3A_946 = vector.shape_cast %add3A_943 : vector<16xf32> to vector<16xf32>
    tpu.vector_store %arg11[%swap3A], %swap3A_946 {strides = array<i32>} : memref<16xf32, #tpu.memory_space<vmem>>, vector<16xf32>,
    "tpu.region"() ({
      %run_scoped3A = tpu.sem_alloc : memref<!tpu.dma_semaphore, #tpu.memory_space<semaphore_mem>>
      %dma_start3A_947 = arith.constant 0 : i32
      %dma_start3A_948 = tpu.memref_slice %arg5[%add3A, %dma_start3A_947] : memref<32x16xf32, #tpu.memory_space<hbm>> -> memref<1x16xf32, #tpu.memory_space<hbm>>
      %dma_start3A_949 = tpu.memref_squeeze %dma_start3A_948 : memref<1x16xf32, #tpu.memory_space<hbm>> -> memref<16xf32, #tpu.memory_space<hbm>>
      %dma_start3A_950 = arith.constant 0 : i32
      %dma_start3A_951 = tpu.memref_slice %arg5[%add3A, %dma_start3A_950] : memref<32x16xf32, #tpu.memory_space<hbm>> -> memref<1x16xf32, #tpu.memory_space<hbm>>
      %dma_start3A_952 = tpu.memref_squeeze %dma_start3A_951 : memref<1x16xf32, #tpu.memory_space<hbm>> -> memref<16xf32, #tpu.memory_space<hbm>>
      tpu.enqueue_dma source(%arg11 : memref<16xf32, #tpu.memory_space<vmem>>) target(%dma_start3A_952 : memref<16xf32, #tpu.memory_space<hbm>>) target_semaphore(%run_scoped3A : memref<!tpu.dma_semaphore, #tpu.memory_space<semaphore_mem>>)
      %dma_wait3A_953 = arith.constant 0 : i32
      %dma_wait3A_954 = tpu.memref_slice %arg5[%add3A, %dma_wait3A_953] : memref<32x16xf32, #tpu.memory_space<hbm>> -> memref<1x16xf32, #tpu.memory_space<hbm>>
      %dma_wait3A_955 = tpu.memref_squeeze %dma_wait3A_954 : memref<1x16xf32, #tpu.memory_space<hbm>> -> memref<16xf32, #tpu.memory_space<hbm>>
      %dma_wait3A_956 = arith.constant 0 : i32
      %dma_wait3A_957 = tpu.memref_slice %arg5[%add3A, %dma_wait3A_956] : memref<32x16xf32, #tpu.memory_space<hbm>> -> memref<1x16xf32, #tpu.memory_space<hbm>>
      %dma_wait3A_958 = tpu.memref_squeeze %dma_wait3A_957 : memref<1x16xf32, #tpu.memory_space<hbm>> -> memref<16xf32, #tpu.memory_space<hbm>>
      tpu.wait_dma2 semaphore(%run_scoped3A : memref<!tpu.dma_semaphore, #tpu.memory_space<semaphore_mem>>) src(%arg11 : memref<16xf32, #tpu.memory_space<vmem>>) dst(%dma_wait3A_958 : memref<16xf32, #tpu.memory_space<hbm>>)
      tpu.yield
    }) : () -> ()
    return
  }
}

module attributes {stable_mosaic.version = 14 : i64} {
  func.func @_tc_body(%arg0: i32, %arg1: memref<1x1x256xi32, #tpu.memory_space<vmem>>, %arg2: memref<256x512xf32, #tpu.memory_space<vmem>>, %arg3: memref<1024x512xbf16, #tpu.memory_space<vmem>>, %arg4: memref<1x512xf32, #tpu.memory_space<vmem>>) attributes {dimension_semantics = [#tpu.dimension_semantics<arbitrary>], iteration_bounds = array<i64: 24>, scalar_prefetch = 0 : i64, scratch_operands = 0 : i64, tpu.core_type = #tpu.core_type<tc>, window_params = [{transform_indices = @transform_0, window_bounds = array<i64: 1, 1, 256>}, {transform_indices = @transform_1, window_bounds = array<i64: 256, 512>}, {pipeline_mode = #tpu.pipeline_mode<synchronous>, transform_indices = @transform_2, window_bounds = array<i64: 1024, 512>}, {pipeline_mode = #tpu.pipeline_mode<synchronous>, transform_indices = @transform_3, window_bounds = array<i64: 1, 512>}]} {
    %eq3A = arith.constant 0 : i32
    %eq3A_0 = arith.cmpi eq, %arg0, %eq3A : i32
    %convert_element_type3A = arith.extui %eq3A_0 : i1 to i32
    %cond3A = arith.constant 0 : i32
    %cond3A_1 = arith.cmpi ne, %convert_element_type3A, %cond3A : i32
    scf.if %cond3A_1 {
      %broadcast_in_dim3A_23 = arith.constant 0.000000e+00 : f32
      %broadcast_in_dim3A_24 = vector.broadcast %broadcast_in_dim3A_23 : f32 to vector<1x512xf32>
      %swap3A_25 = arith.constant 0 : index
      %swap3A_26 = arith.constant 0 : index
      %swap3A_27 = vector.load %arg4[%swap3A_25, %swap3A_26] : memref<1x512xf32, #tpu.memory_space<vmem>>, vector<1x512xf32>
      tpu.vector_store %arg4[%swap3A_25, %swap3A_26], %broadcast_in_dim3A_24 {strides = array<i32>} : memref<1x512xf32, #tpu.memory_space<vmem>>, vector<1x512xf32>,
    } else {
    }
    %get3A = arith.constant 0 : index
    %get3A_2 = arith.constant 0 : index
    %get3A_3 = arith.constant 0 : index
    %get3A_4 = vector.load %arg1[%get3A, %get3A_2, %get3A_3] : memref<1x1x256xi32, #tpu.memory_space<vmem>>, vector<1x1x256xi32>
    %reshape3A = vector.shape_cast %get3A_4 : vector<1x1x256xi32> to vector<256x1xi32>
    %iota3A = tpu.iota {dimensions = array<i32: 1>} : vector<256x1024xi32>
    %eq3A_5 = vector.broadcast %reshape3A : vector<256x1xi32> to vector<256x1024xi32>
    %eq3A_6 = arith.cmpi eq, %eq3A_5, %iota3A : vector<256x1024xi32>
    %convert_element_type3A_7 = arith.extui %eq3A_6 : vector<256x1024xi1> to vector<256x1024xi32>
    %convert_element_type3A_8 = arith.sitofp %convert_element_type3A_7 : vector<256x1024xi32> to vector<256x1024xf32>
    %convert_element_type3A_9 = arith.truncf %convert_element_type3A_8 : vector<256x1024xf32> to vector<256x1024xbf16>
    %get3A_10 = arith.constant 0 : index
    %get3A_11 = arith.constant 0 : index
    %get3A_12 = vector.load %arg3[%get3A_10, %get3A_11] : memref<1024x512xbf16, #tpu.memory_space<vmem>>, vector<1024x512xbf16>
    %dot_general3A = arith.constant dense<0.000000e+00> : vector<256x512xf32>
    %dot_general3A_13 = tpu.matmul %convert_element_type3A_9, %get3A_12, %dot_general3A {dimension_numbers = #tpu.dot_dimension_numbers<[1], [0], [0], [1], [0, 0, 1, 1], [], []>, transpose_lhs_hint = false} : vector<256x1024xbf16>, vector<1024x512xbf16>, vector<256x512xf32> -> vector<256x512xf32>
    %get3A_14 = arith.constant 0 : index
    %get3A_15 = arith.constant 0 : index
    %get3A_16 = vector.load %arg2[%get3A_14, %get3A_15] : memref<256x512xf32, #tpu.memory_space<vmem>>, vector<256x512xf32>
    %sub3A = arith.subf %get3A_16, %dot_general3A_13 : vector<256x512xf32>
    %get3A_17 = arith.constant 0 : index
    %get3A_18 = arith.constant 0 : index
    %get3A_19 = vector.load %arg4[%get3A_17, %get3A_18] : memref<1x512xf32, #tpu.memory_space<vmem>>, vector<1x512xf32>
    %mul3A = arith.mulf %sub3A, %sub3A : vector<256x512xf32>
    %reduce_sum3A = arith.constant dense<0.000000e+00> : vector<512xf32>
    %reduce_sum3A_20 = vector.multi_reduction <add>, %mul3A, %reduce_sum3A [0] : vector<256x512xf32> to vector<512xf32>
    %broadcast_in_dim3A = vector.shape_cast %reduce_sum3A_20 : vector<512xf32> to vector<1x512xf32>
    %add3A = arith.addf %get3A_19, %broadcast_in_dim3A : vector<1x512xf32>
    %swap3A = arith.constant 0 : index
    %swap3A_21 = arith.constant 0 : index
    %swap3A_22 = vector.load %arg4[%swap3A, %swap3A_21] : memref<1x512xf32, #tpu.memory_space<vmem>>, vector<1x512xf32>
    tpu.vector_store %arg4[%swap3A, %swap3A_21], %add3A {strides = array<i32>} : memref<1x512xf32, #tpu.memory_space<vmem>>, vector<1x512xf32>,
    return
  }
  func.func @transform_0(%arg0: i32) -> (i32, i32, i32) {
    %add3A = arith.constant 40 : i32
    %add3A_0 = arith.addi %add3A, %arg0 : i32
    %c0_i32 = arith.constant 0 : i32
    %c0_i32_1 = arith.constant 0 : i32
    %c0_i32_2 = arith.constant 0 : i32
    return %add3A_0, %c0_i32, %c0_i32_1 : i32, i32, i32
  }
  func.func @transform_1(%arg0: i32) -> (i32, i32) {
    %add3A = arith.constant 40 : i32
    %add3A_0 = arith.addi %add3A, %arg0 : i32
    %c0_i32 = arith.constant 0 : i32
    %c0_i32_1 = arith.constant 0 : i32
    return %add3A_0, %c0_i32 : i32, i32
  }
  func.func @transform_2(%arg0: i32) -> (i32, i32) {
    %c0_i32 = arith.constant 0 : i32
    %c0_i32_0 = arith.constant 0 : i32
    %c0_i32_1 = arith.constant 0 : i32
    return %c0_i32, %c0_i32_0 : i32, i32
  }
  func.func @transform_3(%arg0: i32) -> (i32, i32) {
    %c0_i32 = arith.constant 0 : i32
    %c0_i32_0 = arith.constant 0 : i32
    %c0_i32_1 = arith.constant 0 : i32
    return %c0_i32, %c0_i32_0 : i32, i32
  }
}

</mosaic_0001>

<sc_bundles>
// kernel: kernel.4.cloned.1.call-start
scs
__scs_entry_jumppad:
0x0: {  	(pc) =	sbr.rel $0x88, $3  }
0x1: {  	(tag) =	ssettag $0x0;
	lr =	simm.s32 $0x1  }
0x2: {  	[smem:$0x3F9E] =	sst lr;
	_ =	strace $0xD0000000  }
0x3: {  	_ = 	snop  }
0x4: {  	_ = 	snop  }
0x5: {  	_ = 	snop  }
0x6: {  	_ = 	snop  }
0x7: {  	_ = 	snop  }
__scs_overlays_trampoline_lowered:
0x8: {  	[smem:$0x3FAD] =	sst s0  }
0x9: {  	[smem:$0x3FAE] =	sst s1  }
0xa: {  	[smem:$0x3FAF] =	sst s2  }
0xb: {  	[smem:$0x3FB0] =	sst s3  }
0xc: {  	[smem:$0x3FB1] =	sst s4  }
0xd: {  	[smem:$0x3FB2] =	sst s5  }
0xe: {  	[smem:$0x3FB3] =	sst s6  }
0xf: {  	[smem:$0x3FB4] =	sst s7  }
0x10: {  	[smem:$0x3FB5] =	sst s8  }
0x11: {  	[smem:$0x3FB6] =	sst s9;
	s0 =	simm.s32 @!p0 $0x0  }
0x12: {  	s1 =	sld [smem:$0x3F9C];
	s0 =	simm.s32 @p0 $0x1  }
0x13: {  	[smem:$0x3FB7] =	sst s0;
	s0 =	simm.s32 @!p1 $0x0  }
0x14: {  	s2 =	sld [smem:$0x3F9B];
	s0 =	simm.s32 @p1 $0x1  }
0x15: {  	[smem:$0x3FB8] =	sst s0;
	s0 =	simm.s32 @!p2 $0x0  }
0x16: {  	s3 =	sld [smem:$0x3FDB];
	s0 =	simm.s32 @p2 $0x1  }
0x17: {  	s4 =	simm.s32 $0x1BF5;
	[smem:$0x3FBA] =	sst s0  }
0x18: {  	s0 =	sld [smem:$0x3F9D];
	_ =	swait.ge [sflag:s4], $0x0  }
0x19: {  	s7 =	sld [smem:$0x3F9E]  }
0x1a: {  	s8 =	sadd.s32 $0xFFFFE003, lr  }
0x1b: {  	s9 =	sadd.s32 $0xFFFFFEF7, lr;
	s5 =	simm.s32 $0xFFFFFFFF;
	p2 =	slt.u32 s8, $0xFFFFF086  }
0x1c: {  	p1 =	slt.u32 s9, $0xF7A;
	s5 =	simm.s32 @!p2 $0x0  }
0x1d: {  	s5 =	simm.s32 @p1 $0x1;
	p0 =	seq.s32 s7, s2  }
0x1e: {  	s7 =	smul.u32 @!p0 $0xF7A, s2;
	p2 =	seq.s32 @!p0 s5, $0x0  }
0x1f: {  	s9 =	smul.u32 $0xF7A, s1;
	s8 =	simm.s32 @!p0 $0x1BF5;
	p2 =	por !p2, p0  }
0x20: {  	[sflag:s8] =	ssyncset.s32 @!p0 $0xFFFFF086;
	s6 =	sadd.s32 @!p0 s3, s7;
	s7 =	simm.s32 @!p0 $0x108  }
0x21: {  	s3 =	sadd.s32 s3, s9;
	s6 =	sadd.s32 @!p0 $0x88, s6;
	s7 =	simm.s32 @p2 $0x1082  }
0x22: {  	[simem:s7], [sflag:s8] =	dma.local @!p0 [hbm:s6], $0xF7A  }
0x23: {  	s9 =	sor.u32 $0xD0000000, s2;
	s6 =	simm.s32 $0x108;
	_ =	swait.ge @!p0 [sflag:s8], $0x0  }
0x24: {  	s3 =	sadd.s32 $0x88, s3;
	s6 =	simm.s32 @!p1 $0x1082;
	[sflag:s4] =	ssyncset.s32 $0xFFFFF086  }
0x25: {  	[simem:s6], [sflag:s4] =	dma.local [hbm:s3], $0xF7A  }
0x26: {  	[smem:$0x3F9E] =	sst s1;
	(tag) =	ssettag s2;
	_ =	strace s9  }
0x27: {  	s1 =	sld [smem:$0x3FAE]  }
0x28: {  	s2 =	sld [smem:$0x3FAF]  }
0x29: {  	s4 =	sld [smem:$0x3FB1]  }
0x2a: {  	p0 =	seq.s32 s5, $0x0;
	s5 =	sld [smem:$0x3FB2]  }
0x2b: {  	s6 =	sld [smem:$0x3FB3]  }
0x2c: {  	s7 =	sld [smem:$0x3FB4]  }
0x2d: {  	s3 =	simm.s32 $0x108;
	s8 =	sld [smem:$0x3FB5]  }
0x2e: {  	s3 =	simm.s32 @!p0 $0x1082;
	s9 =	sld [smem:$0x3FB6]  }
0x2f: {  	lr =	sadd.s32 s0, s3;
	s0 =	sld [smem:$0x3FAD]  }
0x30: {  	s3 =	sld [smem:$0x3FB0]  }
0x31: {  	[smem:$0x3FB9] =	sst s10  }
0x32: {  	s10 =	sld [smem:$0x3FB7];
	_ =	sdelay $0x3  }
0x33: {  	p0 =	seq.s32 s10, $0x1;
	s10 =	sld [smem:$0x3FB9];
	_ =	sdelay $0x3  }
0x34: {  	[smem:$0x3FB9] =	sst s10  }
0x35: {  	s10 =	sld [smem:$0x3FB8];
	_ =	sdelay $0x3  }
0x36: {  	p1 =	seq.s32 s10, $0x1;
	s10 =	sld [smem:$0x3FB9];
	_ =	sdelay $0x3  }
0x37: {  	[smem:$0x3FB9] =	sst s10  }
0x38: {  	s10 =	sld [smem:$0x3FBA]  }
0x39: {  	_ = 	snop;
	(pc) =	sbr.ind lr, $3  }
0x3a: {  	_ = 	snop  }
0x3b: {  	_ = 	snop  }
0x3c: {  	p2 =	seq.s32 s10, $0x1;
	s10 =	sld [smem:$0x3FB9]  }
0x3d: {  	_ =	shalt  }
0x3e: {  	_ =	shalt  }
0x3f: {  	_ =	shalt  }
0x40: {  	_ =	shalt  }
0x41: {  	_ =	shalt  }
0x42: {  	_ =	shalt  }
0x43: {  	_ =	shalt  }
0x44: {  	_ =	shalt  }
0x45: {  	_ =	shalt  }
0x46: {  	_ =	shalt  }
0x47: {  	_ =	shalt  }
0x48: {  	_ =	shalt  }
0x49: {  	_ =	shalt  }
0x4a: {  	_ =	shalt  }
0x4b: {  	_ =	shalt  }
0x4c: {  	_ =	shalt  }
0x4d: {  	_ =	shalt  }
0x4e: {  	_ =	shalt  }
0x4f: {  	_ =	shalt  }
0x50: {  	_ =	shalt  }
0x51: {  	_ =	shalt  }
0x52: {  	_ =	shalt  }
0x53: {  	_ =	shalt  }
0x54: {  	_ =	shalt  }
0x55: {  	_ =	shalt  }
0x56: {  	_ =	shalt  }
0x57: {  	_ =	shalt  }
0x58: {  	_ =	shalt  }
0x59: {  	_ =	shalt  }
0x5a: {  	_ =	shalt  }
0x5b: {  	_ =	shalt  }
0x5c: {  	_ =	shalt  }
0x5d: {  	_ =	shalt  }
0x5e: {  	_ =	shalt  }
0x5f: {  	_ =	shalt  }
0x60: {  	_ =	shalt  }
0x61: {  	_ =	shalt  }
0x62: {  	_ =	shalt  }
0x63: {  	_ =	shalt  }
0x64: {  	_ =	shalt  }
0x65: {  	_ =	shalt  }
0x66: {  	_ =	shalt  }
0x67: {  	_ =	shalt  }
0x68: {  	_ =	shalt  }
0x69: {  	_ =	shalt  }
0x6a: {  	_ =	shalt  }
0x6b: {  	_ =	shalt  }
0x6c: {  	_ =	shalt  }
0x6d: {  	_ =	shalt  }
0x6e: {  	_ =	shalt  }
0x6f: {  	_ =	shalt  }
0x70: {  	_ =	shalt  }
0x71: {  	_ =	shalt  }
0x72: {  	_ =	shalt  }
0x73: {  	_ =	shalt  }
0x74: {  	_ =	shalt  }
0x75: {  	_ =	shalt  }
0x76: {  	_ =	shalt  }
0x77: {  	_ =	shalt  }
0x78: {  	_ =	shalt  }
0x79: {  	_ =	shalt  }
0x7a: {  	_ =	shalt  }
0x7b: {  	_ =	shalt  }
0x7c: {  	_ =	shalt  }
0x7d: {  	_ =	shalt  }
0x7e: {  	_ =	shalt  }
0x7f: {  	_ =	shalt  }
0x80: {  	_ =	shalt  }
0x81: {  	_ =	shalt  }
0x82: {  	_ =	shalt  }
0x83: {  	_ =	shalt  }
0x84: {  	_ =	shalt  }
0x85: {  	_ =	shalt  }
0x86: {  	_ =	shalt  }
0x87: {  	_ =	shalt  }
.Lfunc_end0:
.L_simem_size_0:
called_computation_lowered:
.L_overlay_start_0:
0x88: {  	s2 =	sld [smem:$0x3FD9]  }
0x89: {  	s3 =	sld [smem:$0x3FFE];
	_ =	sdelay $0x1  }
0x8a: {  	s1 =	srdreg.scid  }
0x8b: {  	s0 =	sand.u32 $0x1, s1  }
0x8c: {  	s17 =	sshll.u32 s0, $0xA;
	s2 =	sadd.s32 s3, s2  }
0x8d: {  	s2 =	sadd.s32 s2, s17  }
0x8e: {  	[smem:$0x3FC5] =	sst s2  }
0x8f: {  	_ = 	snop  }
0x90: {  	s2 =	sld [smem:$0x3FC9]  }
0x91: {  	s18 =	sld [smem:$0x3FC8];
	(tm) =	ssettm $0x1  }
0x92: {  	s4 =	sld [smem:$0x3FFB];
	_ =	sdelay $0x3  }
0x93: {  	_ =	strace s4  }
0x94: {  	s4 =	sld [smem:$0x3FFC];
	_ =	sdelay $0x3  }
0x95: {  	_ =	strace s4  }
0x96: {  	s4 =	sld [smem:$0x3FFD];
	_ =	sdelay $0x3  }
0x97: {  	_ =	strace s4  }
0x98: {  	_ =	strace $0x8FFFFFFF  }
0x99: {  	s19 =	sld [smem:$0x3FDB];
	_ =	sdelay $0x1  }
0x9a: {  	s5 =	simm.s32 $_scs_section_size  }
0x9b: {  	s6 =	simm.s32 $_size__tile_overlayer_lowered;
	s7 =	simm.s32 $_tile_overlayer_lowered  }
0x9c: {  	s22 =	simm.s32 $0x1BFF;
	s21 =	sshll.u32 s7, $0x1;
	s4 =	sadd.s32 s5, s19  }
0x9d: {  	s8 =	simm.s32 $0x0;
	s20 =	sshll.u32 s6, $0x1;
	s6 =	sadd.s32 s21, s4  }
0x9e: {  	[timem:s8], [sflag:s22] =	dma.local [hbm:s6], s20  }
0x9f: {  	_ =	swait.ge [sflag:s22], s20  }
0xa0: {  	s5 =	ssub.s32 $0x0, s20;
	[sflag:s22] =	ssyncset.done $0x0  }
0xa1: {  	[sflag:s22] =	ssyncadd.s32 s5;
	_ =	sdelay $0x1  }
0xa2: {  	s23 =	simm.s32 $0x1B8B  }
0xa3: {  	_ =	swait.ge [sflag:s23], $0x1  }
0xa4: {  	[sflag:s23] =	ssyncset.done $0x0  }
0xa5: {  	s25 =	simm.s32 $0x1B8E;
	s24 =	sld [smem:$0x3FFE];
	[sflag:s23] =	ssyncadd.s32 $0xFFFFFFFF  }
0xa6: {  	s26 =	simm.s32 $execute0_lowered;
	[smem:$0x3FD2] =	sst s25  }
0xa7: {  	s6 =	sshll.u32 s26, $0x1;
	_ =	strace $0x80000046;
	[dreg:$0x1] =	wrdreg $0xFFFFFFFF  }
0xa8: {  	s28 =	simm.s32 $_size_execute0_lowered;
	s4 =	sadd.s32 s4, s6;
	[dreg:$0x0] =	wrdreg $0x0  }
0xa9: {  	s6 =	sshll.u32 s28, $0x1;
	[dreg:$0x2] =	wrdreg s4  }
0xaa: {  	[dreg:$0x3] =	wrdreg s6  }
0xab: {  	[dreg:$0x4] =	wrdreg $0xC0  }
0xac: {  	_ =	task [dreg:s8], $0x5FFFF  }
0xad: {  	[dreg:$0x1] =	wrdreg $0xFFFFFFFF  }
0xae: {  	[dreg:$0x0] =	wrdreg $0x60  }
0xaf: {  	[dreg:$0x2] =	wrdreg s2  }
0xb0: {  	[dreg:$0x3] =	wrdreg s18  }
0xb1: {  	[dreg:$0x4] =	wrdreg s24  }
0xb2: {  	[dreg:$0x5] =	wrdreg $0x108800  }
0xb3: {  	[dreg:$0x6] =	wrdreg $0x9  }
0xb4: {  	_ =	task.clear_ibuf [dreg:s8], $0x7FFFF;
	_ =	strace $0x90000046  }
0xb5: {  	s29 =	simm.s32 $0x9;
	_ =	strace $0x80000048  }
0xb6: {  	_ =	swait.ge [sflag:s29], $0x1  }
0xb7: {  	[sflag:s29] =	ssyncadd.s32 $0xFFFFFFFF  }
0xb8: {  	_ =	strace $0x90000048  }
0xb9: {  	_ =	sfence  }
0xba: {  	s30 =	sld [smem:$0x0];
	_ =	sdelay $0x2  }
0xbb: {  	s31 =	sshll.u32 s1, $0xD;
	s1 =	sshrl.u32 s1, $0x2  }
0xbc: {  	s3 =	sand.u32 $0x4000, s31;
	s1 =	sadd.s32 s1, s30  }
0xbd: {  	s0 =	sor.u32 s3, s0;
	s1 =	sshll.u32 s1, $0x11  }
0xbe: {  	s0 =	sor.u32 s1, s0  }
0xbf: {  	s0 =	sadd.s32 $0x8F2B, s0  }
0xc0: {  	[sflag:s0] =	ssyncadd.remote.s32 $0x1  }
0xc1: {  	_ =	sfence.sel $0xFFFF  }
0xc2: {  	[dreg:$0x0] =	wrdreg $0xFFFFFFFF;
	(pc) =	sbr.abs _section_cstart, $3  }
0xc3: {  	[dreg:$0x1] =	wrdreg $0xFFFFFFFF  }
0xc4: {  	_ =	task.clear_ibuf [dreg:s8], $0x2FFFF;
	_ =	strace $0x9FFFFFFF  }
0xc5: {  	(tm) =	ssettm $0x7FFFFFFF  }
tec
execute0_lowered:
.L_overlay_start_1:
0x0: {  	(tag) =	ssettag $0x1  }
0x1: {  	s1 =	rddreg [dreg:$0x0]  }
0x2: {  	s0 =	rddreg [dreg:$0x1]  }
0x3: {  	s2 =	rddreg [dreg:$0x2];
	s4 =	srdreg.scid  }
0x4: {  	s13 =	stileid.u32;
	s3 =	rddreg [dreg:$0x3];
	s28 =	simm.s32 $0xF400  }
0x5: {  	s29 =	simm.s32 $0xF600;
	s30 =	simm.s32 $0xF800;
	s31 =	simm.s32 $0xFC00  }
0x6: {  	s5 =	sand.u32 $0x1, s4;
	s6 =	sshll.u32 s13, $0x1;
	s4 =	simm.s32 $0x0  }
0x7: {  	s9 =	smul.u32 $0xFA00, s13;
	p0 =	sgt.u32 s13, $0x7;
	s6 =	sor.u32 s5, s6  }
0x8: {  	[smem:$0x7FF] =	sst s4;
	s5 =	ssub.s32 $0x2, s5;
	s7 =	smul.u32 $0x140, s6  }
0x9: {  	s8 =	sshll.u32 s6, $0x4;
	_ =	strace $0x80000047;
	s10 =	sshrl.u32 s5, $0x1  }
0xa: {  	s5 =	ssub.s32 s5, s10;
	s10 =	sadd.s32 s9, s3;
	s9 =	sshrl.u32 s9, $0x3  }
0xb: {  	s22 =	smul.u32 $0x5000, s6;
	s8 =	sadd.s32 s8, s2;
	s2 =	sadd.s32 s2, s9  }
0xc: {  	s11 =	sor.u32 $0x20, s7;
	s25 =	sadd.s32 $0xFA00, s8;
	[dreg:$0x5] =	wrdreg s2  }
0xd: {  	s7 =	sshrl.u32 s7, $0x3;
	s26 =	smax.u32 s5, $0x1;
	[dreg:$0x12] =	wrdreg s25  }
0xe: {  	s12 =	sshrl.u32 s11, $0x3;
	s16 =	sadd.s32 s0, s7;
	[dreg:$0x13] =	wrdreg s26  }
0xf: {  	s5 =	simm.s32 $0x10000;
	s0 =	sadd.s32 s0, s12;
	[dreg:$0x6] =	wrdreg s16  }
0x10: {  	s8 =	simm.s32 $0x10400;
	s17 =	sadd.s32 $0x8, s16;
	[dreg:$0x7] =	wrdreg s0  }
0x11: {  	s9 =	simm.s32 $0x10600;
	s18 =	sadd.s32 $0xC, s16;
	[dreg:$0x8] =	wrdreg s17  }
0x12: {  	s24 =	sshll.u32 s11, $0x6;
	s19 =	sadd.s32 $0x10, s16;
	[dreg:$0x9] =	wrdreg s18  }
0x13: {  	s25 =	simm.s32 $0xF000;
	s20 =	sadd.s32 $0x14, s16;
	[dreg:$0xa] =	wrdreg s19  }
0x14: {  	s26 =	simm.s32 $0xF200;
	s21 =	sadd.s32 $0x18, s16;
	[dreg:$0xb] =	wrdreg s20  }
0x15: {  	s11 =	simm.s32 $0x3;
	s7 =	sadd.s32 $0x1C, s16;
	[dreg:$0xc] =	wrdreg s21  }
0x16: {  	s23 =	sadd.s32 $0x20, s16;
	s2 =	sadd.s32 $0x24, s16;
	[dreg:$0xd] =	wrdreg s7  }
0x17: {  	s12 =	simm.s32 $0x2;
	s16 =	simm.s32 $0x0;
	[dreg:$0xe] =	wrdreg s23  }
0x18: {  	[dreg:$0xf] =	wrdreg s2;
	s0 =	sadd.s32 s1, s22;
	s18 =	smul.u32 $0x28000, s6  }
0x19: {  	s22 =	simm.s32 $0xE800;
	s6 =	simm.s32 $0xEA00;
	s23 =	simm.s32 $0xEC00  }
.Ltmp0:
0x1a: {  	[dreg:$0x10] =	wrdreg s0;
	s0 =	sadd.s32 s1, s24;
	(pc) =	sbr.rel .LBB2_1-.Ltmp0, $4  }
0x1b: {  	s2 =	simm.s32 $0xFE00;
	[dreg:$0x11] =	wrdreg s0;
	s0 =	sshll.u32 @!p0 s13, $0x6  }
0x1c: {  	s7 =	simm.s32 $0x10200;
	s24 =	simm.s32 $0xEE00;
	s0 =	sor.u32 @!p0 $0x1C06, s0  }
0x1d: {  	s13 =	simm.s32 $0x4;
	[dreg:$0x14] =	wrdreg s0;
	s0 =	sshrl.u32 @!p0 s10, $0x3  }
0x1e: {  	s10 =	simm.s32 $0x1;
	[dreg:$0x15] =	wrdreg s0;
	s0 =	simm.s32 $0xFA00  }
.LBB2_10:
0x1f: {  	v2 =	vadd.f32 v2, v3;
	_ =	sdelay $0x1  }
0x20: {  	v1 =	vadd.f32 v1, v2;
	_ =	sdelay $0x1  }
0x21: {  	v0 =	vadd.f32 v0, v1;
	_ =	sdelay $0x1  }
0x22: {  	s14 =	rddreg [dreg:$0x12];
	s15 =	simm.s32 $0x10800;
	s20 =	simm.s32 $0x6;
	[tilespmem:$0x10800] =	vst v0  }
0x23: {  	[hbm4b:s14+s4] =	stream.linear.scatter [tilespmem:s15], [sflag:$0x6], $0x80, $0x38;
	[tilespmem:$0x18580] =	vst v63  }
0x24: {  	_ =	swait.ge [sflag:s20], $0x80  }
0x25: {  	s16 =	rddreg [dreg:$0x16]  }
0x26: {  	s21 =	rddreg [dreg:$0x13];
	s16 =	sadd.s32 $0x1, s16  }
0x27: {  	p1 =	sne.s32 s16, s21  }
.Ltmp1:
0x28: {  	_ = 	snop;
	(pc) =	sbr.rel @!p1 .LBB2_11-.Ltmp1, $3  }
0x29: {  	_ =	sdelay $0x1  }
0x2a: {  	[sflag:s20] =	ssyncset.done $0x0  }
0x2b: {  	[sflag:s20] =	ssyncadd.s32 $0xFFFFFF80  }
.LBB2_1:
0x2c: {  	[dreg:$0x16] =	wrdreg s16  }
0x2d: {  	s14 =	rddreg [dreg:$0x5]  }
0x2e: {  	s15 =	rddreg [dreg:$0x14]  }
0x2f: {  	s16 =	rddreg [dreg:$0x15]  }
0x30: {  	[spmem:s16], [sflag:s15] =	dma.local @!p0 [hbm:s14], $0x1F40  }
0x31: {  	s14 =	simm.s32 @!p0 $0x6  }
0x32: {  	_ =	swait.ge @!p0 [sflag:s14], $0x1F40  }
0x33: {  	[sflag:s14] =	ssyncset.done @!p0 $0x0  }
0x34: {  	s16 =	rddreg [dreg:$0x6];
	[sflag:s14] =	ssyncadd.s32 @!p0 $0xFFFFE0C0  }
0x35: {  	[tilespmem:s4], [sflag:$0x5] =	stream.linear.gather [hbm4b:s16+s4], $0x20, $0x38;
	[tilespmem:$0x18580] =	vst v63  }
0x36: {  	s19 =	simm.s32 $0x80;
	s17 =	rddreg [dreg:$0x7]  }
0x37: {  	[tilespmem:s19], [sflag:$0x5] =	stream.linear.gather [hbm4b:s17+s4], $0x20, $0x38;
	[tilespmem:$0x18580] =	vst v63  }
0x38: {  	s21 =	simm.s32 $0x100;
	s20 =	rddreg [dreg:$0x8]  }
0x39: {  	[tilespmem:s21], [sflag:$0x5] =	stream.linear.gather [hbm4b:s20+s4], $0x20, $0x38;
	[tilespmem:$0x18580] =	vst v63  }
0x3a: {  	s15 =	rddreg [dreg:$0x9];
	s16 =	simm.s32 $0x180  }
0x3b: {  	[tilespmem:s16], [sflag:$0x5] =	stream.linear.gather [hbm4b:s15+s4], $0x20, $0x38;
	[tilespmem:$0x18580] =	vst v63  }
0x3c: {  	s17 =	rddreg [dreg:$0xa];
	s19 =	simm.s32 $0x200  }
0x3d: {  	[tilespmem:s19], [sflag:$0x5] =	stream.linear.gather [hbm4b:s17+s4], $0x20, $0x38;
	[tilespmem:$0x18580] =	vst v63  }
0x3e: {  	s20 =	rddreg [dreg:$0xb];
	s21 =	simm.s32 $0x280  }
0x3f: {  	[tilespmem:s21], [sflag:$0x5] =	stream.linear.gather [hbm4b:s20+s4], $0x20, $0x38;
	[tilespmem:$0x18580] =	vst v63  }
0x40: {  	s15 =	rddreg [dreg:$0xc];
	s16 =	simm.s32 $0x300  }
0x41: {  	[tilespmem:s16], [sflag:$0x5] =	stream.linear.gather [hbm4b:s15+s4], $0x20, $0x38;
	[tilespmem:$0x18580] =	vst v63  }
0x42: {  	s17 =	rddreg [dreg:$0xd];
	s19 =	simm.s32 $0x380  }
0x43: {  	[tilespmem:s19], [sflag:$0x5] =	stream.linear.gather [hbm4b:s17+s4], $0x20, $0x38;
	[tilespmem:$0x18580] =	vst v63  }
0x44: {  	s20 =	rddreg [dreg:$0xe];
	s21 =	simm.s32 $0x400  }
0x45: {  	[tilespmem:s21], [sflag:$0x5] =	stream.linear.gather [hbm4b:s20+s4], $0x20, $0x38;
	[tilespmem:$0x18580] =	vst v63  }
0x46: {  	s16 =	rddreg [dreg:$0xf];
	s17 =	simm.s32 $0x480;
	s19 =	simm.s32 $0x5  }
0x47: {  	[tilespmem:s17], [sflag:$0x5] =	stream.linear.gather [hbm4b:s16+s4], $0x20, $0x38;
	[tilespmem:$0x18580] =	vst v63  }
0x48: {  	_ =	swait.ge [sflag:s19], $0x20  }
0x49: {  	[sflag:s19] =	ssyncset.done $0x0  }
0x4a: {  	[sflag:s19] =	ssyncadd.s32 $0xFFFFFFE0  }
0x4b: {  	_ =	swait.ge [sflag:s19], $0x20  }
0x4c: {  	[sflag:s19] =	ssyncset.done $0x0  }
0x4d: {  	[sflag:s19] =	ssyncadd.s32 $0xFFFFFFE0  }
0x4e: {  	_ =	swait.ge [sflag:s19], $0x20  }
0x4f: {  	[sflag:s19] =	ssyncset.done $0x0  }
0x50: {  	[sflag:s19] =	ssyncadd.s32 $0xFFFFFFE0  }
0x51: {  	_ =	swait.ge [sflag:s19], $0x20  }
0x52: {  	[sflag:s19] =	ssyncset.done $0x0  }
0x53: {  	[sflag:s19] =	ssyncadd.s32 $0xFFFFFFE0  }
0x54: {  	_ =	swait.ge [sflag:s19], $0x20  }
0x55: {  	[sflag:s19] =	ssyncset.done $0x0  }
0x56: {  	[sflag:s19] =	ssyncadd.s32 $0xFFFFFFE0  }
0x57: {  	_ =	swait.ge [sflag:s19], $0x20  }
0x58: {  	[sflag:s19] =	ssyncset.done $0x0  }
0x59: {  	[sflag:s19] =	ssyncadd.s32 $0xFFFFFFE0  }
0x5a: {  	_ =	swait.ge [sflag:s19], $0x20  }
0x5b: {  	[sflag:s19] =	ssyncset.done $0x0  }
0x5c: {  	[sflag:s19] =	ssyncadd.s32 $0xFFFFFFE0  }
0x5d: {  	_ =	swait.ge [sflag:s19], $0x20  }
0x5e: {  	[sflag:s19] =	ssyncset.done $0x0  }
0x5f: {  	[sflag:s19] =	ssyncadd.s32 $0xFFFFFFE0  }
0x60: {  	_ =	swait.ge [sflag:s19], $0x20  }
0x61: {  	[sflag:s19] =	ssyncset.done $0x0  }
0x62: {  	[sflag:s19] =	ssyncadd.s32 $0xFFFFFFE0  }
0x63: {  	_ =	swait.ge [sflag:s19], $0x20  }
0x64: {  	[sflag:s19] =	ssyncset.done $0x0  }
0x65: {  	[sflag:s19] =	ssyncadd.s32 $0xFFFFFFE0  }
0x66: {  	[bflag:$0x0] =	sbarrier.arrive $0xFFFF  }
0x67: {  	s21 =	simm.s32 $0x800;
	s20 =	rddreg [dreg:$0x10]  }
0x68: {  	[tilespmem:s21], [sflag:$0x1] =	stream.linear.gather [hbm4b:s20+s4], $0x4000, $0x38;
	[tilespmem:$0x18580] =	vst v63  }
0x69: {  	v0 =	vld [tilespmem:$0x0];
	_ =	sdelay $0x4  }
0x6a: {  	v0 =	vshll.u32 v0, $0xB  }
0x6b: {  	v0 =	vshra.s32 v0, $0x2  }
0x6c: {  	v0 =	vadd.s32 s3, v0  }
0x6d: {  	(v2sf) =	vpush v0, $0x0;
	_ =	sdelay $0x1  }
0x6e: {  	(v2sf) =	vpush v0, $0x1;
	_ =	sdelay $0x1  }
0x6f: {  	(v2sf) =	vpush v0, $0x2;
	_ =	sdelay $0x1  }
0x70: {  	(v2sf) =	vpush v0, $0x3;
	_ =	sdelay $0x1  }
0x71: {  	(v2sf) =	vpush v0, $0x4;
	_ =	sdelay $0x1  }
0x72: {  	(v2sf) =	vpush v0, $0x5;
	_ =	sdelay $0x1  }
0x73: {  	(v2sf) =	vpush v0, $0x6;
	_ =	sdelay $0x1  }
0x74: {  	(v2sf) =	vpush v0, $0x7  }
0x75: {  	s16 =	simm.s32 $0x8800;
	s15 =	spop (v2sf)  }
0x76: {  	(v2sf) =	vpush v0, $0x8;
	[tilespmem:s16], [sflag:$0x3] =	stream.linear.gather [spmem:s15], $0x200, $0x38;
	[tilespmem:$0x18580] =	vst v63  }
0x77: {  	s19 =	simm.s32 $0x8A00;
	s17 =	spop (v2sf)  }
0x78: {  	(v2sf) =	vpush v0, $0x9;
	[tilespmem:s19], [sflag:$0x3] =	stream.linear.gather [spmem:s17], $0x200, $0x38;
	[tilespmem:$0x18580] =	vst v63  }
0x79: {  	s21 =	simm.s32 $0x8C00;
	s20 =	spop (v2sf)  }
0x7a: {  	(v2sf) =	vpush v0, $0xA;
	[tilespmem:s21], [sflag:$0x3] =	stream.linear.gather [spmem:s20], $0x200, $0x38;
	[tilespmem:$0x18580] =	vst v63  }
0x7b: {  	s16 =	simm.s32 $0x8E00;
	s15 =	spop (v2sf)  }
0x7c: {  	(v2sf) =	vpush v0, $0xB;
	[tilespmem:s16], [sflag:$0x3] =	stream.linear.gather [spmem:s15], $0x200, $0x38;
	[tilespmem:$0x18580] =	vst v63  }
0x7d: {  	s19 =	simm.s32 $0x9000;
	s17 =	spop (v2sf)  }
0x7e: {  	(v2sf) =	vpush v0, $0xC;
	[tilespmem:s19], [sflag:$0x3] =	stream.linear.gather [spmem:s17], $0x200, $0x38;
	[tilespmem:$0x18580] =	vst v63  }
0x7f: {  	s20 =	spop (v2sf);
	s21 =	simm.s32 $0x9200  }
0x80: {  	(v2sf) =	vpush v0, $0xD;
	[tilespmem:s21], [sflag:$0x3] =	stream.linear.gather [spmem:s20], $0x200, $0x38;
	[tilespmem:$0x18580] =	vst v63  }
0x81: {  	s15 =	spop (v2sf);
	s16 =	simm.s32 $0x9400  }
0x82: {  	(v2sf) =	vpush v0, $0xE;
	[tilespmem:s16], [sflag:$0x3] =	stream.linear.gather [spmem:s15], $0x200, $0x38;
	[tilespmem:$0x18580] =	vst v63  }
0x83: {  	s17 =	spop (v2sf);
	s19 =	simm.s32 $0x9600  }
0x84: {  	(v2sf) =	vpush v0, $0xF;
	[tilespmem:s19], [sflag:$0x3] =	stream.linear.gather [spmem:s17], $0x200, $0x38;
	[tilespmem:$0x18580] =	vst v63  }
0x85: {  	s21 =	simm.s32 $0x9800;
	s20 =	spop (v2sf)  }
0x86: {  	[tilespmem:s21], [sflag:$0x3] =	stream.linear.gather [spmem:s20], $0x200, $0x38;
	[tilespmem:$0x18580] =	vst v63  }
0x87: {  	s16 =	simm.s32 $0x9A00;
	s15 =	spop (v2sf)  }
0x88: {  	[tilespmem:s16], [sflag:$0x3] =	stream.linear.gather [spmem:s15], $0x200, $0x38;
	[tilespmem:$0x18580] =	vst v63  }
0x89: {  	s19 =	simm.s32 $0x9C00;
	s17 =	spop (v2sf)  }
0x8a: {  	[tilespmem:s19], [sflag:$0x3] =	stream.linear.gather [spmem:s17], $0x200, $0x38;
	[tilespmem:$0x18580] =	vst v63  }
0x8b: {  	s21 =	simm.s32 $0x9E00;
	s20 =	spop (v2sf)  }
0x8c: {  	[tilespmem:s21], [sflag:$0x3] =	stream.linear.gather [spmem:s20], $0x200, $0x38;
	[tilespmem:$0x18580] =	vst v63  }
0x8d: {  	s15 =	spop (v2sf);
	s16 =	simm.s32 $0xA000  }
0x8e: {  	[tilespmem:s16], [sflag:$0x3] =	stream.linear.gather [spmem:s15], $0x200, $0x38;
	[tilespmem:$0x18580] =	vst v63  }
0x8f: {  	s17 =	spop (v2sf);
	s19 =	simm.s32 $0xA200  }
0x90: {  	[tilespmem:s19], [sflag:$0x3] =	stream.linear.gather [spmem:s17], $0x200, $0x38;
	[tilespmem:$0x18580] =	vst v63  }
0x91: {  	s20 =	spop (v2sf);
	s21 =	simm.s32 $0xA400  }
0x92: {  	[tilespmem:s21], [sflag:$0x3] =	stream.linear.gather [spmem:s20], $0x200, $0x38;
	[tilespmem:$0x18580] =	vst v63  }
0x93: {  	s15 =	spop (v2sf);
	s16 =	simm.s32 $0xA600  }
0x94: {  	[tilespmem:s16], [sflag:$0x3] =	stream.linear.gather [spmem:s15], $0x200, $0x38;
	[tilespmem:$0x18580] =	vst v63  }
0x95: {  	v0 =	vld [tilespmem:$0x10];
	_ =	sdelay $0x4  }
0x96: {  	v0 =	vshll.u32 v0, $0xB  }
0x97: {  	v0 =	vshra.s32 v0, $0x2  }
0x98: {  	v0 =	vadd.s32 s3, v0  }
0x99: {  	(v2sf) =	vpush v0, $0x0;
	_ =	sdelay $0x1  }
0x9a: {  	(v2sf) =	vpush v0, $0x1;
	_ =	sdelay $0x1  }
0x9b: {  	(v2sf) =	vpush v0, $0x2;
	_ =	sdelay $0x1  }
0x9c: {  	(v2sf) =	vpush v0, $0x3;
	_ =	sdelay $0x1  }
0x9d: {  	(v2sf) =	vpush v0, $0x4;
	_ =	sdelay $0x1  }
0x9e: {  	(v2sf) =	vpush v0, $0x5;
	_ =	sdelay $0x1  }
0x9f: {  	(v2sf) =	vpush v0, $0x6;
	_ =	sdelay $0x1  }
0xa0: {  	(v2sf) =	vpush v0, $0x7  }
0xa1: {  	s19 =	simm.s32 $0xA800;
	s17 =	spop (v2sf)  }
0xa2: {  	(v2sf) =	vpush v0, $0x8;
	[tilespmem:s19], [sflag:$0x3] =	stream.linear.gather [spmem:s17], $0x200, $0x38;
	[tilespmem:$0x18580] =	vst v63  }
0xa3: {  	s21 =	simm.s32 $0xAA00;
	s20 =	spop (v2sf)  }
0xa4: {  	(v2sf) =	vpush v0, $0x9;
	[tilespmem:s21], [sflag:$0x3] =	stream.linear.gather [spmem:s20], $0x200, $0x38;
	[tilespmem:$0x18580] =	vst v63  }
0xa5: {  	s16 =	simm.s32 $0xAC00;
	s15 =	spop (v2sf)  }
0xa6: {  	(v2sf) =	vpush v0, $0xA;
	[tilespmem:s16], [sflag:$0x3] =	stream.linear.gather [spmem:s15], $0x200, $0x38;
	[tilespmem:$0x18580] =	vst v63  }
0xa7: {  	s19 =	simm.s32 $0xAE00;
	s17 =	spop (v2sf)  }
0xa8: {  	(v2sf) =	vpush v0, $0xB;
	[tilespmem:s19], [sflag:$0x3] =	stream.linear.gather [spmem:s17], $0x200, $0x38;
	[tilespmem:$0x18580] =	vst v63  }
0xa9: {  	s21 =	simm.s32 $0xB000;
	s20 =	spop (v2sf)  }
0xaa: {  	(v2sf) =	vpush v0, $0xC;
	[tilespmem:s21], [sflag:$0x3] =	stream.linear.gather [spmem:s20], $0x200, $0x38;
	[tilespmem:$0x18580] =	vst v63  }
0xab: {  	s15 =	spop (v2sf);
	s16 =	simm.s32 $0xB200  }
0xac: {  	(v2sf) =	vpush v0, $0xD;
	[tilespmem:s16], [sflag:$0x3] =	stream.linear.gather [spmem:s15], $0x200, $0x38;
	[tilespmem:$0x18580] =	vst v63  }
0xad: {  	s17 =	spop (v2sf);
	s19 =	simm.s32 $0xB400  }
0xae: {  	(v2sf) =	vpush v0, $0xE;
	[tilespmem:s19], [sflag:$0x3] =	stream.linear.gather [spmem:s17], $0x200, $0x38;
	[tilespmem:$0x18580] =	vst v63  }
0xaf: {  	s20 =	spop (v2sf);
	s21 =	simm.s32 $0xB600  }
0xb0: {  	(v2sf) =	vpush v0, $0xF;
	[tilespmem:s21], [sflag:$0x3] =	stream.linear.gather [spmem:s20], $0x200, $0x38;
	[tilespmem:$0x18580] =	vst v63  }
0xb1: {  	s16 =	simm.s32 $0xB800;
	s15 =	spop (v2sf)  }
0xb2: {  	[tilespmem:s16], [sflag:$0x3] =	stream.linear.gather [spmem:s15], $0x200, $0x38;
	[tilespmem:$0x18580] =	vst v63  }
0xb3: {  	s19 =	simm.s32 $0xBA00;
	s17 =	spop (v2sf)  }
0xb4: {  	[tilespmem:s19], [sflag:$0x3] =	stream.linear.gather [spmem:s17], $0x200, $0x38;
	[tilespmem:$0x18580] =	vst v63  }
0xb5: {  	s21 =	simm.s32 $0xBC00;
	s20 =	spop (v2sf)  }
0xb6: {  	[tilespmem:s21], [sflag:$0x3] =	stream.linear.gather [spmem:s20], $0x200, $0x38;
	[tilespmem:$0x18580] =	vst v63  }
0xb7: {  	s16 =	simm.s32 $0xBE00;
	s15 =	spop (v2sf)  }
0xb8: {  	[tilespmem:s16], [sflag:$0x3] =	stream.linear.gather [spmem:s15], $0x200, $0x38;
	[tilespmem:$0x18580] =	vst v63  }
0xb9: {  	s17 =	spop (v2sf);
	s19 =	simm.s32 $0xC000  }
0xba: {  	[tilespmem:s19], [sflag:$0x3] =	stream.linear.gather [spmem:s17], $0x200, $0x38;
	[tilespmem:$0x18580] =	vst v63  }
0xbb: {  	s20 =	spop (v2sf);
	s21 =	simm.s32 $0xC200  }
0xbc: {  	[tilespmem:s21], [sflag:$0x3] =	stream.linear.gather [spmem:s20], $0x200, $0x38;
	[tilespmem:$0x18580] =	vst v63  }
0xbd: {  	s15 =	spop (v2sf);
	s16 =	simm.s32 $0xC400  }
0xbe: {  	[tilespmem:s16], [sflag:$0x3] =	stream.linear.gather [spmem:s15], $0x200, $0x38;
	[tilespmem:$0x18580] =	vst v63  }
0xbf: {  	s17 =	spop (v2sf);
	s19 =	simm.s32 $0xC600  }
0xc0: {  	[tilespmem:s19], [sflag:$0x3] =	stream.linear.gather [spmem:s17], $0x200, $0x38;
	[tilespmem:$0x18580] =	vst v63  }
0xc1: {  	s20 =	rddreg [dreg:$0x11];
	s21 =	simm.s32 $0x4800  }
0xc2: {  	[tilespmem:s21], [sflag:$0x2] =	stream.linear.gather [hbm4b:s20+s4], $0x4000, $0x38;
	[tilespmem:$0x18580] =	vst v63  }
0xc3: {  	v0 =	vld [tilespmem:$0x80];
	_ =	sdelay $0x4  }
0xc4: {  	v0 =	vshll.u32 v0, $0xB  }
0xc5: {  	v0 =	vshra.s32 v0, $0x2  }
0xc6: {  	v0 =	vadd.s32 s3, v0  }
0xc7: {  	(v2sf) =	vpush v0, $0x0;
	_ =	sdelay $0x1  }
0xc8: {  	(v2sf) =	vpush v0, $0x1;
	_ =	sdelay $0x1  }
0xc9: {  	(v2sf) =	vpush v0, $0x2;
	_ =	sdelay $0x1  }
0xca: {  	(v2sf) =	vpush v0, $0x3;
	_ =	sdelay $0x1  }
0xcb: {  	(v2sf) =	vpush v0, $0x4;
	_ =	sdelay $0x1  }
0xcc: {  	(v2sf) =	vpush v0, $0x5;
	_ =	sdelay $0x1  }
0xcd: {  	(v2sf) =	vpush v0, $0x6;
	_ =	sdelay $0x1  }
0xce: {  	(v2sf) =	vpush v0, $0x7  }
0xcf: {  	s16 =	simm.s32 $0xC800;
	s15 =	spop (v2sf)  }
0xd0: {  	(v2sf) =	vpush v0, $0x8;
	[tilespmem:s16], [sflag:$0x4] =	stream.linear.gather [spmem:s15], $0x200, $0x38;
	[tilespmem:$0x18580] =	vst v63  }
0xd1: {  	s19 =	simm.s32 $0xCA00;
	s17 =	spop (v2sf)  }
0xd2: {  	(v2sf) =	vpush v0, $0x9;
	[tilespmem:s19], [sflag:$0x4] =	stream.linear.gather [spmem:s17], $0x200, $0x38;
	[tilespmem:$0x18580] =	vst v63  }
0xd3: {  	s21 =	simm.s32 $0xCC00;
	s20 =	spop (v2sf)  }
0xd4: {  	(v2sf) =	vpush v0, $0xA;
	[tilespmem:s21], [sflag:$0x4] =	stream.linear.gather [spmem:s20], $0x200, $0x38;
	[tilespmem:$0x18580] =	vst v63  }
0xd5: {  	s16 =	simm.s32 $0xCE00;
	s15 =	spop (v2sf)  }
0xd6: {  	(v2sf) =	vpush v0, $0xB;
	[tilespmem:s16], [sflag:$0x4] =	stream.linear.gather [spmem:s15], $0x200, $0x38;
	[tilespmem:$0x18580] =	vst v63  }
0xd7: {  	s19 =	simm.s32 $0xD000;
	s17 =	spop (v2sf)  }
0xd8: {  	(v2sf) =	vpush v0, $0xC;
	[tilespmem:s19], [sflag:$0x4] =	stream.linear.gather [spmem:s17], $0x200, $0x38;
	[tilespmem:$0x18580] =	vst v63  }
0xd9: {  	s20 =	spop (v2sf);
	s21 =	simm.s32 $0xD200  }
0xda: {  	(v2sf) =	vpush v0, $0xD;
	[tilespmem:s21], [sflag:$0x4] =	stream.linear.gather [spmem:s20], $0x200, $0x38;
	[tilespmem:$0x18580] =	vst v63  }
0xdb: {  	s15 =	spop (v2sf);
	s16 =	simm.s32 $0xD400  }
0xdc: {  	(v2sf) =	vpush v0, $0xE;
	[tilespmem:s16], [sflag:$0x4] =	stream.linear.gather [spmem:s15], $0x200, $0x38;
	[tilespmem:$0x18580] =	vst v63  }
0xdd: {  	s17 =	spop (v2sf);
	s19 =	simm.s32 $0xD600  }
0xde: {  	(v2sf) =	vpush v0, $0xF;
	[tilespmem:s19], [sflag:$0x4] =	stream.linear.gather [spmem:s17], $0x200, $0x38;
	[tilespmem:$0x18580] =	vst v63  }
0xdf: {  	s21 =	simm.s32 $0xD800;
	s20 =	spop (v2sf)  }
0xe0: {  	[tilespmem:s21], [sflag:$0x4] =	stream.linear.gather [spmem:s20], $0x200, $0x38;
	[tilespmem:$0x18580] =	vst v63  }
0xe1: {  	s16 =	simm.s32 $0xDA00;
	s15 =	spop (v2sf)  }
0xe2: {  	[tilespmem:s16], [sflag:$0x4] =	stream.linear.gather [spmem:s15], $0x200, $0x38;
	[tilespmem:$0x18580] =	vst v63  }
0xe3: {  	s19 =	simm.s32 $0xDC00;
	s17 =	spop (v2sf)  }
0xe4: {  	[tilespmem:s19], [sflag:$0x4] =	stream.linear.gather [spmem:s17], $0x200, $0x38;
	[tilespmem:$0x18580] =	vst v63  }
0xe5: {  	s21 =	simm.s32 $0xDE00;
	s20 =	spop (v2sf)  }
0xe6: {  	[tilespmem:s21], [sflag:$0x4] =	stream.linear.gather [spmem:s20], $0x200, $0x38;
	[tilespmem:$0x18580] =	vst v63  }
0xe7: {  	s15 =	spop (v2sf);
	s16 =	simm.s32 $0xE000  }
0xe8: {  	[tilespmem:s16], [sflag:$0x4] =	stream.linear.gather [spmem:s15], $0x200, $0x38;
	[tilespmem:$0x18580] =	vst v63  }
0xe9: {  	s17 =	spop (v2sf);
	s19 =	simm.s32 $0xE200  }
0xea: {  	[tilespmem:s19], [sflag:$0x4] =	stream.linear.gather [spmem:s17], $0x200, $0x38;
	[tilespmem:$0x18580] =	vst v63  }
0xeb: {  	s20 =	spop (v2sf);
	s21 =	simm.s32 $0xE400  }
0xec: {  	[tilespmem:s21], [sflag:$0x4] =	stream.linear.gather [spmem:s20], $0x200, $0x38;
	[tilespmem:$0x18580] =	vst v63  }
0xed: {  	s15 =	spop (v2sf);
	s16 =	simm.s32 $0xE600  }
0xee: {  	[tilespmem:s16], [sflag:$0x4] =	stream.linear.gather [spmem:s15], $0x200, $0x38;
	[tilespmem:$0x18580] =	vst v63  }
0xef: {  	v0 =	vld [tilespmem:$0x90];
	_ =	sdelay $0x4  }
0xf0: {  	v0 =	vshll.u32 v0, $0xB  }
0xf1: {  	v0 =	vshra.s32 v0, $0x2  }
0xf2: {  	v0 =	vadd.s32 s3, v0  }
0xf3: {  	(v2sf) =	vpush v0, $0x0;
	_ =	sdelay $0x1  }
0xf4: {  	(v2sf) =	vpush v0, $0x1;
	_ =	sdelay $0x1  }
0xf5: {  	(v2sf) =	vpush v0, $0x2;
	_ =	sdelay $0x1  }
0xf6: {  	(v2sf) =	vpush v0, $0x3;
	_ =	sdelay $0x1  }
0xf7: {  	(v2sf) =	vpush v0, $0x4;
	_ =	sdelay $0x1  }
0xf8: {  	(v2sf) =	vpush v0, $0x5;
	_ =	sdelay $0x1  }
0xf9: {  	(v2sf) =	vpush v0, $0x6;
	_ =	sdelay $0x1  }
0xfa: {  	(v2sf) =	vpush v0, $0x7  }
0xfb: {  	s17 =	spop (v2sf)  }
0xfc: {  	(v2sf) =	vpush v0, $0x8;
	[tilespmem:s22], [sflag:$0x4] =	stream.linear.gather [spmem:s17], $0x200, $0x38;
	[tilespmem:$0x18580] =	vst v63  }
0xfd: {  	s19 =	spop (v2sf)  }
0xfe: {  	(v2sf) =	vpush v0, $0x9;
	[tilespmem:s6], [sflag:$0x4] =	stream.linear.gather [spmem:s19], $0x200, $0x38;
	[tilespmem:$0x18580] =	vst v63  }
0xff: {  	s20 =	spop (v2sf)  }
0x100: {  	(v2sf) =	vpush v0, $0xA;
	[tilespmem:s23], [sflag:$0x4] =	stream.linear.gather [spmem:s20], $0x200, $0x38;
	[tilespmem:$0x18580] =	vst v63  }
0x101: {  	s21 =	spop (v2sf)  }
0x102: {  	(v2sf) =	vpush v0, $0xB;
	[tilespmem:s24], [sflag:$0x4] =	stream.linear.gather [spmem:s21], $0x200, $0x38;
	[tilespmem:$0x18580] =	vst v63  }
0x103: {  	s15 =	spop (v2sf)  }
0x104: {  	(v2sf) =	vpush v0, $0xC;
	[tilespmem:s25], [sflag:$0x4] =	stream.linear.gather [spmem:s15], $0x200, $0x38;
	[tilespmem:$0x18580] =	vst v63  }
0x105: {  	s16 =	spop (v2sf)  }
0x106: {  	(v2sf) =	vpush v0, $0xD;
	[tilespmem:s26], [sflag:$0x4] =	stream.linear.gather [spmem:s16], $0x200, $0x38;
	[tilespmem:$0x18580] =	vst v63  }
0x107: {  	s17 =	spop (v2sf)  }
0x108: {  	(v2sf) =	vpush v0, $0xE;
	[tilespmem:s28], [sflag:$0x4] =	stream.linear.gather [spmem:s17], $0x200, $0x38;
	[tilespmem:$0x18580] =	vst v63  }
0x109: {  	s19 =	spop (v2sf)  }
0x10a: {  	(v2sf) =	vpush v0, $0xF;
	[tilespmem:s29], [sflag:$0x4] =	stream.linear.gather [spmem:s19], $0x200, $0x38;
	[tilespmem:$0x18580] =	vst v63  }
0x10b: {  	s20 =	spop (v2sf)  }
0x10c: {  	[tilespmem:s30], [sflag:$0x4] =	stream.linear.gather [spmem:s20], $0x200, $0x38;
	[tilespmem:$0x18580] =	vst v63  }
0x10d: {  	s21 =	spop (v2sf)  }
0x10e: {  	[tilespmem:s0], [sflag:$0x4] =	stream.linear.gather [spmem:s21], $0x200, $0x38;
	[tilespmem:$0x18580] =	vst v63  }
0x10f: {  	s15 =	spop (v2sf)  }
0x110: {  	[tilespmem:s31], [sflag:$0x4] =	stream.linear.gather [spmem:s15], $0x200, $0x38;
	[tilespmem:$0x18580] =	vst v63  }
0x111: {  	s16 =	spop (v2sf)  }
0x112: {  	[tilespmem:s2], [sflag:$0x4] =	stream.linear.gather [spmem:s16], $0x200, $0x38;
	[tilespmem:$0x18580] =	vst v63  }
0x113: {  	s17 =	spop (v2sf)  }
0x114: {  	[tilespmem:s5], [sflag:$0x4] =	stream.linear.gather [spmem:s17], $0x200, $0x38;
	[tilespmem:$0x18580] =	vst v63  }
0x115: {  	s19 =	spop (v2sf)  }
0x116: {  	[tilespmem:s7], [sflag:$0x4] =	stream.linear.gather [spmem:s19], $0x200, $0x38;
	[tilespmem:$0x18580] =	vst v63  }
0x117: {  	s20 =	spop (v2sf)  }
0x118: {  	[tilespmem:s8], [sflag:$0x4] =	stream.linear.gather [spmem:s20], $0x200, $0x38;
	[tilespmem:$0x18580] =	vst v63  }
0x119: {  	v1 =	vimm.f32 $0.0e+00;
	s14 =	simm.s32 $0x0;
	s21 =	spop (v2sf)  }
0x11a: {  	v2 =	vimm.f32 $0.0e+00;
	v3 =	vimm.f32 $0.0e+00;
	v0 =	vimm.f32 $0.0e+00;
	[tilespmem:s9], [sflag:$0x4] =	stream.linear.gather [spmem:s21], $0x200, $0x38;
	[tilespmem:$0x18580] =	vst v63  }
.LBB2_2:
0x11b: {  	_ =	swait.ge [sflag:s10], $0x4000  }
0x11c: {  	[sflag:s10] =	ssyncset.done $0x0  }
0x11d: {  	[sflag:s10] =	ssyncadd.s32 $0xFFFFC000  }
0x11e: {  	_ =	swait.ge [sflag:s11], $0x4000  }
0x11f: {  	[sflag:s11] =	ssyncset.done $0x0  }
0x120: {  	s15 =	simm.s32 $0x8900;
	[sflag:s11] =	ssyncadd.s32 $0xFFFFC000  }
0x121: {  	v4 =	vld [tilespmem:s15+$0xC0]  }
0x122: {  	v5 =	vld [tilespmem:s15+$0xD0]  }
0x123: {  	v8 =	vld [tilespmem:s15+$0xE0]  }
0x124: {  	v9 =	vld [tilespmem:s15+$0xF0]  }
0x125: {  	v10 =	vld [tilespmem:s15+$0x80]  }
0x126: {  	v11 =	vld [tilespmem:s15+$0x90]  }
0x127: {  	v19 =	vld [tilespmem:s15+$0xA0]  }
0x128: {  	v20 =	vld [tilespmem:s15+$0xB0]  }
0x129: {  	v25 =	vld [tilespmem:s15+$0x40]  }
0x12a: {  	v26 =	vld [tilespmem:s15+$0x50]  }
0x12b: {  	v27 =	vld [tilespmem:s15+$0x60]  }
0x12c: {  	v28 =	vld [tilespmem:s15+$0x70]  }
0x12d: {  	v29 =	vld [tilespmem:s15+$0x0]  }
0x12e: {  	v30 =	vld [tilespmem:s15+$0x10]  }
0x12f: {  	v31 =	vld [tilespmem:s15+$0x20]  }
0x130: {  	v33 =	vld [tilespmem:s15+$0x30]  }
0x131: {  	v32 =	vld [tilespmem:s15+$0xFFFFFFC0]  }
0x132: {  	v34 =	vld [tilespmem:s15+$0xFFFFFFD0]  }
0x133: {  	v35 =	vld [tilespmem:s15+$0xFFFFFFE0]  }
0x134: {  	v36 =	vld [tilespmem:s15+$0xFFFFFFF0]  }
0x135: {  	v41 =	vld [tilespmem:s15+$0xFFFFFF80]  }
0x136: {  	v42 =	vld [tilespmem:s15+$0xFFFFFF90]  }
0x137: {  	v43 =	vld [tilespmem:s15+$0xFFFFFFA0]  }
0x138: {  	v18 =	vld [tilespmem:s15+$0xFFFFFFB0]  }
0x139: {  	v17 =	vld [tilespmem:s15+$0xFFFFFF40]  }
0x13a: {  	v15 =	vld [tilespmem:s15+$0xFFFFFF50]  }
0x13b: {  	v7 =	vld [tilespmem:s15+$0xFFFFFF60]  }
0x13c: {  	v6 =	vld [tilespmem:s15+$0xFFFFFF70]  }
0x13d: {  	v16 =	vld [tilespmem:s15+$0xFFFFFF00]  }
0x13e: {  	s16 =	simm.s32 $0x0;
	v13 =	vld [tilespmem:s15+$0xFFFFFF10]  }
0x13f: {  	s17 =	sand.u32 $0x3000, s16;
	s19 =	sand.u32 $0x380, s16;
	v14 =	vld [tilespmem:s15+$0xFFFFFF20]  }
0x140: {  	s19 =	sor.u32 s19, s17;
	v12 =	vld [tilespmem:s15+$0xFFFFFF30]  }
0x141: {  	v21 =	vld [tilespmem:s19+$0x1440]  }
0x142: {  	v22 =	vld [tilespmem:s19+$0x1450]  }
0x143: {  	v23 =	vld [tilespmem:s19+$0x1460]  }
0x144: {  	v24 =	vld [tilespmem:s19+$0x1470]  }
0x145: {  	v37 =	vld [tilespmem:s19+$0x1400]  }
0x146: {  	v38 =	vld [tilespmem:s19+$0x1410]  }
0x147: {  	v39 =	vld [tilespmem:s19+$0x1420]  }
0x148: {  	v40 =	vld [tilespmem:s19+$0x1430]  }
0x149: {  	v44 =	vld [tilespmem:s19+$0x1040]  }
0x14a: {  	v45 =	vld [tilespmem:s19+$0x1050]  }
0x14b: {  	v46 =	vld [tilespmem:s19+$0x1060]  }
0x14c: {  	v47 =	vld [tilespmem:s19+$0x1070]  }
0x14d: {  	v48 =	vld [tilespmem:s19+$0x1000]  }
0x14e: {  	v49 =	vld [tilespmem:s19+$0x1010]  }
0x14f: {  	v50 =	vld [tilespmem:s19+$0x1020]  }
0x150: {  	v51 =	vld [tilespmem:s19+$0x1030]  }
0x151: {  	v52 =	vld [tilespmem:s19+$0xC40];
	v21 =	vsub.f32 v21, v4  }
0x152: {  	v53 =	vld [tilespmem:s19+$0xC50];
	v22 =	vsub.f32 v22, v5;
	v5 =	vsub.f32 v23, v8  }
0x153: {  	v54 =	vld [tilespmem:s19+$0xC60];
	v23 =	vsub.f32 v37, v10;
	v4 =	vsub.f32 v24, v9  }
0x154: {  	v55 =	vld [tilespmem:s19+$0xC70];
	v24 =	vsub.f32 v38, v11;
	v9 =	vsub.f32 v39, v19  }
0x155: {  	v56 =	vld [tilespmem:s19+$0xC00];
	v25 =	vsub.f32 v44, v25;
	v8 =	vsub.f32 v40, v20  }
0x156: {  	v62 =	vld [tilespmem:s19+$0xC10];
	v26 =	vsub.f32 v45, v26;
	v11 =	vsub.f32 v46, v27  }
0x157: {  	v63 =	vld [tilespmem:s19+$0xC20];
	v27 =	vsub.f32 v48, v29;
	v10 =	vsub.f32 v47, v28  }
0x158: {  	v40 =	vld [tilespmem:s19+$0xC30];
	v28 =	vsub.f32 v49, v30;
	v20 =	vsub.f32 v50, v31  }
0x159: {  	v38 =	vld [tilespmem:s19+$0x840];
	v32 =	vsub.f32 v52, v32;
	v19 =	vsub.f32 v51, v33  }
0x15a: {  	v39 =	vld [tilespmem:s19+$0x850];
	v33 =	vsub.f32 v53, v34;
	v30 =	vsub.f32 v54, v35  }
0x15b: {  	v37 =	vld [tilespmem:s19+$0x800];
	v34 =	vsub.f32 v56, v41;
	v29 =	vsub.f32 v55, v36  }
0x15c: {  	s17 =	simm.s32 $0x200;
	v36 =	vld [tilespmem:s19+$0x810];
	v35 =	vsub.f32 v62, v42;
	v31 =	vsub.f32 v63, v43  }
.LBB2_3:
0x15d: {  	p1 =	sne.s32 s17, $0x3E00;
	v41 =	vld [tilespmem:s19+$0x820];
	v18 =	vsub.f32 v40, v18;
	v40 =	vmul.f32 v21, v21;
	v42 =	vmul.f32 v22, v22  }
0x15e: {  	v44 =	vmul.f32 v24, v24;
	v43 =	vld [tilespmem:s19+$0x830];
	v17 =	vsub.f32 v38, v17;
	v38 =	vmul.f32 v23, v23  }
0x15f: {  	v45 =	vmul.f32 v25, v25;
	v46 =	vmul.f32 v26, v26;
	v15 =	vsub.f32 v39, v15;
	v39 =	vld [tilespmem:s19+$0x860]  }
0x160: {  	v47 =	vmul.f32 v28, v28;
	s15 =	sadd.s32 $0x200, s15;
	v16 =	vsub.f32 v37, v16;
	v26 =	vld [tilespmem:s19+$0x870];
	v37 =	vmul.f32 v27, v27  }
0x161: {  	v33 =	vmul.f32 v33, v33;
	v21 =	vld [tilespmem:s15+$0xC0];
	v13 =	vsub.f32 v36, v13;
	v36 =	vmul.f32 v32, v32  }
0x162: {  	v34 =	vmul.f32 v34, v34;
	v35 =	vmul.f32 v35, v35;
	v22 =	vld [tilespmem:s15+$0xD0];
	v14 =	vsub.f32 v41, v14  }
0x163: {  	v17 =	vmul.f32 v17, v17;
	v15 =	vmul.f32 v15, v15;
	v23 =	vld [tilespmem:s15+$0xE0];
	v12 =	vsub.f32 v43, v12  }
0x164: {  	v16 =	vmul.f32 v16, v16;
	v13 =	vmul.f32 v13, v13;
	v24 =	vld [tilespmem:s15+$0xF0];
	v7 =	vsub.f32 v39, v7  }
0x165: {  	v14 =	vmul.f32 v14, v14;
	v25 =	vld [tilespmem:s15+$0x80];
	v12 =	vmul.f32 v12, v12;
	v6 =	vsub.f32 v26, v6  }
0x166: {  	v3 =	vadd.f32 v16, v3;
	v2 =	vadd.f32 v13, v2;
	v26 =	vld [tilespmem:s15+$0x90];
	v7 =	vmul.f32 v7, v7  }
0x167: {  	v1 =	vadd.f32 v14, v1;
	v27 =	vld [tilespmem:s15+$0xA0];
	v0 =	vadd.f32 v12, v0;
	v6 =	vmul.f32 v6, v6  }
0x168: {  	v3 =	vadd.f32 v17, v3;
	v2 =	vadd.f32 v15, v2;
	v12 =	vmul.f32 v31, v31;
	v28 =	vld [tilespmem:s15+$0xB0]  }
0x169: {  	v1 =	vadd.f32 v7, v1;
	v31 =	vld [tilespmem:s15+$0x40];
	v0 =	vadd.f32 v6, v0;
	v6 =	vmul.f32 v18, v18  }
0x16a: {  	v3 =	vadd.f32 v34, v3;
	v7 =	vmul.f32 v30, v30;
	v2 =	vadd.f32 v35, v2;
	v32 =	vld [tilespmem:s15+$0x50]  }
0x16b: {  	v1 =	vadd.f32 v12, v1;
	v30 =	vld [tilespmem:s15+$0x60];
	v0 =	vadd.f32 v6, v0;
	v6 =	vmul.f32 v29, v29  }
0x16c: {  	v3 =	vadd.f32 v36, v3;
	v12 =	vmul.f32 v20, v20;
	v2 =	vadd.f32 v33, v2;
	v29 =	vld [tilespmem:s15+$0x70]  }
0x16d: {  	v1 =	vadd.f32 v7, v1;
	v20 =	vld [tilespmem:s15+$0x0];
	v0 =	vadd.f32 v6, v0;
	v6 =	vmul.f32 v19, v19  }
0x16e: {  	v3 =	vadd.f32 v37, v3;
	v7 =	vmul.f32 v11, v11;
	v2 =	vadd.f32 v47, v2;
	v19 =	vld [tilespmem:s15+$0x10]  }
0x16f: {  	v1 =	vadd.f32 v12, v1;
	v33 =	vld [tilespmem:s15+$0x20];
	v0 =	vadd.f32 v6, v0;
	v6 =	vmul.f32 v10, v10  }
0x170: {  	v9 =	vmul.f32 v9, v9;
	v3 =	vadd.f32 v45, v3;
	v2 =	vadd.f32 v46, v2;
	v34 =	vld [tilespmem:s15+$0x30]  }
0x171: {  	v1 =	vadd.f32 v7, v1;
	v35 =	vld [tilespmem:s15+$0xFFFFFFC0];
	v0 =	vadd.f32 v6, v0;
	v6 =	vmul.f32 v8, v8  }
0x172: {  	v5 =	vmul.f32 v5, v5;
	v3 =	vadd.f32 v38, v3;
	v2 =	vadd.f32 v44, v2;
	v36 =	vld [tilespmem:s15+$0xFFFFFFD0]  }
0x173: {  	v4 =	vmul.f32 v4, v4;
	v1 =	vadd.f32 v9, v1;
	v37 =	vld [tilespmem:s15+$0xFFFFFFE0];
	v0 =	vadd.f32 v6, v0  }
0x174: {  	v3 =	vadd.f32 v40, v3;
	v2 =	vadd.f32 v42, v2;
	v41 =	vld [tilespmem:s15+$0xFFFFFFF0]  }
0x175: {  	v1 =	vadd.f32 v5, v1;
	v42 =	vld [tilespmem:s15+$0xFFFFFF80];
	v0 =	vadd.f32 v4, v0  }
0x176: {  	v43 =	vld [tilespmem:s15+$0xFFFFFF90]  }
0x177: {  	v44 =	vld [tilespmem:s15+$0xFFFFFFA0]  }
0x178: {  	v18 =	vld [tilespmem:s15+$0xFFFFFFB0]  }
0x179: {  	v17 =	vld [tilespmem:s15+$0xFFFFFF40]  }
0x17a: {  	v15 =	vld [tilespmem:s15+$0xFFFFFF50]  }
0x17b: {  	v7 =	vld [tilespmem:s15+$0xFFFFFF60]  }
0x17c: {  	v6 =	vld [tilespmem:s15+$0xFFFFFF70]  }
0x17d: {  	v16 =	vld [tilespmem:s15+$0xFFFFFF00]  }
0x17e: {  	s16 =	sadd.s32 $0x80, s16;
	v13 =	vld [tilespmem:s15+$0xFFFFFF10]  }
0x17f: {  	s20 =	sand.u32 $0x380, s16;
	s19 =	sand.u32 $0x3000, s17;
	v14 =	vld [tilespmem:s15+$0xFFFFFF20]  }
0x180: {  	s19 =	sor.u32 s20, s19;
	v12 =	vld [tilespmem:s15+$0xFFFFFF30]  }
0x181: {  	v4 =	vld [tilespmem:s19+$0x1440]  }
0x182: {  	v5 =	vld [tilespmem:s19+$0x1450]  }
0x183: {  	v8 =	vld [tilespmem:s19+$0x1460]  }
0x184: {  	v9 =	vld [tilespmem:s19+$0x1470]  }
0x185: {  	v10 =	vld [tilespmem:s19+$0x1400]  }
0x186: {  	v11 =	vld [tilespmem:s19+$0x1410]  }
0x187: {  	v38 =	vld [tilespmem:s19+$0x1420]  }
0x188: {  	v39 =	vld [tilespmem:s19+$0x1430]  }
0x189: {  	v40 =	vld [tilespmem:s19+$0x1040]  }
0x18a: {  	v45 =	vld [tilespmem:s19+$0x1050]  }
0x18b: {  	v46 =	vld [tilespmem:s19+$0x1060]  }
0x18c: {  	v47 =	vld [tilespmem:s19+$0x1070]  }
0x18d: {  	v48 =	vld [tilespmem:s19+$0x1000]  }
0x18e: {  	v49 =	vld [tilespmem:s19+$0x1010]  }
0x18f: {  	v50 =	vld [tilespmem:s19+$0x1020]  }
0x190: {  	v51 =	vld [tilespmem:s19+$0x1030]  }
0x191: {  	v21 =	vsub.f32 v4, v21;
	v52 =	vld [tilespmem:s19+$0xC40]  }
0x192: {  	v22 =	vsub.f32 v5, v22;
	v5 =	vsub.f32 v8, v23;
	v53 =	vld [tilespmem:s19+$0xC50]  }
0x193: {  	v4 =	vsub.f32 v9, v24;
	v23 =	vsub.f32 v10, v25;
	v54 =	vld [tilespmem:s19+$0xC60]  }
0x194: {  	v24 =	vsub.f32 v11, v26;
	v9 =	vsub.f32 v38, v27;
	v55 =	vld [tilespmem:s19+$0xC70]  }
0x195: {  	v8 =	vsub.f32 v39, v28;
	v25 =	vsub.f32 v40, v31;
	v56 =	vld [tilespmem:s19+$0xC00]  }
0x196: {  	v26 =	vsub.f32 v45, v32;
	v11 =	vsub.f32 v46, v30;
	v31 =	vld [tilespmem:s19+$0xC10]  }
0x197: {  	v10 =	vsub.f32 v47, v29;
	v27 =	vsub.f32 v48, v20;
	v45 =	vld [tilespmem:s19+$0xC20]  }
.Ltmp2:
0x198: {  	v28 =	vsub.f32 v49, v19;
	v20 =	vsub.f32 v50, v33;
	v40 =	vld [tilespmem:s19+$0xC30];
	(pc) =	sbr.rel @p1 .LBB2_3-.Ltmp2, $4  }
0x199: {  	v19 =	vsub.f32 v51, v34;
	v32 =	vsub.f32 v52, v35;
	v38 =	vld [tilespmem:s19+$0x840]  }
0x19a: {  	v33 =	vsub.f32 v53, v36;
	v30 =	vsub.f32 v54, v37;
	v39 =	vld [tilespmem:s19+$0x850]  }
0x19b: {  	v29 =	vsub.f32 v55, v41;
	v34 =	vsub.f32 v56, v42;
	v37 =	vld [tilespmem:s19+$0x800]  }
0x19c: {  	s17 =	sadd.s32 $0x200, s17;
	v35 =	vsub.f32 v31, v43;
	v36 =	vld [tilespmem:s19+$0x810];
	v31 =	vsub.f32 v45, v44  }
0x19d: {  	v21 =	vmul.f32 v21, v21;
	v22 =	vmul.f32 v22, v22  }
0x19e: {  	v41 =	vld [tilespmem:s19+$0x820];
	v23 =	vmul.f32 v23, v23;
	v24 =	vmul.f32 v24, v24  }
0x19f: {  	v51 =	vld [tilespmem:s19+$0x830];
	v25 =	vmul.f32 v25, v25;
	v26 =	vmul.f32 v26, v26  }
0x1a0: {  	v18 =	vsub.f32 v40, v18;
	v52 =	vld [tilespmem:s19+$0x860];
	v27 =	vmul.f32 v27, v27;
	v28 =	vmul.f32 v28, v28  }
0x1a1: {  	v53 =	vld [tilespmem:s19+$0x870];
	v32 =	vmul.f32 v32, v32;
	v33 =	vmul.f32 v33, v33;
	v17 =	vsub.f32 v38, v17  }
0x1a2: {  	v34 =	vmul.f32 v34, v34;
	v35 =	vmul.f32 v35, v35;
	v15 =	vsub.f32 v39, v15  }
0x1a3: {  	v16 =	vsub.f32 v37, v16;
	v17 =	vmul.f32 v17, v17;
	v13 =	vsub.f32 v36, v13  }
0x1a4: {  	v15 =	vmul.f32 v15, v15;
	v14 =	vsub.f32 v41, v14;
	v12 =	vsub.f32 v51, v12  }
0x1a5: {  	v16 =	vmul.f32 v16, v16;
	v7 =	vsub.f32 v52, v7;
	v13 =	vmul.f32 v13, v13  }
0x1a6: {  	v6 =	vsub.f32 v53, v6;
	v14 =	vmul.f32 v14, v14;
	v12 =	vmul.f32 v12, v12  }
0x1a7: {  	v3 =	vadd.f32 v16, v3;
	v7 =	vmul.f32 v7, v7;
	v2 =	vadd.f32 v13, v2  }
0x1a8: {  	v6 =	vmul.f32 v6, v6;
	v1 =	vadd.f32 v14, v1;
	v0 =	vadd.f32 v12, v0  }
0x1a9: {  	v54 =	vmul.f32 v31, v31;
	v3 =	vadd.f32 v17, v3;
	v2 =	vadd.f32 v15, v2  }
0x1aa: {  	v55 =	vmul.f32 v18, v18;
	v1 =	vadd.f32 v7, v1;
	v0 =	vadd.f32 v6, v0  }
0x1ab: {  	v56 =	vmul.f32 v30, v30;
	v3 =	vadd.f32 v34, v3;
	v2 =	vadd.f32 v35, v2  }
0x1ac: {  	v57 =	vmul.f32 v29, v29;
	v1 =	vadd.f32 v54, v1;
	v0 =	vadd.f32 v55, v0  }
0x1ad: {  	v58 =	vmul.f32 v20, v20;
	v3 =	vadd.f32 v32, v3;
	v2 =	vadd.f32 v33, v2  }
0x1ae: {  	v59 =	vmul.f32 v19, v19;
	v1 =	vadd.f32 v56, v1;
	v0 =	vadd.f32 v57, v0  }
0x1af: {  	v60 =	vmul.f32 v11, v11;
	v3 =	vadd.f32 v27, v3;
	v2 =	vadd.f32 v28, v2  }
0x1b0: {  	v61 =	vmul.f32 v10, v10;
	v1 =	vadd.f32 v58, v1;
	v0 =	vadd.f32 v59, v0  }
0x1b1: {  	v9 =	vmul.f32 v9, v9;
	p1 =	seq.s32 s14, $0x4;
	v3 =	vadd.f32 v25, v3;
	v2 =	vadd.f32 v26, v2  }
.Ltmp3:
0x1b2: {  	v62 =	vmul.f32 v8, v8;
	v1 =	vadd.f32 v60, v1;
	v0 =	vadd.f32 v61, v0;
	(pc) =	sbr.rel @p1 .LBB2_6-.Ltmp3, $4  }
0x1b3: {  	v5 =	vmul.f32 v5, v5;
	v3 =	vadd.f32 v23, v3;
	v63 =	vadd.f32 v24, v2  }
0x1b4: {  	v4 =	vmul.f32 v4, v4;
	v1 =	vadd.f32 v9, v1;
	v6 =	vadd.f32 v62, v0  }
0x1b5: {  	v2 =	vadd.f32 v21, v3;
	v3 =	vadd.f32 v22, v63  }
0x1b6: {  	s15 =	sshll.u32 s14, $0x1;
	v0 =	vadd.f32 v5, v1;
	v1 =	vadd.f32 v4, v6  }
0x1b7: {  	s16 =	sadd.s32 $0x2, s15  }
0x1b8: {  	s17 =	sshll.u32 s16, $0xE  }
0x1b9: {  	s17 =	sadd.s32 s18, s17  }
0x1ba: {  	s16 =	sshll.u32 s16, $0x7;
	s17 =	sshrl.u32 s17, $0x3  }
0x1bb: {  	s19 =	simm.s32 $0x800;
	s16 =	sand.u32 $0x3FFFFF80, s16;
	s17 =	sadd.s32 s1, s17  }
0x1bc: {  	[tilespmem:s19], [sflag:$0x1] =	stream.linear.gather [hbm4b:s17+s4], $0x4000, $0x38;
	[tilespmem:$0x18580] =	vst v63  }
0x1bd: {  	v4 =	vld [tilespmem:s16+$0x0];
	_ =	sdelay $0x4  }
0x1be: {  	v4 =	vshll.u32 v4, $0xB  }
0x1bf: {  	v4 =	vshra.s32 v4, $0x2  }
0x1c0: {  	v4 =	vadd.s32 s3, v4  }
0x1c1: {  	(v2sf) =	vpush v4, $0x0;
	_ =	sdelay $0x1  }
0x1c2: {  	(v2sf) =	vpush v4, $0x1;
	_ =	sdelay $0x1  }
0x1c3: {  	(v2sf) =	vpush v4, $0x2;
	_ =	sdelay $0x1  }
0x1c4: {  	(v2sf) =	vpush v4, $0x3;
	_ =	sdelay $0x1  }
0x1c5: {  	(v2sf) =	vpush v4, $0x4;
	_ =	sdelay $0x1  }
0x1c6: {  	(v2sf) =	vpush v4, $0x5;
	_ =	sdelay $0x1  }
0x1c7: {  	(v2sf) =	vpush v4, $0x6;
	_ =	sdelay $0x1  }
0x1c8: {  	(v2sf) =	vpush v4, $0x7  }
0x1c9: {  	s21 =	simm.s32 $0x8800;
	s20 =	spop (v2sf)  }
0x1ca: {  	(v2sf) =	vpush v4, $0x8;
	[tilespmem:s21], [sflag:$0x3] =	stream.linear.gather [spmem:s20], $0x200, $0x38;
	[tilespmem:$0x18580] =	vst v63  }
0x1cb: {  	s20 =	spop (v2sf);
	s21 =	simm.s32 $0x8A00  }
0x1cc: {  	(v2sf) =	vpush v4, $0x9;
	[tilespmem:s21], [sflag:$0x3] =	stream.linear.gather [spmem:s20], $0x200, $0x38;
	[tilespmem:$0x18580] =	vst v63  }
0x1cd: {  	s20 =	spop (v2sf);
	s21 =	simm.s32 $0x8C00  }
0x1ce: {  	(v2sf) =	vpush v4, $0xA;
	[tilespmem:s21], [sflag:$0x3] =	stream.linear.gather [spmem:s20], $0x200, $0x38;
	[tilespmem:$0x18580] =	vst v63  }
0x1cf: {  	s20 =	spop (v2sf);
	s21 =	simm.s32 $0x8E00  }
0x1d0: {  	(v2sf) =	vpush v4, $0xB;
	[tilespmem:s21], [sflag:$0x3] =	stream.linear.gather [spmem:s20], $0x200, $0x38;
	[tilespmem:$0x18580] =	vst v63  }
0x1d1: {  	s20 =	spop (v2sf);
	s21 =	simm.s32 $0x9000  }
0x1d2: {  	(v2sf) =	vpush v4, $0xC;
	[tilespmem:s21], [sflag:$0x3] =	stream.linear.gather [spmem:s20], $0x200, $0x38;
	[tilespmem:$0x18580] =	vst v63  }
0x1d3: {  	s20 =	spop (v2sf);
	s21 =	simm.s32 $0x9200  }
0x1d4: {  	(v2sf) =	vpush v4, $0xD;
	[tilespmem:s21], [sflag:$0x3] =	stream.linear.gather [spmem:s20], $0x200, $0x38;
	[tilespmem:$0x18580] =	vst v63  }
0x1d5: {  	s20 =	spop (v2sf);
	s21 =	simm.s32 $0x9400  }
0x1d6: {  	(v2sf) =	vpush v4, $0xE;
	[tilespmem:s21], [sflag:$0x3] =	stream.linear.gather [spmem:s20], $0x200, $0x38;
	[tilespmem:$0x18580] =	vst v63  }
0x1d7: {  	s20 =	spop (v2sf);
	s21 =	simm.s32 $0x9600  }
0x1d8: {  	(v2sf) =	vpush v4, $0xF;
	[tilespmem:s21], [sflag:$0x3] =	stream.linear.gather [spmem:s20], $0x200, $0x38;
	[tilespmem:$0x18580] =	vst v63  }
0x1d9: {  	s20 =	spop (v2sf);
	s21 =	simm.s32 $0x9800  }
0x1da: {  	[tilespmem:s21], [sflag:$0x3] =	stream.linear.gather [spmem:s20], $0x200, $0x38;
	[tilespmem:$0x18580] =	vst v63  }
0x1db: {  	s20 =	spop (v2sf);
	s21 =	simm.s32 $0x9A00  }
0x1dc: {  	[tilespmem:s21], [sflag:$0x3] =	stream.linear.gather [spmem:s20], $0x200, $0x38;
	[tilespmem:$0x18580] =	vst v63  }
0x1dd: {  	s20 =	spop (v2sf);
	s21 =	simm.s32 $0x9C00  }
0x1de: {  	[tilespmem:s21], [sflag:$0x3] =	stream.linear.gather [spmem:s20], $0x200, $0x38;
	[tilespmem:$0x18580] =	vst v63  }
0x1df: {  	s20 =	spop (v2sf);
	s21 =	simm.s32 $0x9E00  }
0x1e0: {  	[tilespmem:s21], [sflag:$0x3] =	stream.linear.gather [spmem:s20], $0x200, $0x38;
	[tilespmem:$0x18580] =	vst v63  }
0x1e1: {  	s20 =	spop (v2sf);
	s21 =	simm.s32 $0xA000  }
0x1e2: {  	[tilespmem:s21], [sflag:$0x3] =	stream.linear.gather [spmem:s20], $0x200, $0x38;
	[tilespmem:$0x18580] =	vst v63  }
0x1e3: {  	s20 =	spop (v2sf);
	s21 =	simm.s32 $0xA200  }
0x1e4: {  	[tilespmem:s21], [sflag:$0x3] =	stream.linear.gather [spmem:s20], $0x200, $0x38;
	[tilespmem:$0x18580] =	vst v63  }
0x1e5: {  	s20 =	spop (v2sf);
	s21 =	simm.s32 $0xA400  }
0x1e6: {  	[tilespmem:s21], [sflag:$0x3] =	stream.linear.gather [spmem:s20], $0x200, $0x38;
	[tilespmem:$0x18580] =	vst v63  }
0x1e7: {  	s20 =	spop (v2sf);
	s21 =	simm.s32 $0xA600  }
0x1e8: {  	[tilespmem:s21], [sflag:$0x3] =	stream.linear.gather [spmem:s20], $0x200, $0x38;
	[tilespmem:$0x18580] =	vst v63  }
0x1e9: {  	v4 =	vld [tilespmem:s16+$0x10];
	_ =	sdelay $0x4  }
0x1ea: {  	v4 =	vshll.u32 v4, $0xB  }
0x1eb: {  	v4 =	vshra.s32 v4, $0x2  }
0x1ec: {  	v4 =	vadd.s32 s3, v4  }
0x1ed: {  	(v2sf) =	vpush v4, $0x0;
	_ =	sdelay $0x1  }
0x1ee: {  	(v2sf) =	vpush v4, $0x1;
	_ =	sdelay $0x1  }
0x1ef: {  	(v2sf) =	vpush v4, $0x2;
	_ =	sdelay $0x1  }
0x1f0: {  	(v2sf) =	vpush v4, $0x3;
	_ =	sdelay $0x1  }
0x1f1: {  	(v2sf) =	vpush v4, $0x4;
	_ =	sdelay $0x1  }
0x1f2: {  	(v2sf) =	vpush v4, $0x5;
	_ =	sdelay $0x1  }
0x1f3: {  	(v2sf) =	vpush v4, $0x6;
	_ =	sdelay $0x1  }
0x1f4: {  	(v2sf) =	vpush v4, $0x7  }
0x1f5: {  	s19 =	simm.s32 $0xA800;
	s17 =	spop (v2sf)  }
0x1f6: {  	(v2sf) =	vpush v4, $0x8;
	[tilespmem:s19], [sflag:$0x3] =	stream.linear.gather [spmem:s17], $0x200, $0x38;
	[tilespmem:$0x18580] =	vst v63  }
0x1f7: {  	s21 =	simm.s32 $0xAA00;
	s20 =	spop (v2sf)  }
0x1f8: {  	(v2sf) =	vpush v4, $0x9;
	[tilespmem:s21], [sflag:$0x3] =	stream.linear.gather [spmem:s20], $0x200, $0x38;
	[tilespmem:$0x18580] =	vst v63  }
0x1f9: {  	s19 =	simm.s32 $0xAC00;
	s17 =	spop (v2sf)  }
0x1fa: {  	(v2sf) =	vpush v4, $0xA;
	[tilespmem:s19], [sflag:$0x3] =	stream.linear.gather [spmem:s17], $0x200, $0x38;
	[tilespmem:$0x18580] =	vst v63  }
0x1fb: {  	s20 =	spop (v2sf);
	s21 =	simm.s32 $0xAE00  }
0x1fc: {  	(v2sf) =	vpush v4, $0xB;
	[tilespmem:s21], [sflag:$0x3] =	stream.linear.gather [spmem:s20], $0x200, $0x38;
	[tilespmem:$0x18580] =	vst v63  }
0x1fd: {  	s17 =	spop (v2sf);
	s19 =	simm.s32 $0xB000  }
0x1fe: {  	(v2sf) =	vpush v4, $0xC;
	[tilespmem:s19], [sflag:$0x3] =	stream.linear.gather [spmem:s17], $0x200, $0x38;
	[tilespmem:$0x18580] =	vst v63  }
0x1ff: {  	s20 =	spop (v2sf);
	s21 =	simm.s32 $0xB200  }
0x200: {  	(v2sf) =	vpush v4, $0xD;
	[tilespmem:s21], [sflag:$0x3] =	stream.linear.gather [spmem:s20], $0x200, $0x38;
	[tilespmem:$0x18580] =	vst v63  }
0x201: {  	s17 =	spop (v2sf);
	s19 =	simm.s32 $0xB400  }
0x202: {  	(v2sf) =	vpush v4, $0xE;
	[tilespmem:s19], [sflag:$0x3] =	stream.linear.gather [spmem:s17], $0x200, $0x38;
	[tilespmem:$0x18580] =	vst v63  }
0x203: {  	s20 =	spop (v2sf);
	s21 =	simm.s32 $0xB600  }
0x204: {  	(v2sf) =	vpush v4, $0xF;
	[tilespmem:s21], [sflag:$0x3] =	stream.linear.gather [spmem:s20], $0x200, $0x38;
	[tilespmem:$0x18580] =	vst v63  }
0x205: {  	s19 =	simm.s32 $0xB800;
	s17 =	spop (v2sf)  }
0x206: {  	[tilespmem:s19], [sflag:$0x3] =	stream.linear.gather [spmem:s17], $0x200, $0x38;
	[tilespmem:$0x18580] =	vst v63  }
0x207: {  	s21 =	simm.s32 $0xBA00;
	s20 =	spop (v2sf)  }
0x208: {  	[tilespmem:s21], [sflag:$0x3] =	stream.linear.gather [spmem:s20], $0x200, $0x38;
	[tilespmem:$0x18580] =	vst v63  }
0x209: {  	s17 =	spop (v2sf);
	s19 =	simm.s32 $0xBC00  }
0x20a: {  	[tilespmem:s19], [sflag:$0x3] =	stream.linear.gather [spmem:s17], $0x200, $0x38;
	[tilespmem:$0x18580] =	vst v63  }
0x20b: {  	s20 =	spop (v2sf);
	s21 =	simm.s32 $0xBE00  }
0x20c: {  	[tilespmem:s21], [sflag:$0x3] =	stream.linear.gather [spmem:s20], $0x200, $0x38;
	[tilespmem:$0x18580] =	vst v63  }
0x20d: {  	s17 =	spop (v2sf);
	s19 =	simm.s32 $0xC000  }
0x20e: {  	[tilespmem:s19], [sflag:$0x3] =	stream.linear.gather [spmem:s17], $0x200, $0x38;
	[tilespmem:$0x18580] =	vst v63  }
0x20f: {  	s20 =	spop (v2sf);
	s21 =	simm.s32 $0xC200  }
0x210: {  	[tilespmem:s21], [sflag:$0x3] =	stream.linear.gather [spmem:s20], $0x200, $0x38;
	[tilespmem:$0x18580] =	vst v63  }
0x211: {  	s17 =	spop (v2sf);
	s19 =	simm.s32 $0xC400  }
0x212: {  	[tilespmem:s19], [sflag:$0x3] =	stream.linear.gather [spmem:s17], $0x200, $0x38;
	[tilespmem:$0x18580] =	vst v63  }
0x213: {  	s20 =	spop (v2sf);
	s21 =	simm.s32 $0xC600  }
0x214: {  	[tilespmem:s21], [sflag:$0x3] =	stream.linear.gather [spmem:s20], $0x200, $0x38;
	[tilespmem:$0x18580] =	vst v63  }
.LBB2_6:
0x215: {  	_ =	swait.ge [sflag:s12], $0x4000  }
0x216: {  	[sflag:s12] =	ssyncset.done $0x0  }
0x217: {  	[sflag:s12] =	ssyncadd.s32 $0xFFFFC000  }
0x218: {  	_ =	swait.ge [sflag:s13], $0x4000  }
0x219: {  	[sflag:s13] =	ssyncset.done $0x0  }
0x21a: {  	s16 =	simm.s32 $0xC900;
	[sflag:s13] =	ssyncadd.s32 $0xFFFFC000  }
0x21b: {  	v4 =	vld [tilespmem:s16+$0xC0]  }
0x21c: {  	v5 =	vld [tilespmem:s16+$0xD0]  }
0x21d: {  	v8 =	vld [tilespmem:s16+$0xE0]  }
0x21e: {  	v9 =	vld [tilespmem:s16+$0xF0]  }
0x21f: {  	v10 =	vld [tilespmem:s16+$0x80]  }
0x220: {  	v11 =	vld [tilespmem:s16+$0x90]  }
0x221: {  	v19 =	vld [tilespmem:s16+$0xA0]  }
0x222: {  	v20 =	vld [tilespmem:s16+$0xB0]  }
0x223: {  	v25 =	vld [tilespmem:s16+$0x40]  }
0x224: {  	v26 =	vld [tilespmem:s16+$0x50]  }
0x225: {  	v27 =	vld [tilespmem:s16+$0x60]  }
0x226: {  	v28 =	vld [tilespmem:s16+$0x70]  }
0x227: {  	v29 =	vld [tilespmem:s16+$0x0]  }
0x228: {  	v30 =	vld [tilespmem:s16+$0x10]  }
0x229: {  	v31 =	vld [tilespmem:s16+$0x20]  }
0x22a: {  	v33 =	vld [tilespmem:s16+$0x30]  }
0x22b: {  	v32 =	vld [tilespmem:s16+$0xFFFFFFC0]  }
0x22c: {  	v34 =	vld [tilespmem:s16+$0xFFFFFFD0]  }
0x22d: {  	v35 =	vld [tilespmem:s16+$0xFFFFFFE0]  }
0x22e: {  	v36 =	vld [tilespmem:s16+$0xFFFFFFF0]  }
0x22f: {  	v41 =	vld [tilespmem:s16+$0xFFFFFF80]  }
0x230: {  	v42 =	vld [tilespmem:s16+$0xFFFFFF90]  }
0x231: {  	v43 =	vld [tilespmem:s16+$0xFFFFFFA0]  }
0x232: {  	v18 =	vld [tilespmem:s16+$0xFFFFFFB0]  }
0x233: {  	v17 =	vld [tilespmem:s16+$0xFFFFFF40]  }
0x234: {  	v15 =	vld [tilespmem:s16+$0xFFFFFF50]  }
0x235: {  	v7 =	vld [tilespmem:s16+$0xFFFFFF60]  }
0x236: {  	v6 =	vld [tilespmem:s16+$0xFFFFFF70]  }
0x237: {  	v16 =	vld [tilespmem:s16+$0xFFFFFF00]  }
0x238: {  	s17 =	simm.s32 $0x0;
	v13 =	vld [tilespmem:s16+$0xFFFFFF10]  }
0x239: {  	s19 =	sand.u32 $0x3000, s17;
	s20 =	sand.u32 $0x380, s17;
	v14 =	vld [tilespmem:s16+$0xFFFFFF20]  }
0x23a: {  	s20 =	sor.u32 s20, s19;
	v12 =	vld [tilespmem:s16+$0xFFFFFF30]  }
0x23b: {  	v21 =	vld [tilespmem:s20+$0x5440]  }
0x23c: {  	v22 =	vld [tilespmem:s20+$0x5450]  }
0x23d: {  	v23 =	vld [tilespmem:s20+$0x5460]  }
0x23e: {  	v24 =	vld [tilespmem:s20+$0x5470]  }
0x23f: {  	v37 =	vld [tilespmem:s20+$0x5400]  }
0x240: {  	v38 =	vld [tilespmem:s20+$0x5410]  }
0x241: {  	v39 =	vld [tilespmem:s20+$0x5420]  }
0x242: {  	v40 =	vld [tilespmem:s20+$0x5430]  }
0x243: {  	v44 =	vld [tilespmem:s20+$0x5040]  }
0x244: {  	v45 =	vld [tilespmem:s20+$0x5050]  }
0x245: {  	v46 =	vld [tilespmem:s20+$0x5060]  }
0x246: {  	v47 =	vld [tilespmem:s20+$0x5070]  }
0x247: {  	v48 =	vld [tilespmem:s20+$0x5000]  }
0x248: {  	v49 =	vld [tilespmem:s20+$0x5010]  }
0x249: {  	v50 =	vld [tilespmem:s20+$0x5020]  }
0x24a: {  	v51 =	vld [tilespmem:s20+$0x5030]  }
0x24b: {  	v52 =	vld [tilespmem:s20+$0x4C40];
	v21 =	vsub.f32 v21, v4  }
0x24c: {  	v53 =	vld [tilespmem:s20+$0x4C50];
	v22 =	vsub.f32 v22, v5;
	v5 =	vsub.f32 v23, v8  }
0x24d: {  	v54 =	vld [tilespmem:s20+$0x4C60];
	v23 =	vsub.f32 v37, v10;
	v4 =	vsub.f32 v24, v9  }
0x24e: {  	v55 =	vld [tilespmem:s20+$0x4C70];
	v24 =	vsub.f32 v38, v11;
	v9 =	vsub.f32 v39, v19  }
0x24f: {  	v56 =	vld [tilespmem:s20+$0x4C00];
	v25 =	vsub.f32 v44, v25;
	v8 =	vsub.f32 v40, v20  }
0x250: {  	v62 =	vld [tilespmem:s20+$0x4C10];
	v26 =	vsub.f32 v45, v26;
	v11 =	vsub.f32 v46, v27  }
0x251: {  	v63 =	vld [tilespmem:s20+$0x4C20];
	v27 =	vsub.f32 v48, v29;
	v10 =	vsub.f32 v47, v28  }
0x252: {  	v40 =	vld [tilespmem:s20+$0x4C30];
	v28 =	vsub.f32 v49, v30;
	v20 =	vsub.f32 v50, v31  }
0x253: {  	v38 =	vld [tilespmem:s20+$0x4840];
	v32 =	vsub.f32 v52, v32;
	v19 =	vsub.f32 v51, v33  }
0x254: {  	v39 =	vld [tilespmem:s20+$0x4850];
	v33 =	vsub.f32 v53, v34;
	v30 =	vsub.f32 v54, v35  }
0x255: {  	v37 =	vld [tilespmem:s20+$0x4800];
	v34 =	vsub.f32 v56, v41;
	v29 =	vsub.f32 v55, v36  }
0x256: {  	s19 =	simm.s32 $0x200;
	v36 =	vld [tilespmem:s20+$0x4810];
	v35 =	vsub.f32 v62, v42;
	v31 =	vsub.f32 v63, v43  }
.LBB2_7:
0x257: {  	p2 =	sne.s32 s19, $0x3E00;
	v41 =	vld [tilespmem:s20+$0x4820];
	v18 =	vsub.f32 v40, v18;
	v40 =	vmul.f32 v21, v21;
	v42 =	vmul.f32 v22, v22  }
0x258: {  	v44 =	vmul.f32 v24, v24;
	v43 =	vld [tilespmem:s20+$0x4830];
	v17 =	vsub.f32 v38, v17;
	v38 =	vmul.f32 v23, v23  }
0x259: {  	v45 =	vmul.f32 v25, v25;
	v46 =	vmul.f32 v26, v26;
	v15 =	vsub.f32 v39, v15;
	v39 =	vld [tilespmem:s20+$0x4860]  }
0x25a: {  	v47 =	vmul.f32 v28, v28;
	s16 =	sadd.s32 $0x200, s16;
	v16 =	vsub.f32 v37, v16;
	v26 =	vld [tilespmem:s20+$0x4870];
	v37 =	vmul.f32 v27, v27  }
0x25b: {  	v33 =	vmul.f32 v33, v33;
	v21 =	vld [tilespmem:s16+$0xC0];
	v13 =	vsub.f32 v36, v13;
	v36 =	vmul.f32 v32, v32  }
0x25c: {  	v34 =	vmul.f32 v34, v34;
	v35 =	vmul.f32 v35, v35;
	v22 =	vld [tilespmem:s16+$0xD0];
	v14 =	vsub.f32 v41, v14  }
0x25d: {  	v17 =	vmul.f32 v17, v17;
	v15 =	vmul.f32 v15, v15;
	v23 =	vld [tilespmem:s16+$0xE0];
	v12 =	vsub.f32 v43, v12  }
0x25e: {  	v16 =	vmul.f32 v16, v16;
	v13 =	vmul.f32 v13, v13;
	v24 =	vld [tilespmem:s16+$0xF0];
	v7 =	vsub.f32 v39, v7  }
0x25f: {  	v14 =	vmul.f32 v14, v14;
	v25 =	vld [tilespmem:s16+$0x80];
	v12 =	vmul.f32 v12, v12;
	v6 =	vsub.f32 v26, v6  }
0x260: {  	v2 =	vadd.f32 v16, v2;
	v3 =	vadd.f32 v13, v3;
	v26 =	vld [tilespmem:s16+$0x90];
	v7 =	vmul.f32 v7, v7  }
0x261: {  	v0 =	vadd.f32 v14, v0;
	v27 =	vld [tilespmem:s16+$0xA0];
	v1 =	vadd.f32 v12, v1;
	v6 =	vmul.f32 v6, v6  }
0x262: {  	v2 =	vadd.f32 v17, v2;
	v3 =	vadd.f32 v15, v3;
	v12 =	vmul.f32 v31, v31;
	v28 =	vld [tilespmem:s16+$0xB0]  }
0x263: {  	v0 =	vadd.f32 v7, v0;
	v31 =	vld [tilespmem:s16+$0x40];
	v1 =	vadd.f32 v6, v1;
	v6 =	vmul.f32 v18, v18  }
0x264: {  	v2 =	vadd.f32 v34, v2;
	v7 =	vmul.f32 v30, v30;
	v3 =	vadd.f32 v35, v3;
	v32 =	vld [tilespmem:s16+$0x50]  }
0x265: {  	v0 =	vadd.f32 v12, v0;
	v30 =	vld [tilespmem:s16+$0x60];
	v1 =	vadd.f32 v6, v1;
	v6 =	vmul.f32 v29, v29  }
0x266: {  	v2 =	vadd.f32 v36, v2;
	v12 =	vmul.f32 v20, v20;
	v3 =	vadd.f32 v33, v3;
	v29 =	vld [tilespmem:s16+$0x70]  }
0x267: {  	v0 =	vadd.f32 v7, v0;
	v20 =	vld [tilespmem:s16+$0x0];
	v1 =	vadd.f32 v6, v1;
	v6 =	vmul.f32 v19, v19  }
0x268: {  	v2 =	vadd.f32 v37, v2;
	v7 =	vmul.f32 v11, v11;
	v3 =	vadd.f32 v47, v3;
	v19 =	vld [tilespmem:s16+$0x10]  }
0x269: {  	v0 =	vadd.f32 v12, v0;
	v33 =	vld [tilespmem:s16+$0x20];
	v1 =	vadd.f32 v6, v1;
	v6 =	vmul.f32 v10, v10  }
0x26a: {  	v9 =	vmul.f32 v9, v9;
	v2 =	vadd.f32 v45, v2;
	v3 =	vadd.f32 v46, v3;
	v34 =	vld [tilespmem:s16+$0x30]  }
0x26b: {  	v0 =	vadd.f32 v7, v0;
	v35 =	vld [tilespmem:s16+$0xFFFFFFC0];
	v1 =	vadd.f32 v6, v1;
	v6 =	vmul.f32 v8, v8  }
0x26c: {  	v5 =	vmul.f32 v5, v5;
	v2 =	vadd.f32 v38, v2;
	v3 =	vadd.f32 v44, v3;
	v36 =	vld [tilespmem:s16+$0xFFFFFFD0]  }
0x26d: {  	v4 =	vmul.f32 v4, v4;
	v0 =	vadd.f32 v9, v0;
	v37 =	vld [tilespmem:s16+$0xFFFFFFE0];
	v1 =	vadd.f32 v6, v1  }
0x26e: {  	v2 =	vadd.f32 v40, v2;
	v3 =	vadd.f32 v42, v3;
	v41 =	vld [tilespmem:s16+$0xFFFFFFF0]  }
0x26f: {  	v0 =	vadd.f32 v5, v0;
	v42 =	vld [tilespmem:s16+$0xFFFFFF80];
	v1 =	vadd.f32 v4, v1  }
0x270: {  	v43 =	vld [tilespmem:s16+$0xFFFFFF90]  }
0x271: {  	v44 =	vld [tilespmem:s16+$0xFFFFFFA0]  }
0x272: {  	v18 =	vld [tilespmem:s16+$0xFFFFFFB0]  }
0x273: {  	v17 =	vld [tilespmem:s16+$0xFFFFFF40]  }
0x274: {  	v15 =	vld [tilespmem:s16+$0xFFFFFF50]  }
0x275: {  	v7 =	vld [tilespmem:s16+$0xFFFFFF60]  }
0x276: {  	v6 =	vld [tilespmem:s16+$0xFFFFFF70]  }
0x277: {  	v16 =	vld [tilespmem:s16+$0xFFFFFF00]  }
0x278: {  	s17 =	sadd.s32 $0x80, s17;
	v13 =	vld [tilespmem:s16+$0xFFFFFF10]  }
0x279: {  	s21 =	sand.u32 $0x380, s17;
	s20 =	sand.u32 $0x3000, s19;
	v14 =	vld [tilespmem:s16+$0xFFFFFF20]  }
0x27a: {  	s20 =	sor.u32 s21, s20;
	v12 =	vld [tilespmem:s16+$0xFFFFFF30]  }
0x27b: {  	v4 =	vld [tilespmem:s20+$0x5440]  }
0x27c: {  	v5 =	vld [tilespmem:s20+$0x5450]  }
0x27d: {  	v8 =	vld [tilespmem:s20+$0x5460]  }
0x27e: {  	v9 =	vld [tilespmem:s20+$0x5470]  }
0x27f: {  	v10 =	vld [tilespmem:s20+$0x5400]  }
0x280: {  	v11 =	vld [tilespmem:s20+$0x5410]  }
0x281: {  	v38 =	vld [tilespmem:s20+$0x5420]  }
0x282: {  	v39 =	vld [tilespmem:s20+$0x5430]  }
0x283: {  	v40 =	vld [tilespmem:s20+$0x5040]  }
0x284: {  	v45 =	vld [tilespmem:s20+$0x5050]  }
0x285: {  	v46 =	vld [tilespmem:s20+$0x5060]  }
0x286: {  	v47 =	vld [tilespmem:s20+$0x5070]  }
0x287: {  	v48 =	vld [tilespmem:s20+$0x5000]  }
0x288: {  	v49 =	vld [tilespmem:s20+$0x5010]  }
0x289: {  	v50 =	vld [tilespmem:s20+$0x5020]  }
0x28a: {  	v51 =	vld [tilespmem:s20+$0x5030]  }
0x28b: {  	v21 =	vsub.f32 v4, v21;
	v52 =	vld [tilespmem:s20+$0x4C40]  }
0x28c: {  	v22 =	vsub.f32 v5, v22;
	v5 =	vsub.f32 v8, v23;
	v53 =	vld [tilespmem:s20+$0x4C50]  }
0x28d: {  	v4 =	vsub.f32 v9, v24;
	v23 =	vsub.f32 v10, v25;
	v54 =	vld [tilespmem:s20+$0x4C60]  }
0x28e: {  	v24 =	vsub.f32 v11, v26;
	v9 =	vsub.f32 v38, v27;
	v55 =	vld [tilespmem:s20+$0x4C70]  }
0x28f: {  	v8 =	vsub.f32 v39, v28;
	v25 =	vsub.f32 v40, v31;
	v56 =	vld [tilespmem:s20+$0x4C00]  }
0x290: {  	v26 =	vsub.f32 v45, v32;
	v11 =	vsub.f32 v46, v30;
	v31 =	vld [tilespmem:s20+$0x4C10]  }
0x291: {  	v10 =	vsub.f32 v47, v29;
	v27 =	vsub.f32 v48, v20;
	v45 =	vld [tilespmem:s20+$0x4C20]  }
.Ltmp4:
0x292: {  	v28 =	vsub.f32 v49, v19;
	v20 =	vsub.f32 v50, v33;
	v40 =	vld [tilespmem:s20+$0x4C30];
	(pc) =	sbr.rel @p2 .LBB2_7-.Ltmp4, $4  }
0x293: {  	v19 =	vsub.f32 v51, v34;
	v32 =	vsub.f32 v52, v35;
	v38 =	vld [tilespmem:s20+$0x4840]  }
0x294: {  	v33 =	vsub.f32 v53, v36;
	v30 =	vsub.f32 v54, v37;
	v39 =	vld [tilespmem:s20+$0x4850]  }
0x295: {  	v29 =	vsub.f32 v55, v41;
	v34 =	vsub.f32 v56, v42;
	v37 =	vld [tilespmem:s20+$0x4800]  }
0x296: {  	s19 =	sadd.s32 $0x200, s19;
	v35 =	vsub.f32 v31, v43;
	v36 =	vld [tilespmem:s20+$0x4810];
	v31 =	vsub.f32 v45, v44  }
0x297: {  	v21 =	vmul.f32 v21, v21;
	v22 =	vmul.f32 v22, v22  }
0x298: {  	v41 =	vld [tilespmem:s20+$0x4820];
	v23 =	vmul.f32 v23, v23;
	v24 =	vmul.f32 v24, v24  }
0x299: {  	v51 =	vld [tilespmem:s20+$0x4830];
	v25 =	vmul.f32 v25, v25;
	v26 =	vmul.f32 v26, v26  }
0x29a: {  	v18 =	vsub.f32 v40, v18;
	v52 =	vld [tilespmem:s20+$0x4860];
	v27 =	vmul.f32 v27, v27;
	v28 =	vmul.f32 v28, v28  }
0x29b: {  	v53 =	vld [tilespmem:s20+$0x4870];
	v32 =	vmul.f32 v32, v32;
	v33 =	vmul.f32 v33, v33;
	v17 =	vsub.f32 v38, v17  }
0x29c: {  	v34 =	vmul.f32 v34, v34;
	v35 =	vmul.f32 v35, v35;
	v15 =	vsub.f32 v39, v15  }
0x29d: {  	v16 =	vsub.f32 v37, v16;
	v17 =	vmul.f32 v17, v17;
	v13 =	vsub.f32 v36, v13  }
0x29e: {  	v15 =	vmul.f32 v15, v15;
	v14 =	vsub.f32 v41, v14;
	v12 =	vsub.f32 v51, v12  }
0x29f: {  	v16 =	vmul.f32 v16, v16;
	v7 =	vsub.f32 v52, v7;
	v13 =	vmul.f32 v13, v13  }
0x2a0: {  	v6 =	vsub.f32 v53, v6;
	v14 =	vmul.f32 v14, v14;
	v12 =	vmul.f32 v12, v12  }
0x2a1: {  	v2 =	vadd.f32 v16, v2;
	v7 =	vmul.f32 v7, v7;
	v3 =	vadd.f32 v13, v3  }
0x2a2: {  	v6 =	vmul.f32 v6, v6;
	v0 =	vadd.f32 v14, v0;
	v1 =	vadd.f32 v12, v1  }
0x2a3: {  	v54 =	vmul.f32 v31, v31;
	v2 =	vadd.f32 v17, v2;
	v3 =	vadd.f32 v15, v3  }
0x2a4: {  	v55 =	vmul.f32 v18, v18;
	v0 =	vadd.f32 v7, v0;
	v1 =	vadd.f32 v6, v1  }
0x2a5: {  	v56 =	vmul.f32 v30, v30;
	v2 =	vadd.f32 v34, v2;
	v3 =	vadd.f32 v35, v3  }
0x2a6: {  	v57 =	vmul.f32 v29, v29;
	v0 =	vadd.f32 v54, v0;
	v1 =	vadd.f32 v55, v1  }
0x2a7: {  	v58 =	vmul.f32 v20, v20;
	v2 =	vadd.f32 v32, v2;
	v3 =	vadd.f32 v33, v3  }
0x2a8: {  	v59 =	vmul.f32 v19, v19;
	v0 =	vadd.f32 v56, v0;
	v1 =	vadd.f32 v57, v1  }
0x2a9: {  	v60 =	vmul.f32 v11, v11;
	v2 =	vadd.f32 v27, v2;
	v3 =	vadd.f32 v28, v3  }
0x2aa: {  	v61 =	vmul.f32 v10, v10;
	v0 =	vadd.f32 v58, v0;
	v1 =	vadd.f32 v59, v1  }
0x2ab: {  	v9 =	vmul.f32 v9, v9;
	v2 =	vadd.f32 v25, v2;
	v3 =	vadd.f32 v26, v3  }
.Ltmp5:
0x2ac: {  	v62 =	vmul.f32 v8, v8;
	v0 =	vadd.f32 v60, v0;
	v1 =	vadd.f32 v61, v1;
	(pc) =	sbr.rel @p1 .LBB2_10-.Ltmp5, $4  }
0x2ad: {  	v5 =	vmul.f32 v5, v5;
	v2 =	vadd.f32 v23, v2;
	v63 =	vadd.f32 v24, v3  }
0x2ae: {  	v4 =	vmul.f32 v4, v4;
	v0 =	vadd.f32 v9, v0;
	v6 =	vadd.f32 v62, v1  }
0x2af: {  	v3 =	vadd.f32 v21, v2;
	v2 =	vadd.f32 v22, v63  }
0x2b0: {  	v1 =	vadd.f32 v5, v0;
	v0 =	vadd.f32 v4, v6  }
0x2b1: {  	s15 =	sadd.s32 $0x3, s15  }
0x2b2: {  	s16 =	sshll.u32 s15, $0xE  }
0x2b3: {  	s16 =	sadd.s32 s18, s16  }
0x2b4: {  	s15 =	sshll.u32 s15, $0x7;
	s16 =	sshrl.u32 s16, $0x3  }
0x2b5: {  	s17 =	simm.s32 $0x4800;
	s15 =	sand.u32 $0x3FFFFF80, s15;
	s16 =	sadd.s32 s1, s16  }
0x2b6: {  	[tilespmem:s17], [sflag:$0x2] =	stream.linear.gather [hbm4b:s16+s4], $0x4000, $0x38;
	[tilespmem:$0x18580] =	vst v63  }
0x2b7: {  	v4 =	vld [tilespmem:s15+$0x0];
	_ =	sdelay $0x4  }
0x2b8: {  	v4 =	vshll.u32 v4, $0xB  }
0x2b9: {  	v4 =	vshra.s32 v4, $0x2  }
0x2ba: {  	v4 =	vadd.s32 s3, v4  }
0x2bb: {  	(v2sf) =	vpush v4, $0x0;
	_ =	sdelay $0x1  }
0x2bc: {  	(v2sf) =	vpush v4, $0x1;
	_ =	sdelay $0x1  }
0x2bd: {  	(v2sf) =	vpush v4, $0x2;
	_ =	sdelay $0x1  }
0x2be: {  	(v2sf) =	vpush v4, $0x3;
	_ =	sdelay $0x1  }
0x2bf: {  	(v2sf) =	vpush v4, $0x4;
	_ =	sdelay $0x1  }
0x2c0: {  	(v2sf) =	vpush v4, $0x5;
	_ =	sdelay $0x1  }
0x2c1: {  	(v2sf) =	vpush v4, $0x6;
	_ =	sdelay $0x1  }
0x2c2: {  	(v2sf) =	vpush v4, $0x7  }
0x2c3: {  	s21 =	simm.s32 $0xC800;
	s20 =	spop (v2sf)  }
0x2c4: {  	(v2sf) =	vpush v4, $0x8;
	[tilespmem:s21], [sflag:$0x4] =	stream.linear.gather [spmem:s20], $0x200, $0x38;
	[tilespmem:$0x18580] =	vst v63  }
0x2c5: {  	s19 =	simm.s32 $0xCA00;
	s17 =	spop (v2sf)  }
0x2c6: {  	(v2sf) =	vpush v4, $0x9;
	[tilespmem:s19], [sflag:$0x4] =	stream.linear.gather [spmem:s17], $0x200, $0x38;
	[tilespmem:$0x18580] =	vst v63  }
0x2c7: {  	s21 =	simm.s32 $0xCC00;
	s20 =	spop (v2sf)  }
0x2c8: {  	(v2sf) =	vpush v4, $0xA;
	[tilespmem:s21], [sflag:$0x4] =	stream.linear.gather [spmem:s20], $0x200, $0x38;
	[tilespmem:$0x18580] =	vst v63  }
0x2c9: {  	s17 =	spop (v2sf);
	s19 =	simm.s32 $0xCE00  }
0x2ca: {  	(v2sf) =	vpush v4, $0xB;
	[tilespmem:s19], [sflag:$0x4] =	stream.linear.gather [spmem:s17], $0x200, $0x38;
	[tilespmem:$0x18580] =	vst v63  }
0x2cb: {  	s20 =	spop (v2sf);
	s21 =	simm.s32 $0xD000  }
0x2cc: {  	(v2sf) =	vpush v4, $0xC;
	[tilespmem:s21], [sflag:$0x4] =	stream.linear.gather [spmem:s20], $0x200, $0x38;
	[tilespmem:$0x18580] =	vst v63  }
0x2cd: {  	s17 =	spop (v2sf);
	s19 =	simm.s32 $0xD200  }
0x2ce: {  	(v2sf) =	vpush v4, $0xD;
	[tilespmem:s19], [sflag:$0x4] =	stream.linear.gather [spmem:s17], $0x200, $0x38;
	[tilespmem:$0x18580] =	vst v63  }
0x2cf: {  	s20 =	spop (v2sf);
	s21 =	simm.s32 $0xD400  }
0x2d0: {  	(v2sf) =	vpush v4, $0xE;
	[tilespmem:s21], [sflag:$0x4] =	stream.linear.gather [spmem:s20], $0x200, $0x38;
	[tilespmem:$0x18580] =	vst v63  }
0x2d1: {  	s17 =	spop (v2sf);
	s19 =	simm.s32 $0xD600  }
0x2d2: {  	(v2sf) =	vpush v4, $0xF;
	[tilespmem:s19], [sflag:$0x4] =	stream.linear.gather [spmem:s17], $0x200, $0x38;
	[tilespmem:$0x18580] =	vst v63  }
0x2d3: {  	s21 =	simm.s32 $0xD800;
	s20 =	spop (v2sf)  }
0x2d4: {  	[tilespmem:s21], [sflag:$0x4] =	stream.linear.gather [spmem:s20], $0x200, $0x38;
	[tilespmem:$0x18580] =	vst v63  }
0x2d5: {  	s19 =	simm.s32 $0xDA00;
	s17 =	spop (v2sf)  }
0x2d6: {  	[tilespmem:s19], [sflag:$0x4] =	stream.linear.gather [spmem:s17], $0x200, $0x38;
	[tilespmem:$0x18580] =	vst v63  }
0x2d7: {  	s20 =	spop (v2sf);
	s21 =	simm.s32 $0xDC00  }
0x2d8: {  	[tilespmem:s21], [sflag:$0x4] =	stream.linear.gather [spmem:s20], $0x200, $0x38;
	[tilespmem:$0x18580] =	vst v63  }
0x2d9: {  	s17 =	spop (v2sf);
	s19 =	simm.s32 $0xDE00  }
0x2da: {  	[tilespmem:s19], [sflag:$0x4] =	stream.linear.gather [spmem:s17], $0x200, $0x38;
	[tilespmem:$0x18580] =	vst v63  }
0x2db: {  	s20 =	spop (v2sf);
	s21 =	simm.s32 $0xE000  }
0x2dc: {  	[tilespmem:s21], [sflag:$0x4] =	stream.linear.gather [spmem:s20], $0x200, $0x38;
	[tilespmem:$0x18580] =	vst v63  }
0x2dd: {  	s17 =	spop (v2sf);
	s19 =	simm.s32 $0xE200  }
0x2de: {  	[tilespmem:s19], [sflag:$0x4] =	stream.linear.gather [spmem:s17], $0x200, $0x38;
	[tilespmem:$0x18580] =	vst v63  }
0x2df: {  	s20 =	spop (v2sf);
	s21 =	simm.s32 $0xE400  }
0x2e0: {  	[tilespmem:s21], [sflag:$0x4] =	stream.linear.gather [spmem:s20], $0x200, $0x38;
	[tilespmem:$0x18580] =	vst v63  }
0x2e1: {  	s19 =	spop (v2sf);
	s20 =	simm.s32 $0xE600  }
0x2e2: {  	[tilespmem:s20], [sflag:$0x4] =	stream.linear.gather [spmem:s19], $0x200, $0x38;
	[tilespmem:$0x18580] =	vst v63  }
0x2e3: {  	v4 =	vld [tilespmem:s15+$0x10];
	_ =	sdelay $0x4  }
0x2e4: {  	v4 =	vshll.u32 v4, $0xB  }
0x2e5: {  	v4 =	vshra.s32 v4, $0x2  }
0x2e6: {  	v4 =	vadd.s32 s3, v4  }
0x2e7: {  	(v2sf) =	vpush v4, $0x0;
	_ =	sdelay $0x1  }
0x2e8: {  	(v2sf) =	vpush v4, $0x1;
	_ =	sdelay $0x1  }
0x2e9: {  	(v2sf) =	vpush v4, $0x2;
	_ =	sdelay $0x1  }
0x2ea: {  	(v2sf) =	vpush v4, $0x3;
	_ =	sdelay $0x1  }
0x2eb: {  	(v2sf) =	vpush v4, $0x4;
	_ =	sdelay $0x1  }
0x2ec: {  	(v2sf) =	vpush v4, $0x5;
	_ =	sdelay $0x1  }
0x2ed: {  	(v2sf) =	vpush v4, $0x6;
	_ =	sdelay $0x1  }
0x2ee: {  	(v2sf) =	vpush v4, $0x7  }
0x2ef: {  	s21 =	spop (v2sf)  }
0x2f0: {  	(v2sf) =	vpush v4, $0x8;
	[tilespmem:s22], [sflag:$0x4] =	stream.linear.gather [spmem:s21], $0x200, $0x38;
	[tilespmem:$0x18580] =	vst v63  }
0x2f1: {  	s16 =	spop (v2sf)  }
0x2f2: {  	(v2sf) =	vpush v4, $0x9;
	[tilespmem:s6], [sflag:$0x4] =	stream.linear.gather [spmem:s16], $0x200, $0x38;
	[tilespmem:$0x18580] =	vst v63  }
0x2f3: {  	s17 =	spop (v2sf)  }
0x2f4: {  	(v2sf) =	vpush v4, $0xA;
	[tilespmem:s23], [sflag:$0x4] =	stream.linear.gather [spmem:s17], $0x200, $0x38;
	[tilespmem:$0x18580] =	vst v63  }
0x2f5: {  	s19 =	spop (v2sf)  }
0x2f6: {  	(v2sf) =	vpush v4, $0xB;
	[tilespmem:s24], [sflag:$0x4] =	stream.linear.gather [spmem:s19], $0x200, $0x38;
	[tilespmem:$0x18580] =	vst v63  }
0x2f7: {  	s20 =	spop (v2sf)  }
0x2f8: {  	(v2sf) =	vpush v4, $0xC;
	[tilespmem:s25], [sflag:$0x4] =	stream.linear.gather [spmem:s20], $0x200, $0x38;
	[tilespmem:$0x18580] =	vst v63  }
0x2f9: {  	s21 =	spop (v2sf)  }
0x2fa: {  	(v2sf) =	vpush v4, $0xD;
	[tilespmem:s26], [sflag:$0x4] =	stream.linear.gather [spmem:s21], $0x200, $0x38;
	[tilespmem:$0x18580] =	vst v63  }
0x2fb: {  	s16 =	spop (v2sf)  }
0x2fc: {  	[tilespmem:s28], [sflag:$0x4] =	stream.linear.gather [spmem:s16], $0x200, $0x38;
	[tilespmem:$0x18580] =	vst v63  }
0x2fd: {  	(v2sf) =	vpush v4, $0xE;
	s17 =	spop (v2sf)  }
0x2fe: {  	[tilespmem:s29], [sflag:$0x4] =	stream.linear.gather [spmem:s17], $0x200, $0x38;
	[tilespmem:$0x18580] =	vst v63  }
0x2ff: {  	(v2sf) =	vpush v4, $0xF;
	s19 =	spop (v2sf)  }
0x300: {  	[tilespmem:s30], [sflag:$0x4] =	stream.linear.gather [spmem:s19], $0x200, $0x38;
	[tilespmem:$0x18580] =	vst v63  }
0x301: {  	s20 =	spop (v2sf)  }
0x302: {  	[tilespmem:s0], [sflag:$0x4] =	stream.linear.gather [spmem:s20], $0x200, $0x38;
	[tilespmem:$0x18580] =	vst v63  }
0x303: {  	s21 =	spop (v2sf)  }
0x304: {  	[tilespmem:s31], [sflag:$0x4] =	stream.linear.gather [spmem:s21], $0x200, $0x38;
	[tilespmem:$0x18580] =	vst v63  }
0x305: {  	s16 =	spop (v2sf)  }
0x306: {  	[tilespmem:s2], [sflag:$0x4] =	stream.linear.gather [spmem:s16], $0x200, $0x38;
	[tilespmem:$0x18580] =	vst v63  }
0x307: {  	s17 =	spop (v2sf)  }
0x308: {  	[tilespmem:s5], [sflag:$0x4] =	stream.linear.gather [spmem:s17], $0x200, $0x38;
	[tilespmem:$0x18580] =	vst v63  }
0x309: {  	s19 =	spop (v2sf)  }
0x30a: {  	[tilespmem:s7], [sflag:$0x4] =	stream.linear.gather [spmem:s19], $0x200, $0x38;
	[tilespmem:$0x18580] =	vst v63  }
.Ltmp6:
0x30b: {  	_ = 	snop;
	(pc) =	sbr.rel .LBB2_2-.Ltmp6, $4  }
0x30c: {  	s20 =	spop (v2sf)  }
0x30d: {  	[tilespmem:s8], [sflag:$0x4] =	stream.linear.gather [spmem:s20], $0x200, $0x38;
	[tilespmem:$0x18580] =	vst v63  }
0x30e: {  	s14 =	sadd.s32 $0x1, s14;
	s21 =	spop (v2sf)  }
0x30f: {  	[tilespmem:s9], [sflag:$0x4] =	stream.linear.gather [spmem:s21], $0x200, $0x38;
	[tilespmem:$0x18580] =	vst v63  }
.LBB2_11:
0x310: {  	_ =	sfence.sel $0x180000  }
0x311: {  	[bflag:$0x0] =	sbarrier.arrive $0xFFFF  }
0x312: {  	_ =	strace $0x90000047  }
0x313: {  	s0 =	stileid.u32;
	[bflag:$0x2] =	sbarrier.arrive $0xFFFF  }
0x314: {  	p0 =	sne.s32 s0, $0x0;
	s0 =	rddreg [dreg:$0x4]  }
0x315: {  	s0 =	sadd.s32 @!p0 $0x100000, s0  }
0x316: {  	[sflag:s0] =	ssyncadd.tile.s32 @!p0 $0x1;
	_ =	shalt  }
.Lfunc_end2:
_tile_overlayer_lowered:
.L_overlay_start_2:
0x317: {  	(tag) =	ssettag $0x2  }
0x318: {  	s0 =	rddreg [dreg:$0x0];
	s2 =	stileid.u32  }
0x319: {  	s1 =	rddreg [dreg:$0x1];
	p0 =	sne.s32 s2, $0x0  }
0x31a: {  	s3 =	rddreg [dreg:$0x2];
	[bflag:$0x3] =	sbarrier.arrive $0xFFFF;
	s2 =	simm.s32 @!p0 $0x1C06  }
0x31b: {  	[timem:s3], [sflag:s2] =	dma.local @!p0 [hbm:s0], s1  }
0x31c: {  	s0 =	simm.s32 @!p0 $0x6  }
0x31d: {  	_ =	swait.ge @!p0 [sflag:s0], s1  }
0x31e: {  	s1 =	ssub.s32 @!p0 $0x0, s1;
	[sflag:s0] =	ssyncset.done @!p0 $0x0  }
0x31f: {  	[sflag:s0] =	ssyncadd.s32 @!p0 s1  }
0x320: {  	[bflag:$0x3] =	sbarrier.arrive $0xFFFF  }
0x321: {  	_ =	shalt  }

</sc_bundles>
